<compile_context>
chip_gen: v7x
topology: tpu7x:2x2x1
jax: 0.10.2.dev20260603
libtpu: 0.0.44.dev20260713+nightly
codegen_flags: <defaults>
</compile_context>

<pallas_src>
import functools

import jax
import jax.numpy as jnp
from jax import lax
from jax.experimental import pallas as pl
from jax.experimental.pallas import tpu as pltpu
from jax.experimental.pallas import tpu_sc as plsc

L = 16
NW = 32
D = 128
BL = 128


def _sc_embed(emb_t, ids_t, cat_table, subcat_table, *, n_b, n_s, feat):
    keep = feat - 2
    out_w = keep + 2 * D
    n_cat = cat_table.size // D
    n_sub = subcat_table.size // D
    mesh = plsc.VectorSubcoreMesh(core_axis_name="c", subcore_axis_name="s")

    @functools.partial(
        pl.kernel,
        out_type=jax.ShapeDtypeStruct((n_s, out_w, n_b), jnp.float32),
        mesh=mesh,
        scratch_types=[
            pltpu.VMEM((n_cat * D,), jnp.float32),
            pltpu.VMEM((n_sub * D,), jnp.float32),
            pltpu.VMEM((2, BL), jnp.float32),
            pltpu.VMEM((2, BL), jnp.float32),
            pltpu.VMEM((out_w, BL), jnp.float32),
            pltpu.VMEM((out_w, BL), jnp.float32),
            pltpu.SemaphoreType.DMA,
            pltpu.SemaphoreType.DMA,
            pltpu.SemaphoreType.DMA,
            pltpu.SemaphoreType.DMA,
            pltpu.SemaphoreType.DMA,
            pltpu.SemaphoreType.DMA,
        ],
        compiler_params=pltpu.CompilerParams(
            use_tc_tiling_on_sc=True, needs_layout_passes=False),
    )
    def body(emb_hbm, ids_hbm, cat_hbm, sub_hbm, out_hbm,
             tc_v, ts_v, in0, in1, bk0, bk1,
             si0, si1, sk0, sk1, sw0, sw1):
        inb, bkb = (in0, in1), (bk0, bk1)
        si, sk, sw = (si0, si1), (sk0, sk1), (sw0, sw1)
        wid = lax.axis_index("s") * 2 + lax.axis_index("c")
        b0 = wid * BL

        tcopy1 = pltpu.make_async_copy(cat_hbm, tc_v, sk[0])
        tcopy2 = pltpu.make_async_copy(sub_hbm, ts_v, sk[1])
        tcopy1.start()
        tcopy2.start()

        def in_copy(j, b):
            return pltpu.make_async_copy(
                ids_hbm.at[j, :, pl.ds(b0, BL)], inb[b], si[b])

        def keep_copy(j, b):
            return pltpu.make_async_copy(
                emb_hbm.at[j, pl.ds(0, keep), pl.ds(b0, BL)],
                bkb[b].at[pl.ds(0, keep)], sk[b])

        def w_copy(j, b):
            return pltpu.make_async_copy(
                bkb[b], out_hbm.at[j, :, pl.ds(b0, BL)], sw[b])

        in_copy(0, 0).start()
        tcopy1.wait()
        tcopy2.wait()

        @pl.loop(0, n_s, step=2)
        def _(u):
            for b in (0, 1):
                j = u + b

                @pl.when(j >= 2)
                def _():
                    w_copy(j - 2, b).wait()

                @pl.when(j < n_s - 1)
                def _():
                    in_copy(j + 1, 1 - b).start()

                keep_copy(j, b).start()
                in_copy(j, b).wait()

                for g in range(BL // L):
                    lanes = pl.ds(g * L, L)
                    idc = inb[b][0, lanes].astype(jnp.int32)
                    ids_ = inb[b][1, lanes].astype(jnp.int32)
                    U = 8

                    @pl.loop(0, D, step=U, init_carry=(idc, ids_))
                    def _(c, carry):
                        ac, as_ = carry
                        vc = [plsc.load_gather(tc_v, [ac + k * n_cat])
                              for k in range(U)]
                        vs = [plsc.load_gather(ts_v, [as_ + k * n_sub])
                              for k in range(U)]
                        for k in range(U):
                            bkb[b][keep + c + k, lanes] = vc[k]
                        for k in range(U):
                            bkb[b][keep + D + c + k, lanes] = vs[k]
                        return ac + U * n_cat, as_ + U * n_sub

                keep_copy(j, b).wait()
                w_copy(j, b).start()

        w_copy(n_s - 2, 0).wait()
        w_copy(n_s - 1, 1).wait()

    return body(emb_t, ids_t, cat_table, subcat_table)


def kernel(embeddings, cat_table, subcat_table):
    n_b, n_s, feat = embeddings.shape
    emb_t = jnp.transpose(embeddings, (1, 2, 0))
    ids_t = jnp.transpose(embeddings[..., feat - 2:], (1, 2, 0))
    out_t = _sc_embed(emb_t, ids_t,
                      cat_table.T.reshape(-1), subcat_table.T.reshape(-1),
                      n_b=n_b, n_s=n_s, feat=feat)
    return jnp.transpose(out_t, (2, 0, 1))

# --- scband reference (transcript-rebuilt; emitter-appended) ---
"""Pipeline reference for scband-embedding-wrapper-17755394802332 (READ-ONLY COPY).

The authoritative reference and input builder live on the scoring server;
editing this copy changes nothing except your own understanding.
"""

import jax, jax.numpy as jnp
import numpy as np


def setup_inputs(seed: int = 0) -> dict:
    key = jax.random.key(seed)
    k1, k2, k3 = jax.random.split(key, 3)
    # embeddings: float tensor whose last two columns encode integer category ids.
    # randint fill with fill_max=15 keeps both cat (<15) and subcat (<134) indices in range.
    embeddings = jax.random.randint(k1, (4096, 50, 66), 0, 15).astype(jnp.float32)
    cat_table = jax.random.normal(k2, (15, 128), dtype=jnp.float32)
    subcat_table = jax.random.normal(k3, (134, 128), dtype=jnp.float32)
    return {"embeddings": embeddings, "cat_table": cat_table, "subcat_table": subcat_table}


def reference(embeddings, cat_table, subcat_table):
    # add_embedding: look up trailing two columns in the embedding tables
    idx_cat = embeddings[..., -2].astype(jnp.int32)
    idx_sub = embeddings[..., -1].astype(jnp.int32)
    cat_embeds = jnp.take(cat_table, idx_cat, axis=0)
    subcat_embeds = jnp.take(subcat_table, idx_sub, axis=0)
    combined = jnp.concatenate([embeddings[..., :-2], cat_embeds, subcat_embeds], axis=-1)
    # wrapped_model is Identity; forward just casts to float32 and applies it
    return combined.astype(jnp.float32)

if __name__ == "__main__":
    import jax
    _d = setup_inputs()
    print(jax.jit(kernel)(*tuple(_d.values())))

</pallas_src>

<mosaic_0001>
#map = affine_map<(d0, d1) -> (0, 0, 0)>
#map1 = affine_map<(d0, d1) -> (0)>
module attributes {stable_mosaic.version = 14 : i64} {
  func.func @body(%arg0: i32, %arg1: i32, %arg2: memref<50x66x4096xf32, #tpu.memory_space<hbm>>, %arg3: memref<50x2x4096xf32, #tpu.memory_space<hbm>>, %arg4: memref<1920xf32, #tpu.memory_space<hbm>>, %arg5: memref<17152xf32, #tpu.memory_space<hbm>>, %arg6: memref<50x320x4096xf32, #tpu.memory_space<hbm>>, %arg7: memref<1920xf32, #tpu.memory_space<vmem>>, %arg8: memref<17152xf32, #tpu.memory_space<vmem>>, %arg9: memref<2x128xf32, #tpu.memory_space<vmem>>, %arg10: memref<2x128xf32, #tpu.memory_space<vmem>>, %arg11: memref<320x128xf32, #tpu.memory_space<vmem>>, %arg12: memref<320x128xf32, #tpu.memory_space<vmem>>, %arg13: memref<!tpu.dma_semaphore, #tpu.memory_space<semaphore_mem>>, %arg14: memref<!tpu.dma_semaphore, #tpu.memory_space<semaphore_mem>>, %arg15: memref<!tpu.dma_semaphore, #tpu.memory_space<semaphore_mem>>, %arg16: memref<!tpu.dma_semaphore, #tpu.memory_space<semaphore_mem>>, %arg17: memref<!tpu.dma_semaphore, #tpu.memory_space<semaphore_mem>>, %arg18: memref<!tpu.dma_semaphore, #tpu.memory_space<semaphore_mem>>) attributes {dimension_semantics = [#tpu.dimension_semantics<core_parallel>, #tpu.dimension_semantics<subcore_parallel>], iteration_bounds = array<i64: 2, 16>, scalar_prefetch = 0 : i64, scratch_operands = 12 : i64, tpu.core_type = #tpu.core_type<sc_vector_subcore>, window_params = [{transform_indices = #map}, {transform_indices = #map}, {transform_indices = #map1}, {transform_indices = #map1}, {transform_indices = #map}]} {
    %mul3A = arith.constant 2 : i32
    %mul3A_0 = arith.muli %arg1, %mul3A : i32
    %add3A = arith.addi %mul3A_0, %arg0 : i32
    %mul3A_1 = arith.constant 128 : i32
    %mul3A_2 = arith.muli %add3A, %mul3A_1 : i32
    tpu.enqueue_dma source(%arg4 : memref<1920xf32, #tpu.memory_space<hbm>>) target(%arg7 : memref<1920xf32, #tpu.memory_space<vmem>>) target_semaphore(%arg15 : memref<!tpu.dma_semaphore, #tpu.memory_space<semaphore_mem>>)
    tpu.enqueue_dma source(%arg5 : memref<17152xf32, #tpu.memory_space<hbm>>) target(%arg8 : memref<17152xf32, #tpu.memory_space<vmem>>) target_semaphore(%arg16 : memref<!tpu.dma_semaphore, #tpu.memory_space<semaphore_mem>>)
    %dma_start3A = arith.constant 0 : i32
    %dma_start3A_3 = arith.constant 0 : i32
    %dma_start3A_4 = tpu.memref_slice %arg3[%dma_start3A, %dma_start3A_3, %mul3A_2] : memref<50x2x4096xf32, #tpu.memory_space<hbm>> -> memref<1x2x128xf32, #tpu.memory_space<hbm>>
    %dma_start3A_5 = tpu.memref_squeeze %dma_start3A_4 : memref<1x2x128xf32, #tpu.memory_space<hbm>> -> memref<2x128xf32, #tpu.memory_space<hbm>>
    %dma_start3A_6 = arith.constant 0 : i32
    %dma_start3A_7 = tpu.memref_slice %arg3[%dma_start3A, %dma_start3A_6, %mul3A_2] : memref<50x2x4096xf32, #tpu.memory_space<hbm>> -> memref<1x2x128xf32, #tpu.memory_space<hbm>>
    %dma_start3A_8 = tpu.memref_squeeze %dma_start3A_7 : memref<1x2x128xf32, #tpu.memory_space<hbm>> -> memref<2x128xf32, #tpu.memory_space<hbm>>
    tpu.enqueue_dma source(%dma_start3A_8 : memref<2x128xf32, #tpu.memory_space<hbm>>) target(%arg9 : memref<2x128xf32, #tpu.memory_space<vmem>>) target_semaphore(%arg13 : memref<!tpu.dma_semaphore, #tpu.memory_space<semaphore_mem>>)
    tpu.wait_dma2 semaphore(%arg15 : memref<!tpu.dma_semaphore, #tpu.memory_space<semaphore_mem>>) src(%arg4 : memref<1920xf32, #tpu.memory_space<hbm>>) dst(%arg7 : memref<1920xf32, #tpu.memory_space<vmem>>)
    tpu.wait_dma2 semaphore(%arg16 : memref<!tpu.dma_semaphore, #tpu.memory_space<semaphore_mem>>) src(%arg5 : memref<17152xf32, #tpu.memory_space<hbm>>) dst(%arg8 : memref<17152xf32, #tpu.memory_space<vmem>>)
    %scan3A = arith.constant 0 : i32
    %scan3A_9 = arith.constant 25 : i32
    %scan3A_10 = arith.addi %scan3A, %scan3A_9 : i32
    %scan3A_11 = arith.constant 1 : i32
    scf.for %scan3A_26 = %scan3A to %scan3A_10 step %scan3A_11  : i32 {
      %mul3A_27 = arith.constant 2 : i32
      %mul3A_28 = arith.muli %scan3A_26, %mul3A_27 : i32
      %add3A_29 = arith.constant 0 : i32
      %add3A_30 = arith.addi %add3A_29, %mul3A_28 : i32
      %add3A_31 = arith.constant 0 : i32
      %add3A_32 = arith.addi %add3A_30, %add3A_31 : i32
      %ge3A = arith.constant 2 : i32
      %ge3A_33 = arith.cmpi sge, %add3A_32, %ge3A : i32
      %convert_element_type3A = arith.extui %ge3A_33 : i1 to i32
      %cond3A = arith.constant 0 : i32
      %cond3A_34 = arith.cmpi ne, %convert_element_type3A, %cond3A : i32
      scf.if %cond3A_34 {
        %sub3A = arith.constant 2 : i32
        %sub3A_378 = arith.subi %add3A_32, %sub3A : i32
        %dma_wait3A_379 = arith.constant 0 : i32
        %dma_wait3A_380 = tpu.memref_slice %arg6[%sub3A_378, %dma_wait3A_379, %mul3A_2] : memref<50x320x4096xf32, #tpu.memory_space<hbm>> -> memref<1x320x128xf32, #tpu.memory_space<hbm>>
        %dma_wait3A_381 = tpu.memref_squeeze %dma_wait3A_380 : memref<1x320x128xf32, #tpu.memory_space<hbm>> -> memref<320x128xf32, #tpu.memory_space<hbm>>
        %dma_wait3A_382 = arith.constant 0 : i32
        %dma_wait3A_383 = tpu.memref_slice %arg6[%sub3A_378, %dma_wait3A_382, %mul3A_2] : memref<50x320x4096xf32, #tpu.memory_space<hbm>> -> memref<1x320x128xf32, #tpu.memory_space<hbm>>
        %dma_wait3A_384 = tpu.memref_squeeze %dma_wait3A_383 : memref<1x320x128xf32, #tpu.memory_space<hbm>> -> memref<320x128xf32, #tpu.memory_space<hbm>>
        tpu.wait_dma2 semaphore(%arg17 : memref<!tpu.dma_semaphore, #tpu.memory_space<semaphore_mem>>) src(%arg11 : memref<320x128xf32, #tpu.memory_space<vmem>>) dst(%dma_wait3A_384 : memref<320x128xf32, #tpu.memory_space<hbm>>)
      } else {
      }
      %lt3A = arith.constant 49 : i32
      %lt3A_35 = arith.cmpi slt, %add3A_32, %lt3A : i32
      %convert_element_type3A_36 = arith.extui %lt3A_35 : i1 to i32
      %cond3A_37 = arith.constant 0 : i32
      %cond3A_38 = arith.cmpi ne, %convert_element_type3A_36, %cond3A_37 : i32
      scf.if %cond3A_38 {
        %add3A_378 = arith.constant 1 : i32
        %add3A_379 = arith.addi %add3A_32, %add3A_378 : i32
        %dma_start3A_380 = arith.constant 0 : i32
        %dma_start3A_381 = tpu.memref_slice %arg3[%add3A_379, %dma_start3A_380, %mul3A_2] : memref<50x2x4096xf32, #tpu.memory_space<hbm>> -> memref<1x2x128xf32, #tpu.memory_space<hbm>>
        %dma_start3A_382 = tpu.memref_squeeze %dma_start3A_381 : memref<1x2x128xf32, #tpu.memory_space<hbm>> -> memref<2x128xf32, #tpu.memory_space<hbm>>
        %dma_start3A_383 = arith.constant 0 : i32
        %dma_start3A_384 = tpu.memref_slice %arg3[%add3A_379, %dma_start3A_383, %mul3A_2] : memref<50x2x4096xf32, #tpu.memory_space<hbm>> -> memref<1x2x128xf32, #tpu.memory_space<hbm>>
        %dma_start3A_385 = tpu.memref_squeeze %dma_start3A_384 : memref<1x2x128xf32, #tpu.memory_space<hbm>> -> memref<2x128xf32, #tpu.memory_space<hbm>>
        tpu.enqueue_dma source(%dma_start3A_385 : memref<2x128xf32, #tpu.memory_space<hbm>>) target(%arg10 : memref<2x128xf32, #tpu.memory_space<vmem>>) target_semaphore(%arg14 : memref<!tpu.dma_semaphore, #tpu.memory_space<semaphore_mem>>)
      } else {
      }
      %dma_start3A_39 = arith.constant 0 : i32
      %dma_start3A_40 = arith.constant 0 : i32
      %dma_start3A_41 = tpu.memref_slice %arg11[%dma_start3A_39, %dma_start3A_40] : memref<320x128xf32, #tpu.memory_space<vmem>> -> memref<64x128xf32, #tpu.memory_space<vmem>>
      %dma_start3A_42 = arith.constant 0 : i32
      %dma_start3A_43 = tpu.memref_slice %arg2[%add3A_32, %dma_start3A_42, %mul3A_2] : memref<50x66x4096xf32, #tpu.memory_space<hbm>> -> memref<1x64x128xf32, #tpu.memory_space<hbm>>
      %dma_start3A_44 = tpu.memref_squeeze %dma_start3A_43 : memref<1x64x128xf32, #tpu.memory_space<hbm>> -> memref<64x128xf32, #tpu.memory_space<hbm>>
      %dma_start3A_45 = arith.constant 0 : i32
      %dma_start3A_46 = arith.constant 0 : i32
      %dma_start3A_47 = tpu.memref_slice %arg11[%dma_start3A_45, %dma_start3A_46] : memref<320x128xf32, #tpu.memory_space<vmem>> -> memref<64x128xf32, #tpu.memory_space<vmem>>
      %dma_start3A_48 = arith.constant 0 : i32
      %dma_start3A_49 = tpu.memref_slice %arg2[%add3A_32, %dma_start3A_48, %mul3A_2] : memref<50x66x4096xf32, #tpu.memory_space<hbm>> -> memref<1x64x128xf32, #tpu.memory_space<hbm>>
      %dma_start3A_50 = tpu.memref_squeeze %dma_start3A_49 : memref<1x64x128xf32, #tpu.memory_space<hbm>> -> memref<64x128xf32, #tpu.memory_space<hbm>>
      tpu.enqueue_dma source(%dma_start3A_50 : memref<64x128xf32, #tpu.memory_space<hbm>>) target(%dma_start3A_47 : memref<64x128xf32, #tpu.memory_space<vmem>>) target_semaphore(%arg15 : memref<!tpu.dma_semaphore, #tpu.memory_space<semaphore_mem>>)
      %dma_wait3A_51 = arith.constant 0 : i32
      %dma_wait3A_52 = tpu.memref_slice %arg3[%add3A_32, %dma_wait3A_51, %mul3A_2] : memref<50x2x4096xf32, #tpu.memory_space<hbm>> -> memref<1x2x128xf32, #tpu.memory_space<hbm>>
      %dma_wait3A_53 = tpu.memref_squeeze %dma_wait3A_52 : memref<1x2x128xf32, #tpu.memory_space<hbm>> -> memref<2x128xf32, #tpu.memory_space<hbm>>
      %dma_wait3A_54 = arith.constant 0 : i32
      %dma_wait3A_55 = tpu.memref_slice %arg3[%add3A_32, %dma_wait3A_54, %mul3A_2] : memref<50x2x4096xf32, #tpu.memory_space<hbm>> -> memref<1x2x128xf32, #tpu.memory_space<hbm>>
      %dma_wait3A_56 = tpu.memref_squeeze %dma_wait3A_55 : memref<1x2x128xf32, #tpu.memory_space<hbm>> -> memref<2x128xf32, #tpu.memory_space<hbm>>
      tpu.wait_dma2 semaphore(%arg13 : memref<!tpu.dma_semaphore, #tpu.memory_space<semaphore_mem>>) src(%dma_wait3A_56 : memref<2x128xf32, #tpu.memory_space<hbm>>) dst(%arg9 : memref<2x128xf32, #tpu.memory_space<vmem>>)
      %get3A = arith.constant 0 : i32
      %get3A_57 = arith.index_cast %get3A : i32 to index
      %get3A_58 = arith.constant 0 : index
      %get3A_59 = tpu.vector_load %arg9[%get3A_57, %get3A_58] {strides = array<i32>} : memref<2x128xf32, #tpu.memory_space<vmem>>, vector<16xf32>,
      %convert_element_type3A_60 = arith.fptosi %get3A_59 : vector<16xf32> to vector<16xi32>
      %get3A_61 = arith.constant 1 : i32
      %get3A_62 = arith.index_cast %get3A_61 : i32 to index
      %get3A_63 = arith.constant 0 : index
      %get3A_64 = tpu.vector_load %arg9[%get3A_62, %get3A_63] {strides = array<i32>} : memref<2x128xf32, #tpu.memory_space<vmem>>, vector<16xf32>,
      %convert_element_type3A_65 = arith.fptosi %get3A_64 : vector<16xf32> to vector<16xi32>
      %scan3A_66 = arith.constant 0 : i32
      %scan3A_67 = arith.constant 16 : i32
      %scan3A_68 = arith.addi %scan3A_66, %scan3A_67 : i32
      %scan3A_69 = arith.constant 1 : i32
      %scan3A_70:2 = scf.for %scan3A_378 = %scan3A_66 to %scan3A_68 step %scan3A_69 iter_args(%scan3A_379 = %convert_element_type3A_60, %scan3A_380 = %convert_element_type3A_65) -> (vector<16xi32>, vector<16xi32>)  : i32 {
        %mul3A_381 = arith.constant 8 : i32
        %mul3A_382 = arith.muli %scan3A_378, %mul3A_381 : i32
        %add3A_383 = arith.constant 0 : i32
        %add3A_384 = arith.addi %add3A_383, %mul3A_382 : i32
        %add3A_385 = arith.constant 0 : i32
        %add3A_386 = vector.broadcast %add3A_385 : i32 to vector<16xi32>
        %add3A_387 = arith.addi %scan3A_379, %add3A_386 : vector<16xi32>
        %gather3A = tpu.vector_load_idx %arg7[%add3A_387] : memref<1920xf32, #tpu.memory_space<vmem>>[vector<16xi32>], vector<16xf32>,
        %add3A_388 = arith.constant 15 : i32
        %add3A_389 = vector.broadcast %add3A_388 : i32 to vector<16xi32>
        %add3A_390 = arith.addi %scan3A_379, %add3A_389 : vector<16xi32>
        %gather3A_391 = tpu.vector_load_idx %arg7[%add3A_390] : memref<1920xf32, #tpu.memory_space<vmem>>[vector<16xi32>], vector<16xf32>,
        %add3A_392 = arith.constant 30 : i32
        %add3A_393 = vector.broadcast %add3A_392 : i32 to vector<16xi32>
        %add3A_394 = arith.addi %scan3A_379, %add3A_393 : vector<16xi32>
        %gather3A_395 = tpu.vector_load_idx %arg7[%add3A_394] : memref<1920xf32, #tpu.memory_space<vmem>>[vector<16xi32>], vector<16xf32>,
        %add3A_396 = arith.constant 45 : i32
        %add3A_397 = vector.broadcast %add3A_396 : i32 to vector<16xi32>
        %add3A_398 = arith.addi %scan3A_379, %add3A_397 : vector<16xi32>
        %gather3A_399 = tpu.vector_load_idx %arg7[%add3A_398] : memref<1920xf32, #tpu.memory_space<vmem>>[vector<16xi32>], vector<16xf32>,
        %add3A_400 = arith.constant 60 : i32
        %add3A_401 = vector.broadcast %add3A_400 : i32 to vector<16xi32>
        %add3A_402 = arith.addi %scan3A_379, %add3A_401 : vector<16xi32>
        %gather3A_403 = tpu.vector_load_idx %arg7[%add3A_402] : memref<1920xf32, #tpu.memory_space<vmem>>[vector<16xi32>], vector<16xf32>,
        %add3A_404 = arith.constant 75 : i32
        %add3A_405 = vector.broadcast %add3A_404 : i32 to vector<16xi32>
        %add3A_406 = arith.addi %scan3A_379, %add3A_405 : vector<16xi32>
        %gather3A_407 = tpu.vector_load_idx %arg7[%add3A_406] : memref<1920xf32, #tpu.memory_space<vmem>>[vector<16xi32>], vector<16xf32>,
        %add3A_408 = arith.constant 90 : i32
        %add3A_409 = vector.broadcast %add3A_408 : i32 to vector<16xi32>
        %add3A_410 = arith.addi %scan3A_379, %add3A_409 : vector<16xi32>
        %gather3A_411 = tpu.vector_load_idx %arg7[%add3A_410] : memref<1920xf32, #tpu.memory_space<vmem>>[vector<16xi32>], vector<16xf32>,
        %add3A_412 = arith.constant 105 : i32
        %add3A_413 = vector.broadcast %add3A_412 : i32 to vector<16xi32>
        %add3A_414 = arith.addi %scan3A_379, %add3A_413 : vector<16xi32>
        %gather3A_415 = tpu.vector_load_idx %arg7[%add3A_414] : memref<1920xf32, #tpu.memory_space<vmem>>[vector<16xi32>], vector<16xf32>,
        %add3A_416 = arith.constant 0 : i32
        %add3A_417 = vector.broadcast %add3A_416 : i32 to vector<16xi32>
        %add3A_418 = arith.addi %scan3A_380, %add3A_417 : vector<16xi32>
        %gather3A_419 = tpu.vector_load_idx %arg8[%add3A_418] : memref<17152xf32, #tpu.memory_space<vmem>>[vector<16xi32>], vector<16xf32>,
        %add3A_420 = arith.constant 134 : i32
        %add3A_421 = vector.broadcast %add3A_420 : i32 to vector<16xi32>
        %add3A_422 = arith.addi %scan3A_380, %add3A_421 : vector<16xi32>
        %gather3A_423 = tpu.vector_load_idx %arg8[%add3A_422] : memref<17152xf32, #tpu.memory_space<vmem>>[vector<16xi32>], vector<16xf32>,
        %add3A_424 = arith.constant 268 : i32
        %add3A_425 = vector.broadcast %add3A_424 : i32 to vector<16xi32>
        %add3A_426 = arith.addi %scan3A_380, %add3A_425 : vector<16xi32>
        %gather3A_427 = tpu.vector_load_idx %arg8[%add3A_426] : memref<17152xf32, #tpu.memory_space<vmem>>[vector<16xi32>], vector<16xf32>,
        %add3A_428 = arith.constant 402 : i32
        %add3A_429 = vector.broadcast %add3A_428 : i32 to vector<16xi32>
        %add3A_430 = arith.addi %scan3A_380, %add3A_429 : vector<16xi32>
        %gather3A_431 = tpu.vector_load_idx %arg8[%add3A_430] : memref<17152xf32, #tpu.memory_space<vmem>>[vector<16xi32>], vector<16xf32>,
        %add3A_432 = arith.constant 536 : i32
        %add3A_433 = vector.broadcast %add3A_432 : i32 to vector<16xi32>
        %add3A_434 = arith.addi %scan3A_380, %add3A_433 : vector<16xi32>
        %gather3A_435 = tpu.vector_load_idx %arg8[%add3A_434] : memref<17152xf32, #tpu.memory_space<vmem>>[vector<16xi32>], vector<16xf32>,
        %add3A_436 = arith.constant 670 : i32
        %add3A_437 = vector.broadcast %add3A_436 : i32 to vector<16xi32>
        %add3A_438 = arith.addi %scan3A_380, %add3A_437 : vector<16xi32>
        %gather3A_439 = tpu.vector_load_idx %arg8[%add3A_438] : memref<17152xf32, #tpu.memory_space<vmem>>[vector<16xi32>], vector<16xf32>,
        %add3A_440 = arith.constant 804 : i32
        %add3A_441 = vector.broadcast %add3A_440 : i32 to vector<16xi32>
        %add3A_442 = arith.addi %scan3A_380, %add3A_441 : vector<16xi32>
        %gather3A_443 = tpu.vector_load_idx %arg8[%add3A_442] : memref<17152xf32, #tpu.memory_space<vmem>>[vector<16xi32>], vector<16xf32>,
        %add3A_444 = arith.constant 938 : i32
        %add3A_445 = vector.broadcast %add3A_444 : i32 to vector<16xi32>
        %add3A_446 = arith.addi %scan3A_380, %add3A_445 : vector<16xi32>
        %gather3A_447 = tpu.vector_load_idx %arg8[%add3A_446] : memref<17152xf32, #tpu.memory_space<vmem>>[vector<16xi32>], vector<16xf32>,
        %add3A_448 = arith.constant 64 : i32
        %add3A_449 = arith.addi %add3A_448, %add3A_384 : i32
        %add3A_450 = arith.constant 0 : i32
        %add3A_451 = arith.addi %add3A_449, %add3A_450 : i32
        %swap3A = arith.index_cast %add3A_451 : i32 to index
        %swap3A_452 = arith.constant 0 : index
        %swap3A_453 = tpu.vector_load %arg11[%swap3A, %swap3A_452] {strides = array<i32>} : memref<320x128xf32, #tpu.memory_space<vmem>>, vector<16xf32>,
        tpu.vector_store %arg11[%swap3A, %swap3A_452], %gather3A {strides = array<i32>} : memref<320x128xf32, #tpu.memory_space<vmem>>, vector<16xf32>,
        %add3A_454 = arith.constant 64 : i32
        %add3A_455 = arith.addi %add3A_454, %add3A_384 : i32
        %add3A_456 = arith.constant 1 : i32
        %add3A_457 = arith.addi %add3A_455, %add3A_456 : i32
        %swap3A_458 = arith.index_cast %add3A_457 : i32 to index
        %swap3A_459 = arith.constant 0 : index
        %swap3A_460 = tpu.vector_load %arg11[%swap3A_458, %swap3A_459] {strides = array<i32>} : memref<320x128xf32, #tpu.memory_space<vmem>>, vector<16xf32>,
        tpu.vector_store %arg11[%swap3A_458, %swap3A_459], %gather3A_391 {strides = array<i32>} : memref<320x128xf32, #tpu.memory_space<vmem>>, vector<16xf32>,
        %add3A_461 = arith.constant 64 : i32
        %add3A_462 = arith.addi %add3A_461, %add3A_384 : i32
        %add3A_463 = arith.constant 2 : i32
        %add3A_464 = arith.addi %add3A_462, %add3A_463 : i32
        %swap3A_465 = arith.index_cast %add3A_464 : i32 to index
        %swap3A_466 = arith.constant 0 : index
        %swap3A_467 = tpu.vector_load %arg11[%swap3A_465, %swap3A_466] {strides = array<i32>} : memref<320x128xf32, #tpu.memory_space<vmem>>, vector<16xf32>,
        tpu.vector_store %arg11[%swap3A_465, %swap3A_466], %gather3A_395 {strides = array<i32>} : memref<320x128xf32, #tpu.memory_space<vmem>>, vector<16xf32>,
        %add3A_468 = arith.constant 64 : i32
        %add3A_469 = arith.addi %add3A_468, %add3A_384 : i32
        %add3A_470 = arith.constant 3 : i32
        %add3A_471 = arith.addi %add3A_469, %add3A_470 : i32
        %swap3A_472 = arith.index_cast %add3A_471 : i32 to index
        %swap3A_473 = arith.constant 0 : index
        %swap3A_474 = tpu.vector_load %arg11[%swap3A_472, %swap3A_473] {strides = array<i32>} : memref<320x128xf32, #tpu.memory_space<vmem>>, vector<16xf32>,
        tpu.vector_store %arg11[%swap3A_472, %swap3A_473], %gather3A_399 {strides = array<i32>} : memref<320x128xf32, #tpu.memory_space<vmem>>, vector<16xf32>,
        %add3A_475 = arith.constant 64 : i32
        %add3A_476 = arith.addi %add3A_475, %add3A_384 : i32
        %add3A_477 = arith.constant 4 : i32
        %add3A_478 = arith.addi %add3A_476, %add3A_477 : i32
        %swap3A_479 = arith.index_cast %add3A_478 : i32 to index
        %swap3A_480 = arith.constant 0 : index
        %swap3A_481 = tpu.vector_load %arg11[%swap3A_479, %swap3A_480] {strides = array<i32>} : memref<320x128xf32, #tpu.memory_space<vmem>>, vector<16xf32>,
        tpu.vector_store %arg11[%swap3A_479, %swap3A_480], %gather3A_403 {strides = array<i32>} : memref<320x128xf32, #tpu.memory_space<vmem>>, vector<16xf32>,
        %add3A_482 = arith.constant 64 : i32
        %add3A_483 = arith.addi %add3A_482, %add3A_384 : i32
        %add3A_484 = arith.constant 5 : i32
        %add3A_485 = arith.addi %add3A_483, %add3A_484 : i32
        %swap3A_486 = arith.index_cast %add3A_485 : i32 to index
        %swap3A_487 = arith.constant 0 : index
        %swap3A_488 = tpu.vector_load %arg11[%swap3A_486, %swap3A_487] {strides = array<i32>} : memref<320x128xf32, #tpu.memory_space<vmem>>, vector<16xf32>,
        tpu.vector_store %arg11[%swap3A_486, %swap3A_487], %gather3A_407 {strides = array<i32>} : memref<320x128xf32, #tpu.memory_space<vmem>>, vector<16xf32>,
        %add3A_489 = arith.constant 64 : i32
        %add3A_490 = arith.addi %add3A_489, %add3A_384 : i32
        %add3A_491 = arith.constant 6 : i32
        %add3A_492 = arith.addi %add3A_490, %add3A_491 : i32
        %swap3A_493 = arith.index_cast %add3A_492 : i32 to index
        %swap3A_494 = arith.constant 0 : index
        %swap3A_495 = tpu.vector_load %arg11[%swap3A_493, %swap3A_494] {strides = array<i32>} : memref<320x128xf32, #tpu.memory_space<vmem>>, vector<16xf32>,
        tpu.vector_store %arg11[%swap3A_493, %swap3A_494], %gather3A_411 {strides = array<i32>} : memref<320x128xf32, #tpu.memory_space<vmem>>, vector<16xf32>,
        %add3A_496 = arith.constant 64 : i32
        %add3A_497 = arith.addi %add3A_496, %add3A_384 : i32
        %add3A_498 = arith.constant 7 : i32
        %add3A_499 = arith.addi %add3A_497, %add3A_498 : i32
        %swap3A_500 = arith.index_cast %add3A_499 : i32 to index
        %swap3A_501 = arith.constant 0 : index
        %swap3A_502 = tpu.vector_load %arg11[%swap3A_500, %swap3A_501] {strides = array<i32>} : memref<320x128xf32, #tpu.memory_space<vmem>>, vector<16xf32>,
        tpu.vector_store %arg11[%swap3A_500, %swap3A_501], %gather3A_415 {strides = array<i32>} : memref<320x128xf32, #tpu.memory_space<vmem>>, vector<16xf32>,
        %add3A_503 = arith.constant 192 : i32
        %add3A_504 = arith.addi %add3A_503, %add3A_384 : i32
        %add3A_505 = arith.constant 0 : i32
        %add3A_506 = arith.addi %add3A_504, %add3A_505 : i32
        %swap3A_507 = arith.index_cast %add3A_506 : i32 to index
        %swap3A_508 = arith.constant 0 : index
        %swap3A_509 = tpu.vector_load %arg11[%swap3A_507, %swap3A_508] {strides = array<i32>} : memref<320x128xf32, #tpu.memory_space<vmem>>, vector<16xf32>,
        tpu.vector_store %arg11[%swap3A_507, %swap3A_508], %gather3A_419 {strides = array<i32>} : memref<320x128xf32, #tpu.memory_space<vmem>>, vector<16xf32>,
        %add3A_510 = arith.constant 192 : i32
        %add3A_511 = arith.addi %add3A_510, %add3A_384 : i32
        %add3A_512 = arith.constant 1 : i32
        %add3A_513 = arith.addi %add3A_511, %add3A_512 : i32
        %swap3A_514 = arith.index_cast %add3A_513 : i32 to index
        %swap3A_515 = arith.constant 0 : index
        %swap3A_516 = tpu.vector_load %arg11[%swap3A_514, %swap3A_515] {strides = array<i32>} : memref<320x128xf32, #tpu.memory_space<vmem>>, vector<16xf32>,
        tpu.vector_store %arg11[%swap3A_514, %swap3A_515], %gather3A_423 {strides = array<i32>} : memref<320x128xf32, #tpu.memory_space<vmem>>, vector<16xf32>,
        %add3A_517 = arith.constant 192 : i32
        %add3A_518 = arith.addi %add3A_517, %add3A_384 : i32
        %add3A_519 = arith.constant 2 : i32
        %add3A_520 = arith.addi %add3A_518, %add3A_519 : i32
        %swap3A_521 = arith.index_cast %add3A_520 : i32 to index
        %swap3A_522 = arith.constant 0 : index
        %swap3A_523 = tpu.vector_load %arg11[%swap3A_521, %swap3A_522] {strides = array<i32>} : memref<320x128xf32, #tpu.memory_space<vmem>>, vector<16xf32>,
        tpu.vector_store %arg11[%swap3A_521, %swap3A_522], %gather3A_427 {strides = array<i32>} : memref<320x128xf32, #tpu.memory_space<vmem>>, vector<16xf32>,
        %add3A_524 = arith.constant 192 : i32
        %add3A_525 = arith.addi %add3A_524, %add3A_384 : i32
        %add3A_526 = arith.constant 3 : i32
        %add3A_527 = arith.addi %add3A_525, %add3A_526 : i32
        %swap3A_528 = arith.index_cast %add3A_527 : i32 to index
        %swap3A_529 = arith.constant 0 : index
        %swap3A_530 = tpu.vector_load %arg11[%swap3A_528, %swap3A_529] {strides = array<i32>} : memref<320x128xf32, #tpu.memory_space<vmem>>, vector<16xf32>,
        tpu.vector_store %arg11[%swap3A_528, %swap3A_529], %gather3A_431 {strides = array<i32>} : memref<320x128xf32, #tpu.memory_space<vmem>>, vector<16xf32>,
        %add3A_531 = arith.constant 192 : i32
        %add3A_532 = arith.addi %add3A_531, %add3A_384 : i32
        %add3A_533 = arith.constant 4 : i32
        %add3A_534 = arith.addi %add3A_532, %add3A_533 : i32
        %swap3A_535 = arith.index_cast %add3A_534 : i32 to index
        %swap3A_536 = arith.constant 0 : index
        %swap3A_537 = tpu.vector_load %arg11[%swap3A_535, %swap3A_536] {strides = array<i32>} : memref<320x128xf32, #tpu.memory_space<vmem>>, vector<16xf32>,
        tpu.vector_store %arg11[%swap3A_535, %swap3A_536], %gather3A_435 {strides = array<i32>} : memref<320x128xf32, #tpu.memory_space<vmem>>, vector<16xf32>,
        %add3A_538 = arith.constant 192 : i32
        %add3A_539 = arith.addi %add3A_538, %add3A_384 : i32
        %add3A_540 = arith.constant 5 : i32
        %add3A_541 = arith.addi %add3A_539, %add3A_540 : i32
        %swap3A_542 = arith.index_cast %add3A_541 : i32 to index
        %swap3A_543 = arith.constant 0 : index
        %swap3A_544 = tpu.vector_load %arg11[%swap3A_542, %swap3A_543] {strides = array<i32>} : memref<320x128xf32, #tpu.memory_space<vmem>>, vector<16xf32>,
        tpu.vector_store %arg11[%swap3A_542, %swap3A_543], %gather3A_439 {strides = array<i32>} : memref<320x128xf32, #tpu.memory_space<vmem>>, vector<16xf32>,
        %add3A_545 = arith.constant 192 : i32
        %add3A_546 = arith.addi %add3A_545, %add3A_384 : i32
        %add3A_547 = arith.constant 6 : i32
        %add3A_548 = arith.addi %add3A_546, %add3A_547 : i32
        %swap3A_549 = arith.index_cast %add3A_548 : i32 to index
        %swap3A_550 = arith.constant 0 : index
        %swap3A_551 = tpu.vector_load %arg11[%swap3A_549, %swap3A_550] {strides = array<i32>} : memref<320x128xf32, #tpu.memory_space<vmem>>, vector<16xf32>,
        tpu.vector_store %arg11[%swap3A_549, %swap3A_550], %gather3A_443 {strides = array<i32>} : memref<320x128xf32, #tpu.memory_space<vmem>>, vector<16xf32>,
        %add3A_552 = arith.constant 192 : i32
        %add3A_553 = arith.addi %add3A_552, %add3A_384 : i32
        %add3A_554 = arith.constant 7 : i32
        %add3A_555 = arith.addi %add3A_553, %add3A_554 : i32
        %swap3A_556 = arith.index_cast %add3A_555 : i32 to index
        %swap3A_557 = arith.constant 0 : index
        %swap3A_558 = tpu.vector_load %arg11[%swap3A_556, %swap3A_557] {strides = array<i32>} : memref<320x128xf32, #tpu.memory_space<vmem>>, vector<16xf32>,
        tpu.vector_store %arg11[%swap3A_556, %swap3A_557], %gather3A_447 {strides = array<i32>} : memref<320x128xf32, #tpu.memory_space<vmem>>, vector<16xf32>,
        %add3A_559 = arith.constant 120 : i32
        %add3A_560 = vector.broadcast %add3A_559 : i32 to vector<16xi32>
        %add3A_561 = arith.addi %scan3A_379, %add3A_560 : vector<16xi32>
        %add3A_562 = arith.constant 1072 : i32
        %add3A_563 = vector.broadcast %add3A_562 : i32 to vector<16xi32>
        %add3A_564 = arith.addi %scan3A_380, %add3A_563 : vector<16xi32>
        scf.yield %add3A_561, %add3A_564 : vector<16xi32>, vector<16xi32>
      }
      %scan3A_71 = arith.constant 16 : i32
      %get3A_72 = arith.constant 0 : i32
      %get3A_73 = arith.index_cast %get3A_72 : i32 to index
      %get3A_74 = arith.constant 16 : index
      %get3A_75 = tpu.vector_load %arg9[%get3A_73, %get3A_74] {strides = array<i32>} : memref<2x128xf32, #tpu.memory_space<vmem>>, vector<16xf32>,
      %convert_element_type3A_76 = arith.fptosi %get3A_75 : vector<16xf32> to vector<16xi32>
      %get3A_77 = arith.constant 1 : i32
      %get3A_78 = arith.index_cast %get3A_77 : i32 to index
      %get3A_79 = arith.constant 16 : index
      %get3A_80 = tpu.vector_load %arg9[%get3A_78, %get3A_79] {strides = array<i32>} : memref<2x128xf32, #tpu.memory_space<vmem>>, vector<16xf32>,
      %convert_element_type3A_81 = arith.fptosi %get3A_80 : vector<16xf32> to vector<16xi32>
      %scan3A_82 = arith.constant 0 : i32
      %scan3A_83 = arith.constant 16 : i32
      %scan3A_84 = arith.addi %scan3A_82, %scan3A_83 : i32
      %scan3A_85 = arith.constant 1 : i32
      %scan3A_86:2 = scf.for %scan3A_378 = %scan3A_82 to %scan3A_84 step %scan3A_85 iter_args(%scan3A_379 = %convert_element_type3A_76, %scan3A_380 = %convert_element_type3A_81) -> (vector<16xi32>, vector<16xi32>)  : i32 {
        %mul3A_381 = arith.constant 8 : i32
        %mul3A_382 = arith.muli %scan3A_378, %mul3A_381 : i32
        %add3A_383 = arith.constant 0 : i32
        %add3A_384 = arith.addi %add3A_383, %mul3A_382 : i32
        %add3A_385 = arith.constant 0 : i32
        %add3A_386 = vector.broadcast %add3A_385 : i32 to vector<16xi32>
        %add3A_387 = arith.addi %scan3A_379, %add3A_386 : vector<16xi32>
        %gather3A = tpu.vector_load_idx %arg7[%add3A_387] : memref<1920xf32, #tpu.memory_space<vmem>>[vector<16xi32>], vector<16xf32>,
        %add3A_388 = arith.constant 15 : i32
        %add3A_389 = vector.broadcast %add3A_388 : i32 to vector<16xi32>
        %add3A_390 = arith.addi %scan3A_379, %add3A_389 : vector<16xi32>
        %gather3A_391 = tpu.vector_load_idx %arg7[%add3A_390] : memref<1920xf32, #tpu.memory_space<vmem>>[vector<16xi32>], vector<16xf32>,
        %add3A_392 = arith.constant 30 : i32
        %add3A_393 = vector.broadcast %add3A_392 : i32 to vector<16xi32>
        %add3A_394 = arith.addi %scan3A_379, %add3A_393 : vector<16xi32>
        %gather3A_395 = tpu.vector_load_idx %arg7[%add3A_394] : memref<1920xf32, #tpu.memory_space<vmem>>[vector<16xi32>], vector<16xf32>,
        %add3A_396 = arith.constant 45 : i32
        %add3A_397 = vector.broadcast %add3A_396 : i32 to vector<16xi32>
        %add3A_398 = arith.addi %scan3A_379, %add3A_397 : vector<16xi32>
        %gather3A_399 = tpu.vector_load_idx %arg7[%add3A_398] : memref<1920xf32, #tpu.memory_space<vmem>>[vector<16xi32>], vector<16xf32>,
        %add3A_400 = arith.constant 60 : i32
        %add3A_401 = vector.broadcast %add3A_400 : i32 to vector<16xi32>
        %add3A_402 = arith.addi %scan3A_379, %add3A_401 : vector<16xi32>
        %gather3A_403 = tpu.vector_load_idx %arg7[%add3A_402] : memref<1920xf32, #tpu.memory_space<vmem>>[vector<16xi32>], vector<16xf32>,
        %add3A_404 = arith.constant 75 : i32
        %add3A_405 = vector.broadcast %add3A_404 : i32 to vector<16xi32>
        %add3A_406 = arith.addi %scan3A_379, %add3A_405 : vector<16xi32>
        %gather3A_407 = tpu.vector_load_idx %arg7[%add3A_406] : memref<1920xf32, #tpu.memory_space<vmem>>[vector<16xi32>], vector<16xf32>,
        %add3A_408 = arith.constant 90 : i32
        %add3A_409 = vector.broadcast %add3A_408 : i32 to vector<16xi32>
        %add3A_410 = arith.addi %scan3A_379, %add3A_409 : vector<16xi32>
        %gather3A_411 = tpu.vector_load_idx %arg7[%add3A_410] : memref<1920xf32, #tpu.memory_space<vmem>>[vector<16xi32>], vector<16xf32>,
        %add3A_412 = arith.constant 105 : i32
        %add3A_413 = vector.broadcast %add3A_412 : i32 to vector<16xi32>
        %add3A_414 = arith.addi %scan3A_379, %add3A_413 : vector<16xi32>
        %gather3A_415 = tpu.vector_load_idx %arg7[%add3A_414] : memref<1920xf32, #tpu.memory_space<vmem>>[vector<16xi32>], vector<16xf32>,
        %add3A_416 = arith.constant 0 : i32
        %add3A_417 = vector.broadcast %add3A_416 : i32 to vector<16xi32>
        %add3A_418 = arith.addi %scan3A_380, %add3A_417 : vector<16xi32>
        %gather3A_419 = tpu.vector_load_idx %arg8[%add3A_418] : memref<17152xf32, #tpu.memory_space<vmem>>[vector<16xi32>], vector<16xf32>,
        %add3A_420 = arith.constant 134 : i32
        %add3A_421 = vector.broadcast %add3A_420 : i32 to vector<16xi32>
        %add3A_422 = arith.addi %scan3A_380, %add3A_421 : vector<16xi32>
        %gather3A_423 = tpu.vector_load_idx %arg8[%add3A_422] : memref<17152xf32, #tpu.memory_space<vmem>>[vector<16xi32>], vector<16xf32>,
        %add3A_424 = arith.constant 268 : i32
        %add3A_425 = vector.broadcast %add3A_424 : i32 to vector<16xi32>
        %add3A_426 = arith.addi %scan3A_380, %add3A_425 : vector<16xi32>
        %gather3A_427 = tpu.vector_load_idx %arg8[%add3A_426] : memref<17152xf32, #tpu.memory_space<vmem>>[vector<16xi32>], vector<16xf32>,
        %add3A_428 = arith.constant 402 : i32
        %add3A_429 = vector.broadcast %add3A_428 : i32 to vector<16xi32>
        %add3A_430 = arith.addi %scan3A_380, %add3A_429 : vector<16xi32>
        %gather3A_431 = tpu.vector_load_idx %arg8[%add3A_430] : memref<17152xf32, #tpu.memory_space<vmem>>[vector<16xi32>], vector<16xf32>,
        %add3A_432 = arith.constant 536 : i32
        %add3A_433 = vector.broadcast %add3A_432 : i32 to vector<16xi32>
        %add3A_434 = arith.addi %scan3A_380, %add3A_433 : vector<16xi32>
        %gather3A_435 = tpu.vector_load_idx %arg8[%add3A_434] : memref<17152xf32, #tpu.memory_space<vmem>>[vector<16xi32>], vector<16xf32>,
        %add3A_436 = arith.constant 670 : i32
        %add3A_437 = vector.broadcast %add3A_436 : i32 to vector<16xi32>
        %add3A_438 = arith.addi %scan3A_380, %add3A_437 : vector<16xi32>
        %gather3A_439 = tpu.vector_load_idx %arg8[%add3A_438] : memref<17152xf32, #tpu.memory_space<vmem>>[vector<16xi32>], vector<16xf32>,
        %add3A_440 = arith.constant 804 : i32
        %add3A_441 = vector.broadcast %add3A_440 : i32 to vector<16xi32>
        %add3A_442 = arith.addi %scan3A_380, %add3A_441 : vector<16xi32>
        %gather3A_443 = tpu.vector_load_idx %arg8[%add3A_442] : memref<17152xf32, #tpu.memory_space<vmem>>[vector<16xi32>], vector<16xf32>,
        %add3A_444 = arith.constant 938 : i32
        %add3A_445 = vector.broadcast %add3A_444 : i32 to vector<16xi32>
        %add3A_446 = arith.addi %scan3A_380, %add3A_445 : vector<16xi32>
        %gather3A_447 = tpu.vector_load_idx %arg8[%add3A_446] : memref<17152xf32, #tpu.memory_space<vmem>>[vector<16xi32>], vector<16xf32>,
        %add3A_448 = arith.constant 64 : i32
        %add3A_449 = arith.addi %add3A_448, %add3A_384 : i32
        %add3A_450 = arith.constant 0 : i32
        %add3A_451 = arith.addi %add3A_449, %add3A_450 : i32
        %swap3A = arith.index_cast %add3A_451 : i32 to index
        %swap3A_452 = arith.constant 16 : index
        %swap3A_453 = tpu.vector_load %arg11[%swap3A, %swap3A_452] {strides = array<i32>} : memref<320x128xf32, #tpu.memory_space<vmem>>, vector<16xf32>,
        tpu.vector_store %arg11[%swap3A, %swap3A_452], %gather3A {strides = array<i32>} : memref<320x128xf32, #tpu.memory_space<vmem>>, vector<16xf32>,
        %add3A_454 = arith.constant 64 : i32
        %add3A_455 = arith.addi %add3A_454, %add3A_384 : i32
        %add3A_456 = arith.constant 1 : i32
        %add3A_457 = arith.addi %add3A_455, %add3A_456 : i32
        %swap3A_458 = arith.index_cast %add3A_457 : i32 to index
        %swap3A_459 = arith.constant 16 : index
        %swap3A_460 = tpu.vector_load %arg11[%swap3A_458, %swap3A_459] {strides = array<i32>} : memref<320x128xf32, #tpu.memory_space<vmem>>, vector<16xf32>,
        tpu.vector_store %arg11[%swap3A_458, %swap3A_459], %gather3A_391 {strides = array<i32>} : memref<320x128xf32, #tpu.memory_space<vmem>>, vector<16xf32>,
        %add3A_461 = arith.constant 64 : i32
        %add3A_462 = arith.addi %add3A_461, %add3A_384 : i32
        %add3A_463 = arith.constant 2 : i32
        %add3A_464 = arith.addi %add3A_462, %add3A_463 : i32
        %swap3A_465 = arith.index_cast %add3A_464 : i32 to index
        %swap3A_466 = arith.constant 16 : index
        %swap3A_467 = tpu.vector_load %arg11[%swap3A_465, %swap3A_466] {strides = array<i32>} : memref<320x128xf32, #tpu.memory_space<vmem>>, vector<16xf32>,
        tpu.vector_store %arg11[%swap3A_465, %swap3A_466], %gather3A_395 {strides = array<i32>} : memref<320x128xf32, #tpu.memory_space<vmem>>, vector<16xf32>,
        %add3A_468 = arith.constant 64 : i32
        %add3A_469 = arith.addi %add3A_468, %add3A_384 : i32
        %add3A_470 = arith.constant 3 : i32
        %add3A_471 = arith.addi %add3A_469, %add3A_470 : i32
        %swap3A_472 = arith.index_cast %add3A_471 : i32 to index
        %swap3A_473 = arith.constant 16 : index
        %swap3A_474 = tpu.vector_load %arg11[%swap3A_472, %swap3A_473] {strides = array<i32>} : memref<320x128xf32, #tpu.memory_space<vmem>>, vector<16xf32>,
        tpu.vector_store %arg11[%swap3A_472, %swap3A_473], %gather3A_399 {strides = array<i32>} : memref<320x128xf32, #tpu.memory_space<vmem>>, vector<16xf32>,
        %add3A_475 = arith.constant 64 : i32
        %add3A_476 = arith.addi %add3A_475, %add3A_384 : i32
        %add3A_477 = arith.constant 4 : i32
        %add3A_478 = arith.addi %add3A_476, %add3A_477 : i32
        %swap3A_479 = arith.index_cast %add3A_478 : i32 to index
        %swap3A_480 = arith.constant 16 : index
        %swap3A_481 = tpu.vector_load %arg11[%swap3A_479, %swap3A_480] {strides = array<i32>} : memref<320x128xf32, #tpu.memory_space<vmem>>, vector<16xf32>,
        tpu.vector_store %arg11[%swap3A_479, %swap3A_480], %gather3A_403 {strides = array<i32>} : memref<320x128xf32, #tpu.memory_space<vmem>>, vector<16xf32>,
        %add3A_482 = arith.constant 64 : i32
        %add3A_483 = arith.addi %add3A_482, %add3A_384 : i32
        %add3A_484 = arith.constant 5 : i32
        %add3A_485 = arith.addi %add3A_483, %add3A_484 : i32
        %swap3A_486 = arith.index_cast %add3A_485 : i32 to index
        %swap3A_487 = arith.constant 16 : index
        %swap3A_488 = tpu.vector_load %arg11[%swap3A_486, %swap3A_487] {strides = array<i32>} : memref<320x128xf32, #tpu.memory_space<vmem>>, vector<16xf32>,
        tpu.vector_store %arg11[%swap3A_486, %swap3A_487], %gather3A_407 {strides = array<i32>} : memref<320x128xf32, #tpu.memory_space<vmem>>, vector<16xf32>,
        %add3A_489 = arith.constant 64 : i32
        %add3A_490 = arith.addi %add3A_489, %add3A_384 : i32
        %add3A_491 = arith.constant 6 : i32
        %add3A_492 = arith.addi %add3A_490, %add3A_491 : i32
        %swap3A_493 = arith.index_cast %add3A_492 : i32 to index
        %swap3A_494 = arith.constant 16 : index
        %swap3A_495 = tpu.vector_load %arg11[%swap3A_493, %swap3A_494] {strides = array<i32>} : memref<320x128xf32, #tpu.memory_space<vmem>>, vector<16xf32>,
        tpu.vector_store %arg11[%swap3A_493, %swap3A_494], %gather3A_411 {strides = array<i32>} : memref<320x128xf32, #tpu.memory_space<vmem>>, vector<16xf32>,
        %add3A_496 = arith.constant 64 : i32
        %add3A_497 = arith.addi %add3A_496, %add3A_384 : i32
        %add3A_498 = arith.constant 7 : i32
        %add3A_499 = arith.addi %add3A_497, %add3A_498 : i32
        %swap3A_500 = arith.index_cast %add3A_499 : i32 to index
        %swap3A_501 = arith.constant 16 : index
        %swap3A_502 = tpu.vector_load %arg11[%swap3A_500, %swap3A_501] {strides = array<i32>} : memref<320x128xf32, #tpu.memory_space<vmem>>, vector<16xf32>,
        tpu.vector_store %arg11[%swap3A_500, %swap3A_501], %gather3A_415 {strides = array<i32>} : memref<320x128xf32, #tpu.memory_space<vmem>>, vector<16xf32>,
        %add3A_503 = arith.constant 192 : i32
        %add3A_504 = arith.addi %add3A_503, %add3A_384 : i32
        %add3A_505 = arith.constant 0 : i32
        %add3A_506 = arith.addi %add3A_504, %add3A_505 : i32
        %swap3A_507 = arith.index_cast %add3A_506 : i32 to index
        %swap3A_508 = arith.constant 16 : index
        %swap3A_509 = tpu.vector_load %arg11[%swap3A_507, %swap3A_508] {strides = array<i32>} : memref<320x128xf32, #tpu.memory_space<vmem>>, vector<16xf32>,
        tpu.vector_store %arg11[%swap3A_507, %swap3A_508], %gather3A_419 {strides = array<i32>} : memref<320x128xf32, #tpu.memory_space<vmem>>, vector<16xf32>,
        %add3A_510 = arith.constant 192 : i32
        %add3A_511 = arith.addi %add3A_510, %add3A_384 : i32
        %add3A_512 = arith.constant 1 : i32
        %add3A_513 = arith.addi %add3A_511, %add3A_512 : i32
        %swap3A_514 = arith.index_cast %add3A_513 : i32 to index
        %swap3A_515 = arith.constant 16 : index
        %swap3A_516 = tpu.vector_load %arg11[%swap3A_514, %swap3A_515] {strides = array<i32>} : memref<320x128xf32, #tpu.memory_space<vmem>>, vector<16xf32>,
        tpu.vector_store %arg11[%swap3A_514, %swap3A_515], %gather3A_423 {strides = array<i32>} : memref<320x128xf32, #tpu.memory_space<vmem>>, vector<16xf32>,
        %add3A_517 = arith.constant 192 : i32
        %add3A_518 = arith.addi %add3A_517, %add3A_384 : i32
        %add3A_519 = arith.constant 2 : i32
        %add3A_520 = arith.addi %add3A_518, %add3A_519 : i32
        %swap3A_521 = arith.index_cast %add3A_520 : i32 to index
        %swap3A_522 = arith.constant 16 : index
        %swap3A_523 = tpu.vector_load %arg11[%swap3A_521, %swap3A_522] {strides = array<i32>} : memref<320x128xf32, #tpu.memory_space<vmem>>, vector<16xf32>,
        tpu.vector_store %arg11[%swap3A_521, %swap3A_522], %gather3A_427 {strides = array<i32>} : memref<320x128xf32, #tpu.memory_space<vmem>>, vector<16xf32>,
        %add3A_524 = arith.constant 192 : i32
        %add3A_525 = arith.addi %add3A_524, %add3A_384 : i32
        %add3A_526 = arith.constant 3 : i32
        %add3A_527 = arith.addi %add3A_525, %add3A_526 : i32
        %swap3A_528 = arith.index_cast %add3A_527 : i32 to index
        %swap3A_529 = arith.constant 16 : index
        %swap3A_530 = tpu.vector_load %arg11[%swap3A_528, %swap3A_529] {strides = array<i32>} : memref<320x128xf32, #tpu.memory_space<vmem>>, vector<16xf32>,
        tpu.vector_store %arg11[%swap3A_528, %swap3A_529], %gather3A_431 {strides = array<i32>} : memref<320x128xf32, #tpu.memory_space<vmem>>, vector<16xf32>,
        %add3A_531 = arith.constant 192 : i32
        %add3A_532 = arith.addi %add3A_531, %add3A_384 : i32
        %add3A_533 = arith.constant 4 : i32
        %add3A_534 = arith.addi %add3A_532, %add3A_533 : i32
        %swap3A_535 = arith.index_cast %add3A_534 : i32 to index
        %swap3A_536 = arith.constant 16 : index
        %swap3A_537 = tpu.vector_load %arg11[%swap3A_535, %swap3A_536] {strides = array<i32>} : memref<320x128xf32, #tpu.memory_space<vmem>>, vector<16xf32>,
        tpu.vector_store %arg11[%swap3A_535, %swap3A_536], %gather3A_435 {strides = array<i32>} : memref<320x128xf32, #tpu.memory_space<vmem>>, vector<16xf32>,
        %add3A_538 = arith.constant 192 : i32
        %add3A_539 = arith.addi %add3A_538, %add3A_384 : i32
        %add3A_540 = arith.constant 5 : i32
        %add3A_541 = arith.addi %add3A_539, %add3A_540 : i32
        %swap3A_542 = arith.index_cast %add3A_541 : i32 to index
        %swap3A_543 = arith.constant 16 : index
        %swap3A_544 = tpu.vector_load %arg11[%swap3A_542, %swap3A_543] {strides = array<i32>} : memref<320x128xf32, #tpu.memory_space<vmem>>, vector<16xf32>,
        tpu.vector_store %arg11[%swap3A_542, %swap3A_543], %gather3A_439 {strides = array<i32>} : memref<320x128xf32, #tpu.memory_space<vmem>>, vector<16xf32>,
        %add3A_545 = arith.constant 192 : i32
        %add3A_546 = arith.addi %add3A_545, %add3A_384 : i32
        %add3A_547 = arith.constant 6 : i32
        %add3A_548 = arith.addi %add3A_546, %add3A_547 : i32
        %swap3A_549 = arith.index_cast %add3A_548 : i32 to index
        %swap3A_550 = arith.constant 16 : index
        %swap3A_551 = tpu.vector_load %arg11[%swap3A_549, %swap3A_550] {strides = array<i32>} : memref<320x128xf32, #tpu.memory_space<vmem>>, vector<16xf32>,
        tpu.vector_store %arg11[%swap3A_549, %swap3A_550], %gather3A_443 {strides = array<i32>} : memref<320x128xf32, #tpu.memory_space<vmem>>, vector<16xf32>,
        %add3A_552 = arith.constant 192 : i32
        %add3A_553 = arith.addi %add3A_552, %add3A_384 : i32
        %add3A_554 = arith.constant 7 : i32
        %add3A_555 = arith.addi %add3A_553, %add3A_554 : i32
        %swap3A_556 = arith.index_cast %add3A_555 : i32 to index
        %swap3A_557 = arith.constant 16 : index
        %swap3A_558 = tpu.vector_load %arg11[%swap3A_556, %swap3A_557] {strides = array<i32>} : memref<320x128xf32, #tpu.memory_space<vmem>>, vector<16xf32>,
        tpu.vector_store %arg11[%swap3A_556, %swap3A_557], %gather3A_447 {strides = array<i32>} : memref<320x128xf32, #tpu.memory_space<vmem>>, vector<16xf32>,
        %add3A_559 = arith.constant 120 : i32
        %add3A_560 = vector.broadcast %add3A_559 : i32 to vector<16xi32>
        %add3A_561 = arith.addi %scan3A_379, %add3A_560 : vector<16xi32>
        %add3A_562 = arith.constant 1072 : i32
        %add3A_563 = vector.broadcast %add3A_562 : i32 to vector<16xi32>
        %add3A_564 = arith.addi %scan3A_380, %add3A_563 : vector<16xi32>
        scf.yield %add3A_561, %add3A_564 : vector<16xi32>, vector<16xi32>
      }
      %scan3A_87 = arith.constant 16 : i32
      %get3A_88 = arith.constant 0 : i32
      %get3A_89 = arith.index_cast %get3A_88 : i32 to index
      %get3A_90 = arith.constant 32 : index
      %get3A_91 = tpu.vector_load %arg9[%get3A_89, %get3A_90] {strides = array<i32>} : memref<2x128xf32, #tpu.memory_space<vmem>>, vector<16xf32>,
      %convert_element_type3A_92 = arith.fptosi %get3A_91 : vector<16xf32> to vector<16xi32>
      %get3A_93 = arith.constant 1 : i32
      %get3A_94 = arith.index_cast %get3A_93 : i32 to index
      %get3A_95 = arith.constant 32 : index
      %get3A_96 = tpu.vector_load %arg9[%get3A_94, %get3A_95] {strides = array<i32>} : memref<2x128xf32, #tpu.memory_space<vmem>>, vector<16xf32>,
      %convert_element_type3A_97 = arith.fptosi %get3A_96 : vector<16xf32> to vector<16xi32>
      %scan3A_98 = arith.constant 0 : i32
      %scan3A_99 = arith.constant 16 : i32
      %scan3A_100 = arith.addi %scan3A_98, %scan3A_99 : i32
      %scan3A_101 = arith.constant 1 : i32
      %scan3A_102:2 = scf.for %scan3A_378 = %scan3A_98 to %scan3A_100 step %scan3A_101 iter_args(%scan3A_379 = %convert_element_type3A_92, %scan3A_380 = %convert_element_type3A_97) -> (vector<16xi32>, vector<16xi32>)  : i32 {
        %mul3A_381 = arith.constant 8 : i32
        %mul3A_382 = arith.muli %scan3A_378, %mul3A_381 : i32
        %add3A_383 = arith.constant 0 : i32
        %add3A_384 = arith.addi %add3A_383, %mul3A_382 : i32
        %add3A_385 = arith.constant 0 : i32
        %add3A_386 = vector.broadcast %add3A_385 : i32 to vector<16xi32>
        %add3A_387 = arith.addi %scan3A_379, %add3A_386 : vector<16xi32>
        %gather3A = tpu.vector_load_idx %arg7[%add3A_387] : memref<1920xf32, #tpu.memory_space<vmem>>[vector<16xi32>], vector<16xf32>,
        %add3A_388 = arith.constant 15 : i32
        %add3A_389 = vector.broadcast %add3A_388 : i32 to vector<16xi32>
        %add3A_390 = arith.addi %scan3A_379, %add3A_389 : vector<16xi32>
        %gather3A_391 = tpu.vector_load_idx %arg7[%add3A_390] : memref<1920xf32, #tpu.memory_space<vmem>>[vector<16xi32>], vector<16xf32>,
        %add3A_392 = arith.constant 30 : i32
        %add3A_393 = vector.broadcast %add3A_392 : i32 to vector<16xi32>
        %add3A_394 = arith.addi %scan3A_379, %add3A_393 : vector<16xi32>
        %gather3A_395 = tpu.vector_load_idx %arg7[%add3A_394] : memref<1920xf32, #tpu.memory_space<vmem>>[vector<16xi32>], vector<16xf32>,
        %add3A_396 = arith.constant 45 : i32
        %add3A_397 = vector.broadcast %add3A_396 : i32 to vector<16xi32>
        %add3A_398 = arith.addi %scan3A_379, %add3A_397 : vector<16xi32>
        %gather3A_399 = tpu.vector_load_idx %arg7[%add3A_398] : memref<1920xf32, #tpu.memory_space<vmem>>[vector<16xi32>], vector<16xf32>,
        %add3A_400 = arith.constant 60 : i32
        %add3A_401 = vector.broadcast %add3A_400 : i32 to vector<16xi32>
        %add3A_402 = arith.addi %scan3A_379, %add3A_401 : vector<16xi32>
        %gather3A_403 = tpu.vector_load_idx %arg7[%add3A_402] : memref<1920xf32, #tpu.memory_space<vmem>>[vector<16xi32>], vector<16xf32>,
        %add3A_404 = arith.constant 75 : i32
        %add3A_405 = vector.broadcast %add3A_404 : i32 to vector<16xi32>
        %add3A_406 = arith.addi %scan3A_379, %add3A_405 : vector<16xi32>
        %gather3A_407 = tpu.vector_load_idx %arg7[%add3A_406] : memref<1920xf32, #tpu.memory_space<vmem>>[vector<16xi32>], vector<16xf32>,
        %add3A_408 = arith.constant 90 : i32
        %add3A_409 = vector.broadcast %add3A_408 : i32 to vector<16xi32>
        %add3A_410 = arith.addi %scan3A_379, %add3A_409 : vector<16xi32>
        %gather3A_411 = tpu.vector_load_idx %arg7[%add3A_410] : memref<1920xf32, #tpu.memory_space<vmem>>[vector<16xi32>], vector<16xf32>,
        %add3A_412 = arith.constant 105 : i32
        %add3A_413 = vector.broadcast %add3A_412 : i32 to vector<16xi32>
        %add3A_414 = arith.addi %scan3A_379, %add3A_413 : vector<16xi32>
        %gather3A_415 = tpu.vector_load_idx %arg7[%add3A_414] : memref<1920xf32, #tpu.memory_space<vmem>>[vector<16xi32>], vector<16xf32>,
        %add3A_416 = arith.constant 0 : i32
        %add3A_417 = vector.broadcast %add3A_416 : i32 to vector<16xi32>
        %add3A_418 = arith.addi %scan3A_380, %add3A_417 : vector<16xi32>
        %gather3A_419 = tpu.vector_load_idx %arg8[%add3A_418] : memref<17152xf32, #tpu.memory_space<vmem>>[vector<16xi32>], vector<16xf32>,
        %add3A_420 = arith.constant 134 : i32
        %add3A_421 = vector.broadcast %add3A_420 : i32 to vector<16xi32>
        %add3A_422 = arith.addi %scan3A_380, %add3A_421 : vector<16xi32>
        %gather3A_423 = tpu.vector_load_idx %arg8[%add3A_422] : memref<17152xf32, #tpu.memory_space<vmem>>[vector<16xi32>], vector<16xf32>,
        %add3A_424 = arith.constant 268 : i32
        %add3A_425 = vector.broadcast %add3A_424 : i32 to vector<16xi32>
        %add3A_426 = arith.addi %scan3A_380, %add3A_425 : vector<16xi32>
        %gather3A_427 = tpu.vector_load_idx %arg8[%add3A_426] : memref<17152xf32, #tpu.memory_space<vmem>>[vector<16xi32>], vector<16xf32>,
        %add3A_428 = arith.constant 402 : i32
        %add3A_429 = vector.broadcast %add3A_428 : i32 to vector<16xi32>
        %add3A_430 = arith.addi %scan3A_380, %add3A_429 : vector<16xi32>
        %gather3A_431 = tpu.vector_load_idx %arg8[%add3A_430] : memref<17152xf32, #tpu.memory_space<vmem>>[vector<16xi32>], vector<16xf32>,
        %add3A_432 = arith.constant 536 : i32
        %add3A_433 = vector.broadcast %add3A_432 : i32 to vector<16xi32>
        %add3A_434 = arith.addi %scan3A_380, %add3A_433 : vector<16xi32>
        %gather3A_435 = tpu.vector_load_idx %arg8[%add3A_434] : memref<17152xf32, #tpu.memory_space<vmem>>[vector<16xi32>], vector<16xf32>,
        %add3A_436 = arith.constant 670 : i32
        %add3A_437 = vector.broadcast %add3A_436 : i32 to vector<16xi32>
        %add3A_438 = arith.addi %scan3A_380, %add3A_437 : vector<16xi32>
        %gather3A_439 = tpu.vector_load_idx %arg8[%add3A_438] : memref<17152xf32, #tpu.memory_space<vmem>>[vector<16xi32>], vector<16xf32>,
        %add3A_440 = arith.constant 804 : i32
        %add3A_441 = vector.broadcast %add3A_440 : i32 to vector<16xi32>
        %add3A_442 = arith.addi %scan3A_380, %add3A_441 : vector<16xi32>
        %gather3A_443 = tpu.vector_load_idx %arg8[%add3A_442] : memref<17152xf32, #tpu.memory_space<vmem>>[vector<16xi32>], vector<16xf32>,
        %add3A_444 = arith.constant 938 : i32
        %add3A_445 = vector.broadcast %add3A_444 : i32 to vector<16xi32>
        %add3A_446 = arith.addi %scan3A_380, %add3A_445 : vector<16xi32>
        %gather3A_447 = tpu.vector_load_idx %arg8[%add3A_446] : memref<17152xf32, #tpu.memory_space<vmem>>[vector<16xi32>], vector<16xf32>,
        %add3A_448 = arith.constant 64 : i32
        %add3A_449 = arith.addi %add3A_448, %add3A_384 : i32
        %add3A_450 = arith.constant 0 : i32
        %add3A_451 = arith.addi %add3A_449, %add3A_450 : i32
        %swap3A = arith.index_cast %add3A_451 : i32 to index
        %swap3A_452 = arith.constant 32 : index
        %swap3A_453 = tpu.vector_load %arg11[%swap3A, %swap3A_452] {strides = array<i32>} : memref<320x128xf32, #tpu.memory_space<vmem>>, vector<16xf32>,
        tpu.vector_store %arg11[%swap3A, %swap3A_452], %gather3A {strides = array<i32>} : memref<320x128xf32, #tpu.memory_space<vmem>>, vector<16xf32>,
        %add3A_454 = arith.constant 64 : i32
        %add3A_455 = arith.addi %add3A_454, %add3A_384 : i32
        %add3A_456 = arith.constant 1 : i32
        %add3A_457 = arith.addi %add3A_455, %add3A_456 : i32
        %swap3A_458 = arith.index_cast %add3A_457 : i32 to index
        %swap3A_459 = arith.constant 32 : index
        %swap3A_460 = tpu.vector_load %arg11[%swap3A_458, %swap3A_459] {strides = array<i32>} : memref<320x128xf32, #tpu.memory_space<vmem>>, vector<16xf32>,
        tpu.vector_store %arg11[%swap3A_458, %swap3A_459], %gather3A_391 {strides = array<i32>} : memref<320x128xf32, #tpu.memory_space<vmem>>, vector<16xf32>,
        %add3A_461 = arith.constant 64 : i32
        %add3A_462 = arith.addi %add3A_461, %add3A_384 : i32
        %add3A_463 = arith.constant 2 : i32
        %add3A_464 = arith.addi %add3A_462, %add3A_463 : i32
        %swap3A_465 = arith.index_cast %add3A_464 : i32 to index
        %swap3A_466 = arith.constant 32 : index
        %swap3A_467 = tpu.vector_load %arg11[%swap3A_465, %swap3A_466] {strides = array<i32>} : memref<320x128xf32, #tpu.memory_space<vmem>>, vector<16xf32>,
        tpu.vector_store %arg11[%swap3A_465, %swap3A_466], %gather3A_395 {strides = array<i32>} : memref<320x128xf32, #tpu.memory_space<vmem>>, vector<16xf32>,
        %add3A_468 = arith.constant 64 : i32
        %add3A_469 = arith.addi %add3A_468, %add3A_384 : i32
        %add3A_470 = arith.constant 3 : i32
        %add3A_471 = arith.addi %add3A_469, %add3A_470 : i32
        %swap3A_472 = arith.index_cast %add3A_471 : i32 to index
        %swap3A_473 = arith.constant 32 : index
        %swap3A_474 = tpu.vector_load %arg11[%swap3A_472, %swap3A_473] {strides = array<i32>} : memref<320x128xf32, #tpu.memory_space<vmem>>, vector<16xf32>,
        tpu.vector_store %arg11[%swap3A_472, %swap3A_473], %gather3A_399 {strides = array<i32>} : memref<320x128xf32, #tpu.memory_space<vmem>>, vector<16xf32>,
        %add3A_475 = arith.constant 64 : i32
        %add3A_476 = arith.addi %add3A_475, %add3A_384 : i32
        %add3A_477 = arith.constant 4 : i32
        %add3A_478 = arith.addi %add3A_476, %add3A_477 : i32
        %swap3A_479 = arith.index_cast %add3A_478 : i32 to index
        %swap3A_480 = arith.constant 32 : index
        %swap3A_481 = tpu.vector_load %arg11[%swap3A_479, %swap3A_480] {strides = array<i32>} : memref<320x128xf32, #tpu.memory_space<vmem>>, vector<16xf32>,
        tpu.vector_store %arg11[%swap3A_479, %swap3A_480], %gather3A_403 {strides = array<i32>} : memref<320x128xf32, #tpu.memory_space<vmem>>, vector<16xf32>,
        %add3A_482 = arith.constant 64 : i32
        %add3A_483 = arith.addi %add3A_482, %add3A_384 : i32
        %add3A_484 = arith.constant 5 : i32
        %add3A_485 = arith.addi %add3A_483, %add3A_484 : i32
        %swap3A_486 = arith.index_cast %add3A_485 : i32 to index
        %swap3A_487 = arith.constant 32 : index
        %swap3A_488 = tpu.vector_load %arg11[%swap3A_486, %swap3A_487] {strides = array<i32>} : memref<320x128xf32, #tpu.memory_space<vmem>>, vector<16xf32>,
        tpu.vector_store %arg11[%swap3A_486, %swap3A_487], %gather3A_407 {strides = array<i32>} : memref<320x128xf32, #tpu.memory_space<vmem>>, vector<16xf32>,
        %add3A_489 = arith.constant 64 : i32
        %add3A_490 = arith.addi %add3A_489, %add3A_384 : i32
        %add3A_491 = arith.constant 6 : i32
        %add3A_492 = arith.addi %add3A_490, %add3A_491 : i32
        %swap3A_493 = arith.index_cast %add3A_492 : i32 to index
        %swap3A_494 = arith.constant 32 : index
        %swap3A_495 = tpu.vector_load %arg11[%swap3A_493, %swap3A_494] {strides = array<i32>} : memref<320x128xf32, #tpu.memory_space<vmem>>, vector<16xf32>,
        tpu.vector_store %arg11[%swap3A_493, %swap3A_494], %gather3A_411 {strides = array<i32>} : memref<320x128xf32, #tpu.memory_space<vmem>>, vector<16xf32>,
        %add3A_496 = arith.constant 64 : i32
        %add3A_497 = arith.addi %add3A_496, %add3A_384 : i32
        %add3A_498 = arith.constant 7 : i32
        %add3A_499 = arith.addi %add3A_497, %add3A_498 : i32
        %swap3A_500 = arith.index_cast %add3A_499 : i32 to index
        %swap3A_501 = arith.constant 32 : index
        %swap3A_502 = tpu.vector_load %arg11[%swap3A_500, %swap3A_501] {strides = array<i32>} : memref<320x128xf32, #tpu.memory_space<vmem>>, vector<16xf32>,
        tpu.vector_store %arg11[%swap3A_500, %swap3A_501], %gather3A_415 {strides = array<i32>} : memref<320x128xf32, #tpu.memory_space<vmem>>, vector<16xf32>,
        %add3A_503 = arith.constant 192 : i32
        %add3A_504 = arith.addi %add3A_503, %add3A_384 : i32
        %add3A_505 = arith.constant 0 : i32
        %add3A_506 = arith.addi %add3A_504, %add3A_505 : i32
        %swap3A_507 = arith.index_cast %add3A_506 : i32 to index
        %swap3A_508 = arith.constant 32 : index
        %swap3A_509 = tpu.vector_load %arg11[%swap3A_507, %swap3A_508] {strides = array<i32>} : memref<320x128xf32, #tpu.memory_space<vmem>>, vector<16xf32>,
        tpu.vector_store %arg11[%swap3A_507, %swap3A_508], %gather3A_419 {strides = array<i32>} : memref<320x128xf32, #tpu.memory_space<vmem>>, vector<16xf32>,
        %add3A_510 = arith.constant 192 : i32
        %add3A_511 = arith.addi %add3A_510, %add3A_384 : i32
        %add3A_512 = arith.constant 1 : i32
        %add3A_513 = arith.addi %add3A_511, %add3A_512 : i32
        %swap3A_514 = arith.index_cast %add3A_513 : i32 to index
        %swap3A_515 = arith.constant 32 : index
        %swap3A_516 = tpu.vector_load %arg11[%swap3A_514, %swap3A_515] {strides = array<i32>} : memref<320x128xf32, #tpu.memory_space<vmem>>, vector<16xf32>,
        tpu.vector_store %arg11[%swap3A_514, %swap3A_515], %gather3A_423 {strides = array<i32>} : memref<320x128xf32, #tpu.memory_space<vmem>>, vector<16xf32>,
        %add3A_517 = arith.constant 192 : i32
        %add3A_518 = arith.addi %add3A_517, %add3A_384 : i32
        %add3A_519 = arith.constant 2 : i32
        %add3A_520 = arith.addi %add3A_518, %add3A_519 : i32
        %swap3A_521 = arith.index_cast %add3A_520 : i32 to index
        %swap3A_522 = arith.constant 32 : index
        %swap3A_523 = tpu.vector_load %arg11[%swap3A_521, %swap3A_522] {strides = array<i32>} : memref<320x128xf32, #tpu.memory_space<vmem>>, vector<16xf32>,
        tpu.vector_store %arg11[%swap3A_521, %swap3A_522], %gather3A_427 {strides = array<i32>} : memref<320x128xf32, #tpu.memory_space<vmem>>, vector<16xf32>,
        %add3A_524 = arith.constant 192 : i32
        %add3A_525 = arith.addi %add3A_524, %add3A_384 : i32
        %add3A_526 = arith.constant 3 : i32
        %add3A_527 = arith.addi %add3A_525, %add3A_526 : i32
        %swap3A_528 = arith.index_cast %add3A_527 : i32 to index
        %swap3A_529 = arith.constant 32 : index
        %swap3A_530 = tpu.vector_load %arg11[%swap3A_528, %swap3A_529] {strides = array<i32>} : memref<320x128xf32, #tpu.memory_space<vmem>>, vector<16xf32>,
        tpu.vector_store %arg11[%swap3A_528, %swap3A_529], %gather3A_431 {strides = array<i32>} : memref<320x128xf32, #tpu.memory_space<vmem>>, vector<16xf32>,
        %add3A_531 = arith.constant 192 : i32
        %add3A_532 = arith.addi %add3A_531, %add3A_384 : i32
        %add3A_533 = arith.constant 4 : i32
        %add3A_534 = arith.addi %add3A_532, %add3A_533 : i32
        %swap3A_535 = arith.index_cast %add3A_534 : i32 to index
        %swap3A_536 = arith.constant 32 : index
        %swap3A_537 = tpu.vector_load %arg11[%swap3A_535, %swap3A_536] {strides = array<i32>} : memref<320x128xf32, #tpu.memory_space<vmem>>, vector<16xf32>,
        tpu.vector_store %arg11[%swap3A_535, %swap3A_536], %gather3A_435 {strides = array<i32>} : memref<320x128xf32, #tpu.memory_space<vmem>>, vector<16xf32>,
        %add3A_538 = arith.constant 192 : i32
        %add3A_539 = arith.addi %add3A_538, %add3A_384 : i32
        %add3A_540 = arith.constant 5 : i32
        %add3A_541 = arith.addi %add3A_539, %add3A_540 : i32
        %swap3A_542 = arith.index_cast %add3A_541 : i32 to index
        %swap3A_543 = arith.constant 32 : index
        %swap3A_544 = tpu.vector_load %arg11[%swap3A_542, %swap3A_543] {strides = array<i32>} : memref<320x128xf32, #tpu.memory_space<vmem>>, vector<16xf32>,
        tpu.vector_store %arg11[%swap3A_542, %swap3A_543], %gather3A_439 {strides = array<i32>} : memref<320x128xf32, #tpu.memory_space<vmem>>, vector<16xf32>,
        %add3A_545 = arith.constant 192 : i32
        %add3A_546 = arith.addi %add3A_545, %add3A_384 : i32
        %add3A_547 = arith.constant 6 : i32
        %add3A_548 = arith.addi %add3A_546, %add3A_547 : i32
        %swap3A_549 = arith.index_cast %add3A_548 : i32 to index
        %swap3A_550 = arith.constant 32 : index
        %swap3A_551 = tpu.vector_load %arg11[%swap3A_549, %swap3A_550] {strides = array<i32>} : memref<320x128xf32, #tpu.memory_space<vmem>>, vector<16xf32>,
        tpu.vector_store %arg11[%swap3A_549, %swap3A_550], %gather3A_443 {strides = array<i32>} : memref<320x128xf32, #tpu.memory_space<vmem>>, vector<16xf32>,
        %add3A_552 = arith.constant 192 : i32
        %add3A_553 = arith.addi %add3A_552, %add3A_384 : i32
        %add3A_554 = arith.constant 7 : i32
        %add3A_555 = arith.addi %add3A_553, %add3A_554 : i32
        %swap3A_556 = arith.index_cast %add3A_555 : i32 to index
        %swap3A_557 = arith.constant 32 : index
        %swap3A_558 = tpu.vector_load %arg11[%swap3A_556, %swap3A_557] {strides = array<i32>} : memref<320x128xf32, #tpu.memory_space<vmem>>, vector<16xf32>,
        tpu.vector_store %arg11[%swap3A_556, %swap3A_557], %gather3A_447 {strides = array<i32>} : memref<320x128xf32, #tpu.memory_space<vmem>>, vector<16xf32>,
        %add3A_559 = arith.constant 120 : i32
        %add3A_560 = vector.broadcast %add3A_559 : i32 to vector<16xi32>
        %add3A_561 = arith.addi %scan3A_379, %add3A_560 : vector<16xi32>
        %add3A_562 = arith.constant 1072 : i32
        %add3A_563 = vector.broadcast %add3A_562 : i32 to vector<16xi32>
        %add3A_564 = arith.addi %scan3A_380, %add3A_563 : vector<16xi32>
        scf.yield %add3A_561, %add3A_564 : vector<16xi32>, vector<16xi32>
      }
      %scan3A_103 = arith.constant 16 : i32
      %get3A_104 = arith.constant 0 : i32
      %get3A_105 = arith.index_cast %get3A_104 : i32 to index
      %get3A_106 = arith.constant 48 : index
      %get3A_107 = tpu.vector_load %arg9[%get3A_105, %get3A_106] {strides = array<i32>} : memref<2x128xf32, #tpu.memory_space<vmem>>, vector<16xf32>,
      %convert_element_type3A_108 = arith.fptosi %get3A_107 : vector<16xf32> to vector<16xi32>
      %get3A_109 = arith.constant 1 : i32
      %get3A_110 = arith.index_cast %get3A_109 : i32 to index
      %get3A_111 = arith.constant 48 : index
      %get3A_112 = tpu.vector_load %arg9[%get3A_110, %get3A_111] {strides = array<i32>} : memref<2x128xf32, #tpu.memory_space<vmem>>, vector<16xf32>,
      %convert_element_type3A_113 = arith.fptosi %get3A_112 : vector<16xf32> to vector<16xi32>
      %scan3A_114 = arith.constant 0 : i32
      %scan3A_115 = arith.constant 16 : i32
      %scan3A_116 = arith.addi %scan3A_114, %scan3A_115 : i32
      %scan3A_117 = arith.constant 1 : i32
      %scan3A_118:2 = scf.for %scan3A_378 = %scan3A_114 to %scan3A_116 step %scan3A_117 iter_args(%scan3A_379 = %convert_element_type3A_108, %scan3A_380 = %convert_element_type3A_113) -> (vector<16xi32>, vector<16xi32>)  : i32 {
        %mul3A_381 = arith.constant 8 : i32
        %mul3A_382 = arith.muli %scan3A_378, %mul3A_381 : i32
        %add3A_383 = arith.constant 0 : i32
        %add3A_384 = arith.addi %add3A_383, %mul3A_382 : i32
        %add3A_385 = arith.constant 0 : i32
        %add3A_386 = vector.broadcast %add3A_385 : i32 to vector<16xi32>
        %add3A_387 = arith.addi %scan3A_379, %add3A_386 : vector<16xi32>
        %gather3A = tpu.vector_load_idx %arg7[%add3A_387] : memref<1920xf32, #tpu.memory_space<vmem>>[vector<16xi32>], vector<16xf32>,
        %add3A_388 = arith.constant 15 : i32
        %add3A_389 = vector.broadcast %add3A_388 : i32 to vector<16xi32>
        %add3A_390 = arith.addi %scan3A_379, %add3A_389 : vector<16xi32>
        %gather3A_391 = tpu.vector_load_idx %arg7[%add3A_390] : memref<1920xf32, #tpu.memory_space<vmem>>[vector<16xi32>], vector<16xf32>,
        %add3A_392 = arith.constant 30 : i32
        %add3A_393 = vector.broadcast %add3A_392 : i32 to vector<16xi32>
        %add3A_394 = arith.addi %scan3A_379, %add3A_393 : vector<16xi32>
        %gather3A_395 = tpu.vector_load_idx %arg7[%add3A_394] : memref<1920xf32, #tpu.memory_space<vmem>>[vector<16xi32>], vector<16xf32>,
        %add3A_396 = arith.constant 45 : i32
        %add3A_397 = vector.broadcast %add3A_396 : i32 to vector<16xi32>
        %add3A_398 = arith.addi %scan3A_379, %add3A_397 : vector<16xi32>
        %gather3A_399 = tpu.vector_load_idx %arg7[%add3A_398] : memref<1920xf32, #tpu.memory_space<vmem>>[vector<16xi32>], vector<16xf32>,
        %add3A_400 = arith.constant 60 : i32
        %add3A_401 = vector.broadcast %add3A_400 : i32 to vector<16xi32>
        %add3A_402 = arith.addi %scan3A_379, %add3A_401 : vector<16xi32>
        %gather3A_403 = tpu.vector_load_idx %arg7[%add3A_402] : memref<1920xf32, #tpu.memory_space<vmem>>[vector<16xi32>], vector<16xf32>,
        %add3A_404 = arith.constant 75 : i32
        %add3A_405 = vector.broadcast %add3A_404 : i32 to vector<16xi32>
        %add3A_406 = arith.addi %scan3A_379, %add3A_405 : vector<16xi32>
        %gather3A_407 = tpu.vector_load_idx %arg7[%add3A_406] : memref<1920xf32, #tpu.memory_space<vmem>>[vector<16xi32>], vector<16xf32>,
        %add3A_408 = arith.constant 90 : i32
        %add3A_409 = vector.broadcast %add3A_408 : i32 to vector<16xi32>
        %add3A_410 = arith.addi %scan3A_379, %add3A_409 : vector<16xi32>
        %gather3A_411 = tpu.vector_load_idx %arg7[%add3A_410] : memref<1920xf32, #tpu.memory_space<vmem>>[vector<16xi32>], vector<16xf32>,
        %add3A_412 = arith.constant 105 : i32
        %add3A_413 = vector.broadcast %add3A_412 : i32 to vector<16xi32>
        %add3A_414 = arith.addi %scan3A_379, %add3A_413 : vector<16xi32>
        %gather3A_415 = tpu.vector_load_idx %arg7[%add3A_414] : memref<1920xf32, #tpu.memory_space<vmem>>[vector<16xi32>], vector<16xf32>,
        %add3A_416 = arith.constant 0 : i32
        %add3A_417 = vector.broadcast %add3A_416 : i32 to vector<16xi32>
        %add3A_418 = arith.addi %scan3A_380, %add3A_417 : vector<16xi32>
        %gather3A_419 = tpu.vector_load_idx %arg8[%add3A_418] : memref<17152xf32, #tpu.memory_space<vmem>>[vector<16xi32>], vector<16xf32>,
        %add3A_420 = arith.constant 134 : i32
        %add3A_421 = vector.broadcast %add3A_420 : i32 to vector<16xi32>
        %add3A_422 = arith.addi %scan3A_380, %add3A_421 : vector<16xi32>
        %gather3A_423 = tpu.vector_load_idx %arg8[%add3A_422] : memref<17152xf32, #tpu.memory_space<vmem>>[vector<16xi32>], vector<16xf32>,
        %add3A_424 = arith.constant 268 : i32
        %add3A_425 = vector.broadcast %add3A_424 : i32 to vector<16xi32>
        %add3A_426 = arith.addi %scan3A_380, %add3A_425 : vector<16xi32>
        %gather3A_427 = tpu.vector_load_idx %arg8[%add3A_426] : memref<17152xf32, #tpu.memory_space<vmem>>[vector<16xi32>], vector<16xf32>,
        %add3A_428 = arith.constant 402 : i32
        %add3A_429 = vector.broadcast %add3A_428 : i32 to vector<16xi32>
        %add3A_430 = arith.addi %scan3A_380, %add3A_429 : vector<16xi32>
        %gather3A_431 = tpu.vector_load_idx %arg8[%add3A_430] : memref<17152xf32, #tpu.memory_space<vmem>>[vector<16xi32>], vector<16xf32>,
        %add3A_432 = arith.constant 536 : i32
        %add3A_433 = vector.broadcast %add3A_432 : i32 to vector<16xi32>
        %add3A_434 = arith.addi %scan3A_380, %add3A_433 : vector<16xi32>
        %gather3A_435 = tpu.vector_load_idx %arg8[%add3A_434] : memref<17152xf32, #tpu.memory_space<vmem>>[vector<16xi32>], vector<16xf32>,
        %add3A_436 = arith.constant 670 : i32
        %add3A_437 = vector.broadcast %add3A_436 : i32 to vector<16xi32>
        %add3A_438 = arith.addi %scan3A_380, %add3A_437 : vector<16xi32>
        %gather3A_439 = tpu.vector_load_idx %arg8[%add3A_438] : memref<17152xf32, #tpu.memory_space<vmem>>[vector<16xi32>], vector<16xf32>,
        %add3A_440 = arith.constant 804 : i32
        %add3A_441 = vector.broadcast %add3A_440 : i32 to vector<16xi32>
        %add3A_442 = arith.addi %scan3A_380, %add3A_441 : vector<16xi32>
        %gather3A_443 = tpu.vector_load_idx %arg8[%add3A_442] : memref<17152xf32, #tpu.memory_space<vmem>>[vector<16xi32>], vector<16xf32>,
        %add3A_444 = arith.constant 938 : i32
        %add3A_445 = vector.broadcast %add3A_444 : i32 to vector<16xi32>
        %add3A_446 = arith.addi %scan3A_380, %add3A_445 : vector<16xi32>
        %gather3A_447 = tpu.vector_load_idx %arg8[%add3A_446] : memref<17152xf32, #tpu.memory_space<vmem>>[vector<16xi32>], vector<16xf32>,
        %add3A_448 = arith.constant 64 : i32
        %add3A_449 = arith.addi %add3A_448, %add3A_384 : i32
        %add3A_450 = arith.constant 0 : i32
        %add3A_451 = arith.addi %add3A_449, %add3A_450 : i32
        %swap3A = arith.index_cast %add3A_451 : i32 to index
        %swap3A_452 = arith.constant 48 : index
        %swap3A_453 = tpu.vector_load %arg11[%swap3A, %swap3A_452] {strides = array<i32>} : memref<320x128xf32, #tpu.memory_space<vmem>>, vector<16xf32>,
        tpu.vector_store %arg11[%swap3A, %swap3A_452], %gather3A {strides = array<i32>} : memref<320x128xf32, #tpu.memory_space<vmem>>, vector<16xf32>,
        %add3A_454 = arith.constant 64 : i32
        %add3A_455 = arith.addi %add3A_454, %add3A_384 : i32
        %add3A_456 = arith.constant 1 : i32
        %add3A_457 = arith.addi %add3A_455, %add3A_456 : i32
        %swap3A_458 = arith.index_cast %add3A_457 : i32 to index
        %swap3A_459 = arith.constant 48 : index
        %swap3A_460 = tpu.vector_load %arg11[%swap3A_458, %swap3A_459] {strides = array<i32>} : memref<320x128xf32, #tpu.memory_space<vmem>>, vector<16xf32>,
        tpu.vector_store %arg11[%swap3A_458, %swap3A_459], %gather3A_391 {strides = array<i32>} : memref<320x128xf32, #tpu.memory_space<vmem>>, vector<16xf32>,
        %add3A_461 = arith.constant 64 : i32
        %add3A_462 = arith.addi %add3A_461, %add3A_384 : i32
        %add3A_463 = arith.constant 2 : i32
        %add3A_464 = arith.addi %add3A_462, %add3A_463 : i32
        %swap3A_465 = arith.index_cast %add3A_464 : i32 to index
        %swap3A_466 = arith.constant 48 : index
        %swap3A_467 = tpu.vector_load %arg11[%swap3A_465, %swap3A_466] {strides = array<i32>} : memref<320x128xf32, #tpu.memory_space<vmem>>, vector<16xf32>,
        tpu.vector_store %arg11[%swap3A_465, %swap3A_466], %gather3A_395 {strides = array<i32>} : memref<320x128xf32, #tpu.memory_space<vmem>>, vector<16xf32>,
        %add3A_468 = arith.constant 64 : i32
        %add3A_469 = arith.addi %add3A_468, %add3A_384 : i32
        %add3A_470 = arith.constant 3 : i32
        %add3A_471 = arith.addi %add3A_469, %add3A_470 : i32
        %swap3A_472 = arith.index_cast %add3A_471 : i32 to index
        %swap3A_473 = arith.constant 48 : index
        %swap3A_474 = tpu.vector_load %arg11[%swap3A_472, %swap3A_473] {strides = array<i32>} : memref<320x128xf32, #tpu.memory_space<vmem>>, vector<16xf32>,
        tpu.vector_store %arg11[%swap3A_472, %swap3A_473], %gather3A_399 {strides = array<i32>} : memref<320x128xf32, #tpu.memory_space<vmem>>, vector<16xf32>,
        %add3A_475 = arith.constant 64 : i32
        %add3A_476 = arith.addi %add3A_475, %add3A_384 : i32
        %add3A_477 = arith.constant 4 : i32
        %add3A_478 = arith.addi %add3A_476, %add3A_477 : i32
        %swap3A_479 = arith.index_cast %add3A_478 : i32 to index
        %swap3A_480 = arith.constant 48 : index
        %swap3A_481 = tpu.vector_load %arg11[%swap3A_479, %swap3A_480] {strides = array<i32>} : memref<320x128xf32, #tpu.memory_space<vmem>>, vector<16xf32>,
        tpu.vector_store %arg11[%swap3A_479, %swap3A_480], %gather3A_403 {strides = array<i32>} : memref<320x128xf32, #tpu.memory_space<vmem>>, vector<16xf32>,
        %add3A_482 = arith.constant 64 : i32
        %add3A_483 = arith.addi %add3A_482, %add3A_384 : i32
        %add3A_484 = arith.constant 5 : i32
        %add3A_485 = arith.addi %add3A_483, %add3A_484 : i32
        %swap3A_486 = arith.index_cast %add3A_485 : i32 to index
        %swap3A_487 = arith.constant 48 : index
        %swap3A_488 = tpu.vector_load %arg11[%swap3A_486, %swap3A_487] {strides = array<i32>} : memref<320x128xf32, #tpu.memory_space<vmem>>, vector<16xf32>,
        tpu.vector_store %arg11[%swap3A_486, %swap3A_487], %gather3A_407 {strides = array<i32>} : memref<320x128xf32, #tpu.memory_space<vmem>>, vector<16xf32>,
        %add3A_489 = arith.constant 64 : i32
        %add3A_490 = arith.addi %add3A_489, %add3A_384 : i32
        %add3A_491 = arith.constant 6 : i32
        %add3A_492 = arith.addi %add3A_490, %add3A_491 : i32
        %swap3A_493 = arith.index_cast %add3A_492 : i32 to index
        %swap3A_494 = arith.constant 48 : index
        %swap3A_495 = tpu.vector_load %arg11[%swap3A_493, %swap3A_494] {strides = array<i32>} : memref<320x128xf32, #tpu.memory_space<vmem>>, vector<16xf32>,
        tpu.vector_store %arg11[%swap3A_493, %swap3A_494], %gather3A_411 {strides = array<i32>} : memref<320x128xf32, #tpu.memory_space<vmem>>, vector<16xf32>,
        %add3A_496 = arith.constant 64 : i32
        %add3A_497 = arith.addi %add3A_496, %add3A_384 : i32
        %add3A_498 = arith.constant 7 : i32
        %add3A_499 = arith.addi %add3A_497, %add3A_498 : i32
        %swap3A_500 = arith.index_cast %add3A_499 : i32 to index
        %swap3A_501 = arith.constant 48 : index
        %swap3A_502 = tpu.vector_load %arg11[%swap3A_500, %swap3A_501] {strides = array<i32>} : memref<320x128xf32, #tpu.memory_space<vmem>>, vector<16xf32>,
        tpu.vector_store %arg11[%swap3A_500, %swap3A_501], %gather3A_415 {strides = array<i32>} : memref<320x128xf32, #tpu.memory_space<vmem>>, vector<16xf32>,
        %add3A_503 = arith.constant 192 : i32
        %add3A_504 = arith.addi %add3A_503, %add3A_384 : i32
        %add3A_505 = arith.constant 0 : i32
        %add3A_506 = arith.addi %add3A_504, %add3A_505 : i32
        %swap3A_507 = arith.index_cast %add3A_506 : i32 to index
        %swap3A_508 = arith.constant 48 : index
        %swap3A_509 = tpu.vector_load %arg11[%swap3A_507, %swap3A_508] {strides = array<i32>} : memref<320x128xf32, #tpu.memory_space<vmem>>, vector<16xf32>,
        tpu.vector_store %arg11[%swap3A_507, %swap3A_508], %gather3A_419 {strides = array<i32>} : memref<320x128xf32, #tpu.memory_space<vmem>>, vector<16xf32>,
        %add3A_510 = arith.constant 192 : i32
        %add3A_511 = arith.addi %add3A_510, %add3A_384 : i32
        %add3A_512 = arith.constant 1 : i32
        %add3A_513 = arith.addi %add3A_511, %add3A_512 : i32
        %swap3A_514 = arith.index_cast %add3A_513 : i32 to index
        %swap3A_515 = arith.constant 48 : index
        %swap3A_516 = tpu.vector_load %arg11[%swap3A_514, %swap3A_515] {strides = array<i32>} : memref<320x128xf32, #tpu.memory_space<vmem>>, vector<16xf32>,
        tpu.vector_store %arg11[%swap3A_514, %swap3A_515], %gather3A_423 {strides = array<i32>} : memref<320x128xf32, #tpu.memory_space<vmem>>, vector<16xf32>,
        %add3A_517 = arith.constant 192 : i32
        %add3A_518 = arith.addi %add3A_517, %add3A_384 : i32
        %add3A_519 = arith.constant 2 : i32
        %add3A_520 = arith.addi %add3A_518, %add3A_519 : i32
        %swap3A_521 = arith.index_cast %add3A_520 : i32 to index
        %swap3A_522 = arith.constant 48 : index
        %swap3A_523 = tpu.vector_load %arg11[%swap3A_521, %swap3A_522] {strides = array<i32>} : memref<320x128xf32, #tpu.memory_space<vmem>>, vector<16xf32>,
        tpu.vector_store %arg11[%swap3A_521, %swap3A_522], %gather3A_427 {strides = array<i32>} : memref<320x128xf32, #tpu.memory_space<vmem>>, vector<16xf32>,
        %add3A_524 = arith.constant 192 : i32
        %add3A_525 = arith.addi %add3A_524, %add3A_384 : i32
        %add3A_526 = arith.constant 3 : i32
        %add3A_527 = arith.addi %add3A_525, %add3A_526 : i32
        %swap3A_528 = arith.index_cast %add3A_527 : i32 to index
        %swap3A_529 = arith.constant 48 : index
        %swap3A_530 = tpu.vector_load %arg11[%swap3A_528, %swap3A_529] {strides = array<i32>} : memref<320x128xf32, #tpu.memory_space<vmem>>, vector<16xf32>,
        tpu.vector_store %arg11[%swap3A_528, %swap3A_529], %gather3A_431 {strides = array<i32>} : memref<320x128xf32, #tpu.memory_space<vmem>>, vector<16xf32>,
        %add3A_531 = arith.constant 192 : i32
        %add3A_532 = arith.addi %add3A_531, %add3A_384 : i32
        %add3A_533 = arith.constant 4 : i32
        %add3A_534 = arith.addi %add3A_532, %add3A_533 : i32
        %swap3A_535 = arith.index_cast %add3A_534 : i32 to index
        %swap3A_536 = arith.constant 48 : index
        %swap3A_537 = tpu.vector_load %arg11[%swap3A_535, %swap3A_536] {strides = array<i32>} : memref<320x128xf32, #tpu.memory_space<vmem>>, vector<16xf32>,
        tpu.vector_store %arg11[%swap3A_535, %swap3A_536], %gather3A_435 {strides = array<i32>} : memref<320x128xf32, #tpu.memory_space<vmem>>, vector<16xf32>,
        %add3A_538 = arith.constant 192 : i32
        %add3A_539 = arith.addi %add3A_538, %add3A_384 : i32
        %add3A_540 = arith.constant 5 : i32
        %add3A_541 = arith.addi %add3A_539, %add3A_540 : i32
        %swap3A_542 = arith.index_cast %add3A_541 : i32 to index
        %swap3A_543 = arith.constant 48 : index
        %swap3A_544 = tpu.vector_load %arg11[%swap3A_542, %swap3A_543] {strides = array<i32>} : memref<320x128xf32, #tpu.memory_space<vmem>>, vector<16xf32>,
        tpu.vector_store %arg11[%swap3A_542, %swap3A_543], %gather3A_439 {strides = array<i32>} : memref<320x128xf32, #tpu.memory_space<vmem>>, vector<16xf32>,
        %add3A_545 = arith.constant 192 : i32
        %add3A_546 = arith.addi %add3A_545, %add3A_384 : i32
        %add3A_547 = arith.constant 6 : i32
        %add3A_548 = arith.addi %add3A_546, %add3A_547 : i32
        %swap3A_549 = arith.index_cast %add3A_548 : i32 to index
        %swap3A_550 = arith.constant 48 : index
        %swap3A_551 = tpu.vector_load %arg11[%swap3A_549, %swap3A_550] {strides = array<i32>} : memref<320x128xf32, #tpu.memory_space<vmem>>, vector<16xf32>,
        tpu.vector_store %arg11[%swap3A_549, %swap3A_550], %gather3A_443 {strides = array<i32>} : memref<320x128xf32, #tpu.memory_space<vmem>>, vector<16xf32>,
        %add3A_552 = arith.constant 192 : i32
        %add3A_553 = arith.addi %add3A_552, %add3A_384 : i32
        %add3A_554 = arith.constant 7 : i32
        %add3A_555 = arith.addi %add3A_553, %add3A_554 : i32
        %swap3A_556 = arith.index_cast %add3A_555 : i32 to index
        %swap3A_557 = arith.constant 48 : index
        %swap3A_558 = tpu.vector_load %arg11[%swap3A_556, %swap3A_557] {strides = array<i32>} : memref<320x128xf32, #tpu.memory_space<vmem>>, vector<16xf32>,
        tpu.vector_store %arg11[%swap3A_556, %swap3A_557], %gather3A_447 {strides = array<i32>} : memref<320x128xf32, #tpu.memory_space<vmem>>, vector<16xf32>,
        %add3A_559 = arith.constant 120 : i32
        %add3A_560 = vector.broadcast %add3A_559 : i32 to vector<16xi32>
        %add3A_561 = arith.addi %scan3A_379, %add3A_560 : vector<16xi32>
        %add3A_562 = arith.constant 1072 : i32
        %add3A_563 = vector.broadcast %add3A_562 : i32 to vector<16xi32>
        %add3A_564 = arith.addi %scan3A_380, %add3A_563 : vector<16xi32>
        scf.yield %add3A_561, %add3A_564 : vector<16xi32>, vector<16xi32>
      }
      %scan3A_119 = arith.constant 16 : i32
      %get3A_120 = arith.constant 0 : i32
      %get3A_121 = arith.index_cast %get3A_120 : i32 to index
      %get3A_122 = arith.constant 64 : index
      %get3A_123 = tpu.vector_load %arg9[%get3A_121, %get3A_122] {strides = array<i32>} : memref<2x128xf32, #tpu.memory_space<vmem>>, vector<16xf32>,
      %convert_element_type3A_124 = arith.fptosi %get3A_123 : vector<16xf32> to vector<16xi32>
      %get3A_125 = arith.constant 1 : i32
      %get3A_126 = arith.index_cast %get3A_125 : i32 to index
      %get3A_127 = arith.constant 64 : index
      %get3A_128 = tpu.vector_load %arg9[%get3A_126, %get3A_127] {strides = array<i32>} : memref<2x128xf32, #tpu.memory_space<vmem>>, vector<16xf32>,
      %convert_element_type3A_129 = arith.fptosi %get3A_128 : vector<16xf32> to vector<16xi32>
      %scan3A_130 = arith.constant 0 : i32
      %scan3A_131 = arith.constant 16 : i32
      %scan3A_132 = arith.addi %scan3A_130, %scan3A_131 : i32
      %scan3A_133 = arith.constant 1 : i32
      %scan3A_134:2 = scf.for %scan3A_378 = %scan3A_130 to %scan3A_132 step %scan3A_133 iter_args(%scan3A_379 = %convert_element_type3A_124, %scan3A_380 = %convert_element_type3A_129) -> (vector<16xi32>, vector<16xi32>)  : i32 {
        %mul3A_381 = arith.constant 8 : i32
        %mul3A_382 = arith.muli %scan3A_378, %mul3A_381 : i32
        %add3A_383 = arith.constant 0 : i32
        %add3A_384 = arith.addi %add3A_383, %mul3A_382 : i32
        %add3A_385 = arith.constant 0 : i32
        %add3A_386 = vector.broadcast %add3A_385 : i32 to vector<16xi32>
        %add3A_387 = arith.addi %scan3A_379, %add3A_386 : vector<16xi32>
        %gather3A = tpu.vector_load_idx %arg7[%add3A_387] : memref<1920xf32, #tpu.memory_space<vmem>>[vector<16xi32>], vector<16xf32>,
        %add3A_388 = arith.constant 15 : i32
        %add3A_389 = vector.broadcast %add3A_388 : i32 to vector<16xi32>
        %add3A_390 = arith.addi %scan3A_379, %add3A_389 : vector<16xi32>
        %gather3A_391 = tpu.vector_load_idx %arg7[%add3A_390] : memref<1920xf32, #tpu.memory_space<vmem>>[vector<16xi32>], vector<16xf32>,
        %add3A_392 = arith.constant 30 : i32
        %add3A_393 = vector.broadcast %add3A_392 : i32 to vector<16xi32>
        %add3A_394 = arith.addi %scan3A_379, %add3A_393 : vector<16xi32>
        %gather3A_395 = tpu.vector_load_idx %arg7[%add3A_394] : memref<1920xf32, #tpu.memory_space<vmem>>[vector<16xi32>], vector<16xf32>,
        %add3A_396 = arith.constant 45 : i32
        %add3A_397 = vector.broadcast %add3A_396 : i32 to vector<16xi32>
        %add3A_398 = arith.addi %scan3A_379, %add3A_397 : vector<16xi32>
        %gather3A_399 = tpu.vector_load_idx %arg7[%add3A_398] : memref<1920xf32, #tpu.memory_space<vmem>>[vector<16xi32>], vector<16xf32>,
        %add3A_400 = arith.constant 60 : i32
        %add3A_401 = vector.broadcast %add3A_400 : i32 to vector<16xi32>
        %add3A_402 = arith.addi %scan3A_379, %add3A_401 : vector<16xi32>
        %gather3A_403 = tpu.vector_load_idx %arg7[%add3A_402] : memref<1920xf32, #tpu.memory_space<vmem>>[vector<16xi32>], vector<16xf32>,
        %add3A_404 = arith.constant 75 : i32
        %add3A_405 = vector.broadcast %add3A_404 : i32 to vector<16xi32>
        %add3A_406 = arith.addi %scan3A_379, %add3A_405 : vector<16xi32>
        %gather3A_407 = tpu.vector_load_idx %arg7[%add3A_406] : memref<1920xf32, #tpu.memory_space<vmem>>[vector<16xi32>], vector<16xf32>,
        %add3A_408 = arith.constant 90 : i32
        %add3A_409 = vector.broadcast %add3A_408 : i32 to vector<16xi32>
        %add3A_410 = arith.addi %scan3A_379, %add3A_409 : vector<16xi32>
        %gather3A_411 = tpu.vector_load_idx %arg7[%add3A_410] : memref<1920xf32, #tpu.memory_space<vmem>>[vector<16xi32>], vector<16xf32>,
        %add3A_412 = arith.constant 105 : i32
        %add3A_413 = vector.broadcast %add3A_412 : i32 to vector<16xi32>
        %add3A_414 = arith.addi %scan3A_379, %add3A_413 : vector<16xi32>
        %gather3A_415 = tpu.vector_load_idx %arg7[%add3A_414] : memref<1920xf32, #tpu.memory_space<vmem>>[vector<16xi32>], vector<16xf32>,
        %add3A_416 = arith.constant 0 : i32
        %add3A_417 = vector.broadcast %add3A_416 : i32 to vector<16xi32>
        %add3A_418 = arith.addi %scan3A_380, %add3A_417 : vector<16xi32>
        %gather3A_419 = tpu.vector_load_idx %arg8[%add3A_418] : memref<17152xf32, #tpu.memory_space<vmem>>[vector<16xi32>], vector<16xf32>,
        %add3A_420 = arith.constant 134 : i32
        %add3A_421 = vector.broadcast %add3A_420 : i32 to vector<16xi32>
        %add3A_422 = arith.addi %scan3A_380, %add3A_421 : vector<16xi32>
        %gather3A_423 = tpu.vector_load_idx %arg8[%add3A_422] : memref<17152xf32, #tpu.memory_space<vmem>>[vector<16xi32>], vector<16xf32>,
        %add3A_424 = arith.constant 268 : i32
        %add3A_425 = vector.broadcast %add3A_424 : i32 to vector<16xi32>
        %add3A_426 = arith.addi %scan3A_380, %add3A_425 : vector<16xi32>
        %gather3A_427 = tpu.vector_load_idx %arg8[%add3A_426] : memref<17152xf32, #tpu.memory_space<vmem>>[vector<16xi32>], vector<16xf32>,
        %add3A_428 = arith.constant 402 : i32
        %add3A_429 = vector.broadcast %add3A_428 : i32 to vector<16xi32>
        %add3A_430 = arith.addi %scan3A_380, %add3A_429 : vector<16xi32>
        %gather3A_431 = tpu.vector_load_idx %arg8[%add3A_430] : memref<17152xf32, #tpu.memory_space<vmem>>[vector<16xi32>], vector<16xf32>,
        %add3A_432 = arith.constant 536 : i32
        %add3A_433 = vector.broadcast %add3A_432 : i32 to vector<16xi32>
        %add3A_434 = arith.addi %scan3A_380, %add3A_433 : vector<16xi32>
        %gather3A_435 = tpu.vector_load_idx %arg8[%add3A_434] : memref<17152xf32, #tpu.memory_space<vmem>>[vector<16xi32>], vector<16xf32>,
        %add3A_436 = arith.constant 670 : i32
        %add3A_437 = vector.broadcast %add3A_436 : i32 to vector<16xi32>
        %add3A_438 = arith.addi %scan3A_380, %add3A_437 : vector<16xi32>
        %gather3A_439 = tpu.vector_load_idx %arg8[%add3A_438] : memref<17152xf32, #tpu.memory_space<vmem>>[vector<16xi32>], vector<16xf32>,
        %add3A_440 = arith.constant 804 : i32
        %add3A_441 = vector.broadcast %add3A_440 : i32 to vector<16xi32>
        %add3A_442 = arith.addi %scan3A_380, %add3A_441 : vector<16xi32>
        %gather3A_443 = tpu.vector_load_idx %arg8[%add3A_442] : memref<17152xf32, #tpu.memory_space<vmem>>[vector<16xi32>], vector<16xf32>,
        %add3A_444 = arith.constant 938 : i32
        %add3A_445 = vector.broadcast %add3A_444 : i32 to vector<16xi32>
        %add3A_446 = arith.addi %scan3A_380, %add3A_445 : vector<16xi32>
        %gather3A_447 = tpu.vector_load_idx %arg8[%add3A_446] : memref<17152xf32, #tpu.memory_space<vmem>>[vector<16xi32>], vector<16xf32>,
        %add3A_448 = arith.constant 64 : i32
        %add3A_449 = arith.addi %add3A_448, %add3A_384 : i32
        %add3A_450 = arith.constant 0 : i32
        %add3A_451 = arith.addi %add3A_449, %add3A_450 : i32
        %swap3A = arith.index_cast %add3A_451 : i32 to index
        %swap3A_452 = arith.constant 64 : index
        %swap3A_453 = tpu.vector_load %arg11[%swap3A, %swap3A_452] {strides = array<i32>} : memref<320x128xf32, #tpu.memory_space<vmem>>, vector<16xf32>,
        tpu.vector_store %arg11[%swap3A, %swap3A_452], %gather3A {strides = array<i32>} : memref<320x128xf32, #tpu.memory_space<vmem>>, vector<16xf32>,
        %add3A_454 = arith.constant 64 : i32
        %add3A_455 = arith.addi %add3A_454, %add3A_384 : i32
        %add3A_456 = arith.constant 1 : i32
        %add3A_457 = arith.addi %add3A_455, %add3A_456 : i32
        %swap3A_458 = arith.index_cast %add3A_457 : i32 to index
        %swap3A_459 = arith.constant 64 : index
        %swap3A_460 = tpu.vector_load %arg11[%swap3A_458, %swap3A_459] {strides = array<i32>} : memref<320x128xf32, #tpu.memory_space<vmem>>, vector<16xf32>,
        tpu.vector_store %arg11[%swap3A_458, %swap3A_459], %gather3A_391 {strides = array<i32>} : memref<320x128xf32, #tpu.memory_space<vmem>>, vector<16xf32>,
        %add3A_461 = arith.constant 64 : i32
        %add3A_462 = arith.addi %add3A_461, %add3A_384 : i32
        %add3A_463 = arith.constant 2 : i32
        %add3A_464 = arith.addi %add3A_462, %add3A_463 : i32
        %swap3A_465 = arith.index_cast %add3A_464 : i32 to index
        %swap3A_466 = arith.constant 64 : index
        %swap3A_467 = tpu.vector_load %arg11[%swap3A_465, %swap3A_466] {strides = array<i32>} : memref<320x128xf32, #tpu.memory_space<vmem>>, vector<16xf32>,
        tpu.vector_store %arg11[%swap3A_465, %swap3A_466], %gather3A_395 {strides = array<i32>} : memref<320x128xf32, #tpu.memory_space<vmem>>, vector<16xf32>,
        %add3A_468 = arith.constant 64 : i32
        %add3A_469 = arith.addi %add3A_468, %add3A_384 : i32
        %add3A_470 = arith.constant 3 : i32
        %add3A_471 = arith.addi %add3A_469, %add3A_470 : i32
        %swap3A_472 = arith.index_cast %add3A_471 : i32 to index
        %swap3A_473 = arith.constant 64 : index
        %swap3A_474 = tpu.vector_load %arg11[%swap3A_472, %swap3A_473] {strides = array<i32>} : memref<320x128xf32, #tpu.memory_space<vmem>>, vector<16xf32>,
        tpu.vector_store %arg11[%swap3A_472, %swap3A_473], %gather3A_399 {strides = array<i32>} : memref<320x128xf32, #tpu.memory_space<vmem>>, vector<16xf32>,
        %add3A_475 = arith.constant 64 : i32
        %add3A_476 = arith.addi %add3A_475, %add3A_384 : i32
        %add3A_477 = arith.constant 4 : i32
        %add3A_478 = arith.addi %add3A_476, %add3A_477 : i32
        %swap3A_479 = arith.index_cast %add3A_478 : i32 to index
        %swap3A_480 = arith.constant 64 : index
        %swap3A_481 = tpu.vector_load %arg11[%swap3A_479, %swap3A_480] {strides = array<i32>} : memref<320x128xf32, #tpu.memory_space<vmem>>, vector<16xf32>,
        tpu.vector_store %arg11[%swap3A_479, %swap3A_480], %gather3A_403 {strides = array<i32>} : memref<320x128xf32, #tpu.memory_space<vmem>>, vector<16xf32>,
        %add3A_482 = arith.constant 64 : i32
        %add3A_483 = arith.addi %add3A_482, %add3A_384 : i32
        %add3A_484 = arith.constant 5 : i32
        %add3A_485 = arith.addi %add3A_483, %add3A_484 : i32
        %swap3A_486 = arith.index_cast %add3A_485 : i32 to index
        %swap3A_487 = arith.constant 64 : index
        %swap3A_488 = tpu.vector_load %arg11[%swap3A_486, %swap3A_487] {strides = array<i32>} : memref<320x128xf32, #tpu.memory_space<vmem>>, vector<16xf32>,
        tpu.vector_store %arg11[%swap3A_486, %swap3A_487], %gather3A_407 {strides = array<i32>} : memref<320x128xf32, #tpu.memory_space<vmem>>, vector<16xf32>,
        %add3A_489 = arith.constant 64 : i32
        %add3A_490 = arith.addi %add3A_489, %add3A_384 : i32
        %add3A_491 = arith.constant 6 : i32
        %add3A_492 = arith.addi %add3A_490, %add3A_491 : i32
        %swap3A_493 = arith.index_cast %add3A_492 : i32 to index
        %swap3A_494 = arith.constant 64 : index
        %swap3A_495 = tpu.vector_load %arg11[%swap3A_493, %swap3A_494] {strides = array<i32>} : memref<320x128xf32, #tpu.memory_space<vmem>>, vector<16xf32>,
        tpu.vector_store %arg11[%swap3A_493, %swap3A_494], %gather3A_411 {strides = array<i32>} : memref<320x128xf32, #tpu.memory_space<vmem>>, vector<16xf32>,
        %add3A_496 = arith.constant 64 : i32
        %add3A_497 = arith.addi %add3A_496, %add3A_384 : i32
        %add3A_498 = arith.constant 7 : i32
        %add3A_499 = arith.addi %add3A_497, %add3A_498 : i32
        %swap3A_500 = arith.index_cast %add3A_499 : i32 to index
        %swap3A_501 = arith.constant 64 : index
        %swap3A_502 = tpu.vector_load %arg11[%swap3A_500, %swap3A_501] {strides = array<i32>} : memref<320x128xf32, #tpu.memory_space<vmem>>, vector<16xf32>,
        tpu.vector_store %arg11[%swap3A_500, %swap3A_501], %gather3A_415 {strides = array<i32>} : memref<320x128xf32, #tpu.memory_space<vmem>>, vector<16xf32>,
        %add3A_503 = arith.constant 192 : i32
        %add3A_504 = arith.addi %add3A_503, %add3A_384 : i32
        %add3A_505 = arith.constant 0 : i32
        %add3A_506 = arith.addi %add3A_504, %add3A_505 : i32
        %swap3A_507 = arith.index_cast %add3A_506 : i32 to index
        %swap3A_508 = arith.constant 64 : index
        %swap3A_509 = tpu.vector_load %arg11[%swap3A_507, %swap3A_508] {strides = array<i32>} : memref<320x128xf32, #tpu.memory_space<vmem>>, vector<16xf32>,
        tpu.vector_store %arg11[%swap3A_507, %swap3A_508], %gather3A_419 {strides = array<i32>} : memref<320x128xf32, #tpu.memory_space<vmem>>, vector<16xf32>,
        %add3A_510 = arith.constant 192 : i32
        %add3A_511 = arith.addi %add3A_510, %add3A_384 : i32
        %add3A_512 = arith.constant 1 : i32
        %add3A_513 = arith.addi %add3A_511, %add3A_512 : i32
        %swap3A_514 = arith.index_cast %add3A_513 : i32 to index
        %swap3A_515 = arith.constant 64 : index
        %swap3A_516 = tpu.vector_load %arg11[%swap3A_514, %swap3A_515] {strides = array<i32>} : memref<320x128xf32, #tpu.memory_space<vmem>>, vector<16xf32>,
        tpu.vector_store %arg11[%swap3A_514, %swap3A_515], %gather3A_423 {strides = array<i32>} : memref<320x128xf32, #tpu.memory_space<vmem>>, vector<16xf32>,
        %add3A_517 = arith.constant 192 : i32
        %add3A_518 = arith.addi %add3A_517, %add3A_384 : i32
        %add3A_519 = arith.constant 2 : i32
        %add3A_520 = arith.addi %add3A_518, %add3A_519 : i32
        %swap3A_521 = arith.index_cast %add3A_520 : i32 to index
        %swap3A_522 = arith.constant 64 : index
        %swap3A_523 = tpu.vector_load %arg11[%swap3A_521, %swap3A_522] {strides = array<i32>} : memref<320x128xf32, #tpu.memory_space<vmem>>, vector<16xf32>,
        tpu.vector_store %arg11[%swap3A_521, %swap3A_522], %gather3A_427 {strides = array<i32>} : memref<320x128xf32, #tpu.memory_space<vmem>>, vector<16xf32>,
        %add3A_524 = arith.constant 192 : i32
        %add3A_525 = arith.addi %add3A_524, %add3A_384 : i32
        %add3A_526 = arith.constant 3 : i32
        %add3A_527 = arith.addi %add3A_525, %add3A_526 : i32
        %swap3A_528 = arith.index_cast %add3A_527 : i32 to index
        %swap3A_529 = arith.constant 64 : index
        %swap3A_530 = tpu.vector_load %arg11[%swap3A_528, %swap3A_529] {strides = array<i32>} : memref<320x128xf32, #tpu.memory_space<vmem>>, vector<16xf32>,
        tpu.vector_store %arg11[%swap3A_528, %swap3A_529], %gather3A_431 {strides = array<i32>} : memref<320x128xf32, #tpu.memory_space<vmem>>, vector<16xf32>,
        %add3A_531 = arith.constant 192 : i32
        %add3A_532 = arith.addi %add3A_531, %add3A_384 : i32
        %add3A_533 = arith.constant 4 : i32
        %add3A_534 = arith.addi %add3A_532, %add3A_533 : i32
        %swap3A_535 = arith.index_cast %add3A_534 : i32 to index
        %swap3A_536 = arith.constant 64 : index
        %swap3A_537 = tpu.vector_load %arg11[%swap3A_535, %swap3A_536] {strides = array<i32>} : memref<320x128xf32, #tpu.memory_space<vmem>>, vector<16xf32>,
        tpu.vector_store %arg11[%swap3A_535, %swap3A_536], %gather3A_435 {strides = array<i32>} : memref<320x128xf32, #tpu.memory_space<vmem>>, vector<16xf32>,
        %add3A_538 = arith.constant 192 : i32
        %add3A_539 = arith.addi %add3A_538, %add3A_384 : i32
        %add3A_540 = arith.constant 5 : i32
        %add3A_541 = arith.addi %add3A_539, %add3A_540 : i32
        %swap3A_542 = arith.index_cast %add3A_541 : i32 to index
        %swap3A_543 = arith.constant 64 : index
        %swap3A_544 = tpu.vector_load %arg11[%swap3A_542, %swap3A_543] {strides = array<i32>} : memref<320x128xf32, #tpu.memory_space<vmem>>, vector<16xf32>,
        tpu.vector_store %arg11[%swap3A_542, %swap3A_543], %gather3A_439 {strides = array<i32>} : memref<320x128xf32, #tpu.memory_space<vmem>>, vector<16xf32>,
        %add3A_545 = arith.constant 192 : i32
        %add3A_546 = arith.addi %add3A_545, %add3A_384 : i32
        %add3A_547 = arith.constant 6 : i32
        %add3A_548 = arith.addi %add3A_546, %add3A_547 : i32
        %swap3A_549 = arith.index_cast %add3A_548 : i32 to index
        %swap3A_550 = arith.constant 64 : index
        %swap3A_551 = tpu.vector_load %arg11[%swap3A_549, %swap3A_550] {strides = array<i32>} : memref<320x128xf32, #tpu.memory_space<vmem>>, vector<16xf32>,
        tpu.vector_store %arg11[%swap3A_549, %swap3A_550], %gather3A_443 {strides = array<i32>} : memref<320x128xf32, #tpu.memory_space<vmem>>, vector<16xf32>,
        %add3A_552 = arith.constant 192 : i32
        %add3A_553 = arith.addi %add3A_552, %add3A_384 : i32
        %add3A_554 = arith.constant 7 : i32
        %add3A_555 = arith.addi %add3A_553, %add3A_554 : i32
        %swap3A_556 = arith.index_cast %add3A_555 : i32 to index
        %swap3A_557 = arith.constant 64 : index
        %swap3A_558 = tpu.vector_load %arg11[%swap3A_556, %swap3A_557] {strides = array<i32>} : memref<320x128xf32, #tpu.memory_space<vmem>>, vector<16xf32>,
        tpu.vector_store %arg11[%swap3A_556, %swap3A_557], %gather3A_447 {strides = array<i32>} : memref<320x128xf32, #tpu.memory_space<vmem>>, vector<16xf32>,
        %add3A_559 = arith.constant 120 : i32
        %add3A_560 = vector.broadcast %add3A_559 : i32 to vector<16xi32>
        %add3A_561 = arith.addi %scan3A_379, %add3A_560 : vector<16xi32>
        %add3A_562 = arith.constant 1072 : i32
        %add3A_563 = vector.broadcast %add3A_562 : i32 to vector<16xi32>
        %add3A_564 = arith.addi %scan3A_380, %add3A_563 : vector<16xi32>
        scf.yield %add3A_561, %add3A_564 : vector<16xi32>, vector<16xi32>
      }
      %scan3A_135 = arith.constant 16 : i32
      %get3A_136 = arith.constant 0 : i32
      %get3A_137 = arith.index_cast %get3A_136 : i32 to index
      %get3A_138 = arith.constant 80 : index
      %get3A_139 = tpu.vector_load %arg9[%get3A_137, %get3A_138] {strides = array<i32>} : memref<2x128xf32, #tpu.memory_space<vmem>>, vector<16xf32>,
      %convert_element_type3A_140 = arith.fptosi %get3A_139 : vector<16xf32> to vector<16xi32>
      %get3A_141 = arith.constant 1 : i32
      %get3A_142 = arith.index_cast %get3A_141 : i32 to index
      %get3A_143 = arith.constant 80 : index
      %get3A_144 = tpu.vector_load %arg9[%get3A_142, %get3A_143] {strides = array<i32>} : memref<2x128xf32, #tpu.memory_space<vmem>>, vector<16xf32>,
      %convert_element_type3A_145 = arith.fptosi %get3A_144 : vector<16xf32> to vector<16xi32>
      %scan3A_146 = arith.constant 0 : i32
      %scan3A_147 = arith.constant 16 : i32
      %scan3A_148 = arith.addi %scan3A_146, %scan3A_147 : i32
      %scan3A_149 = arith.constant 1 : i32
      %scan3A_150:2 = scf.for %scan3A_378 = %scan3A_146 to %scan3A_148 step %scan3A_149 iter_args(%scan3A_379 = %convert_element_type3A_140, %scan3A_380 = %convert_element_type3A_145) -> (vector<16xi32>, vector<16xi32>)  : i32 {
        %mul3A_381 = arith.constant 8 : i32
        %mul3A_382 = arith.muli %scan3A_378, %mul3A_381 : i32
        %add3A_383 = arith.constant 0 : i32
        %add3A_384 = arith.addi %add3A_383, %mul3A_382 : i32
        %add3A_385 = arith.constant 0 : i32
        %add3A_386 = vector.broadcast %add3A_385 : i32 to vector<16xi32>
        %add3A_387 = arith.addi %scan3A_379, %add3A_386 : vector<16xi32>
        %gather3A = tpu.vector_load_idx %arg7[%add3A_387] : memref<1920xf32, #tpu.memory_space<vmem>>[vector<16xi32>], vector<16xf32>,
        %add3A_388 = arith.constant 15 : i32
        %add3A_389 = vector.broadcast %add3A_388 : i32 to vector<16xi32>
        %add3A_390 = arith.addi %scan3A_379, %add3A_389 : vector<16xi32>
        %gather3A_391 = tpu.vector_load_idx %arg7[%add3A_390] : memref<1920xf32, #tpu.memory_space<vmem>>[vector<16xi32>], vector<16xf32>,
        %add3A_392 = arith.constant 30 : i32
        %add3A_393 = vector.broadcast %add3A_392 : i32 to vector<16xi32>
        %add3A_394 = arith.addi %scan3A_379, %add3A_393 : vector<16xi32>
        %gather3A_395 = tpu.vector_load_idx %arg7[%add3A_394] : memref<1920xf32, #tpu.memory_space<vmem>>[vector<16xi32>], vector<16xf32>,
        %add3A_396 = arith.constant 45 : i32
        %add3A_397 = vector.broadcast %add3A_396 : i32 to vector<16xi32>
        %add3A_398 = arith.addi %scan3A_379, %add3A_397 : vector<16xi32>
        %gather3A_399 = tpu.vector_load_idx %arg7[%add3A_398] : memref<1920xf32, #tpu.memory_space<vmem>>[vector<16xi32>], vector<16xf32>,
        %add3A_400 = arith.constant 60 : i32
        %add3A_401 = vector.broadcast %add3A_400 : i32 to vector<16xi32>
        %add3A_402 = arith.addi %scan3A_379, %add3A_401 : vector<16xi32>
        %gather3A_403 = tpu.vector_load_idx %arg7[%add3A_402] : memref<1920xf32, #tpu.memory_space<vmem>>[vector<16xi32>], vector<16xf32>,
        %add3A_404 = arith.constant 75 : i32
        %add3A_405 = vector.broadcast %add3A_404 : i32 to vector<16xi32>
        %add3A_406 = arith.addi %scan3A_379, %add3A_405 : vector<16xi32>
        %gather3A_407 = tpu.vector_load_idx %arg7[%add3A_406] : memref<1920xf32, #tpu.memory_space<vmem>>[vector<16xi32>], vector<16xf32>,
        %add3A_408 = arith.constant 90 : i32
        %add3A_409 = vector.broadcast %add3A_408 : i32 to vector<16xi32>
        %add3A_410 = arith.addi %scan3A_379, %add3A_409 : vector<16xi32>
        %gather3A_411 = tpu.vector_load_idx %arg7[%add3A_410] : memref<1920xf32, #tpu.memory_space<vmem>>[vector<16xi32>], vector<16xf32>,
        %add3A_412 = arith.constant 105 : i32
        %add3A_413 = vector.broadcast %add3A_412 : i32 to vector<16xi32>
        %add3A_414 = arith.addi %scan3A_379, %add3A_413 : vector<16xi32>
        %gather3A_415 = tpu.vector_load_idx %arg7[%add3A_414] : memref<1920xf32, #tpu.memory_space<vmem>>[vector<16xi32>], vector<16xf32>,
        %add3A_416 = arith.constant 0 : i32
        %add3A_417 = vector.broadcast %add3A_416 : i32 to vector<16xi32>
        %add3A_418 = arith.addi %scan3A_380, %add3A_417 : vector<16xi32>
        %gather3A_419 = tpu.vector_load_idx %arg8[%add3A_418] : memref<17152xf32, #tpu.memory_space<vmem>>[vector<16xi32>], vector<16xf32>,
        %add3A_420 = arith.constant 134 : i32
        %add3A_421 = vector.broadcast %add3A_420 : i32 to vector<16xi32>
        %add3A_422 = arith.addi %scan3A_380, %add3A_421 : vector<16xi32>
        %gather3A_423 = tpu.vector_load_idx %arg8[%add3A_422] : memref<17152xf32, #tpu.memory_space<vmem>>[vector<16xi32>], vector<16xf32>,
        %add3A_424 = arith.constant 268 : i32
        %add3A_425 = vector.broadcast %add3A_424 : i32 to vector<16xi32>
        %add3A_426 = arith.addi %scan3A_380, %add3A_425 : vector<16xi32>
        %gather3A_427 = tpu.vector_load_idx %arg8[%add3A_426] : memref<17152xf32, #tpu.memory_space<vmem>>[vector<16xi32>], vector<16xf32>,
        %add3A_428 = arith.constant 402 : i32
        %add3A_429 = vector.broadcast %add3A_428 : i32 to vector<16xi32>
        %add3A_430 = arith.addi %scan3A_380, %add3A_429 : vector<16xi32>
        %gather3A_431 = tpu.vector_load_idx %arg8[%add3A_430] : memref<17152xf32, #tpu.memory_space<vmem>>[vector<16xi32>], vector<16xf32>,
        %add3A_432 = arith.constant 536 : i32
        %add3A_433 = vector.broadcast %add3A_432 : i32 to vector<16xi32>
        %add3A_434 = arith.addi %scan3A_380, %add3A_433 : vector<16xi32>
        %gather3A_435 = tpu.vector_load_idx %arg8[%add3A_434] : memref<17152xf32, #tpu.memory_space<vmem>>[vector<16xi32>], vector<16xf32>,
        %add3A_436 = arith.constant 670 : i32
        %add3A_437 = vector.broadcast %add3A_436 : i32 to vector<16xi32>
        %add3A_438 = arith.addi %scan3A_380, %add3A_437 : vector<16xi32>
        %gather3A_439 = tpu.vector_load_idx %arg8[%add3A_438] : memref<17152xf32, #tpu.memory_space<vmem>>[vector<16xi32>], vector<16xf32>,
        %add3A_440 = arith.constant 804 : i32
        %add3A_441 = vector.broadcast %add3A_440 : i32 to vector<16xi32>
        %add3A_442 = arith.addi %scan3A_380, %add3A_441 : vector<16xi32>
        %gather3A_443 = tpu.vector_load_idx %arg8[%add3A_442] : memref<17152xf32, #tpu.memory_space<vmem>>[vector<16xi32>], vector<16xf32>,
        %add3A_444 = arith.constant 938 : i32
        %add3A_445 = vector.broadcast %add3A_444 : i32 to vector<16xi32>
        %add3A_446 = arith.addi %scan3A_380, %add3A_445 : vector<16xi32>
        %gather3A_447 = tpu.vector_load_idx %arg8[%add3A_446] : memref<17152xf32, #tpu.memory_space<vmem>>[vector<16xi32>], vector<16xf32>,
        %add3A_448 = arith.constant 64 : i32
        %add3A_449 = arith.addi %add3A_448, %add3A_384 : i32
        %add3A_450 = arith.constant 0 : i32
        %add3A_451 = arith.addi %add3A_449, %add3A_450 : i32
        %swap3A = arith.index_cast %add3A_451 : i32 to index
        %swap3A_452 = arith.constant 80 : index
        %swap3A_453 = tpu.vector_load %arg11[%swap3A, %swap3A_452] {strides = array<i32>} : memref<320x128xf32, #tpu.memory_space<vmem>>, vector<16xf32>,
        tpu.vector_store %arg11[%swap3A, %swap3A_452], %gather3A {strides = array<i32>} : memref<320x128xf32, #tpu.memory_space<vmem>>, vector<16xf32>,
        %add3A_454 = arith.constant 64 : i32
        %add3A_455 = arith.addi %add3A_454, %add3A_384 : i32
        %add3A_456 = arith.constant 1 : i32
        %add3A_457 = arith.addi %add3A_455, %add3A_456 : i32
        %swap3A_458 = arith.index_cast %add3A_457 : i32 to index
        %swap3A_459 = arith.constant 80 : index
        %swap3A_460 = tpu.vector_load %arg11[%swap3A_458, %swap3A_459] {strides = array<i32>} : memref<320x128xf32, #tpu.memory_space<vmem>>, vector<16xf32>,
        tpu.vector_store %arg11[%swap3A_458, %swap3A_459], %gather3A_391 {strides = array<i32>} : memref<320x128xf32, #tpu.memory_space<vmem>>, vector<16xf32>,
        %add3A_461 = arith.constant 64 : i32
        %add3A_462 = arith.addi %add3A_461, %add3A_384 : i32
        %add3A_463 = arith.constant 2 : i32
        %add3A_464 = arith.addi %add3A_462, %add3A_463 : i32
        %swap3A_465 = arith.index_cast %add3A_464 : i32 to index
        %swap3A_466 = arith.constant 80 : index
        %swap3A_467 = tpu.vector_load %arg11[%swap3A_465, %swap3A_466] {strides = array<i32>} : memref<320x128xf32, #tpu.memory_space<vmem>>, vector<16xf32>,
        tpu.vector_store %arg11[%swap3A_465, %swap3A_466], %gather3A_395 {strides = array<i32>} : memref<320x128xf32, #tpu.memory_space<vmem>>, vector<16xf32>,
        %add3A_468 = arith.constant 64 : i32
        %add3A_469 = arith.addi %add3A_468, %add3A_384 : i32
        %add3A_470 = arith.constant 3 : i32
        %add3A_471 = arith.addi %add3A_469, %add3A_470 : i32
        %swap3A_472 = arith.index_cast %add3A_471 : i32 to index
        %swap3A_473 = arith.constant 80 : index
        %swap3A_474 = tpu.vector_load %arg11[%swap3A_472, %swap3A_473] {strides = array<i32>} : memref<320x128xf32, #tpu.memory_space<vmem>>, vector<16xf32>,
        tpu.vector_store %arg11[%swap3A_472, %swap3A_473], %gather3A_399 {strides = array<i32>} : memref<320x128xf32, #tpu.memory_space<vmem>>, vector<16xf32>,
        %add3A_475 = arith.constant 64 : i32
        %add3A_476 = arith.addi %add3A_475, %add3A_384 : i32
        %add3A_477 = arith.constant 4 : i32
        %add3A_478 = arith.addi %add3A_476, %add3A_477 : i32
        %swap3A_479 = arith.index_cast %add3A_478 : i32 to index
        %swap3A_480 = arith.constant 80 : index
        %swap3A_481 = tpu.vector_load %arg11[%swap3A_479, %swap3A_480] {strides = array<i32>} : memref<320x128xf32, #tpu.memory_space<vmem>>, vector<16xf32>,
        tpu.vector_store %arg11[%swap3A_479, %swap3A_480], %gather3A_403 {strides = array<i32>} : memref<320x128xf32, #tpu.memory_space<vmem>>, vector<16xf32>,
        %add3A_482 = arith.constant 64 : i32
        %add3A_483 = arith.addi %add3A_482, %add3A_384 : i32
        %add3A_484 = arith.constant 5 : i32
        %add3A_485 = arith.addi %add3A_483, %add3A_484 : i32
        %swap3A_486 = arith.index_cast %add3A_485 : i32 to index
        %swap3A_487 = arith.constant 80 : index
        %swap3A_488 = tpu.vector_load %arg11[%swap3A_486, %swap3A_487] {strides = array<i32>} : memref<320x128xf32, #tpu.memory_space<vmem>>, vector<16xf32>,
        tpu.vector_store %arg11[%swap3A_486, %swap3A_487], %gather3A_407 {strides = array<i32>} : memref<320x128xf32, #tpu.memory_space<vmem>>, vector<16xf32>,
        %add3A_489 = arith.constant 64 : i32
        %add3A_490 = arith.addi %add3A_489, %add3A_384 : i32
        %add3A_491 = arith.constant 6 : i32
        %add3A_492 = arith.addi %add3A_490, %add3A_491 : i32
        %swap3A_493 = arith.index_cast %add3A_492 : i32 to index
        %swap3A_494 = arith.constant 80 : index
        %swap3A_495 = tpu.vector_load %arg11[%swap3A_493, %swap3A_494] {strides = array<i32>} : memref<320x128xf32, #tpu.memory_space<vmem>>, vector<16xf32>,
        tpu.vector_store %arg11[%swap3A_493, %swap3A_494], %gather3A_411 {strides = array<i32>} : memref<320x128xf32, #tpu.memory_space<vmem>>, vector<16xf32>,
        %add3A_496 = arith.constant 64 : i32
        %add3A_497 = arith.addi %add3A_496, %add3A_384 : i32
        %add3A_498 = arith.constant 7 : i32
        %add3A_499 = arith.addi %add3A_497, %add3A_498 : i32
        %swap3A_500 = arith.index_cast %add3A_499 : i32 to index
        %swap3A_501 = arith.constant 80 : index
        %swap3A_502 = tpu.vector_load %arg11[%swap3A_500, %swap3A_501] {strides = array<i32>} : memref<320x128xf32, #tpu.memory_space<vmem>>, vector<16xf32>,
        tpu.vector_store %arg11[%swap3A_500, %swap3A_501], %gather3A_415 {strides = array<i32>} : memref<320x128xf32, #tpu.memory_space<vmem>>, vector<16xf32>,
        %add3A_503 = arith.constant 192 : i32
        %add3A_504 = arith.addi %add3A_503, %add3A_384 : i32
        %add3A_505 = arith.constant 0 : i32
        %add3A_506 = arith.addi %add3A_504, %add3A_505 : i32
        %swap3A_507 = arith.index_cast %add3A_506 : i32 to index
        %swap3A_508 = arith.constant 80 : index
        %swap3A_509 = tpu.vector_load %arg11[%swap3A_507, %swap3A_508] {strides = array<i32>} : memref<320x128xf32, #tpu.memory_space<vmem>>, vector<16xf32>,
        tpu.vector_store %arg11[%swap3A_507, %swap3A_508], %gather3A_419 {strides = array<i32>} : memref<320x128xf32, #tpu.memory_space<vmem>>, vector<16xf32>,
        %add3A_510 = arith.constant 192 : i32
        %add3A_511 = arith.addi %add3A_510, %add3A_384 : i32
        %add3A_512 = arith.constant 1 : i32
        %add3A_513 = arith.addi %add3A_511, %add3A_512 : i32
        %swap3A_514 = arith.index_cast %add3A_513 : i32 to index
        %swap3A_515 = arith.constant 80 : index
        %swap3A_516 = tpu.vector_load %arg11[%swap3A_514, %swap3A_515] {strides = array<i32>} : memref<320x128xf32, #tpu.memory_space<vmem>>, vector<16xf32>,
        tpu.vector_store %arg11[%swap3A_514, %swap3A_515], %gather3A_423 {strides = array<i32>} : memref<320x128xf32, #tpu.memory_space<vmem>>, vector<16xf32>,
        %add3A_517 = arith.constant 192 : i32
        %add3A_518 = arith.addi %add3A_517, %add3A_384 : i32
        %add3A_519 = arith.constant 2 : i32
        %add3A_520 = arith.addi %add3A_518, %add3A_519 : i32
        %swap3A_521 = arith.index_cast %add3A_520 : i32 to index
        %swap3A_522 = arith.constant 80 : index
        %swap3A_523 = tpu.vector_load %arg11[%swap3A_521, %swap3A_522] {strides = array<i32>} : memref<320x128xf32, #tpu.memory_space<vmem>>, vector<16xf32>,
        tpu.vector_store %arg11[%swap3A_521, %swap3A_522], %gather3A_427 {strides = array<i32>} : memref<320x128xf32, #tpu.memory_space<vmem>>, vector<16xf32>,
        %add3A_524 = arith.constant 192 : i32
        %add3A_525 = arith.addi %add3A_524, %add3A_384 : i32
        %add3A_526 = arith.constant 3 : i32
        %add3A_527 = arith.addi %add3A_525, %add3A_526 : i32
        %swap3A_528 = arith.index_cast %add3A_527 : i32 to index
        %swap3A_529 = arith.constant 80 : index
        %swap3A_530 = tpu.vector_load %arg11[%swap3A_528, %swap3A_529] {strides = array<i32>} : memref<320x128xf32, #tpu.memory_space<vmem>>, vector<16xf32>,
        tpu.vector_store %arg11[%swap3A_528, %swap3A_529], %gather3A_431 {strides = array<i32>} : memref<320x128xf32, #tpu.memory_space<vmem>>, vector<16xf32>,
        %add3A_531 = arith.constant 192 : i32
        %add3A_532 = arith.addi %add3A_531, %add3A_384 : i32
        %add3A_533 = arith.constant 4 : i32
        %add3A_534 = arith.addi %add3A_532, %add3A_533 : i32
        %swap3A_535 = arith.index_cast %add3A_534 : i32 to index
        %swap3A_536 = arith.constant 80 : index
        %swap3A_537 = tpu.vector_load %arg11[%swap3A_535, %swap3A_536] {strides = array<i32>} : memref<320x128xf32, #tpu.memory_space<vmem>>, vector<16xf32>,
        tpu.vector_store %arg11[%swap3A_535, %swap3A_536], %gather3A_435 {strides = array<i32>} : memref<320x128xf32, #tpu.memory_space<vmem>>, vector<16xf32>,
        %add3A_538 = arith.constant 192 : i32
        %add3A_539 = arith.addi %add3A_538, %add3A_384 : i32
        %add3A_540 = arith.constant 5 : i32
        %add3A_541 = arith.addi %add3A_539, %add3A_540 : i32
        %swap3A_542 = arith.index_cast %add3A_541 : i32 to index
        %swap3A_543 = arith.constant 80 : index
        %swap3A_544 = tpu.vector_load %arg11[%swap3A_542, %swap3A_543] {strides = array<i32>} : memref<320x128xf32, #tpu.memory_space<vmem>>, vector<16xf32>,
        tpu.vector_store %arg11[%swap3A_542, %swap3A_543], %gather3A_439 {strides = array<i32>} : memref<320x128xf32, #tpu.memory_space<vmem>>, vector<16xf32>,
        %add3A_545 = arith.constant 192 : i32
        %add3A_546 = arith.addi %add3A_545, %add3A_384 : i32
        %add3A_547 = arith.constant 6 : i32
        %add3A_548 = arith.addi %add3A_546, %add3A_547 : i32
        %swap3A_549 = arith.index_cast %add3A_548 : i32 to index
        %swap3A_550 = arith.constant 80 : index
        %swap3A_551 = tpu.vector_load %arg11[%swap3A_549, %swap3A_550] {strides = array<i32>} : memref<320x128xf32, #tpu.memory_space<vmem>>, vector<16xf32>,
        tpu.vector_store %arg11[%swap3A_549, %swap3A_550], %gather3A_443 {strides = array<i32>} : memref<320x128xf32, #tpu.memory_space<vmem>>, vector<16xf32>,
        %add3A_552 = arith.constant 192 : i32
        %add3A_553 = arith.addi %add3A_552, %add3A_384 : i32
        %add3A_554 = arith.constant 7 : i32
        %add3A_555 = arith.addi %add3A_553, %add3A_554 : i32
        %swap3A_556 = arith.index_cast %add3A_555 : i32 to index
        %swap3A_557 = arith.constant 80 : index
        %swap3A_558 = tpu.vector_load %arg11[%swap3A_556, %swap3A_557] {strides = array<i32>} : memref<320x128xf32, #tpu.memory_space<vmem>>, vector<16xf32>,
        tpu.vector_store %arg11[%swap3A_556, %swap3A_557], %gather3A_447 {strides = array<i32>} : memref<320x128xf32, #tpu.memory_space<vmem>>, vector<16xf32>,
        %add3A_559 = arith.constant 120 : i32
        %add3A_560 = vector.broadcast %add3A_559 : i32 to vector<16xi32>
        %add3A_561 = arith.addi %scan3A_379, %add3A_560 : vector<16xi32>
        %add3A_562 = arith.constant 1072 : i32
        %add3A_563 = vector.broadcast %add3A_562 : i32 to vector<16xi32>
        %add3A_564 = arith.addi %scan3A_380, %add3A_563 : vector<16xi32>
        scf.yield %add3A_561, %add3A_564 : vector<16xi32>, vector<16xi32>
      }
      %scan3A_151 = arith.constant 16 : i32
      %get3A_152 = arith.constant 0 : i32
      %get3A_153 = arith.index_cast %get3A_152 : i32 to index
      %get3A_154 = arith.constant 96 : index
      %get3A_155 = tpu.vector_load %arg9[%get3A_153, %get3A_154] {strides = array<i32>} : memref<2x128xf32, #tpu.memory_space<vmem>>, vector<16xf32>,
      %convert_element_type3A_156 = arith.fptosi %get3A_155 : vector<16xf32> to vector<16xi32>
      %get3A_157 = arith.constant 1 : i32
      %get3A_158 = arith.index_cast %get3A_157 : i32 to index
      %get3A_159 = arith.constant 96 : index
      %get3A_160 = tpu.vector_load %arg9[%get3A_158, %get3A_159] {strides = array<i32>} : memref<2x128xf32, #tpu.memory_space<vmem>>, vector<16xf32>,
      %convert_element_type3A_161 = arith.fptosi %get3A_160 : vector<16xf32> to vector<16xi32>
      %scan3A_162 = arith.constant 0 : i32
      %scan3A_163 = arith.constant 16 : i32
      %scan3A_164 = arith.addi %scan3A_162, %scan3A_163 : i32
      %scan3A_165 = arith.constant 1 : i32
      %scan3A_166:2 = scf.for %scan3A_378 = %scan3A_162 to %scan3A_164 step %scan3A_165 iter_args(%scan3A_379 = %convert_element_type3A_156, %scan3A_380 = %convert_element_type3A_161) -> (vector<16xi32>, vector<16xi32>)  : i32 {
        %mul3A_381 = arith.constant 8 : i32
        %mul3A_382 = arith.muli %scan3A_378, %mul3A_381 : i32
        %add3A_383 = arith.constant 0 : i32
        %add3A_384 = arith.addi %add3A_383, %mul3A_382 : i32
        %add3A_385 = arith.constant 0 : i32
        %add3A_386 = vector.broadcast %add3A_385 : i32 to vector<16xi32>
        %add3A_387 = arith.addi %scan3A_379, %add3A_386 : vector<16xi32>
        %gather3A = tpu.vector_load_idx %arg7[%add3A_387] : memref<1920xf32, #tpu.memory_space<vmem>>[vector<16xi32>], vector<16xf32>,
        %add3A_388 = arith.constant 15 : i32
        %add3A_389 = vector.broadcast %add3A_388 : i32 to vector<16xi32>
        %add3A_390 = arith.addi %scan3A_379, %add3A_389 : vector<16xi32>
        %gather3A_391 = tpu.vector_load_idx %arg7[%add3A_390] : memref<1920xf32, #tpu.memory_space<vmem>>[vector<16xi32>], vector<16xf32>,
        %add3A_392 = arith.constant 30 : i32
        %add3A_393 = vector.broadcast %add3A_392 : i32 to vector<16xi32>
        %add3A_394 = arith.addi %scan3A_379, %add3A_393 : vector<16xi32>
        %gather3A_395 = tpu.vector_load_idx %arg7[%add3A_394] : memref<1920xf32, #tpu.memory_space<vmem>>[vector<16xi32>], vector<16xf32>,
        %add3A_396 = arith.constant 45 : i32
        %add3A_397 = vector.broadcast %add3A_396 : i32 to vector<16xi32>
        %add3A_398 = arith.addi %scan3A_379, %add3A_397 : vector<16xi32>
        %gather3A_399 = tpu.vector_load_idx %arg7[%add3A_398] : memref<1920xf32, #tpu.memory_space<vmem>>[vector<16xi32>], vector<16xf32>,
        %add3A_400 = arith.constant 60 : i32
        %add3A_401 = vector.broadcast %add3A_400 : i32 to vector<16xi32>
        %add3A_402 = arith.addi %scan3A_379, %add3A_401 : vector<16xi32>
        %gather3A_403 = tpu.vector_load_idx %arg7[%add3A_402] : memref<1920xf32, #tpu.memory_space<vmem>>[vector<16xi32>], vector<16xf32>,
        %add3A_404 = arith.constant 75 : i32
        %add3A_405 = vector.broadcast %add3A_404 : i32 to vector<16xi32>
        %add3A_406 = arith.addi %scan3A_379, %add3A_405 : vector<16xi32>
        %gather3A_407 = tpu.vector_load_idx %arg7[%add3A_406] : memref<1920xf32, #tpu.memory_space<vmem>>[vector<16xi32>], vector<16xf32>,
        %add3A_408 = arith.constant 90 : i32
        %add3A_409 = vector.broadcast %add3A_408 : i32 to vector<16xi32>
        %add3A_410 = arith.addi %scan3A_379, %add3A_409 : vector<16xi32>
        %gather3A_411 = tpu.vector_load_idx %arg7[%add3A_410] : memref<1920xf32, #tpu.memory_space<vmem>>[vector<16xi32>], vector<16xf32>,
        %add3A_412 = arith.constant 105 : i32
        %add3A_413 = vector.broadcast %add3A_412 : i32 to vector<16xi32>
        %add3A_414 = arith.addi %scan3A_379, %add3A_413 : vector<16xi32>
        %gather3A_415 = tpu.vector_load_idx %arg7[%add3A_414] : memref<1920xf32, #tpu.memory_space<vmem>>[vector<16xi32>], vector<16xf32>,
        %add3A_416 = arith.constant 0 : i32
        %add3A_417 = vector.broadcast %add3A_416 : i32 to vector<16xi32>
        %add3A_418 = arith.addi %scan3A_380, %add3A_417 : vector<16xi32>
        %gather3A_419 = tpu.vector_load_idx %arg8[%add3A_418] : memref<17152xf32, #tpu.memory_space<vmem>>[vector<16xi32>], vector<16xf32>,
        %add3A_420 = arith.constant 134 : i32
        %add3A_421 = vector.broadcast %add3A_420 : i32 to vector<16xi32>
        %add3A_422 = arith.addi %scan3A_380, %add3A_421 : vector<16xi32>
        %gather3A_423 = tpu.vector_load_idx %arg8[%add3A_422] : memref<17152xf32, #tpu.memory_space<vmem>>[vector<16xi32>], vector<16xf32>,
        %add3A_424 = arith.constant 268 : i32
        %add3A_425 = vector.broadcast %add3A_424 : i32 to vector<16xi32>
        %add3A_426 = arith.addi %scan3A_380, %add3A_425 : vector<16xi32>
        %gather3A_427 = tpu.vector_load_idx %arg8[%add3A_426] : memref<17152xf32, #tpu.memory_space<vmem>>[vector<16xi32>], vector<16xf32>,
        %add3A_428 = arith.constant 402 : i32
        %add3A_429 = vector.broadcast %add3A_428 : i32 to vector<16xi32>
        %add3A_430 = arith.addi %scan3A_380, %add3A_429 : vector<16xi32>
        %gather3A_431 = tpu.vector_load_idx %arg8[%add3A_430] : memref<17152xf32, #tpu.memory_space<vmem>>[vector<16xi32>], vector<16xf32>,
        %add3A_432 = arith.constant 536 : i32
        %add3A_433 = vector.broadcast %add3A_432 : i32 to vector<16xi32>
        %add3A_434 = arith.addi %scan3A_380, %add3A_433 : vector<16xi32>
        %gather3A_435 = tpu.vector_load_idx %arg8[%add3A_434] : memref<17152xf32, #tpu.memory_space<vmem>>[vector<16xi32>], vector<16xf32>,
        %add3A_436 = arith.constant 670 : i32
        %add3A_437 = vector.broadcast %add3A_436 : i32 to vector<16xi32>
        %add3A_438 = arith.addi %scan3A_380, %add3A_437 : vector<16xi32>
        %gather3A_439 = tpu.vector_load_idx %arg8[%add3A_438] : memref<17152xf32, #tpu.memory_space<vmem>>[vector<16xi32>], vector<16xf32>,
        %add3A_440 = arith.constant 804 : i32
        %add3A_441 = vector.broadcast %add3A_440 : i32 to vector<16xi32>
        %add3A_442 = arith.addi %scan3A_380, %add3A_441 : vector<16xi32>
        %gather3A_443 = tpu.vector_load_idx %arg8[%add3A_442] : memref<17152xf32, #tpu.memory_space<vmem>>[vector<16xi32>], vector<16xf32>,
        %add3A_444 = arith.constant 938 : i32
        %add3A_445 = vector.broadcast %add3A_444 : i32 to vector<16xi32>
        %add3A_446 = arith.addi %scan3A_380, %add3A_445 : vector<16xi32>
        %gather3A_447 = tpu.vector_load_idx %arg8[%add3A_446] : memref<17152xf32, #tpu.memory_space<vmem>>[vector<16xi32>], vector<16xf32>,
        %add3A_448 = arith.constant 64 : i32
        %add3A_449 = arith.addi %add3A_448, %add3A_384 : i32
        %add3A_450 = arith.constant 0 : i32
        %add3A_451 = arith.addi %add3A_449, %add3A_450 : i32
        %swap3A = arith.index_cast %add3A_451 : i32 to index
        %swap3A_452 = arith.constant 96 : index
        %swap3A_453 = tpu.vector_load %arg11[%swap3A, %swap3A_452] {strides = array<i32>} : memref<320x128xf32, #tpu.memory_space<vmem>>, vector<16xf32>,
        tpu.vector_store %arg11[%swap3A, %swap3A_452], %gather3A {strides = array<i32>} : memref<320x128xf32, #tpu.memory_space<vmem>>, vector<16xf32>,
        %add3A_454 = arith.constant 64 : i32
        %add3A_455 = arith.addi %add3A_454, %add3A_384 : i32
        %add3A_456 = arith.constant 1 : i32
        %add3A_457 = arith.addi %add3A_455, %add3A_456 : i32
        %swap3A_458 = arith.index_cast %add3A_457 : i32 to index
        %swap3A_459 = arith.constant 96 : index
        %swap3A_460 = tpu.vector_load %arg11[%swap3A_458, %swap3A_459] {strides = array<i32>} : memref<320x128xf32, #tpu.memory_space<vmem>>, vector<16xf32>,
        tpu.vector_store %arg11[%swap3A_458, %swap3A_459], %gather3A_391 {strides = array<i32>} : memref<320x128xf32, #tpu.memory_space<vmem>>, vector<16xf32>,
        %add3A_461 = arith.constant 64 : i32
        %add3A_462 = arith.addi %add3A_461, %add3A_384 : i32
        %add3A_463 = arith.constant 2 : i32
        %add3A_464 = arith.addi %add3A_462, %add3A_463 : i32
        %swap3A_465 = arith.index_cast %add3A_464 : i32 to index
        %swap3A_466 = arith.constant 96 : index
        %swap3A_467 = tpu.vector_load %arg11[%swap3A_465, %swap3A_466] {strides = array<i32>} : memref<320x128xf32, #tpu.memory_space<vmem>>, vector<16xf32>,
        tpu.vector_store %arg11[%swap3A_465, %swap3A_466], %gather3A_395 {strides = array<i32>} : memref<320x128xf32, #tpu.memory_space<vmem>>, vector<16xf32>,
        %add3A_468 = arith.constant 64 : i32
        %add3A_469 = arith.addi %add3A_468, %add3A_384 : i32
        %add3A_470 = arith.constant 3 : i32
        %add3A_471 = arith.addi %add3A_469, %add3A_470 : i32
        %swap3A_472 = arith.index_cast %add3A_471 : i32 to index
        %swap3A_473 = arith.constant 96 : index
        %swap3A_474 = tpu.vector_load %arg11[%swap3A_472, %swap3A_473] {strides = array<i32>} : memref<320x128xf32, #tpu.memory_space<vmem>>, vector<16xf32>,
        tpu.vector_store %arg11[%swap3A_472, %swap3A_473], %gather3A_399 {strides = array<i32>} : memref<320x128xf32, #tpu.memory_space<vmem>>, vector<16xf32>,
        %add3A_475 = arith.constant 64 : i32
        %add3A_476 = arith.addi %add3A_475, %add3A_384 : i32
        %add3A_477 = arith.constant 4 : i32
        %add3A_478 = arith.addi %add3A_476, %add3A_477 : i32
        %swap3A_479 = arith.index_cast %add3A_478 : i32 to index
        %swap3A_480 = arith.constant 96 : index
        %swap3A_481 = tpu.vector_load %arg11[%swap3A_479, %swap3A_480] {strides = array<i32>} : memref<320x128xf32, #tpu.memory_space<vmem>>, vector<16xf32>,
        tpu.vector_store %arg11[%swap3A_479, %swap3A_480], %gather3A_403 {strides = array<i32>} : memref<320x128xf32, #tpu.memory_space<vmem>>, vector<16xf32>,
        %add3A_482 = arith.constant 64 : i32
        %add3A_483 = arith.addi %add3A_482, %add3A_384 : i32
        %add3A_484 = arith.constant 5 : i32
        %add3A_485 = arith.addi %add3A_483, %add3A_484 : i32
        %swap3A_486 = arith.index_cast %add3A_485 : i32 to index
        %swap3A_487 = arith.constant 96 : index
        %swap3A_488 = tpu.vector_load %arg11[%swap3A_486, %swap3A_487] {strides = array<i32>} : memref<320x128xf32, #tpu.memory_space<vmem>>, vector<16xf32>,
        tpu.vector_store %arg11[%swap3A_486, %swap3A_487], %gather3A_407 {strides = array<i32>} : memref<320x128xf32, #tpu.memory_space<vmem>>, vector<16xf32>,
        %add3A_489 = arith.constant 64 : i32
        %add3A_490 = arith.addi %add3A_489, %add3A_384 : i32
        %add3A_491 = arith.constant 6 : i32
        %add3A_492 = arith.addi %add3A_490, %add3A_491 : i32
        %swap3A_493 = arith.index_cast %add3A_492 : i32 to index
        %swap3A_494 = arith.constant 96 : index
        %swap3A_495 = tpu.vector_load %arg11[%swap3A_493, %swap3A_494] {strides = array<i32>} : memref<320x128xf32, #tpu.memory_space<vmem>>, vector<16xf32>,
        tpu.vector_store %arg11[%swap3A_493, %swap3A_494], %gather3A_411 {strides = array<i32>} : memref<320x128xf32, #tpu.memory_space<vmem>>, vector<16xf32>,
        %add3A_496 = arith.constant 64 : i32
        %add3A_497 = arith.addi %add3A_496, %add3A_384 : i32
        %add3A_498 = arith.constant 7 : i32
        %add3A_499 = arith.addi %add3A_497, %add3A_498 : i32
        %swap3A_500 = arith.index_cast %add3A_499 : i32 to index
        %swap3A_501 = arith.constant 96 : index
        %swap3A_502 = tpu.vector_load %arg11[%swap3A_500, %swap3A_501] {strides = array<i32>} : memref<320x128xf32, #tpu.memory_space<vmem>>, vector<16xf32>,
        tpu.vector_store %arg11[%swap3A_500, %swap3A_501], %gather3A_415 {strides = array<i32>} : memref<320x128xf32, #tpu.memory_space<vmem>>, vector<16xf32>,
        %add3A_503 = arith.constant 192 : i32
        %add3A_504 = arith.addi %add3A_503, %add3A_384 : i32
        %add3A_505 = arith.constant 0 : i32
        %add3A_506 = arith.addi %add3A_504, %add3A_505 : i32
        %swap3A_507 = arith.index_cast %add3A_506 : i32 to index
        %swap3A_508 = arith.constant 96 : index
        %swap3A_509 = tpu.vector_load %arg11[%swap3A_507, %swap3A_508] {strides = array<i32>} : memref<320x128xf32, #tpu.memory_space<vmem>>, vector<16xf32>,
        tpu.vector_store %arg11[%swap3A_507, %swap3A_508], %gather3A_419 {strides = array<i32>} : memref<320x128xf32, #tpu.memory_space<vmem>>, vector<16xf32>,
        %add3A_510 = arith.constant 192 : i32
        %add3A_511 = arith.addi %add3A_510, %add3A_384 : i32
        %add3A_512 = arith.constant 1 : i32
        %add3A_513 = arith.addi %add3A_511, %add3A_512 : i32
        %swap3A_514 = arith.index_cast %add3A_513 : i32 to index
        %swap3A_515 = arith.constant 96 : index
        %swap3A_516 = tpu.vector_load %arg11[%swap3A_514, %swap3A_515] {strides = array<i32>} : memref<320x128xf32, #tpu.memory_space<vmem>>, vector<16xf32>,
        tpu.vector_store %arg11[%swap3A_514, %swap3A_515], %gather3A_423 {strides = array<i32>} : memref<320x128xf32, #tpu.memory_space<vmem>>, vector<16xf32>,
        %add3A_517 = arith.constant 192 : i32
        %add3A_518 = arith.addi %add3A_517, %add3A_384 : i32
        %add3A_519 = arith.constant 2 : i32
        %add3A_520 = arith.addi %add3A_518, %add3A_519 : i32
        %swap3A_521 = arith.index_cast %add3A_520 : i32 to index
        %swap3A_522 = arith.constant 96 : index
        %swap3A_523 = tpu.vector_load %arg11[%swap3A_521, %swap3A_522] {strides = array<i32>} : memref<320x128xf32, #tpu.memory_space<vmem>>, vector<16xf32>,
        tpu.vector_store %arg11[%swap3A_521, %swap3A_522], %gather3A_427 {strides = array<i32>} : memref<320x128xf32, #tpu.memory_space<vmem>>, vector<16xf32>,
        %add3A_524 = arith.constant 192 : i32
        %add3A_525 = arith.addi %add3A_524, %add3A_384 : i32
        %add3A_526 = arith.constant 3 : i32
        %add3A_527 = arith.addi %add3A_525, %add3A_526 : i32
        %swap3A_528 = arith.index_cast %add3A_527 : i32 to index
        %swap3A_529 = arith.constant 96 : index
        %swap3A_530 = tpu.vector_load %arg11[%swap3A_528, %swap3A_529] {strides = array<i32>} : memref<320x128xf32, #tpu.memory_space<vmem>>, vector<16xf32>,
        tpu.vector_store %arg11[%swap3A_528, %swap3A_529], %gather3A_431 {strides = array<i32>} : memref<320x128xf32, #tpu.memory_space<vmem>>, vector<16xf32>,
        %add3A_531 = arith.constant 192 : i32
        %add3A_532 = arith.addi %add3A_531, %add3A_384 : i32
        %add3A_533 = arith.constant 4 : i32
        %add3A_534 = arith.addi %add3A_532, %add3A_533 : i32
        %swap3A_535 = arith.index_cast %add3A_534 : i32 to index
        %swap3A_536 = arith.constant 96 : index
        %swap3A_537 = tpu.vector_load %arg11[%swap3A_535, %swap3A_536] {strides = array<i32>} : memref<320x128xf32, #tpu.memory_space<vmem>>, vector<16xf32>,
        tpu.vector_store %arg11[%swap3A_535, %swap3A_536], %gather3A_435 {strides = array<i32>} : memref<320x128xf32, #tpu.memory_space<vmem>>, vector<16xf32>,
        %add3A_538 = arith.constant 192 : i32
        %add3A_539 = arith.addi %add3A_538, %add3A_384 : i32
        %add3A_540 = arith.constant 5 : i32
        %add3A_541 = arith.addi %add3A_539, %add3A_540 : i32
        %swap3A_542 = arith.index_cast %add3A_541 : i32 to index
        %swap3A_543 = arith.constant 96 : index
        %swap3A_544 = tpu.vector_load %arg11[%swap3A_542, %swap3A_543] {strides = array<i32>} : memref<320x128xf32, #tpu.memory_space<vmem>>, vector<16xf32>,
        tpu.vector_store %arg11[%swap3A_542, %swap3A_543], %gather3A_439 {strides = array<i32>} : memref<320x128xf32, #tpu.memory_space<vmem>>, vector<16xf32>,
        %add3A_545 = arith.constant 192 : i32
        %add3A_546 = arith.addi %add3A_545, %add3A_384 : i32
        %add3A_547 = arith.constant 6 : i32
        %add3A_548 = arith.addi %add3A_546, %add3A_547 : i32
        %swap3A_549 = arith.index_cast %add3A_548 : i32 to index
        %swap3A_550 = arith.constant 96 : index
        %swap3A_551 = tpu.vector_load %arg11[%swap3A_549, %swap3A_550] {strides = array<i32>} : memref<320x128xf32, #tpu.memory_space<vmem>>, vector<16xf32>,
        tpu.vector_store %arg11[%swap3A_549, %swap3A_550], %gather3A_443 {strides = array<i32>} : memref<320x128xf32, #tpu.memory_space<vmem>>, vector<16xf32>,
        %add3A_552 = arith.constant 192 : i32
        %add3A_553 = arith.addi %add3A_552, %add3A_384 : i32
        %add3A_554 = arith.constant 7 : i32
        %add3A_555 = arith.addi %add3A_553, %add3A_554 : i32
        %swap3A_556 = arith.index_cast %add3A_555 : i32 to index
        %swap3A_557 = arith.constant 96 : index
        %swap3A_558 = tpu.vector_load %arg11[%swap3A_556, %swap3A_557] {strides = array<i32>} : memref<320x128xf32, #tpu.memory_space<vmem>>, vector<16xf32>,
        tpu.vector_store %arg11[%swap3A_556, %swap3A_557], %gather3A_447 {strides = array<i32>} : memref<320x128xf32, #tpu.memory_space<vmem>>, vector<16xf32>,
        %add3A_559 = arith.constant 120 : i32
        %add3A_560 = vector.broadcast %add3A_559 : i32 to vector<16xi32>
        %add3A_561 = arith.addi %scan3A_379, %add3A_560 : vector<16xi32>
        %add3A_562 = arith.constant 1072 : i32
        %add3A_563 = vector.broadcast %add3A_562 : i32 to vector<16xi32>
        %add3A_564 = arith.addi %scan3A_380, %add3A_563 : vector<16xi32>
        scf.yield %add3A_561, %add3A_564 : vector<16xi32>, vector<16xi32>
      }
      %scan3A_167 = arith.constant 16 : i32
      %get3A_168 = arith.constant 0 : i32
      %get3A_169 = arith.index_cast %get3A_168 : i32 to index
      %get3A_170 = arith.constant 112 : index
      %get3A_171 = tpu.vector_load %arg9[%get3A_169, %get3A_170] {strides = array<i32>} : memref<2x128xf32, #tpu.memory_space<vmem>>, vector<16xf32>,
      %convert_element_type3A_172 = arith.fptosi %get3A_171 : vector<16xf32> to vector<16xi32>
      %get3A_173 = arith.constant 1 : i32
      %get3A_174 = arith.index_cast %get3A_173 : i32 to index
      %get3A_175 = arith.constant 112 : index
      %get3A_176 = tpu.vector_load %arg9[%get3A_174, %get3A_175] {strides = array<i32>} : memref<2x128xf32, #tpu.memory_space<vmem>>, vector<16xf32>,
      %convert_element_type3A_177 = arith.fptosi %get3A_176 : vector<16xf32> to vector<16xi32>
      %scan3A_178 = arith.constant 0 : i32
      %scan3A_179 = arith.constant 16 : i32
      %scan3A_180 = arith.addi %scan3A_178, %scan3A_179 : i32
      %scan3A_181 = arith.constant 1 : i32
      %scan3A_182:2 = scf.for %scan3A_378 = %scan3A_178 to %scan3A_180 step %scan3A_181 iter_args(%scan3A_379 = %convert_element_type3A_172, %scan3A_380 = %convert_element_type3A_177) -> (vector<16xi32>, vector<16xi32>)  : i32 {
        %mul3A_381 = arith.constant 8 : i32
        %mul3A_382 = arith.muli %scan3A_378, %mul3A_381 : i32
        %add3A_383 = arith.constant 0 : i32
        %add3A_384 = arith.addi %add3A_383, %mul3A_382 : i32
        %add3A_385 = arith.constant 0 : i32
        %add3A_386 = vector.broadcast %add3A_385 : i32 to vector<16xi32>
        %add3A_387 = arith.addi %scan3A_379, %add3A_386 : vector<16xi32>
        %gather3A = tpu.vector_load_idx %arg7[%add3A_387] : memref<1920xf32, #tpu.memory_space<vmem>>[vector<16xi32>], vector<16xf32>,
        %add3A_388 = arith.constant 15 : i32
        %add3A_389 = vector.broadcast %add3A_388 : i32 to vector<16xi32>
        %add3A_390 = arith.addi %scan3A_379, %add3A_389 : vector<16xi32>
        %gather3A_391 = tpu.vector_load_idx %arg7[%add3A_390] : memref<1920xf32, #tpu.memory_space<vmem>>[vector<16xi32>], vector<16xf32>,
        %add3A_392 = arith.constant 30 : i32
        %add3A_393 = vector.broadcast %add3A_392 : i32 to vector<16xi32>
        %add3A_394 = arith.addi %scan3A_379, %add3A_393 : vector<16xi32>
        %gather3A_395 = tpu.vector_load_idx %arg7[%add3A_394] : memref<1920xf32, #tpu.memory_space<vmem>>[vector<16xi32>], vector<16xf32>,
        %add3A_396 = arith.constant 45 : i32
        %add3A_397 = vector.broadcast %add3A_396 : i32 to vector<16xi32>
        %add3A_398 = arith.addi %scan3A_379, %add3A_397 : vector<16xi32>
        %gather3A_399 = tpu.vector_load_idx %arg7[%add3A_398] : memref<1920xf32, #tpu.memory_space<vmem>>[vector<16xi32>], vector<16xf32>,
        %add3A_400 = arith.constant 60 : i32
        %add3A_401 = vector.broadcast %add3A_400 : i32 to vector<16xi32>
        %add3A_402 = arith.addi %scan3A_379, %add3A_401 : vector<16xi32>
        %gather3A_403 = tpu.vector_load_idx %arg7[%add3A_402] : memref<1920xf32, #tpu.memory_space<vmem>>[vector<16xi32>], vector<16xf32>,
        %add3A_404 = arith.constant 75 : i32
        %add3A_405 = vector.broadcast %add3A_404 : i32 to vector<16xi32>
        %add3A_406 = arith.addi %scan3A_379, %add3A_405 : vector<16xi32>
        %gather3A_407 = tpu.vector_load_idx %arg7[%add3A_406] : memref<1920xf32, #tpu.memory_space<vmem>>[vector<16xi32>], vector<16xf32>,
        %add3A_408 = arith.constant 90 : i32
        %add3A_409 = vector.broadcast %add3A_408 : i32 to vector<16xi32>
        %add3A_410 = arith.addi %scan3A_379, %add3A_409 : vector<16xi32>
        %gather3A_411 = tpu.vector_load_idx %arg7[%add3A_410] : memref<1920xf32, #tpu.memory_space<vmem>>[vector<16xi32>], vector<16xf32>,
        %add3A_412 = arith.constant 105 : i32
        %add3A_413 = vector.broadcast %add3A_412 : i32 to vector<16xi32>
        %add3A_414 = arith.addi %scan3A_379, %add3A_413 : vector<16xi32>
        %gather3A_415 = tpu.vector_load_idx %arg7[%add3A_414] : memref<1920xf32, #tpu.memory_space<vmem>>[vector<16xi32>], vector<16xf32>,
        %add3A_416 = arith.constant 0 : i32
        %add3A_417 = vector.broadcast %add3A_416 : i32 to vector<16xi32>
        %add3A_418 = arith.addi %scan3A_380, %add3A_417 : vector<16xi32>
        %gather3A_419 = tpu.vector_load_idx %arg8[%add3A_418] : memref<17152xf32, #tpu.memory_space<vmem>>[vector<16xi32>], vector<16xf32>,
        %add3A_420 = arith.constant 134 : i32
        %add3A_421 = vector.broadcast %add3A_420 : i32 to vector<16xi32>
        %add3A_422 = arith.addi %scan3A_380, %add3A_421 : vector<16xi32>
        %gather3A_423 = tpu.vector_load_idx %arg8[%add3A_422] : memref<17152xf32, #tpu.memory_space<vmem>>[vector<16xi32>], vector<16xf32>,
        %add3A_424 = arith.constant 268 : i32
        %add3A_425 = vector.broadcast %add3A_424 : i32 to vector<16xi32>
        %add3A_426 = arith.addi %scan3A_380, %add3A_425 : vector<16xi32>
        %gather3A_427 = tpu.vector_load_idx %arg8[%add3A_426] : memref<17152xf32, #tpu.memory_space<vmem>>[vector<16xi32>], vector<16xf32>,
        %add3A_428 = arith.constant 402 : i32
        %add3A_429 = vector.broadcast %add3A_428 : i32 to vector<16xi32>
        %add3A_430 = arith.addi %scan3A_380, %add3A_429 : vector<16xi32>
        %gather3A_431 = tpu.vector_load_idx %arg8[%add3A_430] : memref<17152xf32, #tpu.memory_space<vmem>>[vector<16xi32>], vector<16xf32>,
        %add3A_432 = arith.constant 536 : i32
        %add3A_433 = vector.broadcast %add3A_432 : i32 to vector<16xi32>
        %add3A_434 = arith.addi %scan3A_380, %add3A_433 : vector<16xi32>
        %gather3A_435 = tpu.vector_load_idx %arg8[%add3A_434] : memref<17152xf32, #tpu.memory_space<vmem>>[vector<16xi32>], vector<16xf32>,
        %add3A_436 = arith.constant 670 : i32
        %add3A_437 = vector.broadcast %add3A_436 : i32 to vector<16xi32>
        %add3A_438 = arith.addi %scan3A_380, %add3A_437 : vector<16xi32>
        %gather3A_439 = tpu.vector_load_idx %arg8[%add3A_438] : memref<17152xf32, #tpu.memory_space<vmem>>[vector<16xi32>], vector<16xf32>,
        %add3A_440 = arith.constant 804 : i32
        %add3A_441 = vector.broadcast %add3A_440 : i32 to vector<16xi32>
        %add3A_442 = arith.addi %scan3A_380, %add3A_441 : vector<16xi32>
        %gather3A_443 = tpu.vector_load_idx %arg8[%add3A_442] : memref<17152xf32, #tpu.memory_space<vmem>>[vector<16xi32>], vector<16xf32>,
        %add3A_444 = arith.constant 938 : i32
        %add3A_445 = vector.broadcast %add3A_444 : i32 to vector<16xi32>
        %add3A_446 = arith.addi %scan3A_380, %add3A_445 : vector<16xi32>
        %gather3A_447 = tpu.vector_load_idx %arg8[%add3A_446] : memref<17152xf32, #tpu.memory_space<vmem>>[vector<16xi32>], vector<16xf32>,
        %add3A_448 = arith.constant 64 : i32
        %add3A_449 = arith.addi %add3A_448, %add3A_384 : i32
        %add3A_450 = arith.constant 0 : i32
        %add3A_451 = arith.addi %add3A_449, %add3A_450 : i32
        %swap3A = arith.index_cast %add3A_451 : i32 to index
        %swap3A_452 = arith.constant 112 : index
        %swap3A_453 = tpu.vector_load %arg11[%swap3A, %swap3A_452] {strides = array<i32>} : memref<320x128xf32, #tpu.memory_space<vmem>>, vector<16xf32>,
        tpu.vector_store %arg11[%swap3A, %swap3A_452], %gather3A {strides = array<i32>} : memref<320x128xf32, #tpu.memory_space<vmem>>, vector<16xf32>,
        %add3A_454 = arith.constant 64 : i32
        %add3A_455 = arith.addi %add3A_454, %add3A_384 : i32
        %add3A_456 = arith.constant 1 : i32
        %add3A_457 = arith.addi %add3A_455, %add3A_456 : i32
        %swap3A_458 = arith.index_cast %add3A_457 : i32 to index
        %swap3A_459 = arith.constant 112 : index
        %swap3A_460 = tpu.vector_load %arg11[%swap3A_458, %swap3A_459] {strides = array<i32>} : memref<320x128xf32, #tpu.memory_space<vmem>>, vector<16xf32>,
        tpu.vector_store %arg11[%swap3A_458, %swap3A_459], %gather3A_391 {strides = array<i32>} : memref<320x128xf32, #tpu.memory_space<vmem>>, vector<16xf32>,
        %add3A_461 = arith.constant 64 : i32
        %add3A_462 = arith.addi %add3A_461, %add3A_384 : i32
        %add3A_463 = arith.constant 2 : i32
        %add3A_464 = arith.addi %add3A_462, %add3A_463 : i32
        %swap3A_465 = arith.index_cast %add3A_464 : i32 to index
        %swap3A_466 = arith.constant 112 : index
        %swap3A_467 = tpu.vector_load %arg11[%swap3A_465, %swap3A_466] {strides = array<i32>} : memref<320x128xf32, #tpu.memory_space<vmem>>, vector<16xf32>,
        tpu.vector_store %arg11[%swap3A_465, %swap3A_466], %gather3A_395 {strides = array<i32>} : memref<320x128xf32, #tpu.memory_space<vmem>>, vector<16xf32>,
        %add3A_468 = arith.constant 64 : i32
        %add3A_469 = arith.addi %add3A_468, %add3A_384 : i32
        %add3A_470 = arith.constant 3 : i32
        %add3A_471 = arith.addi %add3A_469, %add3A_470 : i32
        %swap3A_472 = arith.index_cast %add3A_471 : i32 to index
        %swap3A_473 = arith.constant 112 : index
        %swap3A_474 = tpu.vector_load %arg11[%swap3A_472, %swap3A_473] {strides = array<i32>} : memref<320x128xf32, #tpu.memory_space<vmem>>, vector<16xf32>,
        tpu.vector_store %arg11[%swap3A_472, %swap3A_473], %gather3A_399 {strides = array<i32>} : memref<320x128xf32, #tpu.memory_space<vmem>>, vector<16xf32>,
        %add3A_475 = arith.constant 64 : i32
        %add3A_476 = arith.addi %add3A_475, %add3A_384 : i32
        %add3A_477 = arith.constant 4 : i32
        %add3A_478 = arith.addi %add3A_476, %add3A_477 : i32
        %swap3A_479 = arith.index_cast %add3A_478 : i32 to index
        %swap3A_480 = arith.constant 112 : index
        %swap3A_481 = tpu.vector_load %arg11[%swap3A_479, %swap3A_480] {strides = array<i32>} : memref<320x128xf32, #tpu.memory_space<vmem>>, vector<16xf32>,
        tpu.vector_store %arg11[%swap3A_479, %swap3A_480], %gather3A_403 {strides = array<i32>} : memref<320x128xf32, #tpu.memory_space<vmem>>, vector<16xf32>,
        %add3A_482 = arith.constant 64 : i32
        %add3A_483 = arith.addi %add3A_482, %add3A_384 : i32
        %add3A_484 = arith.constant 5 : i32
        %add3A_485 = arith.addi %add3A_483, %add3A_484 : i32
        %swap3A_486 = arith.index_cast %add3A_485 : i32 to index
        %swap3A_487 = arith.constant 112 : index
        %swap3A_488 = tpu.vector_load %arg11[%swap3A_486, %swap3A_487] {strides = array<i32>} : memref<320x128xf32, #tpu.memory_space<vmem>>, vector<16xf32>,
        tpu.vector_store %arg11[%swap3A_486, %swap3A_487], %gather3A_407 {strides = array<i32>} : memref<320x128xf32, #tpu.memory_space<vmem>>, vector<16xf32>,
        %add3A_489 = arith.constant 64 : i32
        %add3A_490 = arith.addi %add3A_489, %add3A_384 : i32
        %add3A_491 = arith.constant 6 : i32
        %add3A_492 = arith.addi %add3A_490, %add3A_491 : i32
        %swap3A_493 = arith.index_cast %add3A_492 : i32 to index
        %swap3A_494 = arith.constant 112 : index
        %swap3A_495 = tpu.vector_load %arg11[%swap3A_493, %swap3A_494] {strides = array<i32>} : memref<320x128xf32, #tpu.memory_space<vmem>>, vector<16xf32>,
        tpu.vector_store %arg11[%swap3A_493, %swap3A_494], %gather3A_411 {strides = array<i32>} : memref<320x128xf32, #tpu.memory_space<vmem>>, vector<16xf32>,
        %add3A_496 = arith.constant 64 : i32
        %add3A_497 = arith.addi %add3A_496, %add3A_384 : i32
        %add3A_498 = arith.constant 7 : i32
        %add3A_499 = arith.addi %add3A_497, %add3A_498 : i32
        %swap3A_500 = arith.index_cast %add3A_499 : i32 to index
        %swap3A_501 = arith.constant 112 : index
        %swap3A_502 = tpu.vector_load %arg11[%swap3A_500, %swap3A_501] {strides = array<i32>} : memref<320x128xf32, #tpu.memory_space<vmem>>, vector<16xf32>,
        tpu.vector_store %arg11[%swap3A_500, %swap3A_501], %gather3A_415 {strides = array<i32>} : memref<320x128xf32, #tpu.memory_space<vmem>>, vector<16xf32>,
        %add3A_503 = arith.constant 192 : i32
        %add3A_504 = arith.addi %add3A_503, %add3A_384 : i32
        %add3A_505 = arith.constant 0 : i32
        %add3A_506 = arith.addi %add3A_504, %add3A_505 : i32
        %swap3A_507 = arith.index_cast %add3A_506 : i32 to index
        %swap3A_508 = arith.constant 112 : index
        %swap3A_509 = tpu.vector_load %arg11[%swap3A_507, %swap3A_508] {strides = array<i32>} : memref<320x128xf32, #tpu.memory_space<vmem>>, vector<16xf32>,
        tpu.vector_store %arg11[%swap3A_507, %swap3A_508], %gather3A_419 {strides = array<i32>} : memref<320x128xf32, #tpu.memory_space<vmem>>, vector<16xf32>,
        %add3A_510 = arith.constant 192 : i32
        %add3A_511 = arith.addi %add3A_510, %add3A_384 : i32
        %add3A_512 = arith.constant 1 : i32
        %add3A_513 = arith.addi %add3A_511, %add3A_512 : i32
        %swap3A_514 = arith.index_cast %add3A_513 : i32 to index
        %swap3A_515 = arith.constant 112 : index
        %swap3A_516 = tpu.vector_load %arg11[%swap3A_514, %swap3A_515] {strides = array<i32>} : memref<320x128xf32, #tpu.memory_space<vmem>>, vector<16xf32>,
        tpu.vector_store %arg11[%swap3A_514, %swap3A_515], %gather3A_423 {strides = array<i32>} : memref<320x128xf32, #tpu.memory_space<vmem>>, vector<16xf32>,
        %add3A_517 = arith.constant 192 : i32
        %add3A_518 = arith.addi %add3A_517, %add3A_384 : i32
        %add3A_519 = arith.constant 2 : i32
        %add3A_520 = arith.addi %add3A_518, %add3A_519 : i32
        %swap3A_521 = arith.index_cast %add3A_520 : i32 to index
        %swap3A_522 = arith.constant 112 : index
        %swap3A_523 = tpu.vector_load %arg11[%swap3A_521, %swap3A_522] {strides = array<i32>} : memref<320x128xf32, #tpu.memory_space<vmem>>, vector<16xf32>,
        tpu.vector_store %arg11[%swap3A_521, %swap3A_522], %gather3A_427 {strides = array<i32>} : memref<320x128xf32, #tpu.memory_space<vmem>>, vector<16xf32>,
        %add3A_524 = arith.constant 192 : i32
        %add3A_525 = arith.addi %add3A_524, %add3A_384 : i32
        %add3A_526 = arith.constant 3 : i32
        %add3A_527 = arith.addi %add3A_525, %add3A_526 : i32
        %swap3A_528 = arith.index_cast %add3A_527 : i32 to index
        %swap3A_529 = arith.constant 112 : index
        %swap3A_530 = tpu.vector_load %arg11[%swap3A_528, %swap3A_529] {strides = array<i32>} : memref<320x128xf32, #tpu.memory_space<vmem>>, vector<16xf32>,
        tpu.vector_store %arg11[%swap3A_528, %swap3A_529], %gather3A_431 {strides = array<i32>} : memref<320x128xf32, #tpu.memory_space<vmem>>, vector<16xf32>,
        %add3A_531 = arith.constant 192 : i32
        %add3A_532 = arith.addi %add3A_531, %add3A_384 : i32
        %add3A_533 = arith.constant 4 : i32
        %add3A_534 = arith.addi %add3A_532, %add3A_533 : i32
        %swap3A_535 = arith.index_cast %add3A_534 : i32 to index
        %swap3A_536 = arith.constant 112 : index
        %swap3A_537 = tpu.vector_load %arg11[%swap3A_535, %swap3A_536] {strides = array<i32>} : memref<320x128xf32, #tpu.memory_space<vmem>>, vector<16xf32>,
        tpu.vector_store %arg11[%swap3A_535, %swap3A_536], %gather3A_435 {strides = array<i32>} : memref<320x128xf32, #tpu.memory_space<vmem>>, vector<16xf32>,
        %add3A_538 = arith.constant 192 : i32
        %add3A_539 = arith.addi %add3A_538, %add3A_384 : i32
        %add3A_540 = arith.constant 5 : i32
        %add3A_541 = arith.addi %add3A_539, %add3A_540 : i32
        %swap3A_542 = arith.index_cast %add3A_541 : i32 to index
        %swap3A_543 = arith.constant 112 : index
        %swap3A_544 = tpu.vector_load %arg11[%swap3A_542, %swap3A_543] {strides = array<i32>} : memref<320x128xf32, #tpu.memory_space<vmem>>, vector<16xf32>,
        tpu.vector_store %arg11[%swap3A_542, %swap3A_543], %gather3A_439 {strides = array<i32>} : memref<320x128xf32, #tpu.memory_space<vmem>>, vector<16xf32>,
        %add3A_545 = arith.constant 192 : i32
        %add3A_546 = arith.addi %add3A_545, %add3A_384 : i32
        %add3A_547 = arith.constant 6 : i32
        %add3A_548 = arith.addi %add3A_546, %add3A_547 : i32
        %swap3A_549 = arith.index_cast %add3A_548 : i32 to index
        %swap3A_550 = arith.constant 112 : index
        %swap3A_551 = tpu.vector_load %arg11[%swap3A_549, %swap3A_550] {strides = array<i32>} : memref<320x128xf32, #tpu.memory_space<vmem>>, vector<16xf32>,
        tpu.vector_store %arg11[%swap3A_549, %swap3A_550], %gather3A_443 {strides = array<i32>} : memref<320x128xf32, #tpu.memory_space<vmem>>, vector<16xf32>,
        %add3A_552 = arith.constant 192 : i32
        %add3A_553 = arith.addi %add3A_552, %add3A_384 : i32
        %add3A_554 = arith.constant 7 : i32
        %add3A_555 = arith.addi %add3A_553, %add3A_554 : i32
        %swap3A_556 = arith.index_cast %add3A_555 : i32 to index
        %swap3A_557 = arith.constant 112 : index
        %swap3A_558 = tpu.vector_load %arg11[%swap3A_556, %swap3A_557] {strides = array<i32>} : memref<320x128xf32, #tpu.memory_space<vmem>>, vector<16xf32>,
        tpu.vector_store %arg11[%swap3A_556, %swap3A_557], %gather3A_447 {strides = array<i32>} : memref<320x128xf32, #tpu.memory_space<vmem>>, vector<16xf32>,
        %add3A_559 = arith.constant 120 : i32
        %add3A_560 = vector.broadcast %add3A_559 : i32 to vector<16xi32>
        %add3A_561 = arith.addi %scan3A_379, %add3A_560 : vector<16xi32>
        %add3A_562 = arith.constant 1072 : i32
        %add3A_563 = vector.broadcast %add3A_562 : i32 to vector<16xi32>
        %add3A_564 = arith.addi %scan3A_380, %add3A_563 : vector<16xi32>
        scf.yield %add3A_561, %add3A_564 : vector<16xi32>, vector<16xi32>
      }
      %scan3A_183 = arith.constant 16 : i32
      %dma_wait3A_184 = arith.constant 0 : i32
      %dma_wait3A_185 = arith.constant 0 : i32
      %dma_wait3A_186 = tpu.memref_slice %arg11[%dma_wait3A_184, %dma_wait3A_185] : memref<320x128xf32, #tpu.memory_space<vmem>> -> memref<64x128xf32, #tpu.memory_space<vmem>>
      %dma_wait3A_187 = arith.constant 0 : i32
      %dma_wait3A_188 = tpu.memref_slice %arg2[%add3A_32, %dma_wait3A_187, %mul3A_2] : memref<50x66x4096xf32, #tpu.memory_space<hbm>> -> memref<1x64x128xf32, #tpu.memory_space<hbm>>
      %dma_wait3A_189 = tpu.memref_squeeze %dma_wait3A_188 : memref<1x64x128xf32, #tpu.memory_space<hbm>> -> memref<64x128xf32, #tpu.memory_space<hbm>>
      %dma_wait3A_190 = arith.constant 0 : i32
      %dma_wait3A_191 = arith.constant 0 : i32
      %dma_wait3A_192 = tpu.memref_slice %arg11[%dma_wait3A_190, %dma_wait3A_191] : memref<320x128xf32, #tpu.memory_space<vmem>> -> memref<64x128xf32, #tpu.memory_space<vmem>>
      %dma_wait3A_193 = arith.constant 0 : i32
      %dma_wait3A_194 = tpu.memref_slice %arg2[%add3A_32, %dma_wait3A_193, %mul3A_2] : memref<50x66x4096xf32, #tpu.memory_space<hbm>> -> memref<1x64x128xf32, #tpu.memory_space<hbm>>
      %dma_wait3A_195 = tpu.memref_squeeze %dma_wait3A_194 : memref<1x64x128xf32, #tpu.memory_space<hbm>> -> memref<64x128xf32, #tpu.memory_space<hbm>>
      tpu.wait_dma2 semaphore(%arg15 : memref<!tpu.dma_semaphore, #tpu.memory_space<semaphore_mem>>) src(%dma_wait3A_195 : memref<64x128xf32, #tpu.memory_space<hbm>>) dst(%dma_wait3A_192 : memref<64x128xf32, #tpu.memory_space<vmem>>)
      %dma_start3A_196 = arith.constant 0 : i32
      %dma_start3A_197 = tpu.memref_slice %arg6[%add3A_32, %dma_start3A_196, %mul3A_2] : memref<50x320x4096xf32, #tpu.memory_space<hbm>> -> memref<1x320x128xf32, #tpu.memory_space<hbm>>
      %dma_start3A_198 = tpu.memref_squeeze %dma_start3A_197 : memref<1x320x128xf32, #tpu.memory_space<hbm>> -> memref<320x128xf32, #tpu.memory_space<hbm>>
      %dma_start3A_199 = arith.constant 0 : i32
      %dma_start3A_200 = tpu.memref_slice %arg6[%add3A_32, %dma_start3A_199, %mul3A_2] : memref<50x320x4096xf32, #tpu.memory_space<hbm>> -> memref<1x320x128xf32, #tpu.memory_space<hbm>>
      %dma_start3A_201 = tpu.memref_squeeze %dma_start3A_200 : memref<1x320x128xf32, #tpu.memory_space<hbm>> -> memref<320x128xf32, #tpu.memory_space<hbm>>
      tpu.enqueue_dma source(%arg11 : memref<320x128xf32, #tpu.memory_space<vmem>>) target(%dma_start3A_201 : memref<320x128xf32, #tpu.memory_space<hbm>>) target_semaphore(%arg17 : memref<!tpu.dma_semaphore, #tpu.memory_space<semaphore_mem>>)
      %add3A_202 = arith.constant 1 : i32
      %add3A_203 = arith.addi %add3A_30, %add3A_202 : i32
      %ge3A_204 = arith.constant 2 : i32
      %ge3A_205 = arith.cmpi sge, %add3A_203, %ge3A_204 : i32
      %convert_element_type3A_206 = arith.extui %ge3A_205 : i1 to i32
      %cond3A_207 = arith.constant 0 : i32
      %cond3A_208 = arith.cmpi ne, %convert_element_type3A_206, %cond3A_207 : i32
      scf.if %cond3A_208 {
        %sub3A = arith.constant 2 : i32
        %sub3A_378 = arith.subi %add3A_203, %sub3A : i32
        %dma_wait3A_379 = arith.constant 0 : i32
        %dma_wait3A_380 = tpu.memref_slice %arg6[%sub3A_378, %dma_wait3A_379, %mul3A_2] : memref<50x320x4096xf32, #tpu.memory_space<hbm>> -> memref<1x320x128xf32, #tpu.memory_space<hbm>>
        %dma_wait3A_381 = tpu.memref_squeeze %dma_wait3A_380 : memref<1x320x128xf32, #tpu.memory_space<hbm>> -> memref<320x128xf32, #tpu.memory_space<hbm>>
        %dma_wait3A_382 = arith.constant 0 : i32
        %dma_wait3A_383 = tpu.memref_slice %arg6[%sub3A_378, %dma_wait3A_382, %mul3A_2] : memref<50x320x4096xf32, #tpu.memory_space<hbm>> -> memref<1x320x128xf32, #tpu.memory_space<hbm>>
        %dma_wait3A_384 = tpu.memref_squeeze %dma_wait3A_383 : memref<1x320x128xf32, #tpu.memory_space<hbm>> -> memref<320x128xf32, #tpu.memory_space<hbm>>
        tpu.wait_dma2 semaphore(%arg18 : memref<!tpu.dma_semaphore, #tpu.memory_space<semaphore_mem>>) src(%arg12 : memref<320x128xf32, #tpu.memory_space<vmem>>) dst(%dma_wait3A_384 : memref<320x128xf32, #tpu.memory_space<hbm>>)
      } else {
      }
      %lt3A_209 = arith.constant 49 : i32
      %lt3A_210 = arith.cmpi slt, %add3A_203, %lt3A_209 : i32
      %convert_element_type3A_211 = arith.extui %lt3A_210 : i1 to i32
      %cond3A_212 = arith.constant 0 : i32
      %cond3A_213 = arith.cmpi ne, %convert_element_type3A_211, %cond3A_212 : i32
      scf.if %cond3A_213 {
        %add3A_378 = arith.constant 1 : i32
        %add3A_379 = arith.addi %add3A_203, %add3A_378 : i32
        %dma_start3A_380 = arith.constant 0 : i32
        %dma_start3A_381 = tpu.memref_slice %arg3[%add3A_379, %dma_start3A_380, %mul3A_2] : memref<50x2x4096xf32, #tpu.memory_space<hbm>> -> memref<1x2x128xf32, #tpu.memory_space<hbm>>
        %dma_start3A_382 = tpu.memref_squeeze %dma_start3A_381 : memref<1x2x128xf32, #tpu.memory_space<hbm>> -> memref<2x128xf32, #tpu.memory_space<hbm>>
        %dma_start3A_383 = arith.constant 0 : i32
        %dma_start3A_384 = tpu.memref_slice %arg3[%add3A_379, %dma_start3A_383, %mul3A_2] : memref<50x2x4096xf32, #tpu.memory_space<hbm>> -> memref<1x2x128xf32, #tpu.memory_space<hbm>>
        %dma_start3A_385 = tpu.memref_squeeze %dma_start3A_384 : memref<1x2x128xf32, #tpu.memory_space<hbm>> -> memref<2x128xf32, #tpu.memory_space<hbm>>
        tpu.enqueue_dma source(%dma_start3A_385 : memref<2x128xf32, #tpu.memory_space<hbm>>) target(%arg9 : memref<2x128xf32, #tpu.memory_space<vmem>>) target_semaphore(%arg13 : memref<!tpu.dma_semaphore, #tpu.memory_space<semaphore_mem>>)
      } else {
      }
      %dma_start3A_214 = arith.constant 0 : i32
      %dma_start3A_215 = arith.constant 0 : i32
      %dma_start3A_216 = tpu.memref_slice %arg12[%dma_start3A_214, %dma_start3A_215] : memref<320x128xf32, #tpu.memory_space<vmem>> -> memref<64x128xf32, #tpu.memory_space<vmem>>
      %dma_start3A_217 = arith.constant 0 : i32
      %dma_start3A_218 = tpu.memref_slice %arg2[%add3A_203, %dma_start3A_217, %mul3A_2] : memref<50x66x4096xf32, #tpu.memory_space<hbm>> -> memref<1x64x128xf32, #tpu.memory_space<hbm>>
      %dma_start3A_219 = tpu.memref_squeeze %dma_start3A_218 : memref<1x64x128xf32, #tpu.memory_space<hbm>> -> memref<64x128xf32, #tpu.memory_space<hbm>>
      %dma_start3A_220 = arith.constant 0 : i32
      %dma_start3A_221 = arith.constant 0 : i32
      %dma_start3A_222 = tpu.memref_slice %arg12[%dma_start3A_220, %dma_start3A_221] : memref<320x128xf32, #tpu.memory_space<vmem>> -> memref<64x128xf32, #tpu.memory_space<vmem>>
      %dma_start3A_223 = arith.constant 0 : i32
      %dma_start3A_224 = tpu.memref_slice %arg2[%add3A_203, %dma_start3A_223, %mul3A_2] : memref<50x66x4096xf32, #tpu.memory_space<hbm>> -> memref<1x64x128xf32, #tpu.memory_space<hbm>>
      %dma_start3A_225 = tpu.memref_squeeze %dma_start3A_224 : memref<1x64x128xf32, #tpu.memory_space<hbm>> -> memref<64x128xf32, #tpu.memory_space<hbm>>
      tpu.enqueue_dma source(%dma_start3A_225 : memref<64x128xf32, #tpu.memory_space<hbm>>) target(%dma_start3A_222 : memref<64x128xf32, #tpu.memory_space<vmem>>) target_semaphore(%arg16 : memref<!tpu.dma_semaphore, #tpu.memory_space<semaphore_mem>>)
      %dma_wait3A_226 = arith.constant 0 : i32
      %dma_wait3A_227 = tpu.memref_slice %arg3[%add3A_203, %dma_wait3A_226, %mul3A_2] : memref<50x2x4096xf32, #tpu.memory_space<hbm>> -> memref<1x2x128xf32, #tpu.memory_space<hbm>>
      %dma_wait3A_228 = tpu.memref_squeeze %dma_wait3A_227 : memref<1x2x128xf32, #tpu.memory_space<hbm>> -> memref<2x128xf32, #tpu.memory_space<hbm>>
      %dma_wait3A_229 = arith.constant 0 : i32
      %dma_wait3A_230 = tpu.memref_slice %arg3[%add3A_203, %dma_wait3A_229, %mul3A_2] : memref<50x2x4096xf32, #tpu.memory_space<hbm>> -> memref<1x2x128xf32, #tpu.memory_space<hbm>>
      %dma_wait3A_231 = tpu.memref_squeeze %dma_wait3A_230 : memref<1x2x128xf32, #tpu.memory_space<hbm>> -> memref<2x128xf32, #tpu.memory_space<hbm>>
      tpu.wait_dma2 semaphore(%arg14 : memref<!tpu.dma_semaphore, #tpu.memory_space<semaphore_mem>>) src(%dma_wait3A_231 : memref<2x128xf32, #tpu.memory_space<hbm>>) dst(%arg10 : memref<2x128xf32, #tpu.memory_space<vmem>>)
      %get3A_232 = arith.constant 0 : i32
      %get3A_233 = arith.index_cast %get3A_232 : i32 to index
      %get3A_234 = arith.constant 0 : index
      %get3A_235 = tpu.vector_load %arg10[%get3A_233, %get3A_234] {strides = array<i32>} : memref<2x128xf32, #tpu.memory_space<vmem>>, vector<16xf32>,
      %convert_element_type3A_236 = arith.fptosi %get3A_235 : vector<16xf32> to vector<16xi32>
      %get3A_237 = arith.constant 1 : i32
      %get3A_238 = arith.index_cast %get3A_237 : i32 to index
      %get3A_239 = arith.constant 0 : index
      %get3A_240 = tpu.vector_load %arg10[%get3A_238, %get3A_239] {strides = array<i32>} : memref<2x128xf32, #tpu.memory_space<vmem>>, vector<16xf32>,
      %convert_element_type3A_241 = arith.fptosi %get3A_240 : vector<16xf32> to vector<16xi32>
      %scan3A_242 = arith.constant 0 : i32
      %scan3A_243 = arith.constant 16 : i32
      %scan3A_244 = arith.addi %scan3A_242, %scan3A_243 : i32
      %scan3A_245 = arith.constant 1 : i32
      %scan3A_246:2 = scf.for %scan3A_378 = %scan3A_242 to %scan3A_244 step %scan3A_245 iter_args(%scan3A_379 = %convert_element_type3A_236, %scan3A_380 = %convert_element_type3A_241) -> (vector<16xi32>, vector<16xi32>)  : i32 {
        %mul3A_381 = arith.constant 8 : i32
        %mul3A_382 = arith.muli %scan3A_378, %mul3A_381 : i32
        %add3A_383 = arith.constant 0 : i32
        %add3A_384 = arith.addi %add3A_383, %mul3A_382 : i32
        %add3A_385 = arith.constant 0 : i32
        %add3A_386 = vector.broadcast %add3A_385 : i32 to vector<16xi32>
        %add3A_387 = arith.addi %scan3A_379, %add3A_386 : vector<16xi32>
        %gather3A = tpu.vector_load_idx %arg7[%add3A_387] : memref<1920xf32, #tpu.memory_space<vmem>>[vector<16xi32>], vector<16xf32>,
        %add3A_388 = arith.constant 15 : i32
        %add3A_389 = vector.broadcast %add3A_388 : i32 to vector<16xi32>
        %add3A_390 = arith.addi %scan3A_379, %add3A_389 : vector<16xi32>
        %gather3A_391 = tpu.vector_load_idx %arg7[%add3A_390] : memref<1920xf32, #tpu.memory_space<vmem>>[vector<16xi32>], vector<16xf32>,
        %add3A_392 = arith.constant 30 : i32
        %add3A_393 = vector.broadcast %add3A_392 : i32 to vector<16xi32>
        %add3A_394 = arith.addi %scan3A_379, %add3A_393 : vector<16xi32>
        %gather3A_395 = tpu.vector_load_idx %arg7[%add3A_394] : memref<1920xf32, #tpu.memory_space<vmem>>[vector<16xi32>], vector<16xf32>,
        %add3A_396 = arith.constant 45 : i32
        %add3A_397 = vector.broadcast %add3A_396 : i32 to vector<16xi32>
        %add3A_398 = arith.addi %scan3A_379, %add3A_397 : vector<16xi32>
        %gather3A_399 = tpu.vector_load_idx %arg7[%add3A_398] : memref<1920xf32, #tpu.memory_space<vmem>>[vector<16xi32>], vector<16xf32>,
        %add3A_400 = arith.constant 60 : i32
        %add3A_401 = vector.broadcast %add3A_400 : i32 to vector<16xi32>
        %add3A_402 = arith.addi %scan3A_379, %add3A_401 : vector<16xi32>
        %gather3A_403 = tpu.vector_load_idx %arg7[%add3A_402] : memref<1920xf32, #tpu.memory_space<vmem>>[vector<16xi32>], vector<16xf32>,
        %add3A_404 = arith.constant 75 : i32
        %add3A_405 = vector.broadcast %add3A_404 : i32 to vector<16xi32>
        %add3A_406 = arith.addi %scan3A_379, %add3A_405 : vector<16xi32>
        %gather3A_407 = tpu.vector_load_idx %arg7[%add3A_406] : memref<1920xf32, #tpu.memory_space<vmem>>[vector<16xi32>], vector<16xf32>,
        %add3A_408 = arith.constant 90 : i32
        %add3A_409 = vector.broadcast %add3A_408 : i32 to vector<16xi32>
        %add3A_410 = arith.addi %scan3A_379, %add3A_409 : vector<16xi32>
        %gather3A_411 = tpu.vector_load_idx %arg7[%add3A_410] : memref<1920xf32, #tpu.memory_space<vmem>>[vector<16xi32>], vector<16xf32>,
        %add3A_412 = arith.constant 105 : i32
        %add3A_413 = vector.broadcast %add3A_412 : i32 to vector<16xi32>
        %add3A_414 = arith.addi %scan3A_379, %add3A_413 : vector<16xi32>
        %gather3A_415 = tpu.vector_load_idx %arg7[%add3A_414] : memref<1920xf32, #tpu.memory_space<vmem>>[vector<16xi32>], vector<16xf32>,
        %add3A_416 = arith.constant 0 : i32
        %add3A_417 = vector.broadcast %add3A_416 : i32 to vector<16xi32>
        %add3A_418 = arith.addi %scan3A_380, %add3A_417 : vector<16xi32>
        %gather3A_419 = tpu.vector_load_idx %arg8[%add3A_418] : memref<17152xf32, #tpu.memory_space<vmem>>[vector<16xi32>], vector<16xf32>,
        %add3A_420 = arith.constant 134 : i32
        %add3A_421 = vector.broadcast %add3A_420 : i32 to vector<16xi32>
        %add3A_422 = arith.addi %scan3A_380, %add3A_421 : vector<16xi32>
        %gather3A_423 = tpu.vector_load_idx %arg8[%add3A_422] : memref<17152xf32, #tpu.memory_space<vmem>>[vector<16xi32>], vector<16xf32>,
        %add3A_424 = arith.constant 268 : i32
        %add3A_425 = vector.broadcast %add3A_424 : i32 to vector<16xi32>
        %add3A_426 = arith.addi %scan3A_380, %add3A_425 : vector<16xi32>
        %gather3A_427 = tpu.vector_load_idx %arg8[%add3A_426] : memref<17152xf32, #tpu.memory_space<vmem>>[vector<16xi32>], vector<16xf32>,
        %add3A_428 = arith.constant 402 : i32
        %add3A_429 = vector.broadcast %add3A_428 : i32 to vector<16xi32>
        %add3A_430 = arith.addi %scan3A_380, %add3A_429 : vector<16xi32>
        %gather3A_431 = tpu.vector_load_idx %arg8[%add3A_430] : memref<17152xf32, #tpu.memory_space<vmem>>[vector<16xi32>], vector<16xf32>,
        %add3A_432 = arith.constant 536 : i32
        %add3A_433 = vector.broadcast %add3A_432 : i32 to vector<16xi32>
        %add3A_434 = arith.addi %scan3A_380, %add3A_433 : vector<16xi32>
        %gather3A_435 = tpu.vector_load_idx %arg8[%add3A_434] : memref<17152xf32, #tpu.memory_space<vmem>>[vector<16xi32>], vector<16xf32>,
        %add3A_436 = arith.constant 670 : i32
        %add3A_437 = vector.broadcast %add3A_436 : i32 to vector<16xi32>
        %add3A_438 = arith.addi %scan3A_380, %add3A_437 : vector<16xi32>
        %gather3A_439 = tpu.vector_load_idx %arg8[%add3A_438] : memref<17152xf32, #tpu.memory_space<vmem>>[vector<16xi32>], vector<16xf32>,
        %add3A_440 = arith.constant 804 : i32
        %add3A_441 = vector.broadcast %add3A_440 : i32 to vector<16xi32>
        %add3A_442 = arith.addi %scan3A_380, %add3A_441 : vector<16xi32>
        %gather3A_443 = tpu.vector_load_idx %arg8[%add3A_442] : memref<17152xf32, #tpu.memory_space<vmem>>[vector<16xi32>], vector<16xf32>,
        %add3A_444 = arith.constant 938 : i32
        %add3A_445 = vector.broadcast %add3A_444 : i32 to vector<16xi32>
        %add3A_446 = arith.addi %scan3A_380, %add3A_445 : vector<16xi32>
        %gather3A_447 = tpu.vector_load_idx %arg8[%add3A_446] : memref<17152xf32, #tpu.memory_space<vmem>>[vector<16xi32>], vector<16xf32>,
        %add3A_448 = arith.constant 64 : i32
        %add3A_449 = arith.addi %add3A_448, %add3A_384 : i32
        %add3A_450 = arith.constant 0 : i32
        %add3A_451 = arith.addi %add3A_449, %add3A_450 : i32
        %swap3A = arith.index_cast %add3A_451 : i32 to index
        %swap3A_452 = arith.constant 0 : index
        %swap3A_453 = tpu.vector_load %arg12[%swap3A, %swap3A_452] {strides = array<i32>} : memref<320x128xf32, #tpu.memory_space<vmem>>, vector<16xf32>,
        tpu.vector_store %arg12[%swap3A, %swap3A_452], %gather3A {strides = array<i32>} : memref<320x128xf32, #tpu.memory_space<vmem>>, vector<16xf32>,
        %add3A_454 = arith.constant 64 : i32
        %add3A_455 = arith.addi %add3A_454, %add3A_384 : i32
        %add3A_456 = arith.constant 1 : i32
        %add3A_457 = arith.addi %add3A_455, %add3A_456 : i32
        %swap3A_458 = arith.index_cast %add3A_457 : i32 to index
        %swap3A_459 = arith.constant 0 : index
        %swap3A_460 = tpu.vector_load %arg12[%swap3A_458, %swap3A_459] {strides = array<i32>} : memref<320x128xf32, #tpu.memory_space<vmem>>, vector<16xf32>,
        tpu.vector_store %arg12[%swap3A_458, %swap3A_459], %gather3A_391 {strides = array<i32>} : memref<320x128xf32, #tpu.memory_space<vmem>>, vector<16xf32>,
        %add3A_461 = arith.constant 64 : i32
        %add3A_462 = arith.addi %add3A_461, %add3A_384 : i32
        %add3A_463 = arith.constant 2 : i32
        %add3A_464 = arith.addi %add3A_462, %add3A_463 : i32
        %swap3A_465 = arith.index_cast %add3A_464 : i32 to index
        %swap3A_466 = arith.constant 0 : index
        %swap3A_467 = tpu.vector_load %arg12[%swap3A_465, %swap3A_466] {strides = array<i32>} : memref<320x128xf32, #tpu.memory_space<vmem>>, vector<16xf32>,
        tpu.vector_store %arg12[%swap3A_465, %swap3A_466], %gather3A_395 {strides = array<i32>} : memref<320x128xf32, #tpu.memory_space<vmem>>, vector<16xf32>,
        %add3A_468 = arith.constant 64 : i32
        %add3A_469 = arith.addi %add3A_468, %add3A_384 : i32
        %add3A_470 = arith.constant 3 : i32
        %add3A_471 = arith.addi %add3A_469, %add3A_470 : i32
        %swap3A_472 = arith.index_cast %add3A_471 : i32 to index
        %swap3A_473 = arith.constant 0 : index
        %swap3A_474 = tpu.vector_load %arg12[%swap3A_472, %swap3A_473] {strides = array<i32>} : memref<320x128xf32, #tpu.memory_space<vmem>>, vector<16xf32>,
        tpu.vector_store %arg12[%swap3A_472, %swap3A_473], %gather3A_399 {strides = array<i32>} : memref<320x128xf32, #tpu.memory_space<vmem>>, vector<16xf32>,
        %add3A_475 = arith.constant 64 : i32
        %add3A_476 = arith.addi %add3A_475, %add3A_384 : i32
        %add3A_477 = arith.constant 4 : i32
        %add3A_478 = arith.addi %add3A_476, %add3A_477 : i32
        %swap3A_479 = arith.index_cast %add3A_478 : i32 to index
        %swap3A_480 = arith.constant 0 : index
        %swap3A_481 = tpu.vector_load %arg12[%swap3A_479, %swap3A_480] {strides = array<i32>} : memref<320x128xf32, #tpu.memory_space<vmem>>, vector<16xf32>,
        tpu.vector_store %arg12[%swap3A_479, %swap3A_480], %gather3A_403 {strides = array<i32>} : memref<320x128xf32, #tpu.memory_space<vmem>>, vector<16xf32>,
        %add3A_482 = arith.constant 64 : i32
        %add3A_483 = arith.addi %add3A_482, %add3A_384 : i32
        %add3A_484 = arith.constant 5 : i32
        %add3A_485 = arith.addi %add3A_483, %add3A_484 : i32
        %swap3A_486 = arith.index_cast %add3A_485 : i32 to index
        %swap3A_487 = arith.constant 0 : index
        %swap3A_488 = tpu.vector_load %arg12[%swap3A_486, %swap3A_487] {strides = array<i32>} : memref<320x128xf32, #tpu.memory_space<vmem>>, vector<16xf32>,
        tpu.vector_store %arg12[%swap3A_486, %swap3A_487], %gather3A_407 {strides = array<i32>} : memref<320x128xf32, #tpu.memory_space<vmem>>, vector<16xf32>,
        %add3A_489 = arith.constant 64 : i32
        %add3A_490 = arith.addi %add3A_489, %add3A_384 : i32
        %add3A_491 = arith.constant 6 : i32
        %add3A_492 = arith.addi %add3A_490, %add3A_491 : i32
        %swap3A_493 = arith.index_cast %add3A_492 : i32 to index
        %swap3A_494 = arith.constant 0 : index
        %swap3A_495 = tpu.vector_load %arg12[%swap3A_493, %swap3A_494] {strides = array<i32>} : memref<320x128xf32, #tpu.memory_space<vmem>>, vector<16xf32>,
        tpu.vector_store %arg12[%swap3A_493, %swap3A_494], %gather3A_411 {strides = array<i32>} : memref<320x128xf32, #tpu.memory_space<vmem>>, vector<16xf32>,
        %add3A_496 = arith.constant 64 : i32
        %add3A_497 = arith.addi %add3A_496, %add3A_384 : i32
        %add3A_498 = arith.constant 7 : i32
        %add3A_499 = arith.addi %add3A_497, %add3A_498 : i32
        %swap3A_500 = arith.index_cast %add3A_499 : i32 to index
        %swap3A_501 = arith.constant 0 : index
        %swap3A_502 = tpu.vector_load %arg12[%swap3A_500, %swap3A_501] {strides = array<i32>} : memref<320x128xf32, #tpu.memory_space<vmem>>, vector<16xf32>,
        tpu.vector_store %arg12[%swap3A_500, %swap3A_501], %gather3A_415 {strides = array<i32>} : memref<320x128xf32, #tpu.memory_space<vmem>>, vector<16xf32>,
        %add3A_503 = arith.constant 192 : i32
        %add3A_504 = arith.addi %add3A_503, %add3A_384 : i32
        %add3A_505 = arith.constant 0 : i32
        %add3A_506 = arith.addi %add3A_504, %add3A_505 : i32
        %swap3A_507 = arith.index_cast %add3A_506 : i32 to index
        %swap3A_508 = arith.constant 0 : index
        %swap3A_509 = tpu.vector_load %arg12[%swap3A_507, %swap3A_508] {strides = array<i32>} : memref<320x128xf32, #tpu.memory_space<vmem>>, vector<16xf32>,
        tpu.vector_store %arg12[%swap3A_507, %swap3A_508], %gather3A_419 {strides = array<i32>} : memref<320x128xf32, #tpu.memory_space<vmem>>, vector<16xf32>,
        %add3A_510 = arith.constant 192 : i32
        %add3A_511 = arith.addi %add3A_510, %add3A_384 : i32
        %add3A_512 = arith.constant 1 : i32
        %add3A_513 = arith.addi %add3A_511, %add3A_512 : i32
        %swap3A_514 = arith.index_cast %add3A_513 : i32 to index
        %swap3A_515 = arith.constant 0 : index
        %swap3A_516 = tpu.vector_load %arg12[%swap3A_514, %swap3A_515] {strides = array<i32>} : memref<320x128xf32, #tpu.memory_space<vmem>>, vector<16xf32>,
        tpu.vector_store %arg12[%swap3A_514, %swap3A_515], %gather3A_423 {strides = array<i32>} : memref<320x128xf32, #tpu.memory_space<vmem>>, vector<16xf32>,
        %add3A_517 = arith.constant 192 : i32
        %add3A_518 = arith.addi %add3A_517, %add3A_384 : i32
        %add3A_519 = arith.constant 2 : i32
        %add3A_520 = arith.addi %add3A_518, %add3A_519 : i32
        %swap3A_521 = arith.index_cast %add3A_520 : i32 to index
        %swap3A_522 = arith.constant 0 : index
        %swap3A_523 = tpu.vector_load %arg12[%swap3A_521, %swap3A_522] {strides = array<i32>} : memref<320x128xf32, #tpu.memory_space<vmem>>, vector<16xf32>,
        tpu.vector_store %arg12[%swap3A_521, %swap3A_522], %gather3A_427 {strides = array<i32>} : memref<320x128xf32, #tpu.memory_space<vmem>>, vector<16xf32>,
        %add3A_524 = arith.constant 192 : i32
        %add3A_525 = arith.addi %add3A_524, %add3A_384 : i32
        %add3A_526 = arith.constant 3 : i32
        %add3A_527 = arith.addi %add3A_525, %add3A_526 : i32
        %swap3A_528 = arith.index_cast %add3A_527 : i32 to index
        %swap3A_529 = arith.constant 0 : index
        %swap3A_530 = tpu.vector_load %arg12[%swap3A_528, %swap3A_529] {strides = array<i32>} : memref<320x128xf32, #tpu.memory_space<vmem>>, vector<16xf32>,
        tpu.vector_store %arg12[%swap3A_528, %swap3A_529], %gather3A_431 {strides = array<i32>} : memref<320x128xf32, #tpu.memory_space<vmem>>, vector<16xf32>,
        %add3A_531 = arith.constant 192 : i32
        %add3A_532 = arith.addi %add3A_531, %add3A_384 : i32
        %add3A_533 = arith.constant 4 : i32
        %add3A_534 = arith.addi %add3A_532, %add3A_533 : i32
        %swap3A_535 = arith.index_cast %add3A_534 : i32 to index
        %swap3A_536 = arith.constant 0 : index
        %swap3A_537 = tpu.vector_load %arg12[%swap3A_535, %swap3A_536] {strides = array<i32>} : memref<320x128xf32, #tpu.memory_space<vmem>>, vector<16xf32>,
        tpu.vector_store %arg12[%swap3A_535, %swap3A_536], %gather3A_435 {strides = array<i32>} : memref<320x128xf32, #tpu.memory_space<vmem>>, vector<16xf32>,
        %add3A_538 = arith.constant 192 : i32
        %add3A_539 = arith.addi %add3A_538, %add3A_384 : i32
        %add3A_540 = arith.constant 5 : i32
        %add3A_541 = arith.addi %add3A_539, %add3A_540 : i32
        %swap3A_542 = arith.index_cast %add3A_541 : i32 to index
        %swap3A_543 = arith.constant 0 : index
        %swap3A_544 = tpu.vector_load %arg12[%swap3A_542, %swap3A_543] {strides = array<i32>} : memref<320x128xf32, #tpu.memory_space<vmem>>, vector<16xf32>,
        tpu.vector_store %arg12[%swap3A_542, %swap3A_543], %gather3A_439 {strides = array<i32>} : memref<320x128xf32, #tpu.memory_space<vmem>>, vector<16xf32>,
        %add3A_545 = arith.constant 192 : i32
        %add3A_546 = arith.addi %add3A_545, %add3A_384 : i32
        %add3A_547 = arith.constant 6 : i32
        %add3A_548 = arith.addi %add3A_546, %add3A_547 : i32
        %swap3A_549 = arith.index_cast %add3A_548 : i32 to index
        %swap3A_550 = arith.constant 0 : index
        %swap3A_551 = tpu.vector_load %arg12[%swap3A_549, %swap3A_550] {strides = array<i32>} : memref<320x128xf32, #tpu.memory_space<vmem>>, vector<16xf32>,
        tpu.vector_store %arg12[%swap3A_549, %swap3A_550], %gather3A_443 {strides = array<i32>} : memref<320x128xf32, #tpu.memory_space<vmem>>, vector<16xf32>,
        %add3A_552 = arith.constant 192 : i32
        %add3A_553 = arith.addi %add3A_552, %add3A_384 : i32
        %add3A_554 = arith.constant 7 : i32
        %add3A_555 = arith.addi %add3A_553, %add3A_554 : i32
        %swap3A_556 = arith.index_cast %add3A_555 : i32 to index
        %swap3A_557 = arith.constant 0 : index
        %swap3A_558 = tpu.vector_load %arg12[%swap3A_556, %swap3A_557] {strides = array<i32>} : memref<320x128xf32, #tpu.memory_space<vmem>>, vector<16xf32>,
        tpu.vector_store %arg12[%swap3A_556, %swap3A_557], %gather3A_447 {strides = array<i32>} : memref<320x128xf32, #tpu.memory_space<vmem>>, vector<16xf32>,
        %add3A_559 = arith.constant 120 : i32
        %add3A_560 = vector.broadcast %add3A_559 : i32 to vector<16xi32>
        %add3A_561 = arith.addi %scan3A_379, %add3A_560 : vector<16xi32>
        %add3A_562 = arith.constant 1072 : i32
        %add3A_563 = vector.broadcast %add3A_562 : i32 to vector<16xi32>
        %add3A_564 = arith.addi %scan3A_380, %add3A_563 : vector<16xi32>
        scf.yield %add3A_561, %add3A_564 : vector<16xi32>, vector<16xi32>
      }
      %scan3A_247 = arith.constant 16 : i32
      %get3A_248 = arith.constant 0 : i32
      %get3A_249 = arith.index_cast %get3A_248 : i32 to index
      %get3A_250 = arith.constant 16 : index
      %get3A_251 = tpu.vector_load %arg10[%get3A_249, %get3A_250] {strides = array<i32>} : memref<2x128xf32, #tpu.memory_space<vmem>>, vector<16xf32>,
      %convert_element_type3A_252 = arith.fptosi %get3A_251 : vector<16xf32> to vector<16xi32>
      %get3A_253 = arith.constant 1 : i32
      %get3A_254 = arith.index_cast %get3A_253 : i32 to index
      %get3A_255 = arith.constant 16 : index
      %get3A_256 = tpu.vector_load %arg10[%get3A_254, %get3A_255] {strides = array<i32>} : memref<2x128xf32, #tpu.memory_space<vmem>>, vector<16xf32>,
      %convert_element_type3A_257 = arith.fptosi %get3A_256 : vector<16xf32> to vector<16xi32>
      %scan3A_258 = arith.constant 0 : i32
      %scan3A_259 = arith.constant 16 : i32
      %scan3A_260 = arith.addi %scan3A_258, %scan3A_259 : i32
      %scan3A_261 = arith.constant 1 : i32
      %scan3A_262:2 = scf.for %scan3A_378 = %scan3A_258 to %scan3A_260 step %scan3A_261 iter_args(%scan3A_379 = %convert_element_type3A_252, %scan3A_380 = %convert_element_type3A_257) -> (vector<16xi32>, vector<16xi32>)  : i32 {
        %mul3A_381 = arith.constant 8 : i32
        %mul3A_382 = arith.muli %scan3A_378, %mul3A_381 : i32
        %add3A_383 = arith.constant 0 : i32
        %add3A_384 = arith.addi %add3A_383, %mul3A_382 : i32
        %add3A_385 = arith.constant 0 : i32
        %add3A_386 = vector.broadcast %add3A_385 : i32 to vector<16xi32>
        %add3A_387 = arith.addi %scan3A_379, %add3A_386 : vector<16xi32>
        %gather3A = tpu.vector_load_idx %arg7[%add3A_387] : memref<1920xf32, #tpu.memory_space<vmem>>[vector<16xi32>], vector<16xf32>,
        %add3A_388 = arith.constant 15 : i32
        %add3A_389 = vector.broadcast %add3A_388 : i32 to vector<16xi32>
        %add3A_390 = arith.addi %scan3A_379, %add3A_389 : vector<16xi32>
        %gather3A_391 = tpu.vector_load_idx %arg7[%add3A_390] : memref<1920xf32, #tpu.memory_space<vmem>>[vector<16xi32>], vector<16xf32>,
        %add3A_392 = arith.constant 30 : i32
        %add3A_393 = vector.broadcast %add3A_392 : i32 to vector<16xi32>
        %add3A_394 = arith.addi %scan3A_379, %add3A_393 : vector<16xi32>
        %gather3A_395 = tpu.vector_load_idx %arg7[%add3A_394] : memref<1920xf32, #tpu.memory_space<vmem>>[vector<16xi32>], vector<16xf32>,
        %add3A_396 = arith.constant 45 : i32
        %add3A_397 = vector.broadcast %add3A_396 : i32 to vector<16xi32>
        %add3A_398 = arith.addi %scan3A_379, %add3A_397 : vector<16xi32>
        %gather3A_399 = tpu.vector_load_idx %arg7[%add3A_398] : memref<1920xf32, #tpu.memory_space<vmem>>[vector<16xi32>], vector<16xf32>,
        %add3A_400 = arith.constant 60 : i32
        %add3A_401 = vector.broadcast %add3A_400 : i32 to vector<16xi32>
        %add3A_402 = arith.addi %scan3A_379, %add3A_401 : vector<16xi32>
        %gather3A_403 = tpu.vector_load_idx %arg7[%add3A_402] : memref<1920xf32, #tpu.memory_space<vmem>>[vector<16xi32>], vector<16xf32>,
        %add3A_404 = arith.constant 75 : i32
        %add3A_405 = vector.broadcast %add3A_404 : i32 to vector<16xi32>
        %add3A_406 = arith.addi %scan3A_379, %add3A_405 : vector<16xi32>
        %gather3A_407 = tpu.vector_load_idx %arg7[%add3A_406] : memref<1920xf32, #tpu.memory_space<vmem>>[vector<16xi32>], vector<16xf32>,
        %add3A_408 = arith.constant 90 : i32
        %add3A_409 = vector.broadcast %add3A_408 : i32 to vector<16xi32>
        %add3A_410 = arith.addi %scan3A_379, %add3A_409 : vector<16xi32>
        %gather3A_411 = tpu.vector_load_idx %arg7[%add3A_410] : memref<1920xf32, #tpu.memory_space<vmem>>[vector<16xi32>], vector<16xf32>,
        %add3A_412 = arith.constant 105 : i32
        %add3A_413 = vector.broadcast %add3A_412 : i32 to vector<16xi32>
        %add3A_414 = arith.addi %scan3A_379, %add3A_413 : vector<16xi32>
        %gather3A_415 = tpu.vector_load_idx %arg7[%add3A_414] : memref<1920xf32, #tpu.memory_space<vmem>>[vector<16xi32>], vector<16xf32>,
        %add3A_416 = arith.constant 0 : i32
        %add3A_417 = vector.broadcast %add3A_416 : i32 to vector<16xi32>
        %add3A_418 = arith.addi %scan3A_380, %add3A_417 : vector<16xi32>
        %gather3A_419 = tpu.vector_load_idx %arg8[%add3A_418] : memref<17152xf32, #tpu.memory_space<vmem>>[vector<16xi32>], vector<16xf32>,
        %add3A_420 = arith.constant 134 : i32
        %add3A_421 = vector.broadcast %add3A_420 : i32 to vector<16xi32>
        %add3A_422 = arith.addi %scan3A_380, %add3A_421 : vector<16xi32>
        %gather3A_423 = tpu.vector_load_idx %arg8[%add3A_422] : memref<17152xf32, #tpu.memory_space<vmem>>[vector<16xi32>], vector<16xf32>,
        %add3A_424 = arith.constant 268 : i32
        %add3A_425 = vector.broadcast %add3A_424 : i32 to vector<16xi32>
        %add3A_426 = arith.addi %scan3A_380, %add3A_425 : vector<16xi32>
        %gather3A_427 = tpu.vector_load_idx %arg8[%add3A_426] : memref<17152xf32, #tpu.memory_space<vmem>>[vector<16xi32>], vector<16xf32>,
        %add3A_428 = arith.constant 402 : i32
        %add3A_429 = vector.broadcast %add3A_428 : i32 to vector<16xi32>
        %add3A_430 = arith.addi %scan3A_380, %add3A_429 : vector<16xi32>
        %gather3A_431 = tpu.vector_load_idx %arg8[%add3A_430] : memref<17152xf32, #tpu.memory_space<vmem>>[vector<16xi32>], vector<16xf32>,
        %add3A_432 = arith.constant 536 : i32
        %add3A_433 = vector.broadcast %add3A_432 : i32 to vector<16xi32>
        %add3A_434 = arith.addi %scan3A_380, %add3A_433 : vector<16xi32>
        %gather3A_435 = tpu.vector_load_idx %arg8[%add3A_434] : memref<17152xf32, #tpu.memory_space<vmem>>[vector<16xi32>], vector<16xf32>,
        %add3A_436 = arith.constant 670 : i32
        %add3A_437 = vector.broadcast %add3A_436 : i32 to vector<16xi32>
        %add3A_438 = arith.addi %scan3A_380, %add3A_437 : vector<16xi32>
        %gather3A_439 = tpu.vector_load_idx %arg8[%add3A_438] : memref<17152xf32, #tpu.memory_space<vmem>>[vector<16xi32>], vector<16xf32>,
        %add3A_440 = arith.constant 804 : i32
        %add3A_441 = vector.broadcast %add3A_440 : i32 to vector<16xi32>
        %add3A_442 = arith.addi %scan3A_380, %add3A_441 : vector<16xi32>
        %gather3A_443 = tpu.vector_load_idx %arg8[%add3A_442] : memref<17152xf32, #tpu.memory_space<vmem>>[vector<16xi32>], vector<16xf32>,
        %add3A_444 = arith.constant 938 : i32
        %add3A_445 = vector.broadcast %add3A_444 : i32 to vector<16xi32>
        %add3A_446 = arith.addi %scan3A_380, %add3A_445 : vector<16xi32>
        %gather3A_447 = tpu.vector_load_idx %arg8[%add3A_446] : memref<17152xf32, #tpu.memory_space<vmem>>[vector<16xi32>], vector<16xf32>,
        %add3A_448 = arith.constant 64 : i32
        %add3A_449 = arith.addi %add3A_448, %add3A_384 : i32
        %add3A_450 = arith.constant 0 : i32
        %add3A_451 = arith.addi %add3A_449, %add3A_450 : i32
        %swap3A = arith.index_cast %add3A_451 : i32 to index
        %swap3A_452 = arith.constant 16 : index
        %swap3A_453 = tpu.vector_load %arg12[%swap3A, %swap3A_452] {strides = array<i32>} : memref<320x128xf32, #tpu.memory_space<vmem>>, vector<16xf32>,
        tpu.vector_store %arg12[%swap3A, %swap3A_452], %gather3A {strides = array<i32>} : memref<320x128xf32, #tpu.memory_space<vmem>>, vector<16xf32>,
        %add3A_454 = arith.constant 64 : i32
        %add3A_455 = arith.addi %add3A_454, %add3A_384 : i32
        %add3A_456 = arith.constant 1 : i32
        %add3A_457 = arith.addi %add3A_455, %add3A_456 : i32
        %swap3A_458 = arith.index_cast %add3A_457 : i32 to index
        %swap3A_459 = arith.constant 16 : index
        %swap3A_460 = tpu.vector_load %arg12[%swap3A_458, %swap3A_459] {strides = array<i32>} : memref<320x128xf32, #tpu.memory_space<vmem>>, vector<16xf32>,
        tpu.vector_store %arg12[%swap3A_458, %swap3A_459], %gather3A_391 {strides = array<i32>} : memref<320x128xf32, #tpu.memory_space<vmem>>, vector<16xf32>,
        %add3A_461 = arith.constant 64 : i32
        %add3A_462 = arith.addi %add3A_461, %add3A_384 : i32
        %add3A_463 = arith.constant 2 : i32
        %add3A_464 = arith.addi %add3A_462, %add3A_463 : i32
        %swap3A_465 = arith.index_cast %add3A_464 : i32 to index
        %swap3A_466 = arith.constant 16 : index
        %swap3A_467 = tpu.vector_load %arg12[%swap3A_465, %swap3A_466] {strides = array<i32>} : memref<320x128xf32, #tpu.memory_space<vmem>>, vector<16xf32>,
        tpu.vector_store %arg12[%swap3A_465, %swap3A_466], %gather3A_395 {strides = array<i32>} : memref<320x128xf32, #tpu.memory_space<vmem>>, vector<16xf32>,
        %add3A_468 = arith.constant 64 : i32
        %add3A_469 = arith.addi %add3A_468, %add3A_384 : i32
        %add3A_470 = arith.constant 3 : i32
        %add3A_471 = arith.addi %add3A_469, %add3A_470 : i32
        %swap3A_472 = arith.index_cast %add3A_471 : i32 to index
        %swap3A_473 = arith.constant 16 : index
        %swap3A_474 = tpu.vector_load %arg12[%swap3A_472, %swap3A_473] {strides = array<i32>} : memref<320x128xf32, #tpu.memory_space<vmem>>, vector<16xf32>,
        tpu.vector_store %arg12[%swap3A_472, %swap3A_473], %gather3A_399 {strides = array<i32>} : memref<320x128xf32, #tpu.memory_space<vmem>>, vector<16xf32>,
        %add3A_475 = arith.constant 64 : i32
        %add3A_476 = arith.addi %add3A_475, %add3A_384 : i32
        %add3A_477 = arith.constant 4 : i32
        %add3A_478 = arith.addi %add3A_476, %add3A_477 : i32
        %swap3A_479 = arith.index_cast %add3A_478 : i32 to index
        %swap3A_480 = arith.constant 16 : index
        %swap3A_481 = tpu.vector_load %arg12[%swap3A_479, %swap3A_480] {strides = array<i32>} : memref<320x128xf32, #tpu.memory_space<vmem>>, vector<16xf32>,
        tpu.vector_store %arg12[%swap3A_479, %swap3A_480], %gather3A_403 {strides = array<i32>} : memref<320x128xf32, #tpu.memory_space<vmem>>, vector<16xf32>,
        %add3A_482 = arith.constant 64 : i32
        %add3A_483 = arith.addi %add3A_482, %add3A_384 : i32
        %add3A_484 = arith.constant 5 : i32
        %add3A_485 = arith.addi %add3A_483, %add3A_484 : i32
        %swap3A_486 = arith.index_cast %add3A_485 : i32 to index
        %swap3A_487 = arith.constant 16 : index
        %swap3A_488 = tpu.vector_load %arg12[%swap3A_486, %swap3A_487] {strides = array<i32>} : memref<320x128xf32, #tpu.memory_space<vmem>>, vector<16xf32>,
        tpu.vector_store %arg12[%swap3A_486, %swap3A_487], %gather3A_407 {strides = array<i32>} : memref<320x128xf32, #tpu.memory_space<vmem>>, vector<16xf32>,
        %add3A_489 = arith.constant 64 : i32
        %add3A_490 = arith.addi %add3A_489, %add3A_384 : i32
        %add3A_491 = arith.constant 6 : i32
        %add3A_492 = arith.addi %add3A_490, %add3A_491 : i32
        %swap3A_493 = arith.index_cast %add3A_492 : i32 to index
        %swap3A_494 = arith.constant 16 : index
        %swap3A_495 = tpu.vector_load %arg12[%swap3A_493, %swap3A_494] {strides = array<i32>} : memref<320x128xf32, #tpu.memory_space<vmem>>, vector<16xf32>,
        tpu.vector_store %arg12[%swap3A_493, %swap3A_494], %gather3A_411 {strides = array<i32>} : memref<320x128xf32, #tpu.memory_space<vmem>>, vector<16xf32>,
        %add3A_496 = arith.constant 64 : i32
        %add3A_497 = arith.addi %add3A_496, %add3A_384 : i32
        %add3A_498 = arith.constant 7 : i32
        %add3A_499 = arith.addi %add3A_497, %add3A_498 : i32
        %swap3A_500 = arith.index_cast %add3A_499 : i32 to index
        %swap3A_501 = arith.constant 16 : index
        %swap3A_502 = tpu.vector_load %arg12[%swap3A_500, %swap3A_501] {strides = array<i32>} : memref<320x128xf32, #tpu.memory_space<vmem>>, vector<16xf32>,
        tpu.vector_store %arg12[%swap3A_500, %swap3A_501], %gather3A_415 {strides = array<i32>} : memref<320x128xf32, #tpu.memory_space<vmem>>, vector<16xf32>,
        %add3A_503 = arith.constant 192 : i32
        %add3A_504 = arith.addi %add3A_503, %add3A_384 : i32
        %add3A_505 = arith.constant 0 : i32
        %add3A_506 = arith.addi %add3A_504, %add3A_505 : i32
        %swap3A_507 = arith.index_cast %add3A_506 : i32 to index
        %swap3A_508 = arith.constant 16 : index
        %swap3A_509 = tpu.vector_load %arg12[%swap3A_507, %swap3A_508] {strides = array<i32>} : memref<320x128xf32, #tpu.memory_space<vmem>>, vector<16xf32>,
        tpu.vector_store %arg12[%swap3A_507, %swap3A_508], %gather3A_419 {strides = array<i32>} : memref<320x128xf32, #tpu.memory_space<vmem>>, vector<16xf32>,
        %add3A_510 = arith.constant 192 : i32
        %add3A_511 = arith.addi %add3A_510, %add3A_384 : i32
        %add3A_512 = arith.constant 1 : i32
        %add3A_513 = arith.addi %add3A_511, %add3A_512 : i32
        %swap3A_514 = arith.index_cast %add3A_513 : i32 to index
        %swap3A_515 = arith.constant 16 : index
        %swap3A_516 = tpu.vector_load %arg12[%swap3A_514, %swap3A_515] {strides = array<i32>} : memref<320x128xf32, #tpu.memory_space<vmem>>, vector<16xf32>,
        tpu.vector_store %arg12[%swap3A_514, %swap3A_515], %gather3A_423 {strides = array<i32>} : memref<320x128xf32, #tpu.memory_space<vmem>>, vector<16xf32>,
        %add3A_517 = arith.constant 192 : i32
        %add3A_518 = arith.addi %add3A_517, %add3A_384 : i32
        %add3A_519 = arith.constant 2 : i32
        %add3A_520 = arith.addi %add3A_518, %add3A_519 : i32
        %swap3A_521 = arith.index_cast %add3A_520 : i32 to index
        %swap3A_522 = arith.constant 16 : index
        %swap3A_523 = tpu.vector_load %arg12[%swap3A_521, %swap3A_522] {strides = array<i32>} : memref<320x128xf32, #tpu.memory_space<vmem>>, vector<16xf32>,
        tpu.vector_store %arg12[%swap3A_521, %swap3A_522], %gather3A_427 {strides = array<i32>} : memref<320x128xf32, #tpu.memory_space<vmem>>, vector<16xf32>,
        %add3A_524 = arith.constant 192 : i32
        %add3A_525 = arith.addi %add3A_524, %add3A_384 : i32
        %add3A_526 = arith.constant 3 : i32
        %add3A_527 = arith.addi %add3A_525, %add3A_526 : i32
        %swap3A_528 = arith.index_cast %add3A_527 : i32 to index
        %swap3A_529 = arith.constant 16 : index
        %swap3A_530 = tpu.vector_load %arg12[%swap3A_528, %swap3A_529] {strides = array<i32>} : memref<320x128xf32, #tpu.memory_space<vmem>>, vector<16xf32>,
        tpu.vector_store %arg12[%swap3A_528, %swap3A_529], %gather3A_431 {strides = array<i32>} : memref<320x128xf32, #tpu.memory_space<vmem>>, vector<16xf32>,
        %add3A_531 = arith.constant 192 : i32
        %add3A_532 = arith.addi %add3A_531, %add3A_384 : i32
        %add3A_533 = arith.constant 4 : i32
        %add3A_534 = arith.addi %add3A_532, %add3A_533 : i32
        %swap3A_535 = arith.index_cast %add3A_534 : i32 to index
        %swap3A_536 = arith.constant 16 : index
        %swap3A_537 = tpu.vector_load %arg12[%swap3A_535, %swap3A_536] {strides = array<i32>} : memref<320x128xf32, #tpu.memory_space<vmem>>, vector<16xf32>,
        tpu.vector_store %arg12[%swap3A_535, %swap3A_536], %gather3A_435 {strides = array<i32>} : memref<320x128xf32, #tpu.memory_space<vmem>>, vector<16xf32>,
        %add3A_538 = arith.constant 192 : i32
        %add3A_539 = arith.addi %add3A_538, %add3A_384 : i32
        %add3A_540 = arith.constant 5 : i32
        %add3A_541 = arith.addi %add3A_539, %add3A_540 : i32
        %swap3A_542 = arith.index_cast %add3A_541 : i32 to index
        %swap3A_543 = arith.constant 16 : index
        %swap3A_544 = tpu.vector_load %arg12[%swap3A_542, %swap3A_543] {strides = array<i32>} : memref<320x128xf32, #tpu.memory_space<vmem>>, vector<16xf32>,
        tpu.vector_store %arg12[%swap3A_542, %swap3A_543], %gather3A_439 {strides = array<i32>} : memref<320x128xf32, #tpu.memory_space<vmem>>, vector<16xf32>,
        %add3A_545 = arith.constant 192 : i32
        %add3A_546 = arith.addi %add3A_545, %add3A_384 : i32
        %add3A_547 = arith.constant 6 : i32
        %add3A_548 = arith.addi %add3A_546, %add3A_547 : i32
        %swap3A_549 = arith.index_cast %add3A_548 : i32 to index
        %swap3A_550 = arith.constant 16 : index
        %swap3A_551 = tpu.vector_load %arg12[%swap3A_549, %swap3A_550] {strides = array<i32>} : memref<320x128xf32, #tpu.memory_space<vmem>>, vector<16xf32>,
        tpu.vector_store %arg12[%swap3A_549, %swap3A_550], %gather3A_443 {strides = array<i32>} : memref<320x128xf32, #tpu.memory_space<vmem>>, vector<16xf32>,
        %add3A_552 = arith.constant 192 : i32
        %add3A_553 = arith.addi %add3A_552, %add3A_384 : i32
        %add3A_554 = arith.constant 7 : i32
        %add3A_555 = arith.addi %add3A_553, %add3A_554 : i32
        %swap3A_556 = arith.index_cast %add3A_555 : i32 to index
        %swap3A_557 = arith.constant 16 : index
        %swap3A_558 = tpu.vector_load %arg12[%swap3A_556, %swap3A_557] {strides = array<i32>} : memref<320x128xf32, #tpu.memory_space<vmem>>, vector<16xf32>,
        tpu.vector_store %arg12[%swap3A_556, %swap3A_557], %gather3A_447 {strides = array<i32>} : memref<320x128xf32, #tpu.memory_space<vmem>>, vector<16xf32>,
        %add3A_559 = arith.constant 120 : i32
        %add3A_560 = vector.broadcast %add3A_559 : i32 to vector<16xi32>
        %add3A_561 = arith.addi %scan3A_379, %add3A_560 : vector<16xi32>
        %add3A_562 = arith.constant 1072 : i32
        %add3A_563 = vector.broadcast %add3A_562 : i32 to vector<16xi32>
        %add3A_564 = arith.addi %scan3A_380, %add3A_563 : vector<16xi32>
        scf.yield %add3A_561, %add3A_564 : vector<16xi32>, vector<16xi32>
      }
      %scan3A_263 = arith.constant 16 : i32
      %get3A_264 = arith.constant 0 : i32
      %get3A_265 = arith.index_cast %get3A_264 : i32 to index
      %get3A_266 = arith.constant 32 : index
      %get3A_267 = tpu.vector_load %arg10[%get3A_265, %get3A_266] {strides = array<i32>} : memref<2x128xf32, #tpu.memory_space<vmem>>, vector<16xf32>,
      %convert_element_type3A_268 = arith.fptosi %get3A_267 : vector<16xf32> to vector<16xi32>
      %get3A_269 = arith.constant 1 : i32
      %get3A_270 = arith.index_cast %get3A_269 : i32 to index
      %get3A_271 = arith.constant 32 : index
      %get3A_272 = tpu.vector_load %arg10[%get3A_270, %get3A_271] {strides = array<i32>} : memref<2x128xf32, #tpu.memory_space<vmem>>, vector<16xf32>,
      %convert_element_type3A_273 = arith.fptosi %get3A_272 : vector<16xf32> to vector<16xi32>
      %scan3A_274 = arith.constant 0 : i32
      %scan3A_275 = arith.constant 16 : i32
      %scan3A_276 = arith.addi %scan3A_274, %scan3A_275 : i32
      %scan3A_277 = arith.constant 1 : i32
      %scan3A_278:2 = scf.for %scan3A_378 = %scan3A_274 to %scan3A_276 step %scan3A_277 iter_args(%scan3A_379 = %convert_element_type3A_268, %scan3A_380 = %convert_element_type3A_273) -> (vector<16xi32>, vector<16xi32>)  : i32 {
        %mul3A_381 = arith.constant 8 : i32
        %mul3A_382 = arith.muli %scan3A_378, %mul3A_381 : i32
        %add3A_383 = arith.constant 0 : i32
        %add3A_384 = arith.addi %add3A_383, %mul3A_382 : i32
        %add3A_385 = arith.constant 0 : i32
        %add3A_386 = vector.broadcast %add3A_385 : i32 to vector<16xi32>
        %add3A_387 = arith.addi %scan3A_379, %add3A_386 : vector<16xi32>
        %gather3A = tpu.vector_load_idx %arg7[%add3A_387] : memref<1920xf32, #tpu.memory_space<vmem>>[vector<16xi32>], vector<16xf32>,
        %add3A_388 = arith.constant 15 : i32
        %add3A_389 = vector.broadcast %add3A_388 : i32 to vector<16xi32>
        %add3A_390 = arith.addi %scan3A_379, %add3A_389 : vector<16xi32>
        %gather3A_391 = tpu.vector_load_idx %arg7[%add3A_390] : memref<1920xf32, #tpu.memory_space<vmem>>[vector<16xi32>], vector<16xf32>,
        %add3A_392 = arith.constant 30 : i32
        %add3A_393 = vector.broadcast %add3A_392 : i32 to vector<16xi32>
        %add3A_394 = arith.addi %scan3A_379, %add3A_393 : vector<16xi32>
        %gather3A_395 = tpu.vector_load_idx %arg7[%add3A_394] : memref<1920xf32, #tpu.memory_space<vmem>>[vector<16xi32>], vector<16xf32>,
        %add3A_396 = arith.constant 45 : i32
        %add3A_397 = vector.broadcast %add3A_396 : i32 to vector<16xi32>
        %add3A_398 = arith.addi %scan3A_379, %add3A_397 : vector<16xi32>
        %gather3A_399 = tpu.vector_load_idx %arg7[%add3A_398] : memref<1920xf32, #tpu.memory_space<vmem>>[vector<16xi32>], vector<16xf32>,
        %add3A_400 = arith.constant 60 : i32
        %add3A_401 = vector.broadcast %add3A_400 : i32 to vector<16xi32>
        %add3A_402 = arith.addi %scan3A_379, %add3A_401 : vector<16xi32>
        %gather3A_403 = tpu.vector_load_idx %arg7[%add3A_402] : memref<1920xf32, #tpu.memory_space<vmem>>[vector<16xi32>], vector<16xf32>,
        %add3A_404 = arith.constant 75 : i32
        %add3A_405 = vector.broadcast %add3A_404 : i32 to vector<16xi32>
        %add3A_406 = arith.addi %scan3A_379, %add3A_405 : vector<16xi32>
        %gather3A_407 = tpu.vector_load_idx %arg7[%add3A_406] : memref<1920xf32, #tpu.memory_space<vmem>>[vector<16xi32>], vector<16xf32>,
        %add3A_408 = arith.constant 90 : i32
        %add3A_409 = vector.broadcast %add3A_408 : i32 to vector<16xi32>
        %add3A_410 = arith.addi %scan3A_379, %add3A_409 : vector<16xi32>
        %gather3A_411 = tpu.vector_load_idx %arg7[%add3A_410] : memref<1920xf32, #tpu.memory_space<vmem>>[vector<16xi32>], vector<16xf32>,
        %add3A_412 = arith.constant 105 : i32
        %add3A_413 = vector.broadcast %add3A_412 : i32 to vector<16xi32>
        %add3A_414 = arith.addi %scan3A_379, %add3A_413 : vector<16xi32>
        %gather3A_415 = tpu.vector_load_idx %arg7[%add3A_414] : memref<1920xf32, #tpu.memory_space<vmem>>[vector<16xi32>], vector<16xf32>,
        %add3A_416 = arith.constant 0 : i32
        %add3A_417 = vector.broadcast %add3A_416 : i32 to vector<16xi32>
        %add3A_418 = arith.addi %scan3A_380, %add3A_417 : vector<16xi32>
        %gather3A_419 = tpu.vector_load_idx %arg8[%add3A_418] : memref<17152xf32, #tpu.memory_space<vmem>>[vector<16xi32>], vector<16xf32>,
        %add3A_420 = arith.constant 134 : i32
        %add3A_421 = vector.broadcast %add3A_420 : i32 to vector<16xi32>
        %add3A_422 = arith.addi %scan3A_380, %add3A_421 : vector<16xi32>
        %gather3A_423 = tpu.vector_load_idx %arg8[%add3A_422] : memref<17152xf32, #tpu.memory_space<vmem>>[vector<16xi32>], vector<16xf32>,
        %add3A_424 = arith.constant 268 : i32
        %add3A_425 = vector.broadcast %add3A_424 : i32 to vector<16xi32>
        %add3A_426 = arith.addi %scan3A_380, %add3A_425 : vector<16xi32>
        %gather3A_427 = tpu.vector_load_idx %arg8[%add3A_426] : memref<17152xf32, #tpu.memory_space<vmem>>[vector<16xi32>], vector<16xf32>,
        %add3A_428 = arith.constant 402 : i32
        %add3A_429 = vector.broadcast %add3A_428 : i32 to vector<16xi32>
        %add3A_430 = arith.addi %scan3A_380, %add3A_429 : vector<16xi32>
        %gather3A_431 = tpu.vector_load_idx %arg8[%add3A_430] : memref<17152xf32, #tpu.memory_space<vmem>>[vector<16xi32>], vector<16xf32>,
        %add3A_432 = arith.constant 536 : i32
        %add3A_433 = vector.broadcast %add3A_432 : i32 to vector<16xi32>
        %add3A_434 = arith.addi %scan3A_380, %add3A_433 : vector<16xi32>
        %gather3A_435 = tpu.vector_load_idx %arg8[%add3A_434] : memref<17152xf32, #tpu.memory_space<vmem>>[vector<16xi32>], vector<16xf32>,
        %add3A_436 = arith.constant 670 : i32
        %add3A_437 = vector.broadcast %add3A_436 : i32 to vector<16xi32>
        %add3A_438 = arith.addi %scan3A_380, %add3A_437 : vector<16xi32>
        %gather3A_439 = tpu.vector_load_idx %arg8[%add3A_438] : memref<17152xf32, #tpu.memory_space<vmem>>[vector<16xi32>], vector<16xf32>,
        %add3A_440 = arith.constant 804 : i32
        %add3A_441 = vector.broadcast %add3A_440 : i32 to vector<16xi32>
        %add3A_442 = arith.addi %scan3A_380, %add3A_441 : vector<16xi32>
        %gather3A_443 = tpu.vector_load_idx %arg8[%add3A_442] : memref<17152xf32, #tpu.memory_space<vmem>>[vector<16xi32>], vector<16xf32>,
        %add3A_444 = arith.constant 938 : i32
        %add3A_445 = vector.broadcast %add3A_444 : i32 to vector<16xi32>
        %add3A_446 = arith.addi %scan3A_380, %add3A_445 : vector<16xi32>
        %gather3A_447 = tpu.vector_load_idx %arg8[%add3A_446] : memref<17152xf32, #tpu.memory_space<vmem>>[vector<16xi32>], vector<16xf32>,
        %add3A_448 = arith.constant 64 : i32
        %add3A_449 = arith.addi %add3A_448, %add3A_384 : i32
        %add3A_450 = arith.constant 0 : i32
        %add3A_451 = arith.addi %add3A_449, %add3A_450 : i32
        %swap3A = arith.index_cast %add3A_451 : i32 to index
        %swap3A_452 = arith.constant 32 : index
        %swap3A_453 = tpu.vector_load %arg12[%swap3A, %swap3A_452] {strides = array<i32>} : memref<320x128xf32, #tpu.memory_space<vmem>>, vector<16xf32>,
        tpu.vector_store %arg12[%swap3A, %swap3A_452], %gather3A {strides = array<i32>} : memref<320x128xf32, #tpu.memory_space<vmem>>, vector<16xf32>,
        %add3A_454 = arith.constant 64 : i32
        %add3A_455 = arith.addi %add3A_454, %add3A_384 : i32
        %add3A_456 = arith.constant 1 : i32
        %add3A_457 = arith.addi %add3A_455, %add3A_456 : i32
        %swap3A_458 = arith.index_cast %add3A_457 : i32 to index
        %swap3A_459 = arith.constant 32 : index
        %swap3A_460 = tpu.vector_load %arg12[%swap3A_458, %swap3A_459] {strides = array<i32>} : memref<320x128xf32, #tpu.memory_space<vmem>>, vector<16xf32>,
        tpu.vector_store %arg12[%swap3A_458, %swap3A_459], %gather3A_391 {strides = array<i32>} : memref<320x128xf32, #tpu.memory_space<vmem>>, vector<16xf32>,
        %add3A_461 = arith.constant 64 : i32
        %add3A_462 = arith.addi %add3A_461, %add3A_384 : i32
        %add3A_463 = arith.constant 2 : i32
        %add3A_464 = arith.addi %add3A_462, %add3A_463 : i32
        %swap3A_465 = arith.index_cast %add3A_464 : i32 to index
        %swap3A_466 = arith.constant 32 : index
        %swap3A_467 = tpu.vector_load %arg12[%swap3A_465, %swap3A_466] {strides = array<i32>} : memref<320x128xf32, #tpu.memory_space<vmem>>, vector<16xf32>,
        tpu.vector_store %arg12[%swap3A_465, %swap3A_466], %gather3A_395 {strides = array<i32>} : memref<320x128xf32, #tpu.memory_space<vmem>>, vector<16xf32>,
        %add3A_468 = arith.constant 64 : i32
        %add3A_469 = arith.addi %add3A_468, %add3A_384 : i32
        %add3A_470 = arith.constant 3 : i32
        %add3A_471 = arith.addi %add3A_469, %add3A_470 : i32
        %swap3A_472 = arith.index_cast %add3A_471 : i32 to index
        %swap3A_473 = arith.constant 32 : index
        %swap3A_474 = tpu.vector_load %arg12[%swap3A_472, %swap3A_473] {strides = array<i32>} : memref<320x128xf32, #tpu.memory_space<vmem>>, vector<16xf32>,
        tpu.vector_store %arg12[%swap3A_472, %swap3A_473], %gather3A_399 {strides = array<i32>} : memref<320x128xf32, #tpu.memory_space<vmem>>, vector<16xf32>,
        %add3A_475 = arith.constant 64 : i32
        %add3A_476 = arith.addi %add3A_475, %add3A_384 : i32
        %add3A_477 = arith.constant 4 : i32
        %add3A_478 = arith.addi %add3A_476, %add3A_477 : i32
        %swap3A_479 = arith.index_cast %add3A_478 : i32 to index
        %swap3A_480 = arith.constant 32 : index
        %swap3A_481 = tpu.vector_load %arg12[%swap3A_479, %swap3A_480] {strides = array<i32>} : memref<320x128xf32, #tpu.memory_space<vmem>>, vector<16xf32>,
        tpu.vector_store %arg12[%swap3A_479, %swap3A_480], %gather3A_403 {strides = array<i32>} : memref<320x128xf32, #tpu.memory_space<vmem>>, vector<16xf32>,
        %add3A_482 = arith.constant 64 : i32
        %add3A_483 = arith.addi %add3A_482, %add3A_384 : i32
        %add3A_484 = arith.constant 5 : i32
        %add3A_485 = arith.addi %add3A_483, %add3A_484 : i32
        %swap3A_486 = arith.index_cast %add3A_485 : i32 to index
        %swap3A_487 = arith.constant 32 : index
        %swap3A_488 = tpu.vector_load %arg12[%swap3A_486, %swap3A_487] {strides = array<i32>} : memref<320x128xf32, #tpu.memory_space<vmem>>, vector<16xf32>,
        tpu.vector_store %arg12[%swap3A_486, %swap3A_487], %gather3A_407 {strides = array<i32>} : memref<320x128xf32, #tpu.memory_space<vmem>>, vector<16xf32>,
        %add3A_489 = arith.constant 64 : i32
        %add3A_490 = arith.addi %add3A_489, %add3A_384 : i32
        %add3A_491 = arith.constant 6 : i32
        %add3A_492 = arith.addi %add3A_490, %add3A_491 : i32
        %swap3A_493 = arith.index_cast %add3A_492 : i32 to index
        %swap3A_494 = arith.constant 32 : index
        %swap3A_495 = tpu.vector_load %arg12[%swap3A_493, %swap3A_494] {strides = array<i32>} : memref<320x128xf32, #tpu.memory_space<vmem>>, vector<16xf32>,
        tpu.vector_store %arg12[%swap3A_493, %swap3A_494], %gather3A_411 {strides = array<i32>} : memref<320x128xf32, #tpu.memory_space<vmem>>, vector<16xf32>,
        %add3A_496 = arith.constant 64 : i32
        %add3A_497 = arith.addi %add3A_496, %add3A_384 : i32
        %add3A_498 = arith.constant 7 : i32
        %add3A_499 = arith.addi %add3A_497, %add3A_498 : i32
        %swap3A_500 = arith.index_cast %add3A_499 : i32 to index
        %swap3A_501 = arith.constant 32 : index
        %swap3A_502 = tpu.vector_load %arg12[%swap3A_500, %swap3A_501] {strides = array<i32>} : memref<320x128xf32, #tpu.memory_space<vmem>>, vector<16xf32>,
        tpu.vector_store %arg12[%swap3A_500, %swap3A_501], %gather3A_415 {strides = array<i32>} : memref<320x128xf32, #tpu.memory_space<vmem>>, vector<16xf32>,
        %add3A_503 = arith.constant 192 : i32
        %add3A_504 = arith.addi %add3A_503, %add3A_384 : i32
        %add3A_505 = arith.constant 0 : i32
        %add3A_506 = arith.addi %add3A_504, %add3A_505 : i32
        %swap3A_507 = arith.index_cast %add3A_506 : i32 to index
        %swap3A_508 = arith.constant 32 : index
        %swap3A_509 = tpu.vector_load %arg12[%swap3A_507, %swap3A_508] {strides = array<i32>} : memref<320x128xf32, #tpu.memory_space<vmem>>, vector<16xf32>,
        tpu.vector_store %arg12[%swap3A_507, %swap3A_508], %gather3A_419 {strides = array<i32>} : memref<320x128xf32, #tpu.memory_space<vmem>>, vector<16xf32>,
        %add3A_510 = arith.constant 192 : i32
        %add3A_511 = arith.addi %add3A_510, %add3A_384 : i32
        %add3A_512 = arith.constant 1 : i32
        %add3A_513 = arith.addi %add3A_511, %add3A_512 : i32
        %swap3A_514 = arith.index_cast %add3A_513 : i32 to index
        %swap3A_515 = arith.constant 32 : index
        %swap3A_516 = tpu.vector_load %arg12[%swap3A_514, %swap3A_515] {strides = array<i32>} : memref<320x128xf32, #tpu.memory_space<vmem>>, vector<16xf32>,
        tpu.vector_store %arg12[%swap3A_514, %swap3A_515], %gather3A_423 {strides = array<i32>} : memref<320x128xf32, #tpu.memory_space<vmem>>, vector<16xf32>,
        %add3A_517 = arith.constant 192 : i32
        %add3A_518 = arith.addi %add3A_517, %add3A_384 : i32
        %add3A_519 = arith.constant 2 : i32
        %add3A_520 = arith.addi %add3A_518, %add3A_519 : i32
        %swap3A_521 = arith.index_cast %add3A_520 : i32 to index
        %swap3A_522 = arith.constant 32 : index
        %swap3A_523 = tpu.vector_load %arg12[%swap3A_521, %swap3A_522] {strides = array<i32>} : memref<320x128xf32, #tpu.memory_space<vmem>>, vector<16xf32>,
        tpu.vector_store %arg12[%swap3A_521, %swap3A_522], %gather3A_427 {strides = array<i32>} : memref<320x128xf32, #tpu.memory_space<vmem>>, vector<16xf32>,
        %add3A_524 = arith.constant 192 : i32
        %add3A_525 = arith.addi %add3A_524, %add3A_384 : i32
        %add3A_526 = arith.constant 3 : i32
        %add3A_527 = arith.addi %add3A_525, %add3A_526 : i32
        %swap3A_528 = arith.index_cast %add3A_527 : i32 to index
        %swap3A_529 = arith.constant 32 : index
        %swap3A_530 = tpu.vector_load %arg12[%swap3A_528, %swap3A_529] {strides = array<i32>} : memref<320x128xf32, #tpu.memory_space<vmem>>, vector<16xf32>,
        tpu.vector_store %arg12[%swap3A_528, %swap3A_529], %gather3A_431 {strides = array<i32>} : memref<320x128xf32, #tpu.memory_space<vmem>>, vector<16xf32>,
        %add3A_531 = arith.constant 192 : i32
        %add3A_532 = arith.addi %add3A_531, %add3A_384 : i32
        %add3A_533 = arith.constant 4 : i32
        %add3A_534 = arith.addi %add3A_532, %add3A_533 : i32
        %swap3A_535 = arith.index_cast %add3A_534 : i32 to index
        %swap3A_536 = arith.constant 32 : index
        %swap3A_537 = tpu.vector_load %arg12[%swap3A_535, %swap3A_536] {strides = array<i32>} : memref<320x128xf32, #tpu.memory_space<vmem>>, vector<16xf32>,
        tpu.vector_store %arg12[%swap3A_535, %swap3A_536], %gather3A_435 {strides = array<i32>} : memref<320x128xf32, #tpu.memory_space<vmem>>, vector<16xf32>,
        %add3A_538 = arith.constant 192 : i32
        %add3A_539 = arith.addi %add3A_538, %add3A_384 : i32
        %add3A_540 = arith.constant 5 : i32
        %add3A_541 = arith.addi %add3A_539, %add3A_540 : i32
        %swap3A_542 = arith.index_cast %add3A_541 : i32 to index
        %swap3A_543 = arith.constant 32 : index
        %swap3A_544 = tpu.vector_load %arg12[%swap3A_542, %swap3A_543] {strides = array<i32>} : memref<320x128xf32, #tpu.memory_space<vmem>>, vector<16xf32>,
        tpu.vector_store %arg12[%swap3A_542, %swap3A_543], %gather3A_439 {strides = array<i32>} : memref<320x128xf32, #tpu.memory_space<vmem>>, vector<16xf32>,
        %add3A_545 = arith.constant 192 : i32
        %add3A_546 = arith.addi %add3A_545, %add3A_384 : i32
        %add3A_547 = arith.constant 6 : i32
        %add3A_548 = arith.addi %add3A_546, %add3A_547 : i32
        %swap3A_549 = arith.index_cast %add3A_548 : i32 to index
        %swap3A_550 = arith.constant 32 : index
        %swap3A_551 = tpu.vector_load %arg12[%swap3A_549, %swap3A_550] {strides = array<i32>} : memref<320x128xf32, #tpu.memory_space<vmem>>, vector<16xf32>,
        tpu.vector_store %arg12[%swap3A_549, %swap3A_550], %gather3A_443 {strides = array<i32>} : memref<320x128xf32, #tpu.memory_space<vmem>>, vector<16xf32>,
        %add3A_552 = arith.constant 192 : i32
        %add3A_553 = arith.addi %add3A_552, %add3A_384 : i32
        %add3A_554 = arith.constant 7 : i32
        %add3A_555 = arith.addi %add3A_553, %add3A_554 : i32
        %swap3A_556 = arith.index_cast %add3A_555 : i32 to index
        %swap3A_557 = arith.constant 32 : index
        %swap3A_558 = tpu.vector_load %arg12[%swap3A_556, %swap3A_557] {strides = array<i32>} : memref<320x128xf32, #tpu.memory_space<vmem>>, vector<16xf32>,
        tpu.vector_store %arg12[%swap3A_556, %swap3A_557], %gather3A_447 {strides = array<i32>} : memref<320x128xf32, #tpu.memory_space<vmem>>, vector<16xf32>,
        %add3A_559 = arith.constant 120 : i32
        %add3A_560 = vector.broadcast %add3A_559 : i32 to vector<16xi32>
        %add3A_561 = arith.addi %scan3A_379, %add3A_560 : vector<16xi32>
        %add3A_562 = arith.constant 1072 : i32
        %add3A_563 = vector.broadcast %add3A_562 : i32 to vector<16xi32>
        %add3A_564 = arith.addi %scan3A_380, %add3A_563 : vector<16xi32>
        scf.yield %add3A_561, %add3A_564 : vector<16xi32>, vector<16xi32>
      }
      %scan3A_279 = arith.constant 16 : i32
      %get3A_280 = arith.constant 0 : i32
      %get3A_281 = arith.index_cast %get3A_280 : i32 to index
      %get3A_282 = arith.constant 48 : index
      %get3A_283 = tpu.vector_load %arg10[%get3A_281, %get3A_282] {strides = array<i32>} : memref<2x128xf32, #tpu.memory_space<vmem>>, vector<16xf32>,
      %convert_element_type3A_284 = arith.fptosi %get3A_283 : vector<16xf32> to vector<16xi32>
      %get3A_285 = arith.constant 1 : i32
      %get3A_286 = arith.index_cast %get3A_285 : i32 to index
      %get3A_287 = arith.constant 48 : index
      %get3A_288 = tpu.vector_load %arg10[%get3A_286, %get3A_287] {strides = array<i32>} : memref<2x128xf32, #tpu.memory_space<vmem>>, vector<16xf32>,
      %convert_element_type3A_289 = arith.fptosi %get3A_288 : vector<16xf32> to vector<16xi32>
      %scan3A_290 = arith.constant 0 : i32
      %scan3A_291 = arith.constant 16 : i32
      %scan3A_292 = arith.addi %scan3A_290, %scan3A_291 : i32
      %scan3A_293 = arith.constant 1 : i32
      %scan3A_294:2 = scf.for %scan3A_378 = %scan3A_290 to %scan3A_292 step %scan3A_293 iter_args(%scan3A_379 = %convert_element_type3A_284, %scan3A_380 = %convert_element_type3A_289) -> (vector<16xi32>, vector<16xi32>)  : i32 {
        %mul3A_381 = arith.constant 8 : i32
        %mul3A_382 = arith.muli %scan3A_378, %mul3A_381 : i32
        %add3A_383 = arith.constant 0 : i32
        %add3A_384 = arith.addi %add3A_383, %mul3A_382 : i32
        %add3A_385 = arith.constant 0 : i32
        %add3A_386 = vector.broadcast %add3A_385 : i32 to vector<16xi32>
        %add3A_387 = arith.addi %scan3A_379, %add3A_386 : vector<16xi32>
        %gather3A = tpu.vector_load_idx %arg7[%add3A_387] : memref<1920xf32, #tpu.memory_space<vmem>>[vector<16xi32>], vector<16xf32>,
        %add3A_388 = arith.constant 15 : i32
        %add3A_389 = vector.broadcast %add3A_388 : i32 to vector<16xi32>
        %add3A_390 = arith.addi %scan3A_379, %add3A_389 : vector<16xi32>
        %gather3A_391 = tpu.vector_load_idx %arg7[%add3A_390] : memref<1920xf32, #tpu.memory_space<vmem>>[vector<16xi32>], vector<16xf32>,
        %add3A_392 = arith.constant 30 : i32
        %add3A_393 = vector.broadcast %add3A_392 : i32 to vector<16xi32>
        %add3A_394 = arith.addi %scan3A_379, %add3A_393 : vector<16xi32>
        %gather3A_395 = tpu.vector_load_idx %arg7[%add3A_394] : memref<1920xf32, #tpu.memory_space<vmem>>[vector<16xi32>], vector<16xf32>,
        %add3A_396 = arith.constant 45 : i32
        %add3A_397 = vector.broadcast %add3A_396 : i32 to vector<16xi32>
        %add3A_398 = arith.addi %scan3A_379, %add3A_397 : vector<16xi32>
        %gather3A_399 = tpu.vector_load_idx %arg7[%add3A_398] : memref<1920xf32, #tpu.memory_space<vmem>>[vector<16xi32>], vector<16xf32>,
        %add3A_400 = arith.constant 60 : i32
        %add3A_401 = vector.broadcast %add3A_400 : i32 to vector<16xi32>
        %add3A_402 = arith.addi %scan3A_379, %add3A_401 : vector<16xi32>
        %gather3A_403 = tpu.vector_load_idx %arg7[%add3A_402] : memref<1920xf32, #tpu.memory_space<vmem>>[vector<16xi32>], vector<16xf32>,
        %add3A_404 = arith.constant 75 : i32
        %add3A_405 = vector.broadcast %add3A_404 : i32 to vector<16xi32>
        %add3A_406 = arith.addi %scan3A_379, %add3A_405 : vector<16xi32>
        %gather3A_407 = tpu.vector_load_idx %arg7[%add3A_406] : memref<1920xf32, #tpu.memory_space<vmem>>[vector<16xi32>], vector<16xf32>,
        %add3A_408 = arith.constant 90 : i32
        %add3A_409 = vector.broadcast %add3A_408 : i32 to vector<16xi32>
        %add3A_410 = arith.addi %scan3A_379, %add3A_409 : vector<16xi32>
        %gather3A_411 = tpu.vector_load_idx %arg7[%add3A_410] : memref<1920xf32, #tpu.memory_space<vmem>>[vector<16xi32>], vector<16xf32>,
        %add3A_412 = arith.constant 105 : i32
        %add3A_413 = vector.broadcast %add3A_412 : i32 to vector<16xi32>
        %add3A_414 = arith.addi %scan3A_379, %add3A_413 : vector<16xi32>
        %gather3A_415 = tpu.vector_load_idx %arg7[%add3A_414] : memref<1920xf32, #tpu.memory_space<vmem>>[vector<16xi32>], vector<16xf32>,
        %add3A_416 = arith.constant 0 : i32
        %add3A_417 = vector.broadcast %add3A_416 : i32 to vector<16xi32>
        %add3A_418 = arith.addi %scan3A_380, %add3A_417 : vector<16xi32>
        %gather3A_419 = tpu.vector_load_idx %arg8[%add3A_418] : memref<17152xf32, #tpu.memory_space<vmem>>[vector<16xi32>], vector<16xf32>,
        %add3A_420 = arith.constant 134 : i32
        %add3A_421 = vector.broadcast %add3A_420 : i32 to vector<16xi32>
        %add3A_422 = arith.addi %scan3A_380, %add3A_421 : vector<16xi32>
        %gather3A_423 = tpu.vector_load_idx %arg8[%add3A_422] : memref<17152xf32, #tpu.memory_space<vmem>>[vector<16xi32>], vector<16xf32>,
        %add3A_424 = arith.constant 268 : i32
        %add3A_425 = vector.broadcast %add3A_424 : i32 to vector<16xi32>
        %add3A_426 = arith.addi %scan3A_380, %add3A_425 : vector<16xi32>
        %gather3A_427 = tpu.vector_load_idx %arg8[%add3A_426] : memref<17152xf32, #tpu.memory_space<vmem>>[vector<16xi32>], vector<16xf32>,
        %add3A_428 = arith.constant 402 : i32
        %add3A_429 = vector.broadcast %add3A_428 : i32 to vector<16xi32>
        %add3A_430 = arith.addi %scan3A_380, %add3A_429 : vector<16xi32>
        %gather3A_431 = tpu.vector_load_idx %arg8[%add3A_430] : memref<17152xf32, #tpu.memory_space<vmem>>[vector<16xi32>], vector<16xf32>,
        %add3A_432 = arith.constant 536 : i32
        %add3A_433 = vector.broadcast %add3A_432 : i32 to vector<16xi32>
        %add3A_434 = arith.addi %scan3A_380, %add3A_433 : vector<16xi32>
        %gather3A_435 = tpu.vector_load_idx %arg8[%add3A_434] : memref<17152xf32, #tpu.memory_space<vmem>>[vector<16xi32>], vector<16xf32>,
        %add3A_436 = arith.constant 670 : i32
        %add3A_437 = vector.broadcast %add3A_436 : i32 to vector<16xi32>
        %add3A_438 = arith.addi %scan3A_380, %add3A_437 : vector<16xi32>
        %gather3A_439 = tpu.vector_load_idx %arg8[%add3A_438] : memref<17152xf32, #tpu.memory_space<vmem>>[vector<16xi32>], vector<16xf32>,
        %add3A_440 = arith.constant 804 : i32
        %add3A_441 = vector.broadcast %add3A_440 : i32 to vector<16xi32>
        %add3A_442 = arith.addi %scan3A_380, %add3A_441 : vector<16xi32>
        %gather3A_443 = tpu.vector_load_idx %arg8[%add3A_442] : memref<17152xf32, #tpu.memory_space<vmem>>[vector<16xi32>], vector<16xf32>,
        %add3A_444 = arith.constant 938 : i32
        %add3A_445 = vector.broadcast %add3A_444 : i32 to vector<16xi32>
        %add3A_446 = arith.addi %scan3A_380, %add3A_445 : vector<16xi32>
        %gather3A_447 = tpu.vector_load_idx %arg8[%add3A_446] : memref<17152xf32, #tpu.memory_space<vmem>>[vector<16xi32>], vector<16xf32>,
        %add3A_448 = arith.constant 64 : i32
        %add3A_449 = arith.addi %add3A_448, %add3A_384 : i32
        %add3A_450 = arith.constant 0 : i32
        %add3A_451 = arith.addi %add3A_449, %add3A_450 : i32
        %swap3A = arith.index_cast %add3A_451 : i32 to index
        %swap3A_452 = arith.constant 48 : index
        %swap3A_453 = tpu.vector_load %arg12[%swap3A, %swap3A_452] {strides = array<i32>} : memref<320x128xf32, #tpu.memory_space<vmem>>, vector<16xf32>,
        tpu.vector_store %arg12[%swap3A, %swap3A_452], %gather3A {strides = array<i32>} : memref<320x128xf32, #tpu.memory_space<vmem>>, vector<16xf32>,
        %add3A_454 = arith.constant 64 : i32
        %add3A_455 = arith.addi %add3A_454, %add3A_384 : i32
        %add3A_456 = arith.constant 1 : i32
        %add3A_457 = arith.addi %add3A_455, %add3A_456 : i32
        %swap3A_458 = arith.index_cast %add3A_457 : i32 to index
        %swap3A_459 = arith.constant 48 : index
        %swap3A_460 = tpu.vector_load %arg12[%swap3A_458, %swap3A_459] {strides = array<i32>} : memref<320x128xf32, #tpu.memory_space<vmem>>, vector<16xf32>,
        tpu.vector_store %arg12[%swap3A_458, %swap3A_459], %gather3A_391 {strides = array<i32>} : memref<320x128xf32, #tpu.memory_space<vmem>>, vector<16xf32>,
        %add3A_461 = arith.constant 64 : i32
        %add3A_462 = arith.addi %add3A_461, %add3A_384 : i32
        %add3A_463 = arith.constant 2 : i32
        %add3A_464 = arith.addi %add3A_462, %add3A_463 : i32
        %swap3A_465 = arith.index_cast %add3A_464 : i32 to index
        %swap3A_466 = arith.constant 48 : index
        %swap3A_467 = tpu.vector_load %arg12[%swap3A_465, %swap3A_466] {strides = array<i32>} : memref<320x128xf32, #tpu.memory_space<vmem>>, vector<16xf32>,
        tpu.vector_store %arg12[%swap3A_465, %swap3A_466], %gather3A_395 {strides = array<i32>} : memref<320x128xf32, #tpu.memory_space<vmem>>, vector<16xf32>,
        %add3A_468 = arith.constant 64 : i32
        %add3A_469 = arith.addi %add3A_468, %add3A_384 : i32
        %add3A_470 = arith.constant 3 : i32
        %add3A_471 = arith.addi %add3A_469, %add3A_470 : i32
        %swap3A_472 = arith.index_cast %add3A_471 : i32 to index
        %swap3A_473 = arith.constant 48 : index
        %swap3A_474 = tpu.vector_load %arg12[%swap3A_472, %swap3A_473] {strides = array<i32>} : memref<320x128xf32, #tpu.memory_space<vmem>>, vector<16xf32>,
        tpu.vector_store %arg12[%swap3A_472, %swap3A_473], %gather3A_399 {strides = array<i32>} : memref<320x128xf32, #tpu.memory_space<vmem>>, vector<16xf32>,
        %add3A_475 = arith.constant 64 : i32
        %add3A_476 = arith.addi %add3A_475, %add3A_384 : i32
        %add3A_477 = arith.constant 4 : i32
        %add3A_478 = arith.addi %add3A_476, %add3A_477 : i32
        %swap3A_479 = arith.index_cast %add3A_478 : i32 to index
        %swap3A_480 = arith.constant 48 : index
        %swap3A_481 = tpu.vector_load %arg12[%swap3A_479, %swap3A_480] {strides = array<i32>} : memref<320x128xf32, #tpu.memory_space<vmem>>, vector<16xf32>,
        tpu.vector_store %arg12[%swap3A_479, %swap3A_480], %gather3A_403 {strides = array<i32>} : memref<320x128xf32, #tpu.memory_space<vmem>>, vector<16xf32>,
        %add3A_482 = arith.constant 64 : i32
        %add3A_483 = arith.addi %add3A_482, %add3A_384 : i32
        %add3A_484 = arith.constant 5 : i32
        %add3A_485 = arith.addi %add3A_483, %add3A_484 : i32
        %swap3A_486 = arith.index_cast %add3A_485 : i32 to index
        %swap3A_487 = arith.constant 48 : index
        %swap3A_488 = tpu.vector_load %arg12[%swap3A_486, %swap3A_487] {strides = array<i32>} : memref<320x128xf32, #tpu.memory_space<vmem>>, vector<16xf32>,
        tpu.vector_store %arg12[%swap3A_486, %swap3A_487], %gather3A_407 {strides = array<i32>} : memref<320x128xf32, #tpu.memory_space<vmem>>, vector<16xf32>,
        %add3A_489 = arith.constant 64 : i32
        %add3A_490 = arith.addi %add3A_489, %add3A_384 : i32
        %add3A_491 = arith.constant 6 : i32
        %add3A_492 = arith.addi %add3A_490, %add3A_491 : i32
        %swap3A_493 = arith.index_cast %add3A_492 : i32 to index
        %swap3A_494 = arith.constant 48 : index
        %swap3A_495 = tpu.vector_load %arg12[%swap3A_493, %swap3A_494] {strides = array<i32>} : memref<320x128xf32, #tpu.memory_space<vmem>>, vector<16xf32>,
        tpu.vector_store %arg12[%swap3A_493, %swap3A_494], %gather3A_411 {strides = array<i32>} : memref<320x128xf32, #tpu.memory_space<vmem>>, vector<16xf32>,
        %add3A_496 = arith.constant 64 : i32
        %add3A_497 = arith.addi %add3A_496, %add3A_384 : i32
        %add3A_498 = arith.constant 7 : i32
        %add3A_499 = arith.addi %add3A_497, %add3A_498 : i32
        %swap3A_500 = arith.index_cast %add3A_499 : i32 to index
        %swap3A_501 = arith.constant 48 : index
        %swap3A_502 = tpu.vector_load %arg12[%swap3A_500, %swap3A_501] {strides = array<i32>} : memref<320x128xf32, #tpu.memory_space<vmem>>, vector<16xf32>,
        tpu.vector_store %arg12[%swap3A_500, %swap3A_501], %gather3A_415 {strides = array<i32>} : memref<320x128xf32, #tpu.memory_space<vmem>>, vector<16xf32>,
        %add3A_503 = arith.constant 192 : i32
        %add3A_504 = arith.addi %add3A_503, %add3A_384 : i32
        %add3A_505 = arith.constant 0 : i32
        %add3A_506 = arith.addi %add3A_504, %add3A_505 : i32
        %swap3A_507 = arith.index_cast %add3A_506 : i32 to index
        %swap3A_508 = arith.constant 48 : index
        %swap3A_509 = tpu.vector_load %arg12[%swap3A_507, %swap3A_508] {strides = array<i32>} : memref<320x128xf32, #tpu.memory_space<vmem>>, vector<16xf32>,
        tpu.vector_store %arg12[%swap3A_507, %swap3A_508], %gather3A_419 {strides = array<i32>} : memref<320x128xf32, #tpu.memory_space<vmem>>, vector<16xf32>,
        %add3A_510 = arith.constant 192 : i32
        %add3A_511 = arith.addi %add3A_510, %add3A_384 : i32
        %add3A_512 = arith.constant 1 : i32
        %add3A_513 = arith.addi %add3A_511, %add3A_512 : i32
        %swap3A_514 = arith.index_cast %add3A_513 : i32 to index
        %swap3A_515 = arith.constant 48 : index
        %swap3A_516 = tpu.vector_load %arg12[%swap3A_514, %swap3A_515] {strides = array<i32>} : memref<320x128xf32, #tpu.memory_space<vmem>>, vector<16xf32>,
        tpu.vector_store %arg12[%swap3A_514, %swap3A_515], %gather3A_423 {strides = array<i32>} : memref<320x128xf32, #tpu.memory_space<vmem>>, vector<16xf32>,
        %add3A_517 = arith.constant 192 : i32
        %add3A_518 = arith.addi %add3A_517, %add3A_384 : i32
        %add3A_519 = arith.constant 2 : i32
        %add3A_520 = arith.addi %add3A_518, %add3A_519 : i32
        %swap3A_521 = arith.index_cast %add3A_520 : i32 to index
        %swap3A_522 = arith.constant 48 : index
        %swap3A_523 = tpu.vector_load %arg12[%swap3A_521, %swap3A_522] {strides = array<i32>} : memref<320x128xf32, #tpu.memory_space<vmem>>, vector<16xf32>,
        tpu.vector_store %arg12[%swap3A_521, %swap3A_522], %gather3A_427 {strides = array<i32>} : memref<320x128xf32, #tpu.memory_space<vmem>>, vector<16xf32>,
        %add3A_524 = arith.constant 192 : i32
        %add3A_525 = arith.addi %add3A_524, %add3A_384 : i32
        %add3A_526 = arith.constant 3 : i32
        %add3A_527 = arith.addi %add3A_525, %add3A_526 : i32
        %swap3A_528 = arith.index_cast %add3A_527 : i32 to index
        %swap3A_529 = arith.constant 48 : index
        %swap3A_530 = tpu.vector_load %arg12[%swap3A_528, %swap3A_529] {strides = array<i32>} : memref<320x128xf32, #tpu.memory_space<vmem>>, vector<16xf32>,
        tpu.vector_store %arg12[%swap3A_528, %swap3A_529], %gather3A_431 {strides = array<i32>} : memref<320x128xf32, #tpu.memory_space<vmem>>, vector<16xf32>,
        %add3A_531 = arith.constant 192 : i32
        %add3A_532 = arith.addi %add3A_531, %add3A_384 : i32
        %add3A_533 = arith.constant 4 : i32
        %add3A_534 = arith.addi %add3A_532, %add3A_533 : i32
        %swap3A_535 = arith.index_cast %add3A_534 : i32 to index
        %swap3A_536 = arith.constant 48 : index
        %swap3A_537 = tpu.vector_load %arg12[%swap3A_535, %swap3A_536] {strides = array<i32>} : memref<320x128xf32, #tpu.memory_space<vmem>>, vector<16xf32>,
        tpu.vector_store %arg12[%swap3A_535, %swap3A_536], %gather3A_435 {strides = array<i32>} : memref<320x128xf32, #tpu.memory_space<vmem>>, vector<16xf32>,
        %add3A_538 = arith.constant 192 : i32
        %add3A_539 = arith.addi %add3A_538, %add3A_384 : i32
        %add3A_540 = arith.constant 5 : i32
        %add3A_541 = arith.addi %add3A_539, %add3A_540 : i32
        %swap3A_542 = arith.index_cast %add3A_541 : i32 to index
        %swap3A_543 = arith.constant 48 : index
        %swap3A_544 = tpu.vector_load %arg12[%swap3A_542, %swap3A_543] {strides = array<i32>} : memref<320x128xf32, #tpu.memory_space<vmem>>, vector<16xf32>,
        tpu.vector_store %arg12[%swap3A_542, %swap3A_543], %gather3A_439 {strides = array<i32>} : memref<320x128xf32, #tpu.memory_space<vmem>>, vector<16xf32>,
        %add3A_545 = arith.constant 192 : i32
        %add3A_546 = arith.addi %add3A_545, %add3A_384 : i32
        %add3A_547 = arith.constant 6 : i32
        %add3A_548 = arith.addi %add3A_546, %add3A_547 : i32
        %swap3A_549 = arith.index_cast %add3A_548 : i32 to index
        %swap3A_550 = arith.constant 48 : index
        %swap3A_551 = tpu.vector_load %arg12[%swap3A_549, %swap3A_550] {strides = array<i32>} : memref<320x128xf32, #tpu.memory_space<vmem>>, vector<16xf32>,
        tpu.vector_store %arg12[%swap3A_549, %swap3A_550], %gather3A_443 {strides = array<i32>} : memref<320x128xf32, #tpu.memory_space<vmem>>, vector<16xf32>,
        %add3A_552 = arith.constant 192 : i32
        %add3A_553 = arith.addi %add3A_552, %add3A_384 : i32
        %add3A_554 = arith.constant 7 : i32
        %add3A_555 = arith.addi %add3A_553, %add3A_554 : i32
        %swap3A_556 = arith.index_cast %add3A_555 : i32 to index
        %swap3A_557 = arith.constant 48 : index
        %swap3A_558 = tpu.vector_load %arg12[%swap3A_556, %swap3A_557] {strides = array<i32>} : memref<320x128xf32, #tpu.memory_space<vmem>>, vector<16xf32>,
        tpu.vector_store %arg12[%swap3A_556, %swap3A_557], %gather3A_447 {strides = array<i32>} : memref<320x128xf32, #tpu.memory_space<vmem>>, vector<16xf32>,
        %add3A_559 = arith.constant 120 : i32
        %add3A_560 = vector.broadcast %add3A_559 : i32 to vector<16xi32>
        %add3A_561 = arith.addi %scan3A_379, %add3A_560 : vector<16xi32>
        %add3A_562 = arith.constant 1072 : i32
        %add3A_563 = vector.broadcast %add3A_562 : i32 to vector<16xi32>
        %add3A_564 = arith.addi %scan3A_380, %add3A_563 : vector<16xi32>
        scf.yield %add3A_561, %add3A_564 : vector<16xi32>, vector<16xi32>
      }
      %scan3A_295 = arith.constant 16 : i32
      %get3A_296 = arith.constant 0 : i32
      %get3A_297 = arith.index_cast %get3A_296 : i32 to index
      %get3A_298 = arith.constant 64 : index
      %get3A_299 = tpu.vector_load %arg10[%get3A_297, %get3A_298] {strides = array<i32>} : memref<2x128xf32, #tpu.memory_space<vmem>>, vector<16xf32>,
      %convert_element_type3A_300 = arith.fptosi %get3A_299 : vector<16xf32> to vector<16xi32>
      %get3A_301 = arith.constant 1 : i32
      %get3A_302 = arith.index_cast %get3A_301 : i32 to index
      %get3A_303 = arith.constant 64 : index
      %get3A_304 = tpu.vector_load %arg10[%get3A_302, %get3A_303] {strides = array<i32>} : memref<2x128xf32, #tpu.memory_space<vmem>>, vector<16xf32>,
      %convert_element_type3A_305 = arith.fptosi %get3A_304 : vector<16xf32> to vector<16xi32>
      %scan3A_306 = arith.constant 0 : i32
      %scan3A_307 = arith.constant 16 : i32
      %scan3A_308 = arith.addi %scan3A_306, %scan3A_307 : i32
      %scan3A_309 = arith.constant 1 : i32
      %scan3A_310:2 = scf.for %scan3A_378 = %scan3A_306 to %scan3A_308 step %scan3A_309 iter_args(%scan3A_379 = %convert_element_type3A_300, %scan3A_380 = %convert_element_type3A_305) -> (vector<16xi32>, vector<16xi32>)  : i32 {
        %mul3A_381 = arith.constant 8 : i32
        %mul3A_382 = arith.muli %scan3A_378, %mul3A_381 : i32
        %add3A_383 = arith.constant 0 : i32
        %add3A_384 = arith.addi %add3A_383, %mul3A_382 : i32
        %add3A_385 = arith.constant 0 : i32
        %add3A_386 = vector.broadcast %add3A_385 : i32 to vector<16xi32>
        %add3A_387 = arith.addi %scan3A_379, %add3A_386 : vector<16xi32>
        %gather3A = tpu.vector_load_idx %arg7[%add3A_387] : memref<1920xf32, #tpu.memory_space<vmem>>[vector<16xi32>], vector<16xf32>,
        %add3A_388 = arith.constant 15 : i32
        %add3A_389 = vector.broadcast %add3A_388 : i32 to vector<16xi32>
        %add3A_390 = arith.addi %scan3A_379, %add3A_389 : vector<16xi32>
        %gather3A_391 = tpu.vector_load_idx %arg7[%add3A_390] : memref<1920xf32, #tpu.memory_space<vmem>>[vector<16xi32>], vector<16xf32>,
        %add3A_392 = arith.constant 30 : i32
        %add3A_393 = vector.broadcast %add3A_392 : i32 to vector<16xi32>
        %add3A_394 = arith.addi %scan3A_379, %add3A_393 : vector<16xi32>
        %gather3A_395 = tpu.vector_load_idx %arg7[%add3A_394] : memref<1920xf32, #tpu.memory_space<vmem>>[vector<16xi32>], vector<16xf32>,
        %add3A_396 = arith.constant 45 : i32
        %add3A_397 = vector.broadcast %add3A_396 : i32 to vector<16xi32>
        %add3A_398 = arith.addi %scan3A_379, %add3A_397 : vector<16xi32>
        %gather3A_399 = tpu.vector_load_idx %arg7[%add3A_398] : memref<1920xf32, #tpu.memory_space<vmem>>[vector<16xi32>], vector<16xf32>,
        %add3A_400 = arith.constant 60 : i32
        %add3A_401 = vector.broadcast %add3A_400 : i32 to vector<16xi32>
        %add3A_402 = arith.addi %scan3A_379, %add3A_401 : vector<16xi32>
        %gather3A_403 = tpu.vector_load_idx %arg7[%add3A_402] : memref<1920xf32, #tpu.memory_space<vmem>>[vector<16xi32>], vector<16xf32>,
        %add3A_404 = arith.constant 75 : i32
        %add3A_405 = vector.broadcast %add3A_404 : i32 to vector<16xi32>
        %add3A_406 = arith.addi %scan3A_379, %add3A_405 : vector<16xi32>
        %gather3A_407 = tpu.vector_load_idx %arg7[%add3A_406] : memref<1920xf32, #tpu.memory_space<vmem>>[vector<16xi32>], vector<16xf32>,
        %add3A_408 = arith.constant 90 : i32
        %add3A_409 = vector.broadcast %add3A_408 : i32 to vector<16xi32>
        %add3A_410 = arith.addi %scan3A_379, %add3A_409 : vector<16xi32>
        %gather3A_411 = tpu.vector_load_idx %arg7[%add3A_410] : memref<1920xf32, #tpu.memory_space<vmem>>[vector<16xi32>], vector<16xf32>,
        %add3A_412 = arith.constant 105 : i32
        %add3A_413 = vector.broadcast %add3A_412 : i32 to vector<16xi32>
        %add3A_414 = arith.addi %scan3A_379, %add3A_413 : vector<16xi32>
        %gather3A_415 = tpu.vector_load_idx %arg7[%add3A_414] : memref<1920xf32, #tpu.memory_space<vmem>>[vector<16xi32>], vector<16xf32>,
        %add3A_416 = arith.constant 0 : i32
        %add3A_417 = vector.broadcast %add3A_416 : i32 to vector<16xi32>
        %add3A_418 = arith.addi %scan3A_380, %add3A_417 : vector<16xi32>
        %gather3A_419 = tpu.vector_load_idx %arg8[%add3A_418] : memref<17152xf32, #tpu.memory_space<vmem>>[vector<16xi32>], vector<16xf32>,
        %add3A_420 = arith.constant 134 : i32
        %add3A_421 = vector.broadcast %add3A_420 : i32 to vector<16xi32>
        %add3A_422 = arith.addi %scan3A_380, %add3A_421 : vector<16xi32>
        %gather3A_423 = tpu.vector_load_idx %arg8[%add3A_422] : memref<17152xf32, #tpu.memory_space<vmem>>[vector<16xi32>], vector<16xf32>,
        %add3A_424 = arith.constant 268 : i32
        %add3A_425 = vector.broadcast %add3A_424 : i32 to vector<16xi32>
        %add3A_426 = arith.addi %scan3A_380, %add3A_425 : vector<16xi32>
        %gather3A_427 = tpu.vector_load_idx %arg8[%add3A_426] : memref<17152xf32, #tpu.memory_space<vmem>>[vector<16xi32>], vector<16xf32>,
        %add3A_428 = arith.constant 402 : i32
        %add3A_429 = vector.broadcast %add3A_428 : i32 to vector<16xi32>
        %add3A_430 = arith.addi %scan3A_380, %add3A_429 : vector<16xi32>
        %gather3A_431 = tpu.vector_load_idx %arg8[%add3A_430] : memref<17152xf32, #tpu.memory_space<vmem>>[vector<16xi32>], vector<16xf32>,
        %add3A_432 = arith.constant 536 : i32
        %add3A_433 = vector.broadcast %add3A_432 : i32 to vector<16xi32>
        %add3A_434 = arith.addi %scan3A_380, %add3A_433 : vector<16xi32>
        %gather3A_435 = tpu.vector_load_idx %arg8[%add3A_434] : memref<17152xf32, #tpu.memory_space<vmem>>[vector<16xi32>], vector<16xf32>,
        %add3A_436 = arith.constant 670 : i32
        %add3A_437 = vector.broadcast %add3A_436 : i32 to vector<16xi32>
        %add3A_438 = arith.addi %scan3A_380, %add3A_437 : vector<16xi32>
        %gather3A_439 = tpu.vector_load_idx %arg8[%add3A_438] : memref<17152xf32, #tpu.memory_space<vmem>>[vector<16xi32>], vector<16xf32>,
        %add3A_440 = arith.constant 804 : i32
        %add3A_441 = vector.broadcast %add3A_440 : i32 to vector<16xi32>
        %add3A_442 = arith.addi %scan3A_380, %add3A_441 : vector<16xi32>
        %gather3A_443 = tpu.vector_load_idx %arg8[%add3A_442] : memref<17152xf32, #tpu.memory_space<vmem>>[vector<16xi32>], vector<16xf32>,
        %add3A_444 = arith.constant 938 : i32
        %add3A_445 = vector.broadcast %add3A_444 : i32 to vector<16xi32>
        %add3A_446 = arith.addi %scan3A_380, %add3A_445 : vector<16xi32>
        %gather3A_447 = tpu.vector_load_idx %arg8[%add3A_446] : memref<17152xf32, #tpu.memory_space<vmem>>[vector<16xi32>], vector<16xf32>,
        %add3A_448 = arith.constant 64 : i32
        %add3A_449 = arith.addi %add3A_448, %add3A_384 : i32
        %add3A_450 = arith.constant 0 : i32
        %add3A_451 = arith.addi %add3A_449, %add3A_450 : i32
        %swap3A = arith.index_cast %add3A_451 : i32 to index
        %swap3A_452 = arith.constant 64 : index
        %swap3A_453 = tpu.vector_load %arg12[%swap3A, %swap3A_452] {strides = array<i32>} : memref<320x128xf32, #tpu.memory_space<vmem>>, vector<16xf32>,
        tpu.vector_store %arg12[%swap3A, %swap3A_452], %gather3A {strides = array<i32>} : memref<320x128xf32, #tpu.memory_space<vmem>>, vector<16xf32>,
        %add3A_454 = arith.constant 64 : i32
        %add3A_455 = arith.addi %add3A_454, %add3A_384 : i32
        %add3A_456 = arith.constant 1 : i32
        %add3A_457 = arith.addi %add3A_455, %add3A_456 : i32
        %swap3A_458 = arith.index_cast %add3A_457 : i32 to index
        %swap3A_459 = arith.constant 64 : index
        %swap3A_460 = tpu.vector_load %arg12[%swap3A_458, %swap3A_459] {strides = array<i32>} : memref<320x128xf32, #tpu.memory_space<vmem>>, vector<16xf32>,
        tpu.vector_store %arg12[%swap3A_458, %swap3A_459], %gather3A_391 {strides = array<i32>} : memref<320x128xf32, #tpu.memory_space<vmem>>, vector<16xf32>,
        %add3A_461 = arith.constant 64 : i32
        %add3A_462 = arith.addi %add3A_461, %add3A_384 : i32
        %add3A_463 = arith.constant 2 : i32
        %add3A_464 = arith.addi %add3A_462, %add3A_463 : i32
        %swap3A_465 = arith.index_cast %add3A_464 : i32 to index
        %swap3A_466 = arith.constant 64 : index
        %swap3A_467 = tpu.vector_load %arg12[%swap3A_465, %swap3A_466] {strides = array<i32>} : memref<320x128xf32, #tpu.memory_space<vmem>>, vector<16xf32>,
        tpu.vector_store %arg12[%swap3A_465, %swap3A_466], %gather3A_395 {strides = array<i32>} : memref<320x128xf32, #tpu.memory_space<vmem>>, vector<16xf32>,
        %add3A_468 = arith.constant 64 : i32
        %add3A_469 = arith.addi %add3A_468, %add3A_384 : i32
        %add3A_470 = arith.constant 3 : i32
        %add3A_471 = arith.addi %add3A_469, %add3A_470 : i32
        %swap3A_472 = arith.index_cast %add3A_471 : i32 to index
        %swap3A_473 = arith.constant 64 : index
        %swap3A_474 = tpu.vector_load %arg12[%swap3A_472, %swap3A_473] {strides = array<i32>} : memref<320x128xf32, #tpu.memory_space<vmem>>, vector<16xf32>,
        tpu.vector_store %arg12[%swap3A_472, %swap3A_473], %gather3A_399 {strides = array<i32>} : memref<320x128xf32, #tpu.memory_space<vmem>>, vector<16xf32>,
        %add3A_475 = arith.constant 64 : i32
        %add3A_476 = arith.addi %add3A_475, %add3A_384 : i32
        %add3A_477 = arith.constant 4 : i32
        %add3A_478 = arith.addi %add3A_476, %add3A_477 : i32
        %swap3A_479 = arith.index_cast %add3A_478 : i32 to index
        %swap3A_480 = arith.constant 64 : index
        %swap3A_481 = tpu.vector_load %arg12[%swap3A_479, %swap3A_480] {strides = array<i32>} : memref<320x128xf32, #tpu.memory_space<vmem>>, vector<16xf32>,
        tpu.vector_store %arg12[%swap3A_479, %swap3A_480], %gather3A_403 {strides = array<i32>} : memref<320x128xf32, #tpu.memory_space<vmem>>, vector<16xf32>,
        %add3A_482 = arith.constant 64 : i32
        %add3A_483 = arith.addi %add3A_482, %add3A_384 : i32
        %add3A_484 = arith.constant 5 : i32
        %add3A_485 = arith.addi %add3A_483, %add3A_484 : i32
        %swap3A_486 = arith.index_cast %add3A_485 : i32 to index
        %swap3A_487 = arith.constant 64 : index
        %swap3A_488 = tpu.vector_load %arg12[%swap3A_486, %swap3A_487] {strides = array<i32>} : memref<320x128xf32, #tpu.memory_space<vmem>>, vector<16xf32>,
        tpu.vector_store %arg12[%swap3A_486, %swap3A_487], %gather3A_407 {strides = array<i32>} : memref<320x128xf32, #tpu.memory_space<vmem>>, vector<16xf32>,
        %add3A_489 = arith.constant 64 : i32
        %add3A_490 = arith.addi %add3A_489, %add3A_384 : i32
        %add3A_491 = arith.constant 6 : i32
        %add3A_492 = arith.addi %add3A_490, %add3A_491 : i32
        %swap3A_493 = arith.index_cast %add3A_492 : i32 to index
        %swap3A_494 = arith.constant 64 : index
        %swap3A_495 = tpu.vector_load %arg12[%swap3A_493, %swap3A_494] {strides = array<i32>} : memref<320x128xf32, #tpu.memory_space<vmem>>, vector<16xf32>,
        tpu.vector_store %arg12[%swap3A_493, %swap3A_494], %gather3A_411 {strides = array<i32>} : memref<320x128xf32, #tpu.memory_space<vmem>>, vector<16xf32>,
        %add3A_496 = arith.constant 64 : i32
        %add3A_497 = arith.addi %add3A_496, %add3A_384 : i32
        %add3A_498 = arith.constant 7 : i32
        %add3A_499 = arith.addi %add3A_497, %add3A_498 : i32
        %swap3A_500 = arith.index_cast %add3A_499 : i32 to index
        %swap3A_501 = arith.constant 64 : index
        %swap3A_502 = tpu.vector_load %arg12[%swap3A_500, %swap3A_501] {strides = array<i32>} : memref<320x128xf32, #tpu.memory_space<vmem>>, vector<16xf32>,
        tpu.vector_store %arg12[%swap3A_500, %swap3A_501], %gather3A_415 {strides = array<i32>} : memref<320x128xf32, #tpu.memory_space<vmem>>, vector<16xf32>,
        %add3A_503 = arith.constant 192 : i32
        %add3A_504 = arith.addi %add3A_503, %add3A_384 : i32
        %add3A_505 = arith.constant 0 : i32
        %add3A_506 = arith.addi %add3A_504, %add3A_505 : i32
        %swap3A_507 = arith.index_cast %add3A_506 : i32 to index
        %swap3A_508 = arith.constant 64 : index
        %swap3A_509 = tpu.vector_load %arg12[%swap3A_507, %swap3A_508] {strides = array<i32>} : memref<320x128xf32, #tpu.memory_space<vmem>>, vector<16xf32>,
        tpu.vector_store %arg12[%swap3A_507, %swap3A_508], %gather3A_419 {strides = array<i32>} : memref<320x128xf32, #tpu.memory_space<vmem>>, vector<16xf32>,
        %add3A_510 = arith.constant 192 : i32
        %add3A_511 = arith.addi %add3A_510, %add3A_384 : i32
        %add3A_512 = arith.constant 1 : i32
        %add3A_513 = arith.addi %add3A_511, %add3A_512 : i32
        %swap3A_514 = arith.index_cast %add3A_513 : i32 to index
        %swap3A_515 = arith.constant 64 : index
        %swap3A_516 = tpu.vector_load %arg12[%swap3A_514, %swap3A_515] {strides = array<i32>} : memref<320x128xf32, #tpu.memory_space<vmem>>, vector<16xf32>,
        tpu.vector_store %arg12[%swap3A_514, %swap3A_515], %gather3A_423 {strides = array<i32>} : memref<320x128xf32, #tpu.memory_space<vmem>>, vector<16xf32>,
        %add3A_517 = arith.constant 192 : i32
        %add3A_518 = arith.addi %add3A_517, %add3A_384 : i32
        %add3A_519 = arith.constant 2 : i32
        %add3A_520 = arith.addi %add3A_518, %add3A_519 : i32
        %swap3A_521 = arith.index_cast %add3A_520 : i32 to index
        %swap3A_522 = arith.constant 64 : index
        %swap3A_523 = tpu.vector_load %arg12[%swap3A_521, %swap3A_522] {strides = array<i32>} : memref<320x128xf32, #tpu.memory_space<vmem>>, vector<16xf32>,
        tpu.vector_store %arg12[%swap3A_521, %swap3A_522], %gather3A_427 {strides = array<i32>} : memref<320x128xf32, #tpu.memory_space<vmem>>, vector<16xf32>,
        %add3A_524 = arith.constant 192 : i32
        %add3A_525 = arith.addi %add3A_524, %add3A_384 : i32
        %add3A_526 = arith.constant 3 : i32
        %add3A_527 = arith.addi %add3A_525, %add3A_526 : i32
        %swap3A_528 = arith.index_cast %add3A_527 : i32 to index
        %swap3A_529 = arith.constant 64 : index
        %swap3A_530 = tpu.vector_load %arg12[%swap3A_528, %swap3A_529] {strides = array<i32>} : memref<320x128xf32, #tpu.memory_space<vmem>>, vector<16xf32>,
        tpu.vector_store %arg12[%swap3A_528, %swap3A_529], %gather3A_431 {strides = array<i32>} : memref<320x128xf32, #tpu.memory_space<vmem>>, vector<16xf32>,
        %add3A_531 = arith.constant 192 : i32
        %add3A_532 = arith.addi %add3A_531, %add3A_384 : i32
        %add3A_533 = arith.constant 4 : i32
        %add3A_534 = arith.addi %add3A_532, %add3A_533 : i32
        %swap3A_535 = arith.index_cast %add3A_534 : i32 to index
        %swap3A_536 = arith.constant 64 : index
        %swap3A_537 = tpu.vector_load %arg12[%swap3A_535, %swap3A_536] {strides = array<i32>} : memref<320x128xf32, #tpu.memory_space<vmem>>, vector<16xf32>,
        tpu.vector_store %arg12[%swap3A_535, %swap3A_536], %gather3A_435 {strides = array<i32>} : memref<320x128xf32, #tpu.memory_space<vmem>>, vector<16xf32>,
        %add3A_538 = arith.constant 192 : i32
        %add3A_539 = arith.addi %add3A_538, %add3A_384 : i32
        %add3A_540 = arith.constant 5 : i32
        %add3A_541 = arith.addi %add3A_539, %add3A_540 : i32
        %swap3A_542 = arith.index_cast %add3A_541 : i32 to index
        %swap3A_543 = arith.constant 64 : index
        %swap3A_544 = tpu.vector_load %arg12[%swap3A_542, %swap3A_543] {strides = array<i32>} : memref<320x128xf32, #tpu.memory_space<vmem>>, vector<16xf32>,
        tpu.vector_store %arg12[%swap3A_542, %swap3A_543], %gather3A_439 {strides = array<i32>} : memref<320x128xf32, #tpu.memory_space<vmem>>, vector<16xf32>,
        %add3A_545 = arith.constant 192 : i32
        %add3A_546 = arith.addi %add3A_545, %add3A_384 : i32
        %add3A_547 = arith.constant 6 : i32
        %add3A_548 = arith.addi %add3A_546, %add3A_547 : i32
        %swap3A_549 = arith.index_cast %add3A_548 : i32 to index
        %swap3A_550 = arith.constant 64 : index
        %swap3A_551 = tpu.vector_load %arg12[%swap3A_549, %swap3A_550] {strides = array<i32>} : memref<320x128xf32, #tpu.memory_space<vmem>>, vector<16xf32>,
        tpu.vector_store %arg12[%swap3A_549, %swap3A_550], %gather3A_443 {strides = array<i32>} : memref<320x128xf32, #tpu.memory_space<vmem>>, vector<16xf32>,
        %add3A_552 = arith.constant 192 : i32
        %add3A_553 = arith.addi %add3A_552, %add3A_384 : i32
        %add3A_554 = arith.constant 7 : i32
        %add3A_555 = arith.addi %add3A_553, %add3A_554 : i32
        %swap3A_556 = arith.index_cast %add3A_555 : i32 to index
        %swap3A_557 = arith.constant 64 : index
        %swap3A_558 = tpu.vector_load %arg12[%swap3A_556, %swap3A_557] {strides = array<i32>} : memref<320x128xf32, #tpu.memory_space<vmem>>, vector<16xf32>,
        tpu.vector_store %arg12[%swap3A_556, %swap3A_557], %gather3A_447 {strides = array<i32>} : memref<320x128xf32, #tpu.memory_space<vmem>>, vector<16xf32>,
        %add3A_559 = arith.constant 120 : i32
        %add3A_560 = vector.broadcast %add3A_559 : i32 to vector<16xi32>
        %add3A_561 = arith.addi %scan3A_379, %add3A_560 : vector<16xi32>
        %add3A_562 = arith.constant 1072 : i32
        %add3A_563 = vector.broadcast %add3A_562 : i32 to vector<16xi32>
        %add3A_564 = arith.addi %scan3A_380, %add3A_563 : vector<16xi32>
        scf.yield %add3A_561, %add3A_564 : vector<16xi32>, vector<16xi32>
      }
      %scan3A_311 = arith.constant 16 : i32
      %get3A_312 = arith.constant 0 : i32
      %get3A_313 = arith.index_cast %get3A_312 : i32 to index
      %get3A_314 = arith.constant 80 : index
      %get3A_315 = tpu.vector_load %arg10[%get3A_313, %get3A_314] {strides = array<i32>} : memref<2x128xf32, #tpu.memory_space<vmem>>, vector<16xf32>,
      %convert_element_type3A_316 = arith.fptosi %get3A_315 : vector<16xf32> to vector<16xi32>
      %get3A_317 = arith.constant 1 : i32
      %get3A_318 = arith.index_cast %get3A_317 : i32 to index
      %get3A_319 = arith.constant 80 : index
      %get3A_320 = tpu.vector_load %arg10[%get3A_318, %get3A_319] {strides = array<i32>} : memref<2x128xf32, #tpu.memory_space<vmem>>, vector<16xf32>,
      %convert_element_type3A_321 = arith.fptosi %get3A_320 : vector<16xf32> to vector<16xi32>
      %scan3A_322 = arith.constant 0 : i32
      %scan3A_323 = arith.constant 16 : i32
      %scan3A_324 = arith.addi %scan3A_322, %scan3A_323 : i32
      %scan3A_325 = arith.constant 1 : i32
      %scan3A_326:2 = scf.for %scan3A_378 = %scan3A_322 to %scan3A_324 step %scan3A_325 iter_args(%scan3A_379 = %convert_element_type3A_316, %scan3A_380 = %convert_element_type3A_321) -> (vector<16xi32>, vector<16xi32>)  : i32 {
        %mul3A_381 = arith.constant 8 : i32
        %mul3A_382 = arith.muli %scan3A_378, %mul3A_381 : i32
        %add3A_383 = arith.constant 0 : i32
        %add3A_384 = arith.addi %add3A_383, %mul3A_382 : i32
        %add3A_385 = arith.constant 0 : i32
        %add3A_386 = vector.broadcast %add3A_385 : i32 to vector<16xi32>
        %add3A_387 = arith.addi %scan3A_379, %add3A_386 : vector<16xi32>
        %gather3A = tpu.vector_load_idx %arg7[%add3A_387] : memref<1920xf32, #tpu.memory_space<vmem>>[vector<16xi32>], vector<16xf32>,
        %add3A_388 = arith.constant 15 : i32
        %add3A_389 = vector.broadcast %add3A_388 : i32 to vector<16xi32>
        %add3A_390 = arith.addi %scan3A_379, %add3A_389 : vector<16xi32>
        %gather3A_391 = tpu.vector_load_idx %arg7[%add3A_390] : memref<1920xf32, #tpu.memory_space<vmem>>[vector<16xi32>], vector<16xf32>,
        %add3A_392 = arith.constant 30 : i32
        %add3A_393 = vector.broadcast %add3A_392 : i32 to vector<16xi32>
        %add3A_394 = arith.addi %scan3A_379, %add3A_393 : vector<16xi32>
        %gather3A_395 = tpu.vector_load_idx %arg7[%add3A_394] : memref<1920xf32, #tpu.memory_space<vmem>>[vector<16xi32>], vector<16xf32>,
        %add3A_396 = arith.constant 45 : i32
        %add3A_397 = vector.broadcast %add3A_396 : i32 to vector<16xi32>
        %add3A_398 = arith.addi %scan3A_379, %add3A_397 : vector<16xi32>
        %gather3A_399 = tpu.vector_load_idx %arg7[%add3A_398] : memref<1920xf32, #tpu.memory_space<vmem>>[vector<16xi32>], vector<16xf32>,
        %add3A_400 = arith.constant 60 : i32
        %add3A_401 = vector.broadcast %add3A_400 : i32 to vector<16xi32>
        %add3A_402 = arith.addi %scan3A_379, %add3A_401 : vector<16xi32>
        %gather3A_403 = tpu.vector_load_idx %arg7[%add3A_402] : memref<1920xf32, #tpu.memory_space<vmem>>[vector<16xi32>], vector<16xf32>,
        %add3A_404 = arith.constant 75 : i32
        %add3A_405 = vector.broadcast %add3A_404 : i32 to vector<16xi32>
        %add3A_406 = arith.addi %scan3A_379, %add3A_405 : vector<16xi32>
        %gather3A_407 = tpu.vector_load_idx %arg7[%add3A_406] : memref<1920xf32, #tpu.memory_space<vmem>>[vector<16xi32>], vector<16xf32>,
        %add3A_408 = arith.constant 90 : i32
        %add3A_409 = vector.broadcast %add3A_408 : i32 to vector<16xi32>
        %add3A_410 = arith.addi %scan3A_379, %add3A_409 : vector<16xi32>
        %gather3A_411 = tpu.vector_load_idx %arg7[%add3A_410] : memref<1920xf32, #tpu.memory_space<vmem>>[vector<16xi32>], vector<16xf32>,
        %add3A_412 = arith.constant 105 : i32
        %add3A_413 = vector.broadcast %add3A_412 : i32 to vector<16xi32>
        %add3A_414 = arith.addi %scan3A_379, %add3A_413 : vector<16xi32>
        %gather3A_415 = tpu.vector_load_idx %arg7[%add3A_414] : memref<1920xf32, #tpu.memory_space<vmem>>[vector<16xi32>], vector<16xf32>,
        %add3A_416 = arith.constant 0 : i32
        %add3A_417 = vector.broadcast %add3A_416 : i32 to vector<16xi32>
        %add3A_418 = arith.addi %scan3A_380, %add3A_417 : vector<16xi32>
        %gather3A_419 = tpu.vector_load_idx %arg8[%add3A_418] : memref<17152xf32, #tpu.memory_space<vmem>>[vector<16xi32>], vector<16xf32>,
        %add3A_420 = arith.constant 134 : i32
        %add3A_421 = vector.broadcast %add3A_420 : i32 to vector<16xi32>
        %add3A_422 = arith.addi %scan3A_380, %add3A_421 : vector<16xi32>
        %gather3A_423 = tpu.vector_load_idx %arg8[%add3A_422] : memref<17152xf32, #tpu.memory_space<vmem>>[vector<16xi32>], vector<16xf32>,
        %add3A_424 = arith.constant 268 : i32
        %add3A_425 = vector.broadcast %add3A_424 : i32 to vector<16xi32>
        %add3A_426 = arith.addi %scan3A_380, %add3A_425 : vector<16xi32>
        %gather3A_427 = tpu.vector_load_idx %arg8[%add3A_426] : memref<17152xf32, #tpu.memory_space<vmem>>[vector<16xi32>], vector<16xf32>,
        %add3A_428 = arith.constant 402 : i32
        %add3A_429 = vector.broadcast %add3A_428 : i32 to vector<16xi32>
        %add3A_430 = arith.addi %scan3A_380, %add3A_429 : vector<16xi32>
        %gather3A_431 = tpu.vector_load_idx %arg8[%add3A_430] : memref<17152xf32, #tpu.memory_space<vmem>>[vector<16xi32>], vector<16xf32>,
        %add3A_432 = arith.constant 536 : i32
        %add3A_433 = vector.broadcast %add3A_432 : i32 to vector<16xi32>
        %add3A_434 = arith.addi %scan3A_380, %add3A_433 : vector<16xi32>
        %gather3A_435 = tpu.vector_load_idx %arg8[%add3A_434] : memref<17152xf32, #tpu.memory_space<vmem>>[vector<16xi32>], vector<16xf32>,
        %add3A_436 = arith.constant 670 : i32
        %add3A_437 = vector.broadcast %add3A_436 : i32 to vector<16xi32>
        %add3A_438 = arith.addi %scan3A_380, %add3A_437 : vector<16xi32>
        %gather3A_439 = tpu.vector_load_idx %arg8[%add3A_438] : memref<17152xf32, #tpu.memory_space<vmem>>[vector<16xi32>], vector<16xf32>,
        %add3A_440 = arith.constant 804 : i32
        %add3A_441 = vector.broadcast %add3A_440 : i32 to vector<16xi32>
        %add3A_442 = arith.addi %scan3A_380, %add3A_441 : vector<16xi32>
        %gather3A_443 = tpu.vector_load_idx %arg8[%add3A_442] : memref<17152xf32, #tpu.memory_space<vmem>>[vector<16xi32>], vector<16xf32>,
        %add3A_444 = arith.constant 938 : i32
        %add3A_445 = vector.broadcast %add3A_444 : i32 to vector<16xi32>
        %add3A_446 = arith.addi %scan3A_380, %add3A_445 : vector<16xi32>
        %gather3A_447 = tpu.vector_load_idx %arg8[%add3A_446] : memref<17152xf32, #tpu.memory_space<vmem>>[vector<16xi32>], vector<16xf32>,
        %add3A_448 = arith.constant 64 : i32
        %add3A_449 = arith.addi %add3A_448, %add3A_384 : i32
        %add3A_450 = arith.constant 0 : i32
        %add3A_451 = arith.addi %add3A_449, %add3A_450 : i32
        %swap3A = arith.index_cast %add3A_451 : i32 to index
        %swap3A_452 = arith.constant 80 : index
        %swap3A_453 = tpu.vector_load %arg12[%swap3A, %swap3A_452] {strides = array<i32>} : memref<320x128xf32, #tpu.memory_space<vmem>>, vector<16xf32>,
        tpu.vector_store %arg12[%swap3A, %swap3A_452], %gather3A {strides = array<i32>} : memref<320x128xf32, #tpu.memory_space<vmem>>, vector<16xf32>,
        %add3A_454 = arith.constant 64 : i32
        %add3A_455 = arith.addi %add3A_454, %add3A_384 : i32
        %add3A_456 = arith.constant 1 : i32
        %add3A_457 = arith.addi %add3A_455, %add3A_456 : i32
        %swap3A_458 = arith.index_cast %add3A_457 : i32 to index
        %swap3A_459 = arith.constant 80 : index
        %swap3A_460 = tpu.vector_load %arg12[%swap3A_458, %swap3A_459] {strides = array<i32>} : memref<320x128xf32, #tpu.memory_space<vmem>>, vector<16xf32>,
        tpu.vector_store %arg12[%swap3A_458, %swap3A_459], %gather3A_391 {strides = array<i32>} : memref<320x128xf32, #tpu.memory_space<vmem>>, vector<16xf32>,
        %add3A_461 = arith.constant 64 : i32
        %add3A_462 = arith.addi %add3A_461, %add3A_384 : i32
        %add3A_463 = arith.constant 2 : i32
        %add3A_464 = arith.addi %add3A_462, %add3A_463 : i32
        %swap3A_465 = arith.index_cast %add3A_464 : i32 to index
        %swap3A_466 = arith.constant 80 : index
        %swap3A_467 = tpu.vector_load %arg12[%swap3A_465, %swap3A_466] {strides = array<i32>} : memref<320x128xf32, #tpu.memory_space<vmem>>, vector<16xf32>,
        tpu.vector_store %arg12[%swap3A_465, %swap3A_466], %gather3A_395 {strides = array<i32>} : memref<320x128xf32, #tpu.memory_space<vmem>>, vector<16xf32>,
        %add3A_468 = arith.constant 64 : i32
        %add3A_469 = arith.addi %add3A_468, %add3A_384 : i32
        %add3A_470 = arith.constant 3 : i32
        %add3A_471 = arith.addi %add3A_469, %add3A_470 : i32
        %swap3A_472 = arith.index_cast %add3A_471 : i32 to index
        %swap3A_473 = arith.constant 80 : index
        %swap3A_474 = tpu.vector_load %arg12[%swap3A_472, %swap3A_473] {strides = array<i32>} : memref<320x128xf32, #tpu.memory_space<vmem>>, vector<16xf32>,
        tpu.vector_store %arg12[%swap3A_472, %swap3A_473], %gather3A_399 {strides = array<i32>} : memref<320x128xf32, #tpu.memory_space<vmem>>, vector<16xf32>,
        %add3A_475 = arith.constant 64 : i32
        %add3A_476 = arith.addi %add3A_475, %add3A_384 : i32
        %add3A_477 = arith.constant 4 : i32
        %add3A_478 = arith.addi %add3A_476, %add3A_477 : i32
        %swap3A_479 = arith.index_cast %add3A_478 : i32 to index
        %swap3A_480 = arith.constant 80 : index
        %swap3A_481 = tpu.vector_load %arg12[%swap3A_479, %swap3A_480] {strides = array<i32>} : memref<320x128xf32, #tpu.memory_space<vmem>>, vector<16xf32>,
        tpu.vector_store %arg12[%swap3A_479, %swap3A_480], %gather3A_403 {strides = array<i32>} : memref<320x128xf32, #tpu.memory_space<vmem>>, vector<16xf32>,
        %add3A_482 = arith.constant 64 : i32
        %add3A_483 = arith.addi %add3A_482, %add3A_384 : i32
        %add3A_484 = arith.constant 5 : i32
        %add3A_485 = arith.addi %add3A_483, %add3A_484 : i32
        %swap3A_486 = arith.index_cast %add3A_485 : i32 to index
        %swap3A_487 = arith.constant 80 : index
        %swap3A_488 = tpu.vector_load %arg12[%swap3A_486, %swap3A_487] {strides = array<i32>} : memref<320x128xf32, #tpu.memory_space<vmem>>, vector<16xf32>,
        tpu.vector_store %arg12[%swap3A_486, %swap3A_487], %gather3A_407 {strides = array<i32>} : memref<320x128xf32, #tpu.memory_space<vmem>>, vector<16xf32>,
        %add3A_489 = arith.constant 64 : i32
        %add3A_490 = arith.addi %add3A_489, %add3A_384 : i32
        %add3A_491 = arith.constant 6 : i32
        %add3A_492 = arith.addi %add3A_490, %add3A_491 : i32
        %swap3A_493 = arith.index_cast %add3A_492 : i32 to index
        %swap3A_494 = arith.constant 80 : index
        %swap3A_495 = tpu.vector_load %arg12[%swap3A_493, %swap3A_494] {strides = array<i32>} : memref<320x128xf32, #tpu.memory_space<vmem>>, vector<16xf32>,
        tpu.vector_store %arg12[%swap3A_493, %swap3A_494], %gather3A_411 {strides = array<i32>} : memref<320x128xf32, #tpu.memory_space<vmem>>, vector<16xf32>,
        %add3A_496 = arith.constant 64 : i32
        %add3A_497 = arith.addi %add3A_496, %add3A_384 : i32
        %add3A_498 = arith.constant 7 : i32
        %add3A_499 = arith.addi %add3A_497, %add3A_498 : i32
        %swap3A_500 = arith.index_cast %add3A_499 : i32 to index
        %swap3A_501 = arith.constant 80 : index
        %swap3A_502 = tpu.vector_load %arg12[%swap3A_500, %swap3A_501] {strides = array<i32>} : memref<320x128xf32, #tpu.memory_space<vmem>>, vector<16xf32>,
        tpu.vector_store %arg12[%swap3A_500, %swap3A_501], %gather3A_415 {strides = array<i32>} : memref<320x128xf32, #tpu.memory_space<vmem>>, vector<16xf32>,
        %add3A_503 = arith.constant 192 : i32
        %add3A_504 = arith.addi %add3A_503, %add3A_384 : i32
        %add3A_505 = arith.constant 0 : i32
        %add3A_506 = arith.addi %add3A_504, %add3A_505 : i32
        %swap3A_507 = arith.index_cast %add3A_506 : i32 to index
        %swap3A_508 = arith.constant 80 : index
        %swap3A_509 = tpu.vector_load %arg12[%swap3A_507, %swap3A_508] {strides = array<i32>} : memref<320x128xf32, #tpu.memory_space<vmem>>, vector<16xf32>,
        tpu.vector_store %arg12[%swap3A_507, %swap3A_508], %gather3A_419 {strides = array<i32>} : memref<320x128xf32, #tpu.memory_space<vmem>>, vector<16xf32>,
        %add3A_510 = arith.constant 192 : i32
        %add3A_511 = arith.addi %add3A_510, %add3A_384 : i32
        %add3A_512 = arith.constant 1 : i32
        %add3A_513 = arith.addi %add3A_511, %add3A_512 : i32
        %swap3A_514 = arith.index_cast %add3A_513 : i32 to index
        %swap3A_515 = arith.constant 80 : index
        %swap3A_516 = tpu.vector_load %arg12[%swap3A_514, %swap3A_515] {strides = array<i32>} : memref<320x128xf32, #tpu.memory_space<vmem>>, vector<16xf32>,
        tpu.vector_store %arg12[%swap3A_514, %swap3A_515], %gather3A_423 {strides = array<i32>} : memref<320x128xf32, #tpu.memory_space<vmem>>, vector<16xf32>,
        %add3A_517 = arith.constant 192 : i32
        %add3A_518 = arith.addi %add3A_517, %add3A_384 : i32
        %add3A_519 = arith.constant 2 : i32
        %add3A_520 = arith.addi %add3A_518, %add3A_519 : i32
        %swap3A_521 = arith.index_cast %add3A_520 : i32 to index
        %swap3A_522 = arith.constant 80 : index
        %swap3A_523 = tpu.vector_load %arg12[%swap3A_521, %swap3A_522] {strides = array<i32>} : memref<320x128xf32, #tpu.memory_space<vmem>>, vector<16xf32>,
        tpu.vector_store %arg12[%swap3A_521, %swap3A_522], %gather3A_427 {strides = array<i32>} : memref<320x128xf32, #tpu.memory_space<vmem>>, vector<16xf32>,
        %add3A_524 = arith.constant 192 : i32
        %add3A_525 = arith.addi %add3A_524, %add3A_384 : i32
        %add3A_526 = arith.constant 3 : i32
        %add3A_527 = arith.addi %add3A_525, %add3A_526 : i32
        %swap3A_528 = arith.index_cast %add3A_527 : i32 to index
        %swap3A_529 = arith.constant 80 : index
        %swap3A_530 = tpu.vector_load %arg12[%swap3A_528, %swap3A_529] {strides = array<i32>} : memref<320x128xf32, #tpu.memory_space<vmem>>, vector<16xf32>,
        tpu.vector_store %arg12[%swap3A_528, %swap3A_529], %gather3A_431 {strides = array<i32>} : memref<320x128xf32, #tpu.memory_space<vmem>>, vector<16xf32>,
        %add3A_531 = arith.constant 192 : i32
        %add3A_532 = arith.addi %add3A_531, %add3A_384 : i32
        %add3A_533 = arith.constant 4 : i32
        %add3A_534 = arith.addi %add3A_532, %add3A_533 : i32
        %swap3A_535 = arith.index_cast %add3A_534 : i32 to index
        %swap3A_536 = arith.constant 80 : index
        %swap3A_537 = tpu.vector_load %arg12[%swap3A_535, %swap3A_536] {strides = array<i32>} : memref<320x128xf32, #tpu.memory_space<vmem>>, vector<16xf32>,
        tpu.vector_store %arg12[%swap3A_535, %swap3A_536], %gather3A_435 {strides = array<i32>} : memref<320x128xf32, #tpu.memory_space<vmem>>, vector<16xf32>,
        %add3A_538 = arith.constant 192 : i32
        %add3A_539 = arith.addi %add3A_538, %add3A_384 : i32
        %add3A_540 = arith.constant 5 : i32
        %add3A_541 = arith.addi %add3A_539, %add3A_540 : i32
        %swap3A_542 = arith.index_cast %add3A_541 : i32 to index
        %swap3A_543 = arith.constant 80 : index
        %swap3A_544 = tpu.vector_load %arg12[%swap3A_542, %swap3A_543] {strides = array<i32>} : memref<320x128xf32, #tpu.memory_space<vmem>>, vector<16xf32>,
        tpu.vector_store %arg12[%swap3A_542, %swap3A_543], %gather3A_439 {strides = array<i32>} : memref<320x128xf32, #tpu.memory_space<vmem>>, vector<16xf32>,
        %add3A_545 = arith.constant 192 : i32
        %add3A_546 = arith.addi %add3A_545, %add3A_384 : i32
        %add3A_547 = arith.constant 6 : i32
        %add3A_548 = arith.addi %add3A_546, %add3A_547 : i32
        %swap3A_549 = arith.index_cast %add3A_548 : i32 to index
        %swap3A_550 = arith.constant 80 : index
        %swap3A_551 = tpu.vector_load %arg12[%swap3A_549, %swap3A_550] {strides = array<i32>} : memref<320x128xf32, #tpu.memory_space<vmem>>, vector<16xf32>,
        tpu.vector_store %arg12[%swap3A_549, %swap3A_550], %gather3A_443 {strides = array<i32>} : memref<320x128xf32, #tpu.memory_space<vmem>>, vector<16xf32>,
        %add3A_552 = arith.constant 192 : i32
        %add3A_553 = arith.addi %add3A_552, %add3A_384 : i32
        %add3A_554 = arith.constant 7 : i32
        %add3A_555 = arith.addi %add3A_553, %add3A_554 : i32
        %swap3A_556 = arith.index_cast %add3A_555 : i32 to index
        %swap3A_557 = arith.constant 80 : index
        %swap3A_558 = tpu.vector_load %arg12[%swap3A_556, %swap3A_557] {strides = array<i32>} : memref<320x128xf32, #tpu.memory_space<vmem>>, vector<16xf32>,
        tpu.vector_store %arg12[%swap3A_556, %swap3A_557], %gather3A_447 {strides = array<i32>} : memref<320x128xf32, #tpu.memory_space<vmem>>, vector<16xf32>,
        %add3A_559 = arith.constant 120 : i32
        %add3A_560 = vector.broadcast %add3A_559 : i32 to vector<16xi32>
        %add3A_561 = arith.addi %scan3A_379, %add3A_560 : vector<16xi32>
        %add3A_562 = arith.constant 1072 : i32
        %add3A_563 = vector.broadcast %add3A_562 : i32 to vector<16xi32>
        %add3A_564 = arith.addi %scan3A_380, %add3A_563 : vector<16xi32>
        scf.yield %add3A_561, %add3A_564 : vector<16xi32>, vector<16xi32>
      }
      %scan3A_327 = arith.constant 16 : i32
      %get3A_328 = arith.constant 0 : i32
      %get3A_329 = arith.index_cast %get3A_328 : i32 to index
      %get3A_330 = arith.constant 96 : index
      %get3A_331 = tpu.vector_load %arg10[%get3A_329, %get3A_330] {strides = array<i32>} : memref<2x128xf32, #tpu.memory_space<vmem>>, vector<16xf32>,
      %convert_element_type3A_332 = arith.fptosi %get3A_331 : vector<16xf32> to vector<16xi32>
      %get3A_333 = arith.constant 1 : i32
      %get3A_334 = arith.index_cast %get3A_333 : i32 to index
      %get3A_335 = arith.constant 96 : index
      %get3A_336 = tpu.vector_load %arg10[%get3A_334, %get3A_335] {strides = array<i32>} : memref<2x128xf32, #tpu.memory_space<vmem>>, vector<16xf32>,
      %convert_element_type3A_337 = arith.fptosi %get3A_336 : vector<16xf32> to vector<16xi32>
      %scan3A_338 = arith.constant 0 : i32
      %scan3A_339 = arith.constant 16 : i32
      %scan3A_340 = arith.addi %scan3A_338, %scan3A_339 : i32
      %scan3A_341 = arith.constant 1 : i32
      %scan3A_342:2 = scf.for %scan3A_378 = %scan3A_338 to %scan3A_340 step %scan3A_341 iter_args(%scan3A_379 = %convert_element_type3A_332, %scan3A_380 = %convert_element_type3A_337) -> (vector<16xi32>, vector<16xi32>)  : i32 {
        %mul3A_381 = arith.constant 8 : i32
        %mul3A_382 = arith.muli %scan3A_378, %mul3A_381 : i32
        %add3A_383 = arith.constant 0 : i32
        %add3A_384 = arith.addi %add3A_383, %mul3A_382 : i32
        %add3A_385 = arith.constant 0 : i32
        %add3A_386 = vector.broadcast %add3A_385 : i32 to vector<16xi32>
        %add3A_387 = arith.addi %scan3A_379, %add3A_386 : vector<16xi32>
        %gather3A = tpu.vector_load_idx %arg7[%add3A_387] : memref<1920xf32, #tpu.memory_space<vmem>>[vector<16xi32>], vector<16xf32>,
        %add3A_388 = arith.constant 15 : i32
        %add3A_389 = vector.broadcast %add3A_388 : i32 to vector<16xi32>
        %add3A_390 = arith.addi %scan3A_379, %add3A_389 : vector<16xi32>
        %gather3A_391 = tpu.vector_load_idx %arg7[%add3A_390] : memref<1920xf32, #tpu.memory_space<vmem>>[vector<16xi32>], vector<16xf32>,
        %add3A_392 = arith.constant 30 : i32
        %add3A_393 = vector.broadcast %add3A_392 : i32 to vector<16xi32>
        %add3A_394 = arith.addi %scan3A_379, %add3A_393 : vector<16xi32>
        %gather3A_395 = tpu.vector_load_idx %arg7[%add3A_394] : memref<1920xf32, #tpu.memory_space<vmem>>[vector<16xi32>], vector<16xf32>,
        %add3A_396 = arith.constant 45 : i32
        %add3A_397 = vector.broadcast %add3A_396 : i32 to vector<16xi32>
        %add3A_398 = arith.addi %scan3A_379, %add3A_397 : vector<16xi32>
        %gather3A_399 = tpu.vector_load_idx %arg7[%add3A_398] : memref<1920xf32, #tpu.memory_space<vmem>>[vector<16xi32>], vector<16xf32>,
        %add3A_400 = arith.constant 60 : i32
        %add3A_401 = vector.broadcast %add3A_400 : i32 to vector<16xi32>
        %add3A_402 = arith.addi %scan3A_379, %add3A_401 : vector<16xi32>
        %gather3A_403 = tpu.vector_load_idx %arg7[%add3A_402] : memref<1920xf32, #tpu.memory_space<vmem>>[vector<16xi32>], vector<16xf32>,
        %add3A_404 = arith.constant 75 : i32
        %add3A_405 = vector.broadcast %add3A_404 : i32 to vector<16xi32>
        %add3A_406 = arith.addi %scan3A_379, %add3A_405 : vector<16xi32>
        %gather3A_407 = tpu.vector_load_idx %arg7[%add3A_406] : memref<1920xf32, #tpu.memory_space<vmem>>[vector<16xi32>], vector<16xf32>,
        %add3A_408 = arith.constant 90 : i32
        %add3A_409 = vector.broadcast %add3A_408 : i32 to vector<16xi32>
        %add3A_410 = arith.addi %scan3A_379, %add3A_409 : vector<16xi32>
        %gather3A_411 = tpu.vector_load_idx %arg7[%add3A_410] : memref<1920xf32, #tpu.memory_space<vmem>>[vector<16xi32>], vector<16xf32>,
        %add3A_412 = arith.constant 105 : i32
        %add3A_413 = vector.broadcast %add3A_412 : i32 to vector<16xi32>
        %add3A_414 = arith.addi %scan3A_379, %add3A_413 : vector<16xi32>
        %gather3A_415 = tpu.vector_load_idx %arg7[%add3A_414] : memref<1920xf32, #tpu.memory_space<vmem>>[vector<16xi32>], vector<16xf32>,
        %add3A_416 = arith.constant 0 : i32
        %add3A_417 = vector.broadcast %add3A_416 : i32 to vector<16xi32>
        %add3A_418 = arith.addi %scan3A_380, %add3A_417 : vector<16xi32>
        %gather3A_419 = tpu.vector_load_idx %arg8[%add3A_418] : memref<17152xf32, #tpu.memory_space<vmem>>[vector<16xi32>], vector<16xf32>,
        %add3A_420 = arith.constant 134 : i32
        %add3A_421 = vector.broadcast %add3A_420 : i32 to vector<16xi32>
        %add3A_422 = arith.addi %scan3A_380, %add3A_421 : vector<16xi32>
        %gather3A_423 = tpu.vector_load_idx %arg8[%add3A_422] : memref<17152xf32, #tpu.memory_space<vmem>>[vector<16xi32>], vector<16xf32>,
        %add3A_424 = arith.constant 268 : i32
        %add3A_425 = vector.broadcast %add3A_424 : i32 to vector<16xi32>
        %add3A_426 = arith.addi %scan3A_380, %add3A_425 : vector<16xi32>
        %gather3A_427 = tpu.vector_load_idx %arg8[%add3A_426] : memref<17152xf32, #tpu.memory_space<vmem>>[vector<16xi32>], vector<16xf32>,
        %add3A_428 = arith.constant 402 : i32
        %add3A_429 = vector.broadcast %add3A_428 : i32 to vector<16xi32>
        %add3A_430 = arith.addi %scan3A_380, %add3A_429 : vector<16xi32>
        %gather3A_431 = tpu.vector_load_idx %arg8[%add3A_430] : memref<17152xf32, #tpu.memory_space<vmem>>[vector<16xi32>], vector<16xf32>,
        %add3A_432 = arith.constant 536 : i32
        %add3A_433 = vector.broadcast %add3A_432 : i32 to vector<16xi32>
        %add3A_434 = arith.addi %scan3A_380, %add3A_433 : vector<16xi32>
        %gather3A_435 = tpu.vector_load_idx %arg8[%add3A_434] : memref<17152xf32, #tpu.memory_space<vmem>>[vector<16xi32>], vector<16xf32>,
        %add3A_436 = arith.constant 670 : i32
        %add3A_437 = vector.broadcast %add3A_436 : i32 to vector<16xi32>
        %add3A_438 = arith.addi %scan3A_380, %add3A_437 : vector<16xi32>
        %gather3A_439 = tpu.vector_load_idx %arg8[%add3A_438] : memref<17152xf32, #tpu.memory_space<vmem>>[vector<16xi32>], vector<16xf32>,
        %add3A_440 = arith.constant 804 : i32
        %add3A_441 = vector.broadcast %add3A_440 : i32 to vector<16xi32>
        %add3A_442 = arith.addi %scan3A_380, %add3A_441 : vector<16xi32>
        %gather3A_443 = tpu.vector_load_idx %arg8[%add3A_442] : memref<17152xf32, #tpu.memory_space<vmem>>[vector<16xi32>], vector<16xf32>,
        %add3A_444 = arith.constant 938 : i32
        %add3A_445 = vector.broadcast %add3A_444 : i32 to vector<16xi32>
        %add3A_446 = arith.addi %scan3A_380, %add3A_445 : vector<16xi32>
        %gather3A_447 = tpu.vector_load_idx %arg8[%add3A_446] : memref<17152xf32, #tpu.memory_space<vmem>>[vector<16xi32>], vector<16xf32>,
        %add3A_448 = arith.constant 64 : i32
        %add3A_449 = arith.addi %add3A_448, %add3A_384 : i32
        %add3A_450 = arith.constant 0 : i32
        %add3A_451 = arith.addi %add3A_449, %add3A_450 : i32
        %swap3A = arith.index_cast %add3A_451 : i32 to index
        %swap3A_452 = arith.constant 96 : index
        %swap3A_453 = tpu.vector_load %arg12[%swap3A, %swap3A_452] {strides = array<i32>} : memref<320x128xf32, #tpu.memory_space<vmem>>, vector<16xf32>,
        tpu.vector_store %arg12[%swap3A, %swap3A_452], %gather3A {strides = array<i32>} : memref<320x128xf32, #tpu.memory_space<vmem>>, vector<16xf32>,
        %add3A_454 = arith.constant 64 : i32
        %add3A_455 = arith.addi %add3A_454, %add3A_384 : i32
        %add3A_456 = arith.constant 1 : i32
        %add3A_457 = arith.addi %add3A_455, %add3A_456 : i32
        %swap3A_458 = arith.index_cast %add3A_457 : i32 to index
        %swap3A_459 = arith.constant 96 : index
        %swap3A_460 = tpu.vector_load %arg12[%swap3A_458, %swap3A_459] {strides = array<i32>} : memref<320x128xf32, #tpu.memory_space<vmem>>, vector<16xf32>,
        tpu.vector_store %arg12[%swap3A_458, %swap3A_459], %gather3A_391 {strides = array<i32>} : memref<320x128xf32, #tpu.memory_space<vmem>>, vector<16xf32>,
        %add3A_461 = arith.constant 64 : i32
        %add3A_462 = arith.addi %add3A_461, %add3A_384 : i32
        %add3A_463 = arith.constant 2 : i32
        %add3A_464 = arith.addi %add3A_462, %add3A_463 : i32
        %swap3A_465 = arith.index_cast %add3A_464 : i32 to index
        %swap3A_466 = arith.constant 96 : index
        %swap3A_467 = tpu.vector_load %arg12[%swap3A_465, %swap3A_466] {strides = array<i32>} : memref<320x128xf32, #tpu.memory_space<vmem>>, vector<16xf32>,
        tpu.vector_store %arg12[%swap3A_465, %swap3A_466], %gather3A_395 {strides = array<i32>} : memref<320x128xf32, #tpu.memory_space<vmem>>, vector<16xf32>,
        %add3A_468 = arith.constant 64 : i32
        %add3A_469 = arith.addi %add3A_468, %add3A_384 : i32
        %add3A_470 = arith.constant 3 : i32
        %add3A_471 = arith.addi %add3A_469, %add3A_470 : i32
        %swap3A_472 = arith.index_cast %add3A_471 : i32 to index
        %swap3A_473 = arith.constant 96 : index
        %swap3A_474 = tpu.vector_load %arg12[%swap3A_472, %swap3A_473] {strides = array<i32>} : memref<320x128xf32, #tpu.memory_space<vmem>>, vector<16xf32>,
        tpu.vector_store %arg12[%swap3A_472, %swap3A_473], %gather3A_399 {strides = array<i32>} : memref<320x128xf32, #tpu.memory_space<vmem>>, vector<16xf32>,
        %add3A_475 = arith.constant 64 : i32
        %add3A_476 = arith.addi %add3A_475, %add3A_384 : i32
        %add3A_477 = arith.constant 4 : i32
        %add3A_478 = arith.addi %add3A_476, %add3A_477 : i32
        %swap3A_479 = arith.index_cast %add3A_478 : i32 to index
        %swap3A_480 = arith.constant 96 : index
        %swap3A_481 = tpu.vector_load %arg12[%swap3A_479, %swap3A_480] {strides = array<i32>} : memref<320x128xf32, #tpu.memory_space<vmem>>, vector<16xf32>,
        tpu.vector_store %arg12[%swap3A_479, %swap3A_480], %gather3A_403 {strides = array<i32>} : memref<320x128xf32, #tpu.memory_space<vmem>>, vector<16xf32>,
        %add3A_482 = arith.constant 64 : i32
        %add3A_483 = arith.addi %add3A_482, %add3A_384 : i32
        %add3A_484 = arith.constant 5 : i32
        %add3A_485 = arith.addi %add3A_483, %add3A_484 : i32
        %swap3A_486 = arith.index_cast %add3A_485 : i32 to index
        %swap3A_487 = arith.constant 96 : index
        %swap3A_488 = tpu.vector_load %arg12[%swap3A_486, %swap3A_487] {strides = array<i32>} : memref<320x128xf32, #tpu.memory_space<vmem>>, vector<16xf32>,
        tpu.vector_store %arg12[%swap3A_486, %swap3A_487], %gather3A_407 {strides = array<i32>} : memref<320x128xf32, #tpu.memory_space<vmem>>, vector<16xf32>,
        %add3A_489 = arith.constant 64 : i32
        %add3A_490 = arith.addi %add3A_489, %add3A_384 : i32
        %add3A_491 = arith.constant 6 : i32
        %add3A_492 = arith.addi %add3A_490, %add3A_491 : i32
        %swap3A_493 = arith.index_cast %add3A_492 : i32 to index
        %swap3A_494 = arith.constant 96 : index
        %swap3A_495 = tpu.vector_load %arg12[%swap3A_493, %swap3A_494] {strides = array<i32>} : memref<320x128xf32, #tpu.memory_space<vmem>>, vector<16xf32>,
        tpu.vector_store %arg12[%swap3A_493, %swap3A_494], %gather3A_411 {strides = array<i32>} : memref<320x128xf32, #tpu.memory_space<vmem>>, vector<16xf32>,
        %add3A_496 = arith.constant 64 : i32
        %add3A_497 = arith.addi %add3A_496, %add3A_384 : i32
        %add3A_498 = arith.constant 7 : i32
        %add3A_499 = arith.addi %add3A_497, %add3A_498 : i32
        %swap3A_500 = arith.index_cast %add3A_499 : i32 to index
        %swap3A_501 = arith.constant 96 : index
        %swap3A_502 = tpu.vector_load %arg12[%swap3A_500, %swap3A_501] {strides = array<i32>} : memref<320x128xf32, #tpu.memory_space<vmem>>, vector<16xf32>,
        tpu.vector_store %arg12[%swap3A_500, %swap3A_501], %gather3A_415 {strides = array<i32>} : memref<320x128xf32, #tpu.memory_space<vmem>>, vector<16xf32>,
        %add3A_503 = arith.constant 192 : i32
        %add3A_504 = arith.addi %add3A_503, %add3A_384 : i32
        %add3A_505 = arith.constant 0 : i32
        %add3A_506 = arith.addi %add3A_504, %add3A_505 : i32
        %swap3A_507 = arith.index_cast %add3A_506 : i32 to index
        %swap3A_508 = arith.constant 96 : index
        %swap3A_509 = tpu.vector_load %arg12[%swap3A_507, %swap3A_508] {strides = array<i32>} : memref<320x128xf32, #tpu.memory_space<vmem>>, vector<16xf32>,
        tpu.vector_store %arg12[%swap3A_507, %swap3A_508], %gather3A_419 {strides = array<i32>} : memref<320x128xf32, #tpu.memory_space<vmem>>, vector<16xf32>,
        %add3A_510 = arith.constant 192 : i32
        %add3A_511 = arith.addi %add3A_510, %add3A_384 : i32
        %add3A_512 = arith.constant 1 : i32
        %add3A_513 = arith.addi %add3A_511, %add3A_512 : i32
        %swap3A_514 = arith.index_cast %add3A_513 : i32 to index
        %swap3A_515 = arith.constant 96 : index
        %swap3A_516 = tpu.vector_load %arg12[%swap3A_514, %swap3A_515] {strides = array<i32>} : memref<320x128xf32, #tpu.memory_space<vmem>>, vector<16xf32>,
        tpu.vector_store %arg12[%swap3A_514, %swap3A_515], %gather3A_423 {strides = array<i32>} : memref<320x128xf32, #tpu.memory_space<vmem>>, vector<16xf32>,
        %add3A_517 = arith.constant 192 : i32
        %add3A_518 = arith.addi %add3A_517, %add3A_384 : i32
        %add3A_519 = arith.constant 2 : i32
        %add3A_520 = arith.addi %add3A_518, %add3A_519 : i32
        %swap3A_521 = arith.index_cast %add3A_520 : i32 to index
        %swap3A_522 = arith.constant 96 : index
        %swap3A_523 = tpu.vector_load %arg12[%swap3A_521, %swap3A_522] {strides = array<i32>} : memref<320x128xf32, #tpu.memory_space<vmem>>, vector<16xf32>,
        tpu.vector_store %arg12[%swap3A_521, %swap3A_522], %gather3A_427 {strides = array<i32>} : memref<320x128xf32, #tpu.memory_space<vmem>>, vector<16xf32>,
        %add3A_524 = arith.constant 192 : i32
        %add3A_525 = arith.addi %add3A_524, %add3A_384 : i32
        %add3A_526 = arith.constant 3 : i32
        %add3A_527 = arith.addi %add3A_525, %add3A_526 : i32
        %swap3A_528 = arith.index_cast %add3A_527 : i32 to index
        %swap3A_529 = arith.constant 96 : index
        %swap3A_530 = tpu.vector_load %arg12[%swap3A_528, %swap3A_529] {strides = array<i32>} : memref<320x128xf32, #tpu.memory_space<vmem>>, vector<16xf32>,
        tpu.vector_store %arg12[%swap3A_528, %swap3A_529], %gather3A_431 {strides = array<i32>} : memref<320x128xf32, #tpu.memory_space<vmem>>, vector<16xf32>,
        %add3A_531 = arith.constant 192 : i32
        %add3A_532 = arith.addi %add3A_531, %add3A_384 : i32
        %add3A_533 = arith.constant 4 : i32
        %add3A_534 = arith.addi %add3A_532, %add3A_533 : i32
        %swap3A_535 = arith.index_cast %add3A_534 : i32 to index
        %swap3A_536 = arith.constant 96 : index
        %swap3A_537 = tpu.vector_load %arg12[%swap3A_535, %swap3A_536] {strides = array<i32>} : memref<320x128xf32, #tpu.memory_space<vmem>>, vector<16xf32>,
        tpu.vector_store %arg12[%swap3A_535, %swap3A_536], %gather3A_435 {strides = array<i32>} : memref<320x128xf32, #tpu.memory_space<vmem>>, vector<16xf32>,
        %add3A_538 = arith.constant 192 : i32
        %add3A_539 = arith.addi %add3A_538, %add3A_384 : i32
        %add3A_540 = arith.constant 5 : i32
        %add3A_541 = arith.addi %add3A_539, %add3A_540 : i32
        %swap3A_542 = arith.index_cast %add3A_541 : i32 to index
        %swap3A_543 = arith.constant 96 : index
        %swap3A_544 = tpu.vector_load %arg12[%swap3A_542, %swap3A_543] {strides = array<i32>} : memref<320x128xf32, #tpu.memory_space<vmem>>, vector<16xf32>,
        tpu.vector_store %arg12[%swap3A_542, %swap3A_543], %gather3A_439 {strides = array<i32>} : memref<320x128xf32, #tpu.memory_space<vmem>>, vector<16xf32>,
        %add3A_545 = arith.constant 192 : i32
        %add3A_546 = arith.addi %add3A_545, %add3A_384 : i32
        %add3A_547 = arith.constant 6 : i32
        %add3A_548 = arith.addi %add3A_546, %add3A_547 : i32
        %swap3A_549 = arith.index_cast %add3A_548 : i32 to index
        %swap3A_550 = arith.constant 96 : index
        %swap3A_551 = tpu.vector_load %arg12[%swap3A_549, %swap3A_550] {strides = array<i32>} : memref<320x128xf32, #tpu.memory_space<vmem>>, vector<16xf32>,
        tpu.vector_store %arg12[%swap3A_549, %swap3A_550], %gather3A_443 {strides = array<i32>} : memref<320x128xf32, #tpu.memory_space<vmem>>, vector<16xf32>,
        %add3A_552 = arith.constant 192 : i32
        %add3A_553 = arith.addi %add3A_552, %add3A_384 : i32
        %add3A_554 = arith.constant 7 : i32
        %add3A_555 = arith.addi %add3A_553, %add3A_554 : i32
        %swap3A_556 = arith.index_cast %add3A_555 : i32 to index
        %swap3A_557 = arith.constant 96 : index
        %swap3A_558 = tpu.vector_load %arg12[%swap3A_556, %swap3A_557] {strides = array<i32>} : memref<320x128xf32, #tpu.memory_space<vmem>>, vector<16xf32>,
        tpu.vector_store %arg12[%swap3A_556, %swap3A_557], %gather3A_447 {strides = array<i32>} : memref<320x128xf32, #tpu.memory_space<vmem>>, vector<16xf32>,
        %add3A_559 = arith.constant 120 : i32
        %add3A_560 = vector.broadcast %add3A_559 : i32 to vector<16xi32>
        %add3A_561 = arith.addi %scan3A_379, %add3A_560 : vector<16xi32>
        %add3A_562 = arith.constant 1072 : i32
        %add3A_563 = vector.broadcast %add3A_562 : i32 to vector<16xi32>
        %add3A_564 = arith.addi %scan3A_380, %add3A_563 : vector<16xi32>
        scf.yield %add3A_561, %add3A_564 : vector<16xi32>, vector<16xi32>
      }
      %scan3A_343 = arith.constant 16 : i32
      %get3A_344 = arith.constant 0 : i32
      %get3A_345 = arith.index_cast %get3A_344 : i32 to index
      %get3A_346 = arith.constant 112 : index
      %get3A_347 = tpu.vector_load %arg10[%get3A_345, %get3A_346] {strides = array<i32>} : memref<2x128xf32, #tpu.memory_space<vmem>>, vector<16xf32>,
      %convert_element_type3A_348 = arith.fptosi %get3A_347 : vector<16xf32> to vector<16xi32>
      %get3A_349 = arith.constant 1 : i32
      %get3A_350 = arith.index_cast %get3A_349 : i32 to index
      %get3A_351 = arith.constant 112 : index
      %get3A_352 = tpu.vector_load %arg10[%get3A_350, %get3A_351] {strides = array<i32>} : memref<2x128xf32, #tpu.memory_space<vmem>>, vector<16xf32>,
      %convert_element_type3A_353 = arith.fptosi %get3A_352 : vector<16xf32> to vector<16xi32>
      %scan3A_354 = arith.constant 0 : i32
      %scan3A_355 = arith.constant 16 : i32
      %scan3A_356 = arith.addi %scan3A_354, %scan3A_355 : i32
      %scan3A_357 = arith.constant 1 : i32
      %scan3A_358:2 = scf.for %scan3A_378 = %scan3A_354 to %scan3A_356 step %scan3A_357 iter_args(%scan3A_379 = %convert_element_type3A_348, %scan3A_380 = %convert_element_type3A_353) -> (vector<16xi32>, vector<16xi32>)  : i32 {
        %mul3A_381 = arith.constant 8 : i32
        %mul3A_382 = arith.muli %scan3A_378, %mul3A_381 : i32
        %add3A_383 = arith.constant 0 : i32
        %add3A_384 = arith.addi %add3A_383, %mul3A_382 : i32
        %add3A_385 = arith.constant 0 : i32
        %add3A_386 = vector.broadcast %add3A_385 : i32 to vector<16xi32>
        %add3A_387 = arith.addi %scan3A_379, %add3A_386 : vector<16xi32>
        %gather3A = tpu.vector_load_idx %arg7[%add3A_387] : memref<1920xf32, #tpu.memory_space<vmem>>[vector<16xi32>], vector<16xf32>,
        %add3A_388 = arith.constant 15 : i32
        %add3A_389 = vector.broadcast %add3A_388 : i32 to vector<16xi32>
        %add3A_390 = arith.addi %scan3A_379, %add3A_389 : vector<16xi32>
        %gather3A_391 = tpu.vector_load_idx %arg7[%add3A_390] : memref<1920xf32, #tpu.memory_space<vmem>>[vector<16xi32>], vector<16xf32>,
        %add3A_392 = arith.constant 30 : i32
        %add3A_393 = vector.broadcast %add3A_392 : i32 to vector<16xi32>
        %add3A_394 = arith.addi %scan3A_379, %add3A_393 : vector<16xi32>
        %gather3A_395 = tpu.vector_load_idx %arg7[%add3A_394] : memref<1920xf32, #tpu.memory_space<vmem>>[vector<16xi32>], vector<16xf32>,
        %add3A_396 = arith.constant 45 : i32
        %add3A_397 = vector.broadcast %add3A_396 : i32 to vector<16xi32>
        %add3A_398 = arith.addi %scan3A_379, %add3A_397 : vector<16xi32>
        %gather3A_399 = tpu.vector_load_idx %arg7[%add3A_398] : memref<1920xf32, #tpu.memory_space<vmem>>[vector<16xi32>], vector<16xf32>,
        %add3A_400 = arith.constant 60 : i32
        %add3A_401 = vector.broadcast %add3A_400 : i32 to vector<16xi32>
        %add3A_402 = arith.addi %scan3A_379, %add3A_401 : vector<16xi32>
        %gather3A_403 = tpu.vector_load_idx %arg7[%add3A_402] : memref<1920xf32, #tpu.memory_space<vmem>>[vector<16xi32>], vector<16xf32>,
        %add3A_404 = arith.constant 75 : i32
        %add3A_405 = vector.broadcast %add3A_404 : i32 to vector<16xi32>
        %add3A_406 = arith.addi %scan3A_379, %add3A_405 : vector<16xi32>
        %gather3A_407 = tpu.vector_load_idx %arg7[%add3A_406] : memref<1920xf32, #tpu.memory_space<vmem>>[vector<16xi32>], vector<16xf32>,
        %add3A_408 = arith.constant 90 : i32
        %add3A_409 = vector.broadcast %add3A_408 : i32 to vector<16xi32>
        %add3A_410 = arith.addi %scan3A_379, %add3A_409 : vector<16xi32>
        %gather3A_411 = tpu.vector_load_idx %arg7[%add3A_410] : memref<1920xf32, #tpu.memory_space<vmem>>[vector<16xi32>], vector<16xf32>,
        %add3A_412 = arith.constant 105 : i32
        %add3A_413 = vector.broadcast %add3A_412 : i32 to vector<16xi32>
        %add3A_414 = arith.addi %scan3A_379, %add3A_413 : vector<16xi32>
        %gather3A_415 = tpu.vector_load_idx %arg7[%add3A_414] : memref<1920xf32, #tpu.memory_space<vmem>>[vector<16xi32>], vector<16xf32>,
        %add3A_416 = arith.constant 0 : i32
        %add3A_417 = vector.broadcast %add3A_416 : i32 to vector<16xi32>
        %add3A_418 = arith.addi %scan3A_380, %add3A_417 : vector<16xi32>
        %gather3A_419 = tpu.vector_load_idx %arg8[%add3A_418] : memref<17152xf32, #tpu.memory_space<vmem>>[vector<16xi32>], vector<16xf32>,
        %add3A_420 = arith.constant 134 : i32
        %add3A_421 = vector.broadcast %add3A_420 : i32 to vector<16xi32>
        %add3A_422 = arith.addi %scan3A_380, %add3A_421 : vector<16xi32>
        %gather3A_423 = tpu.vector_load_idx %arg8[%add3A_422] : memref<17152xf32, #tpu.memory_space<vmem>>[vector<16xi32>], vector<16xf32>,
        %add3A_424 = arith.constant 268 : i32
        %add3A_425 = vector.broadcast %add3A_424 : i32 to vector<16xi32>
        %add3A_426 = arith.addi %scan3A_380, %add3A_425 : vector<16xi32>
        %gather3A_427 = tpu.vector_load_idx %arg8[%add3A_426] : memref<17152xf32, #tpu.memory_space<vmem>>[vector<16xi32>], vector<16xf32>,
        %add3A_428 = arith.constant 402 : i32
        %add3A_429 = vector.broadcast %add3A_428 : i32 to vector<16xi32>
        %add3A_430 = arith.addi %scan3A_380, %add3A_429 : vector<16xi32>
        %gather3A_431 = tpu.vector_load_idx %arg8[%add3A_430] : memref<17152xf32, #tpu.memory_space<vmem>>[vector<16xi32>], vector<16xf32>,
        %add3A_432 = arith.constant 536 : i32
        %add3A_433 = vector.broadcast %add3A_432 : i32 to vector<16xi32>
        %add3A_434 = arith.addi %scan3A_380, %add3A_433 : vector<16xi32>
        %gather3A_435 = tpu.vector_load_idx %arg8[%add3A_434] : memref<17152xf32, #tpu.memory_space<vmem>>[vector<16xi32>], vector<16xf32>,
        %add3A_436 = arith.constant 670 : i32
        %add3A_437 = vector.broadcast %add3A_436 : i32 to vector<16xi32>
        %add3A_438 = arith.addi %scan3A_380, %add3A_437 : vector<16xi32>
        %gather3A_439 = tpu.vector_load_idx %arg8[%add3A_438] : memref<17152xf32, #tpu.memory_space<vmem>>[vector<16xi32>], vector<16xf32>,
        %add3A_440 = arith.constant 804 : i32
        %add3A_441 = vector.broadcast %add3A_440 : i32 to vector<16xi32>
        %add3A_442 = arith.addi %scan3A_380, %add3A_441 : vector<16xi32>
        %gather3A_443 = tpu.vector_load_idx %arg8[%add3A_442] : memref<17152xf32, #tpu.memory_space<vmem>>[vector<16xi32>], vector<16xf32>,
        %add3A_444 = arith.constant 938 : i32
        %add3A_445 = vector.broadcast %add3A_444 : i32 to vector<16xi32>
        %add3A_446 = arith.addi %scan3A_380, %add3A_445 : vector<16xi32>
        %gather3A_447 = tpu.vector_load_idx %arg8[%add3A_446] : memref<17152xf32, #tpu.memory_space<vmem>>[vector<16xi32>], vector<16xf32>,
        %add3A_448 = arith.constant 64 : i32
        %add3A_449 = arith.addi %add3A_448, %add3A_384 : i32
        %add3A_450 = arith.constant 0 : i32
        %add3A_451 = arith.addi %add3A_449, %add3A_450 : i32
        %swap3A = arith.index_cast %add3A_451 : i32 to index
        %swap3A_452 = arith.constant 112 : index
        %swap3A_453 = tpu.vector_load %arg12[%swap3A, %swap3A_452] {strides = array<i32>} : memref<320x128xf32, #tpu.memory_space<vmem>>, vector<16xf32>,
        tpu.vector_store %arg12[%swap3A, %swap3A_452], %gather3A {strides = array<i32>} : memref<320x128xf32, #tpu.memory_space<vmem>>, vector<16xf32>,
        %add3A_454 = arith.constant 64 : i32
        %add3A_455 = arith.addi %add3A_454, %add3A_384 : i32
        %add3A_456 = arith.constant 1 : i32
        %add3A_457 = arith.addi %add3A_455, %add3A_456 : i32
        %swap3A_458 = arith.index_cast %add3A_457 : i32 to index
        %swap3A_459 = arith.constant 112 : index
        %swap3A_460 = tpu.vector_load %arg12[%swap3A_458, %swap3A_459] {strides = array<i32>} : memref<320x128xf32, #tpu.memory_space<vmem>>, vector<16xf32>,
        tpu.vector_store %arg12[%swap3A_458, %swap3A_459], %gather3A_391 {strides = array<i32>} : memref<320x128xf32, #tpu.memory_space<vmem>>, vector<16xf32>,
        %add3A_461 = arith.constant 64 : i32
        %add3A_462 = arith.addi %add3A_461, %add3A_384 : i32
        %add3A_463 = arith.constant 2 : i32
        %add3A_464 = arith.addi %add3A_462, %add3A_463 : i32
        %swap3A_465 = arith.index_cast %add3A_464 : i32 to index
        %swap3A_466 = arith.constant 112 : index
        %swap3A_467 = tpu.vector_load %arg12[%swap3A_465, %swap3A_466] {strides = array<i32>} : memref<320x128xf32, #tpu.memory_space<vmem>>, vector<16xf32>,
        tpu.vector_store %arg12[%swap3A_465, %swap3A_466], %gather3A_395 {strides = array<i32>} : memref<320x128xf32, #tpu.memory_space<vmem>>, vector<16xf32>,
        %add3A_468 = arith.constant 64 : i32
        %add3A_469 = arith.addi %add3A_468, %add3A_384 : i32
        %add3A_470 = arith.constant 3 : i32
        %add3A_471 = arith.addi %add3A_469, %add3A_470 : i32
        %swap3A_472 = arith.index_cast %add3A_471 : i32 to index
        %swap3A_473 = arith.constant 112 : index
        %swap3A_474 = tpu.vector_load %arg12[%swap3A_472, %swap3A_473] {strides = array<i32>} : memref<320x128xf32, #tpu.memory_space<vmem>>, vector<16xf32>,
        tpu.vector_store %arg12[%swap3A_472, %swap3A_473], %gather3A_399 {strides = array<i32>} : memref<320x128xf32, #tpu.memory_space<vmem>>, vector<16xf32>,
        %add3A_475 = arith.constant 64 : i32
        %add3A_476 = arith.addi %add3A_475, %add3A_384 : i32
        %add3A_477 = arith.constant 4 : i32
        %add3A_478 = arith.addi %add3A_476, %add3A_477 : i32
        %swap3A_479 = arith.index_cast %add3A_478 : i32 to index
        %swap3A_480 = arith.constant 112 : index
        %swap3A_481 = tpu.vector_load %arg12[%swap3A_479, %swap3A_480] {strides = array<i32>} : memref<320x128xf32, #tpu.memory_space<vmem>>, vector<16xf32>,
        tpu.vector_store %arg12[%swap3A_479, %swap3A_480], %gather3A_403 {strides = array<i32>} : memref<320x128xf32, #tpu.memory_space<vmem>>, vector<16xf32>,
        %add3A_482 = arith.constant 64 : i32
        %add3A_483 = arith.addi %add3A_482, %add3A_384 : i32
        %add3A_484 = arith.constant 5 : i32
        %add3A_485 = arith.addi %add3A_483, %add3A_484 : i32
        %swap3A_486 = arith.index_cast %add3A_485 : i32 to index
        %swap3A_487 = arith.constant 112 : index
        %swap3A_488 = tpu.vector_load %arg12[%swap3A_486, %swap3A_487] {strides = array<i32>} : memref<320x128xf32, #tpu.memory_space<vmem>>, vector<16xf32>,
        tpu.vector_store %arg12[%swap3A_486, %swap3A_487], %gather3A_407 {strides = array<i32>} : memref<320x128xf32, #tpu.memory_space<vmem>>, vector<16xf32>,
        %add3A_489 = arith.constant 64 : i32
        %add3A_490 = arith.addi %add3A_489, %add3A_384 : i32
        %add3A_491 = arith.constant 6 : i32
        %add3A_492 = arith.addi %add3A_490, %add3A_491 : i32
        %swap3A_493 = arith.index_cast %add3A_492 : i32 to index
        %swap3A_494 = arith.constant 112 : index
        %swap3A_495 = tpu.vector_load %arg12[%swap3A_493, %swap3A_494] {strides = array<i32>} : memref<320x128xf32, #tpu.memory_space<vmem>>, vector<16xf32>,
        tpu.vector_store %arg12[%swap3A_493, %swap3A_494], %gather3A_411 {strides = array<i32>} : memref<320x128xf32, #tpu.memory_space<vmem>>, vector<16xf32>,
        %add3A_496 = arith.constant 64 : i32
        %add3A_497 = arith.addi %add3A_496, %add3A_384 : i32
        %add3A_498 = arith.constant 7 : i32
        %add3A_499 = arith.addi %add3A_497, %add3A_498 : i32
        %swap3A_500 = arith.index_cast %add3A_499 : i32 to index
        %swap3A_501 = arith.constant 112 : index
        %swap3A_502 = tpu.vector_load %arg12[%swap3A_500, %swap3A_501] {strides = array<i32>} : memref<320x128xf32, #tpu.memory_space<vmem>>, vector<16xf32>,
        tpu.vector_store %arg12[%swap3A_500, %swap3A_501], %gather3A_415 {strides = array<i32>} : memref<320x128xf32, #tpu.memory_space<vmem>>, vector<16xf32>,
        %add3A_503 = arith.constant 192 : i32
        %add3A_504 = arith.addi %add3A_503, %add3A_384 : i32
        %add3A_505 = arith.constant 0 : i32
        %add3A_506 = arith.addi %add3A_504, %add3A_505 : i32
        %swap3A_507 = arith.index_cast %add3A_506 : i32 to index
        %swap3A_508 = arith.constant 112 : index
        %swap3A_509 = tpu.vector_load %arg12[%swap3A_507, %swap3A_508] {strides = array<i32>} : memref<320x128xf32, #tpu.memory_space<vmem>>, vector<16xf32>,
        tpu.vector_store %arg12[%swap3A_507, %swap3A_508], %gather3A_419 {strides = array<i32>} : memref<320x128xf32, #tpu.memory_space<vmem>>, vector<16xf32>,
        %add3A_510 = arith.constant 192 : i32
        %add3A_511 = arith.addi %add3A_510, %add3A_384 : i32
        %add3A_512 = arith.constant 1 : i32
        %add3A_513 = arith.addi %add3A_511, %add3A_512 : i32
        %swap3A_514 = arith.index_cast %add3A_513 : i32 to index
        %swap3A_515 = arith.constant 112 : index
        %swap3A_516 = tpu.vector_load %arg12[%swap3A_514, %swap3A_515] {strides = array<i32>} : memref<320x128xf32, #tpu.memory_space<vmem>>, vector<16xf32>,
        tpu.vector_store %arg12[%swap3A_514, %swap3A_515], %gather3A_423 {strides = array<i32>} : memref<320x128xf32, #tpu.memory_space<vmem>>, vector<16xf32>,
        %add3A_517 = arith.constant 192 : i32
        %add3A_518 = arith.addi %add3A_517, %add3A_384 : i32
        %add3A_519 = arith.constant 2 : i32
        %add3A_520 = arith.addi %add3A_518, %add3A_519 : i32
        %swap3A_521 = arith.index_cast %add3A_520 : i32 to index
        %swap3A_522 = arith.constant 112 : index
        %swap3A_523 = tpu.vector_load %arg12[%swap3A_521, %swap3A_522] {strides = array<i32>} : memref<320x128xf32, #tpu.memory_space<vmem>>, vector<16xf32>,
        tpu.vector_store %arg12[%swap3A_521, %swap3A_522], %gather3A_427 {strides = array<i32>} : memref<320x128xf32, #tpu.memory_space<vmem>>, vector<16xf32>,
        %add3A_524 = arith.constant 192 : i32
        %add3A_525 = arith.addi %add3A_524, %add3A_384 : i32
        %add3A_526 = arith.constant 3 : i32
        %add3A_527 = arith.addi %add3A_525, %add3A_526 : i32
        %swap3A_528 = arith.index_cast %add3A_527 : i32 to index
        %swap3A_529 = arith.constant 112 : index
        %swap3A_530 = tpu.vector_load %arg12[%swap3A_528, %swap3A_529] {strides = array<i32>} : memref<320x128xf32, #tpu.memory_space<vmem>>, vector<16xf32>,
        tpu.vector_store %arg12[%swap3A_528, %swap3A_529], %gather3A_431 {strides = array<i32>} : memref<320x128xf32, #tpu.memory_space<vmem>>, vector<16xf32>,
        %add3A_531 = arith.constant 192 : i32
        %add3A_532 = arith.addi %add3A_531, %add3A_384 : i32
        %add3A_533 = arith.constant 4 : i32
        %add3A_534 = arith.addi %add3A_532, %add3A_533 : i32
        %swap3A_535 = arith.index_cast %add3A_534 : i32 to index
        %swap3A_536 = arith.constant 112 : index
        %swap3A_537 = tpu.vector_load %arg12[%swap3A_535, %swap3A_536] {strides = array<i32>} : memref<320x128xf32, #tpu.memory_space<vmem>>, vector<16xf32>,
        tpu.vector_store %arg12[%swap3A_535, %swap3A_536], %gather3A_435 {strides = array<i32>} : memref<320x128xf32, #tpu.memory_space<vmem>>, vector<16xf32>,
        %add3A_538 = arith.constant 192 : i32
        %add3A_539 = arith.addi %add3A_538, %add3A_384 : i32
        %add3A_540 = arith.constant 5 : i32
        %add3A_541 = arith.addi %add3A_539, %add3A_540 : i32
        %swap3A_542 = arith.index_cast %add3A_541 : i32 to index
        %swap3A_543 = arith.constant 112 : index
        %swap3A_544 = tpu.vector_load %arg12[%swap3A_542, %swap3A_543] {strides = array<i32>} : memref<320x128xf32, #tpu.memory_space<vmem>>, vector<16xf32>,
        tpu.vector_store %arg12[%swap3A_542, %swap3A_543], %gather3A_439 {strides = array<i32>} : memref<320x128xf32, #tpu.memory_space<vmem>>, vector<16xf32>,
        %add3A_545 = arith.constant 192 : i32
        %add3A_546 = arith.addi %add3A_545, %add3A_384 : i32
        %add3A_547 = arith.constant 6 : i32
        %add3A_548 = arith.addi %add3A_546, %add3A_547 : i32
        %swap3A_549 = arith.index_cast %add3A_548 : i32 to index
        %swap3A_550 = arith.constant 112 : index
        %swap3A_551 = tpu.vector_load %arg12[%swap3A_549, %swap3A_550] {strides = array<i32>} : memref<320x128xf32, #tpu.memory_space<vmem>>, vector<16xf32>,
        tpu.vector_store %arg12[%swap3A_549, %swap3A_550], %gather3A_443 {strides = array<i32>} : memref<320x128xf32, #tpu.memory_space<vmem>>, vector<16xf32>,
        %add3A_552 = arith.constant 192 : i32
        %add3A_553 = arith.addi %add3A_552, %add3A_384 : i32
        %add3A_554 = arith.constant 7 : i32
        %add3A_555 = arith.addi %add3A_553, %add3A_554 : i32
        %swap3A_556 = arith.index_cast %add3A_555 : i32 to index
        %swap3A_557 = arith.constant 112 : index
        %swap3A_558 = tpu.vector_load %arg12[%swap3A_556, %swap3A_557] {strides = array<i32>} : memref<320x128xf32, #tpu.memory_space<vmem>>, vector<16xf32>,
        tpu.vector_store %arg12[%swap3A_556, %swap3A_557], %gather3A_447 {strides = array<i32>} : memref<320x128xf32, #tpu.memory_space<vmem>>, vector<16xf32>,
        %add3A_559 = arith.constant 120 : i32
        %add3A_560 = vector.broadcast %add3A_559 : i32 to vector<16xi32>
        %add3A_561 = arith.addi %scan3A_379, %add3A_560 : vector<16xi32>
        %add3A_562 = arith.constant 1072 : i32
        %add3A_563 = vector.broadcast %add3A_562 : i32 to vector<16xi32>
        %add3A_564 = arith.addi %scan3A_380, %add3A_563 : vector<16xi32>
        scf.yield %add3A_561, %add3A_564 : vector<16xi32>, vector<16xi32>
      }
      %scan3A_359 = arith.constant 16 : i32
      %dma_wait3A_360 = arith.constant 0 : i32
      %dma_wait3A_361 = arith.constant 0 : i32
      %dma_wait3A_362 = tpu.memref_slice %arg12[%dma_wait3A_360, %dma_wait3A_361] : memref<320x128xf32, #tpu.memory_space<vmem>> -> memref<64x128xf32, #tpu.memory_space<vmem>>
      %dma_wait3A_363 = arith.constant 0 : i32
      %dma_wait3A_364 = tpu.memref_slice %arg2[%add3A_203, %dma_wait3A_363, %mul3A_2] : memref<50x66x4096xf32, #tpu.memory_space<hbm>> -> memref<1x64x128xf32, #tpu.memory_space<hbm>>
      %dma_wait3A_365 = tpu.memref_squeeze %dma_wait3A_364 : memref<1x64x128xf32, #tpu.memory_space<hbm>> -> memref<64x128xf32, #tpu.memory_space<hbm>>
      %dma_wait3A_366 = arith.constant 0 : i32
      %dma_wait3A_367 = arith.constant 0 : i32
      %dma_wait3A_368 = tpu.memref_slice %arg12[%dma_wait3A_366, %dma_wait3A_367] : memref<320x128xf32, #tpu.memory_space<vmem>> -> memref<64x128xf32, #tpu.memory_space<vmem>>
      %dma_wait3A_369 = arith.constant 0 : i32
      %dma_wait3A_370 = tpu.memref_slice %arg2[%add3A_203, %dma_wait3A_369, %mul3A_2] : memref<50x66x4096xf32, #tpu.memory_space<hbm>> -> memref<1x64x128xf32, #tpu.memory_space<hbm>>
      %dma_wait3A_371 = tpu.memref_squeeze %dma_wait3A_370 : memref<1x64x128xf32, #tpu.memory_space<hbm>> -> memref<64x128xf32, #tpu.memory_space<hbm>>
      tpu.wait_dma2 semaphore(%arg16 : memref<!tpu.dma_semaphore, #tpu.memory_space<semaphore_mem>>) src(%dma_wait3A_371 : memref<64x128xf32, #tpu.memory_space<hbm>>) dst(%dma_wait3A_368 : memref<64x128xf32, #tpu.memory_space<vmem>>)
      %dma_start3A_372 = arith.constant 0 : i32
      %dma_start3A_373 = tpu.memref_slice %arg6[%add3A_203, %dma_start3A_372, %mul3A_2] : memref<50x320x4096xf32, #tpu.memory_space<hbm>> -> memref<1x320x128xf32, #tpu.memory_space<hbm>>
      %dma_start3A_374 = tpu.memref_squeeze %dma_start3A_373 : memref<1x320x128xf32, #tpu.memory_space<hbm>> -> memref<320x128xf32, #tpu.memory_space<hbm>>
      %dma_start3A_375 = arith.constant 0 : i32
      %dma_start3A_376 = tpu.memref_slice %arg6[%add3A_203, %dma_start3A_375, %mul3A_2] : memref<50x320x4096xf32, #tpu.memory_space<hbm>> -> memref<1x320x128xf32, #tpu.memory_space<hbm>>
      %dma_start3A_377 = tpu.memref_squeeze %dma_start3A_376 : memref<1x320x128xf32, #tpu.memory_space<hbm>> -> memref<320x128xf32, #tpu.memory_space<hbm>>
      tpu.enqueue_dma source(%arg12 : memref<320x128xf32, #tpu.memory_space<vmem>>) target(%dma_start3A_377 : memref<320x128xf32, #tpu.memory_space<hbm>>) target_semaphore(%arg18 : memref<!tpu.dma_semaphore, #tpu.memory_space<semaphore_mem>>)
    }
    %scan3A_12 = arith.constant 25 : i32
    %dma_wait3A = arith.constant 48 : i32
    %dma_wait3A_13 = arith.constant 0 : i32
    %dma_wait3A_14 = tpu.memref_slice %arg6[%dma_wait3A, %dma_wait3A_13, %mul3A_2] : memref<50x320x4096xf32, #tpu.memory_space<hbm>> -> memref<1x320x128xf32, #tpu.memory_space<hbm>>
    %dma_wait3A_15 = tpu.memref_squeeze %dma_wait3A_14 : memref<1x320x128xf32, #tpu.memory_space<hbm>> -> memref<320x128xf32, #tpu.memory_space<hbm>>
    %dma_wait3A_16 = arith.constant 0 : i32
    %dma_wait3A_17 = tpu.memref_slice %arg6[%dma_wait3A, %dma_wait3A_16, %mul3A_2] : memref<50x320x4096xf32, #tpu.memory_space<hbm>> -> memref<1x320x128xf32, #tpu.memory_space<hbm>>
    %dma_wait3A_18 = tpu.memref_squeeze %dma_wait3A_17 : memref<1x320x128xf32, #tpu.memory_space<hbm>> -> memref<320x128xf32, #tpu.memory_space<hbm>>
    tpu.wait_dma2 semaphore(%arg17 : memref<!tpu.dma_semaphore, #tpu.memory_space<semaphore_mem>>) src(%arg11 : memref<320x128xf32, #tpu.memory_space<vmem>>) dst(%dma_wait3A_18 : memref<320x128xf32, #tpu.memory_space<hbm>>)
    %dma_wait3A_19 = arith.constant 49 : i32
    %dma_wait3A_20 = arith.constant 0 : i32
    %dma_wait3A_21 = tpu.memref_slice %arg6[%dma_wait3A_19, %dma_wait3A_20, %mul3A_2] : memref<50x320x4096xf32, #tpu.memory_space<hbm>> -> memref<1x320x128xf32, #tpu.memory_space<hbm>>
    %dma_wait3A_22 = tpu.memref_squeeze %dma_wait3A_21 : memref<1x320x128xf32, #tpu.memory_space<hbm>> -> memref<320x128xf32, #tpu.memory_space<hbm>>
    %dma_wait3A_23 = arith.constant 0 : i32
    %dma_wait3A_24 = tpu.memref_slice %arg6[%dma_wait3A_19, %dma_wait3A_23, %mul3A_2] : memref<50x320x4096xf32, #tpu.memory_space<hbm>> -> memref<1x320x128xf32, #tpu.memory_space<hbm>>
    %dma_wait3A_25 = tpu.memref_squeeze %dma_wait3A_24 : memref<1x320x128xf32, #tpu.memory_space<hbm>> -> memref<320x128xf32, #tpu.memory_space<hbm>>
    tpu.wait_dma2 semaphore(%arg18 : memref<!tpu.dma_semaphore, #tpu.memory_space<semaphore_mem>>) src(%arg12 : memref<320x128xf32, #tpu.memory_space<vmem>>) dst(%dma_wait3A_25 : memref<320x128xf32, #tpu.memory_space<hbm>>)
    return
  }
}

</mosaic_0001>

<sc_bundles>
// kernel: kernel.3.cloned.1.call-start
scs
__scs_entry_jumppad:
0x0: {  	(pc) =	sbr.rel $0x88, $3  }
0x1: {  	(tag) =	ssettag $0x0;
	lr =	simm.s32 $0x1  }
0x2: {  	[smem:$0x3F9E] =	sst lr;
	_ =	strace $0xD0000000  }
0x3: {  	_ = 	snop  }
0x4: {  	_ = 	snop  }
0x5: {  	_ = 	snop  }
0x6: {  	_ = 	snop  }
0x7: {  	_ = 	snop  }
__scs_overlays_trampoline_lowered:
0x8: {  	[smem:$0x3FAD] =	sst s0  }
0x9: {  	[smem:$0x3FAE] =	sst s1  }
0xa: {  	[smem:$0x3FAF] =	sst s2  }
0xb: {  	[smem:$0x3FB0] =	sst s3  }
0xc: {  	[smem:$0x3FB1] =	sst s4  }
0xd: {  	[smem:$0x3FB2] =	sst s5  }
0xe: {  	[smem:$0x3FB3] =	sst s6  }
0xf: {  	[smem:$0x3FB4] =	sst s7  }
0x10: {  	[smem:$0x3FB5] =	sst s8  }
0x11: {  	[smem:$0x3FB6] =	sst s9;
	s0 =	simm.s32 @!p0 $0x0  }
0x12: {  	s1 =	sld [smem:$0x3F9C];
	s0 =	simm.s32 @p0 $0x1  }
0x13: {  	[smem:$0x3FB7] =	sst s0;
	s0 =	simm.s32 @!p1 $0x0  }
0x14: {  	s2 =	sld [smem:$0x3F9B];
	s0 =	simm.s32 @p1 $0x1  }
0x15: {  	[smem:$0x3FB8] =	sst s0;
	s0 =	simm.s32 @!p2 $0x0  }
0x16: {  	s3 =	sld [smem:$0x3FDB];
	s0 =	simm.s32 @p2 $0x1  }
0x17: {  	s4 =	simm.s32 $0x1BF5;
	[smem:$0x3FBA] =	sst s0  }
0x18: {  	s0 =	sld [smem:$0x3F9D];
	_ =	swait.ge [sflag:s4], $0x0  }
0x19: {  	s7 =	sld [smem:$0x3F9E]  }
0x1a: {  	s8 =	sadd.s32 $0xFFFFE003, lr  }
0x1b: {  	s9 =	sadd.s32 $0xFFFFFEF7, lr;
	s5 =	simm.s32 $0xFFFFFFFF;
	p2 =	slt.u32 s8, $0xFFFFF086  }
0x1c: {  	p1 =	slt.u32 s9, $0xF7A;
	s5 =	simm.s32 @!p2 $0x0  }
0x1d: {  	s5 =	simm.s32 @p1 $0x1;
	p0 =	seq.s32 s7, s2  }
0x1e: {  	s7 =	smul.u32 @!p0 $0xF7A, s2;
	p2 =	seq.s32 @!p0 s5, $0x0  }
0x1f: {  	s9 =	smul.u32 $0xF7A, s1;
	s8 =	simm.s32 @!p0 $0x1BF5;
	p2 =	por !p2, p0  }
0x20: {  	[sflag:s8] =	ssyncset.s32 @!p0 $0xFFFFF086;
	s6 =	sadd.s32 @!p0 s3, s7;
	s7 =	simm.s32 @!p0 $0x108  }
0x21: {  	s3 =	sadd.s32 s3, s9;
	s6 =	sadd.s32 @!p0 $0x88, s6;
	s7 =	simm.s32 @p2 $0x1082  }
0x22: {  	[simem:s7], [sflag:s8] =	dma.local @!p0 [hbm:s6], $0xF7A  }
0x23: {  	s9 =	sor.u32 $0xD0000000, s2;
	s6 =	simm.s32 $0x108;
	_ =	swait.ge @!p0 [sflag:s8], $0x0  }
0x24: {  	s3 =	sadd.s32 $0x88, s3;
	s6 =	simm.s32 @!p1 $0x1082;
	[sflag:s4] =	ssyncset.s32 $0xFFFFF086  }
0x25: {  	[simem:s6], [sflag:s4] =	dma.local [hbm:s3], $0xF7A  }
0x26: {  	[smem:$0x3F9E] =	sst s1;
	(tag) =	ssettag s2;
	_ =	strace s9  }
0x27: {  	s1 =	sld [smem:$0x3FAE]  }
0x28: {  	s2 =	sld [smem:$0x3FAF]  }
0x29: {  	s4 =	sld [smem:$0x3FB1]  }
0x2a: {  	p0 =	seq.s32 s5, $0x0;
	s5 =	sld [smem:$0x3FB2]  }
0x2b: {  	s6 =	sld [smem:$0x3FB3]  }
0x2c: {  	s7 =	sld [smem:$0x3FB4]  }
0x2d: {  	s3 =	simm.s32 $0x108;
	s8 =	sld [smem:$0x3FB5]  }
0x2e: {  	s3 =	simm.s32 @!p0 $0x1082;
	s9 =	sld [smem:$0x3FB6]  }
0x2f: {  	lr =	sadd.s32 s0, s3;
	s0 =	sld [smem:$0x3FAD]  }
0x30: {  	s3 =	sld [smem:$0x3FB0]  }
0x31: {  	[smem:$0x3FB9] =	sst s10  }
0x32: {  	s10 =	sld [smem:$0x3FB7];
	_ =	sdelay $0x3  }
0x33: {  	p0 =	seq.s32 s10, $0x1;
	s10 =	sld [smem:$0x3FB9];
	_ =	sdelay $0x3  }
0x34: {  	[smem:$0x3FB9] =	sst s10  }
0x35: {  	s10 =	sld [smem:$0x3FB8];
	_ =	sdelay $0x3  }
0x36: {  	p1 =	seq.s32 s10, $0x1;
	s10 =	sld [smem:$0x3FB9];
	_ =	sdelay $0x3  }
0x37: {  	[smem:$0x3FB9] =	sst s10  }
0x38: {  	s10 =	sld [smem:$0x3FBA]  }
0x39: {  	_ = 	snop;
	(pc) =	sbr.ind lr, $3  }
0x3a: {  	_ = 	snop  }
0x3b: {  	_ = 	snop  }
0x3c: {  	p2 =	seq.s32 s10, $0x1;
	s10 =	sld [smem:$0x3FB9]  }
0x3d: {  	_ =	shalt  }
0x3e: {  	_ =	shalt  }
0x3f: {  	_ =	shalt  }
0x40: {  	_ =	shalt  }
0x41: {  	_ =	shalt  }
0x42: {  	_ =	shalt  }
0x43: {  	_ =	shalt  }
0x44: {  	_ =	shalt  }
0x45: {  	_ =	shalt  }
0x46: {  	_ =	shalt  }
0x47: {  	_ =	shalt  }
0x48: {  	_ =	shalt  }
0x49: {  	_ =	shalt  }
0x4a: {  	_ =	shalt  }
0x4b: {  	_ =	shalt  }
0x4c: {  	_ =	shalt  }
0x4d: {  	_ =	shalt  }
0x4e: {  	_ =	shalt  }
0x4f: {  	_ =	shalt  }
0x50: {  	_ =	shalt  }
0x51: {  	_ =	shalt  }
0x52: {  	_ =	shalt  }
0x53: {  	_ =	shalt  }
0x54: {  	_ =	shalt  }
0x55: {  	_ =	shalt  }
0x56: {  	_ =	shalt  }
0x57: {  	_ =	shalt  }
0x58: {  	_ =	shalt  }
0x59: {  	_ =	shalt  }
0x5a: {  	_ =	shalt  }
0x5b: {  	_ =	shalt  }
0x5c: {  	_ =	shalt  }
0x5d: {  	_ =	shalt  }
0x5e: {  	_ =	shalt  }
0x5f: {  	_ =	shalt  }
0x60: {  	_ =	shalt  }
0x61: {  	_ =	shalt  }
0x62: {  	_ =	shalt  }
0x63: {  	_ =	shalt  }
0x64: {  	_ =	shalt  }
0x65: {  	_ =	shalt  }
0x66: {  	_ =	shalt  }
0x67: {  	_ =	shalt  }
0x68: {  	_ =	shalt  }
0x69: {  	_ =	shalt  }
0x6a: {  	_ =	shalt  }
0x6b: {  	_ =	shalt  }
0x6c: {  	_ =	shalt  }
0x6d: {  	_ =	shalt  }
0x6e: {  	_ =	shalt  }
0x6f: {  	_ =	shalt  }
0x70: {  	_ =	shalt  }
0x71: {  	_ =	shalt  }
0x72: {  	_ =	shalt  }
0x73: {  	_ =	shalt  }
0x74: {  	_ =	shalt  }
0x75: {  	_ =	shalt  }
0x76: {  	_ =	shalt  }
0x77: {  	_ =	shalt  }
0x78: {  	_ =	shalt  }
0x79: {  	_ =	shalt  }
0x7a: {  	_ =	shalt  }
0x7b: {  	_ =	shalt  }
0x7c: {  	_ =	shalt  }
0x7d: {  	_ =	shalt  }
0x7e: {  	_ =	shalt  }
0x7f: {  	_ =	shalt  }
0x80: {  	_ =	shalt  }
0x81: {  	_ =	shalt  }
0x82: {  	_ =	shalt  }
0x83: {  	_ =	shalt  }
0x84: {  	_ =	shalt  }
0x85: {  	_ =	shalt  }
0x86: {  	_ =	shalt  }
0x87: {  	_ =	shalt  }
.Lfunc_end0:
.L_simem_size_0:
called_computation_lowered:
.L_overlay_start_0:
0x88: {  	s2 =	sld [smem:$0x3FD9]  }
0x89: {  	s3 =	sld [smem:$0x3FFE];
	_ =	sdelay $0x1  }
0x8a: {  	s1 =	srdreg.scid  }
0x8b: {  	s0 =	sand.u32 $0x1, s1  }
0x8c: {  	s17 =	sshll.u32 s0, $0xA;
	s2 =	sadd.s32 s3, s2  }
0x8d: {  	s2 =	sadd.s32 s2, s17  }
0x8e: {  	[smem:$0x3FC5] =	sst s2  }
0x8f: {  	_ = 	snop  }
0x90: {  	s2 =	sld [smem:$0x3FC9]  }
0x91: {  	s18 =	sld [smem:$0x3FD0];
	(tm) =	ssettm $0x1  }
0x92: {  	s4 =	sld [smem:$0x3FFB];
	_ =	sdelay $0x3  }
0x93: {  	_ =	strace s4  }
0x94: {  	s4 =	sld [smem:$0x3FFC];
	_ =	sdelay $0x3  }
0x95: {  	_ =	strace s4  }
0x96: {  	s4 =	sld [smem:$0x3FFD];
	_ =	sdelay $0x3  }
0x97: {  	_ =	strace s4  }
0x98: {  	_ =	strace $0x8FFFFFFF  }
0x99: {  	s19 =	sld [smem:$0x3FDB];
	_ =	sdelay $0x1  }
0x9a: {  	s5 =	simm.s32 $_scs_section_size  }
0x9b: {  	s6 =	simm.s32 $_size__tile_overlayer_lowered;
	s7 =	simm.s32 $_tile_overlayer_lowered  }
0x9c: {  	s22 =	simm.s32 $0x1BFF;
	s21 =	sshll.u32 s7, $0x1;
	s4 =	sadd.s32 s5, s19  }
0x9d: {  	s8 =	simm.s32 $0x0;
	s20 =	sshll.u32 s6, $0x1;
	s6 =	sadd.s32 s21, s4  }
0x9e: {  	[timem:s8], [sflag:s22] =	dma.local [hbm:s6], s20  }
0x9f: {  	_ =	swait.ge [sflag:s22], s20  }
0xa0: {  	s5 =	ssub.s32 $0x0, s20;
	[sflag:s22] =	ssyncset.done $0x0  }
0xa1: {  	[sflag:s22] =	ssyncadd.s32 s5;
	_ =	sdelay $0x1  }
0xa2: {  	s23 =	simm.s32 $0x1B8B  }
0xa3: {  	_ =	swait.ge [sflag:s23], $0x1  }
0xa4: {  	[sflag:s23] =	ssyncset.done $0x0  }
0xa5: {  	s25 =	simm.s32 $0x1B8E;
	s24 =	sld [smem:$0x3FFE];
	[sflag:s23] =	ssyncadd.s32 $0xFFFFFFFF  }
0xa6: {  	s26 =	simm.s32 $execute0_lowered;
	[smem:$0x3FD2] =	sst s25  }
0xa7: {  	s6 =	sshll.u32 s26, $0x1;
	_ =	strace $0x80000046;
	[dreg:$0x1] =	wrdreg $0xFFFFFFFF  }
0xa8: {  	s28 =	simm.s32 $_size_execute0_lowered;
	s4 =	sadd.s32 s4, s6;
	[dreg:$0x0] =	wrdreg $0x0  }
0xa9: {  	s6 =	sshll.u32 s28, $0x1;
	[dreg:$0x2] =	wrdreg s4  }
0xaa: {  	[dreg:$0x3] =	wrdreg s6  }
0xab: {  	[dreg:$0x4] =	wrdreg $0xC0  }
0xac: {  	_ =	task [dreg:s8], $0x5FFFF  }
0xad: {  	[dreg:$0x1] =	wrdreg $0xFFFFFFFF  }
0xae: {  	[dreg:$0x0] =	wrdreg $0x60  }
0xaf: {  	[dreg:$0x2] =	wrdreg s2  }
0xb0: {  	[dreg:$0x3] =	wrdreg s24  }
0xb1: {  	[dreg:$0x4] =	wrdreg s18  }
0xb2: {  	[dreg:$0x5] =	wrdreg $0x9  }
0xb3: {  	_ =	task.clear_ibuf [dreg:s8], $0x6FFFF;
	_ =	strace $0x90000046  }
0xb4: {  	s29 =	simm.s32 $0x9;
	_ =	strace $0x80000048  }
0xb5: {  	_ =	swait.ge [sflag:s29], $0x1  }
0xb6: {  	[sflag:s29] =	ssyncadd.s32 $0xFFFFFFFF  }
0xb7: {  	_ =	strace $0x90000048  }
0xb8: {  	_ =	sfence  }
0xb9: {  	s30 =	sld [smem:$0x0];
	_ =	sdelay $0x2  }
0xba: {  	s31 =	sshll.u32 s1, $0xD;
	s1 =	sshrl.u32 s1, $0x2  }
0xbb: {  	s3 =	sand.u32 $0x4000, s31;
	s1 =	sadd.s32 s1, s30  }
0xbc: {  	s0 =	sor.u32 s3, s0;
	s1 =	sshll.u32 s1, $0x11  }
0xbd: {  	s0 =	sor.u32 s1, s0  }
0xbe: {  	s0 =	sadd.s32 $0x8F2B, s0  }
0xbf: {  	[sflag:s0] =	ssyncadd.remote.s32 $0x1  }
0xc0: {  	_ =	sfence.sel $0xFFFF  }
0xc1: {  	[dreg:$0x0] =	wrdreg $0xFFFFFFFF;
	(pc) =	sbr.abs _section_cstart, $3  }
0xc2: {  	[dreg:$0x1] =	wrdreg $0xFFFFFFFF  }
0xc3: {  	_ =	task.clear_ibuf [dreg:s8], $0x2FFFF;
	_ =	strace $0x9FFFFFFF  }
0xc4: {  	(tm) =	ssettm $0x7FFFFFFF  }
0xc5: {  	_ =	shalt  }
tec
execute0_lowered:
.L_overlay_start_1:
0x0: {  	(tag) =	ssettag $0x1  }
0x1: {  	s1 =	rddreg [dreg:$0x0]  }
0x2: {  	s0 =	rddreg [dreg:$0x1]  }
0x3: {  	s2 =	rddreg [dreg:$0x2];
	s4 =	simm.s32 $0x0  }
0x4: {  	s3 =	srdreg.scid;
	s6 =	stileid.u32;
	s14 =	simm.s32 $0x780  }
0x5: {  	s16 =	simm.s32 $0x3;
	s17 =	simm.s32 $0x4;
	s18 =	simm.s32 $0x4B80  }
0x6: {  	s19 =	simm.s32 $0x400;
	s20 =	simm.s32 $0x8000;
	s21 =	simm.s32 $0x4C80  }
0x7: {  	s22 =	simm.s32 $0x1;
	s23 =	simm.s32 $0xEC80;
	s24 =	simm.s32 $0x2  }
0x8: {  	s25 =	simm.s32 $0x5;
	s26 =	simm.s32 $0x6;
	s28 =	simm.s32 $0x0  }
0x9: {  	[smem:$0x7FF] =	sst s4;
	s5 =	sadd.s32 $0x1000, s0;
	s3 =	sand.u32 $0x1, s3  }
0xa: {  	s7 =	sshll.u32 s6, $0x1;
	s6 =	sadd.s32 $0x400, s0;
	s11 =	sadd.s32 $0x1400, s0  }
0xb: {  	_ =	strace $0x80000047;
	s8 =	ssub.s32 $0x2, s3;
	s3 =	sor.u32 s3, s7  }
0xc: {  	s7 =	sadd.s32 $0x600, s0;
	s9 =	sshrl.u32 s8, $0x1;
	s10 =	sshll.u32 s3, $0x5  }
0xd: {  	s12 =	sshll.u32 s3, $0xA;
	s13 =	ssub.s32 s8, s9;
	s8 =	sshll.u32 s3, $0x8  }
0xe: {  	s9 =	sadd.s32 s5, s10;
	s10 =	sor.u32 $0x4000, s8;
	s13 =	smax.u32 s13, $0x1  }
.LBB2_1:
0xf: {  	[tilespmem:s4], [sflag:$0x3] =	stream.linear.gather [hbm4b:s6+s4], $0x780, $0x38;
	[tilespmem:$0x18C80] =	vst v63  }
0x10: {  	_ = 	snop  }
0x11: {  	[tilespmem:s14], [sflag:$0x4] =	stream.linear.gather [hbm4b:s7+s4], $0x4300, $0x38;
	[tilespmem:$0x18C80] =	vst v63  }
0x12: {  	s0 =	simm.s32 $0x4A80  }
0x13: {  	[tilespmem:s0], [sflag:$0x1] =	stream.linear.gather [hbm4b:s9+s4], $0x100, $0x38;
	[tilespmem:$0x18C80] =	vst v63  }
0x14: {  	_ =	swait.ge [sflag:s16], $0x780  }
0x15: {  	[sflag:s16] =	ssyncset.done $0x0  }
0x16: {  	[sflag:s16] =	ssyncadd.s32 $0xFFFFF880  }
0x17: {  	_ =	swait.ge [sflag:s17], $0x4300  }
0x18: {  	[sflag:s17] =	ssyncset.done $0x0  }
0x19: {  	s29 =	simm.s32 $0x0;
	[sflag:s17] =	ssyncadd.s32 $0xFFFFBD00  }
.LBB2_2:
0x1a: {  	p0 =	seq.s32 s29, $0x0  }
0x1b: {  	s30 =	sshll.u32 s29, $0xE;
	s31 =	smul.u32 $0x90000, s29;
	s0 =	simm.s32 @!p0 $0x5  }
0x1c: {  	s3 =	sor.u32 s8, s30;
	_ =	swait.ge @!p0 [sflag:s0], $0xA000  }
0x1d: {  	s3 =	sshrl.u32 s3, $0x3;
	s15 =	sor.u32 s12, s31;
	[sflag:s0] =	ssyncset.done @!p0 $0x0  }
0x1e: {  	s3 =	sadd.s32 s3, s11;
	[sflag:s0] =	ssyncadd.s32 @!p0 $0xFFFF6000;
	s0 =	simm.s32 $0x0  }
0x1f: {  	[tilespmem:s18], [sflag:$0x2] =	stream.linear.gather [hbm4b:s3+s0], $0x100, $0x38;
	[tilespmem:$0x18C80] =	vst v63  }
0x20: {  	s3 =	sshrl.u32 s15, $0x3  }
0x21: {  	s3 =	sadd.s32 s1, s3  }
0x22: {  	[tilespmem:s21], [sflag:$0x3] =	stream.strided.gather [hbm4b:s3+s19], $0x2000, s20, s19, $0x38;
	[tilespmem:$0x18C80] =	vst v63  }
0x23: {  	_ =	swait.ge [sflag:s22], $0x100  }
0x24: {  	[sflag:s22] =	ssyncset.done $0x0  }
0x25: {  	[sflag:s22] =	ssyncadd.s32 $0xFFFFFF00  }
0x26: {  	v0 =	vld [tilespmem:$0x4A80]  }
0x27: {  	v1 =	vld [tilespmem:$0x4B00];
	_ =	sdelay $0x3  }
0x28: {  	v0 =	vtrunc.f32 v0  }
0x29: {  	v3 =	vcvt.f32.s32 v0;
	v0 =	vtrunc.f32 v1  }
0x2a: {  	v2 =	vcvt.f32.s32 v0;
	_ =	sdelay $0x1  }
0x2b: {  	v4 =	vadd.s32 $0xF, v3  }
0x2c: {  	v5 =	vadd.s32 $0x1E, v3  }
0x2d: {  	v6 =	vadd.s32 $0x2D, v3  }
0x2e: {  	v10 =	vadd.s32 $0x3C, v3;
	v0 =	vld.idx.msk [tilespmem:v3+s4+$0x0], $0xffff  }
0x2f: {  	v8 =	vadd.s32 $0x4B, v3;
	v1 =	vld.idx.msk [tilespmem:v2+s14+$0x0], $0xffff  }
0x30: {  	v11 =	vadd.s32 $0x5A, v3;
	v4 =	vld.idx.msk [tilespmem:v4+s4+$0x0], $0xffff  }
0x31: {  	v9 =	vadd.s32 $0x69, v3;
	v5 =	vld.idx.msk [tilespmem:v5+s4+$0x0], $0xffff  }
0x32: {  	s31 =	sshll.u32 s29, $0x1;
	s3 =	simm.s32 $0x1000;
	v7 =	vadd.s32 $0x3AA, v2;
	v6 =	vld.idx.msk [tilespmem:v6+s4+$0x0], $0xffff  }
.LBB2_3:
0x33: {  	p1 =	sne.s32 s3, $0xF000;
	v10 =	vld.idx.msk [tilespmem:v10+s4+$0x0], $0xffff;
	v12 =	vadd.s32 $0x86, v2  }
0x34: {  	v13 =	vadd.s32 $0x10C, v2;
	v8 =	vld.idx.msk [tilespmem:v8+s4+$0x0], $0xffff  }
0x35: {  	v14 =	vadd.s32 $0x192, v2;
	v11 =	vld.idx.msk [tilespmem:v11+s4+$0x0], $0xffff  }
0x36: {  	v15 =	vadd.s32 $0x218, v2;
	v9 =	vld.idx.msk [tilespmem:v9+s4+$0x0], $0xffff  }
0x37: {  	v16 =	vadd.s32 $0x29E, v2;
	v7 =	vld.idx.msk [tilespmem:v7+s14+$0x0], $0xffff  }
0x38: {  	v17 =	vadd.s32 $0x324, v2;
	v12 =	vld.idx.msk [tilespmem:v12+s14+$0x0], $0xffff  }
0x39: {  	v13 =	vld.idx.msk [tilespmem:v13+s14+$0x0], $0xffff  }
0x3a: {  	v14 =	vld.idx.msk [tilespmem:v14+s14+$0x0], $0xffff  }
0x3b: {  	v15 =	vld.idx.msk [tilespmem:v15+s14+$0x0], $0xffff  }
0x3c: {  	s15 =	sshra.s32 s0, $0x2;
	s0 =	smov.u32 s3;
	v16 =	vld.idx.msk [tilespmem:v16+s14+$0x0], $0xffff  }
0x3d: {  	v17 =	vld.idx.msk [tilespmem:v17+s14+$0x0], $0xffff;
	[tilespmem:s15+$0xB000] =	vst v7  }
0x3e: {  	[tilespmem:s15+$0x6D00] =	vst v4  }
0x3f: {  	[tilespmem:s15+$0x6D80] =	vst v5  }
0x40: {  	[tilespmem:s15+$0x6E00] =	vst v6  }
0x41: {  	[tilespmem:s15+$0x6E80] =	vst v10  }
0x42: {  	[tilespmem:s15+$0x6F00] =	vst v8  }
0x43: {  	[tilespmem:s15+$0x6F80] =	vst v11  }
0x44: {  	[tilespmem:s15+$0x7000] =	vst v9  }
0x45: {  	[tilespmem:s15+$0xAD00] =	vst v12  }
0x46: {  	[tilespmem:s15+$0xAD80] =	vst v13  }
0x47: {  	[tilespmem:s15+$0xAE00] =	vst v14  }
0x48: {  	v3 =	vadd.s32 $0x78, v3;
	[tilespmem:s15+$0xAE80] =	vst v15  }
0x49: {  	v2 =	vadd.s32 $0x430, v2;
	[tilespmem:s15+$0xAF00] =	vst v16  }
0x4a: {  	v4 =	vadd.s32 $0xF, v3;
	[tilespmem:s15+$0xAF80] =	vst v17  }
0x4b: {  	v5 =	vadd.s32 $0x1E, v3;
	[tilespmem:s15+$0x6C80] =	vst v0  }
0x4c: {  	v6 =	vadd.s32 $0x2D, v3;
	[tilespmem:s15+$0xAC80] =	vst v1  }
.Ltmp0:
0x4d: {  	v10 =	vadd.s32 $0x3C, v3;
	v0 =	vld.idx.msk [tilespmem:v3+s4+$0x0], $0xffff;
	(pc) =	sbr.rel @p1 .LBB2_3-.Ltmp0, $4  }
0x4e: {  	v8 =	vadd.s32 $0x4B, v3;
	v1 =	vld.idx.msk [tilespmem:v2+s14+$0x0], $0xffff  }
0x4f: {  	v11 =	vadd.s32 $0x5A, v3;
	v4 =	vld.idx.msk [tilespmem:v4+s4+$0x0], $0xffff  }
0x50: {  	v9 =	vadd.s32 $0x69, v3;
	v5 =	vld.idx.msk [tilespmem:v5+s4+$0x0], $0xffff  }
0x51: {  	s3 =	sadd.s32 $0x1000, s3;
	v7 =	vadd.s32 $0x3AA, v2;
	v6 =	vld.idx.msk [tilespmem:v6+s4+$0x0], $0xffff  }
0x52: {  	_ =	sdelay $0x3  }
0x53: {  	v3 =	vld.idx.msk [tilespmem:v10+s4+$0x0], $0xffff;
	v10 =	vadd.s32 $0x86, v2  }
0x54: {  	v8 =	vld.idx.msk [tilespmem:v8+s4+$0x0], $0xffff;
	v12 =	vadd.s32 $0x10C, v2  }
0x55: {  	v11 =	vld.idx.msk [tilespmem:v11+s4+$0x0], $0xffff;
	v13 =	vadd.s32 $0x192, v2  }
0x56: {  	v9 =	vld.idx.msk [tilespmem:v9+s4+$0x0], $0xffff;
	v14 =	vadd.s32 $0x218, v2  }
0x57: {  	v15 =	vadd.s32 $0x29E, v2;
	v7 =	vld.idx.msk [tilespmem:v7+s14+$0x0], $0xffff  }
0x58: {  	v2 =	vadd.s32 $0x324, v2;
	v10 =	vld.idx.msk [tilespmem:v10+s14+$0x0], $0xffff  }
0x59: {  	v12 =	vld.idx.msk [tilespmem:v12+s14+$0x0], $0xffff  }
0x5a: {  	v13 =	vld.idx.msk [tilespmem:v13+s14+$0x0], $0xffff  }
0x5b: {  	v14 =	vld.idx.msk [tilespmem:v14+s14+$0x0], $0xffff  }
0x5c: {  	s0 =	sshra.s32 s0, $0x2;
	v15 =	vld.idx.msk [tilespmem:v15+s14+$0x0], $0xffff  }
0x5d: {  	v2 =	vld.idx.msk [tilespmem:v2+s14+$0x0], $0xffff;
	[tilespmem:s0+$0xB000] =	vst v7  }
0x5e: {  	[tilespmem:s0+$0x6D00] =	vst v4  }
0x5f: {  	[tilespmem:s0+$0x6D80] =	vst v5  }
0x60: {  	[tilespmem:s0+$0x6E00] =	vst v6  }
0x61: {  	[tilespmem:s0+$0x6E80] =	vst v3  }
0x62: {  	[tilespmem:s0+$0x6F00] =	vst v8  }
0x63: {  	[tilespmem:s0+$0x6F80] =	vst v11  }
0x64: {  	[tilespmem:s0+$0x7000] =	vst v9  }
0x65: {  	[tilespmem:s0+$0x6C80] =	vst v0  }
0x66: {  	[tilespmem:s0+$0xAC80] =	vst v1  }
0x67: {  	[tilespmem:s0+$0xAD00] =	vst v10  }
0x68: {  	[tilespmem:s0+$0xAD80] =	vst v12  }
0x69: {  	[tilespmem:s0+$0xAE00] =	vst v13  }
0x6a: {  	[tilespmem:s0+$0xAE80] =	vst v14  }
0x6b: {  	[tilespmem:s0+$0xAF00] =	vst v15  }
0x6c: {  	[tilespmem:s0+$0xAF80] =	vst v2  }
0x6d: {  	v0 =	vld [tilespmem:$0x4A90]  }
0x6e: {  	v1 =	vld [tilespmem:$0x4B10];
	_ =	sdelay $0x3  }
0x6f: {  	v0 =	vtrunc.f32 v0  }
0x70: {  	v3 =	vcvt.f32.s32 v0;
	v0 =	vtrunc.f32 v1  }
0x71: {  	v2 =	vcvt.f32.s32 v0;
	_ =	sdelay $0x1  }
0x72: {  	v4 =	vadd.s32 $0xF, v3  }
0x73: {  	v5 =	vadd.s32 $0x1E, v3  }
0x74: {  	v6 =	vadd.s32 $0x2D, v3  }
0x75: {  	v10 =	vadd.s32 $0x3C, v3;
	v0 =	vld.idx.msk [tilespmem:v3+s4+$0x0], $0xffff  }
0x76: {  	v8 =	vadd.s32 $0x4B, v3;
	v1 =	vld.idx.msk [tilespmem:v2+s14+$0x0], $0xffff  }
0x77: {  	v11 =	vadd.s32 $0x5A, v3;
	v4 =	vld.idx.msk [tilespmem:v4+s4+$0x0], $0xffff  }
0x78: {  	v9 =	vadd.s32 $0x69, v3;
	v5 =	vld.idx.msk [tilespmem:v5+s4+$0x0], $0xffff  }
0x79: {  	s3 =	simm.s32 $0x1000;
	s0 =	simm.s32 $0x0;
	v7 =	vadd.s32 $0x3AA, v2;
	v6 =	vld.idx.msk [tilespmem:v6+s4+$0x0], $0xffff  }
.LBB2_5:
0x7a: {  	p1 =	sne.s32 s3, $0xF000;
	v10 =	vld.idx.msk [tilespmem:v10+s4+$0x0], $0xffff;
	v12 =	vadd.s32 $0x86, v2  }
0x7b: {  	v13 =	vadd.s32 $0x10C, v2;
	v8 =	vld.idx.msk [tilespmem:v8+s4+$0x0], $0xffff  }
0x7c: {  	v14 =	vadd.s32 $0x192, v2;
	v11 =	vld.idx.msk [tilespmem:v11+s4+$0x0], $0xffff  }
0x7d: {  	v15 =	vadd.s32 $0x218, v2;
	v9 =	vld.idx.msk [tilespmem:v9+s4+$0x0], $0xffff  }
0x7e: {  	v16 =	vadd.s32 $0x29E, v2;
	v7 =	vld.idx.msk [tilespmem:v7+s14+$0x0], $0xffff  }
0x7f: {  	v17 =	vadd.s32 $0x324, v2;
	v12 =	vld.idx.msk [tilespmem:v12+s14+$0x0], $0xffff  }
0x80: {  	v13 =	vld.idx.msk [tilespmem:v13+s14+$0x0], $0xffff  }
0x81: {  	v14 =	vld.idx.msk [tilespmem:v14+s14+$0x0], $0xffff  }
0x82: {  	v15 =	vld.idx.msk [tilespmem:v15+s14+$0x0], $0xffff  }
0x83: {  	s15 =	sshra.s32 s0, $0x2;
	s0 =	smov.u32 s3;
	v16 =	vld.idx.msk [tilespmem:v16+s14+$0x0], $0xffff  }
0x84: {  	v17 =	vld.idx.msk [tilespmem:v17+s14+$0x0], $0xffff;
	[tilespmem:s15+$0xB010] =	vst v7  }
0x85: {  	[tilespmem:s15+$0x6D10] =	vst v4  }
0x86: {  	[tilespmem:s15+$0x6D90] =	vst v5  }
0x87: {  	[tilespmem:s15+$0x6E10] =	vst v6  }
0x88: {  	[tilespmem:s15+$0x6E90] =	vst v10  }
0x89: {  	[tilespmem:s15+$0x6F10] =	vst v8  }
0x8a: {  	[tilespmem:s15+$0x6F90] =	vst v11  }
0x8b: {  	[tilespmem:s15+$0x7010] =	vst v9  }
0x8c: {  	[tilespmem:s15+$0xAD10] =	vst v12  }
0x8d: {  	[tilespmem:s15+$0xAD90] =	vst v13  }
0x8e: {  	[tilespmem:s15+$0xAE10] =	vst v14  }
0x8f: {  	v3 =	vadd.s32 $0x78, v3;
	[tilespmem:s15+$0xAE90] =	vst v15  }
0x90: {  	v2 =	vadd.s32 $0x430, v2;
	[tilespmem:s15+$0xAF10] =	vst v16  }
0x91: {  	v4 =	vadd.s32 $0xF, v3;
	[tilespmem:s15+$0xAF90] =	vst v17  }
0x92: {  	v5 =	vadd.s32 $0x1E, v3;
	[tilespmem:s15+$0x6C90] =	vst v0  }
0x93: {  	v6 =	vadd.s32 $0x2D, v3;
	[tilespmem:s15+$0xAC90] =	vst v1  }
.Ltmp1:
0x94: {  	v10 =	vadd.s32 $0x3C, v3;
	v0 =	vld.idx.msk [tilespmem:v3+s4+$0x0], $0xffff;
	(pc) =	sbr.rel @p1 .LBB2_5-.Ltmp1, $4  }
0x95: {  	v8 =	vadd.s32 $0x4B, v3;
	v1 =	vld.idx.msk [tilespmem:v2+s14+$0x0], $0xffff  }
0x96: {  	v11 =	vadd.s32 $0x5A, v3;
	v4 =	vld.idx.msk [tilespmem:v4+s4+$0x0], $0xffff  }
0x97: {  	v9 =	vadd.s32 $0x69, v3;
	v5 =	vld.idx.msk [tilespmem:v5+s4+$0x0], $0xffff  }
0x98: {  	s3 =	sadd.s32 $0x1000, s3;
	v7 =	vadd.s32 $0x3AA, v2;
	v6 =	vld.idx.msk [tilespmem:v6+s4+$0x0], $0xffff  }
0x99: {  	_ =	sdelay $0x3  }
0x9a: {  	v3 =	vld.idx.msk [tilespmem:v10+s4+$0x0], $0xffff;
	v10 =	vadd.s32 $0x86, v2  }
0x9b: {  	v8 =	vld.idx.msk [tilespmem:v8+s4+$0x0], $0xffff;
	v12 =	vadd.s32 $0x10C, v2  }
0x9c: {  	v11 =	vld.idx.msk [tilespmem:v11+s4+$0x0], $0xffff;
	v13 =	vadd.s32 $0x192, v2  }
0x9d: {  	v9 =	vld.idx.msk [tilespmem:v9+s4+$0x0], $0xffff;
	v14 =	vadd.s32 $0x218, v2  }
0x9e: {  	v15 =	vadd.s32 $0x29E, v2;
	v7 =	vld.idx.msk [tilespmem:v7+s14+$0x0], $0xffff  }
0x9f: {  	v2 =	vadd.s32 $0x324, v2;
	v10 =	vld.idx.msk [tilespmem:v10+s14+$0x0], $0xffff  }
0xa0: {  	v12 =	vld.idx.msk [tilespmem:v12+s14+$0x0], $0xffff  }
0xa1: {  	v13 =	vld.idx.msk [tilespmem:v13+s14+$0x0], $0xffff  }
0xa2: {  	v14 =	vld.idx.msk [tilespmem:v14+s14+$0x0], $0xffff  }
0xa3: {  	s0 =	sshra.s32 s0, $0x2;
	v15 =	vld.idx.msk [tilespmem:v15+s14+$0x0], $0xffff  }
0xa4: {  	v2 =	vld.idx.msk [tilespmem:v2+s14+$0x0], $0xffff;
	[tilespmem:s0+$0xB010] =	vst v7  }
0xa5: {  	[tilespmem:s0+$0x6D10] =	vst v4  }
0xa6: {  	[tilespmem:s0+$0x6D90] =	vst v5  }
0xa7: {  	[tilespmem:s0+$0x6E10] =	vst v6  }
0xa8: {  	[tilespmem:s0+$0x6E90] =	vst v3  }
0xa9: {  	[tilespmem:s0+$0x6F10] =	vst v8  }
0xaa: {  	[tilespmem:s0+$0x6F90] =	vst v11  }
0xab: {  	[tilespmem:s0+$0x7010] =	vst v9  }
0xac: {  	[tilespmem:s0+$0x6C90] =	vst v0  }
0xad: {  	[tilespmem:s0+$0xAC90] =	vst v1  }
0xae: {  	[tilespmem:s0+$0xAD10] =	vst v10  }
0xaf: {  	[tilespmem:s0+$0xAD90] =	vst v12  }
0xb0: {  	[tilespmem:s0+$0xAE10] =	vst v13  }
0xb1: {  	[tilespmem:s0+$0xAE90] =	vst v14  }
0xb2: {  	[tilespmem:s0+$0xAF10] =	vst v15  }
0xb3: {  	[tilespmem:s0+$0xAF90] =	vst v2  }
0xb4: {  	v0 =	vld [tilespmem:$0x4AA0]  }
0xb5: {  	v1 =	vld [tilespmem:$0x4B20];
	_ =	sdelay $0x3  }
0xb6: {  	v0 =	vtrunc.f32 v0  }
0xb7: {  	v3 =	vcvt.f32.s32 v0;
	v0 =	vtrunc.f32 v1  }
0xb8: {  	v2 =	vcvt.f32.s32 v0;
	_ =	sdelay $0x1  }
0xb9: {  	v4 =	vadd.s32 $0xF, v3  }
0xba: {  	v5 =	vadd.s32 $0x1E, v3  }
0xbb: {  	v6 =	vadd.s32 $0x2D, v3  }
0xbc: {  	v10 =	vadd.s32 $0x3C, v3;
	v0 =	vld.idx.msk [tilespmem:v3+s4+$0x0], $0xffff  }
0xbd: {  	v8 =	vadd.s32 $0x4B, v3;
	v1 =	vld.idx.msk [tilespmem:v2+s14+$0x0], $0xffff  }
0xbe: {  	v11 =	vadd.s32 $0x5A, v3;
	v4 =	vld.idx.msk [tilespmem:v4+s4+$0x0], $0xffff  }
0xbf: {  	v9 =	vadd.s32 $0x69, v3;
	v5 =	vld.idx.msk [tilespmem:v5+s4+$0x0], $0xffff  }
0xc0: {  	s3 =	simm.s32 $0x1000;
	s0 =	simm.s32 $0x0;
	v7 =	vadd.s32 $0x3AA, v2;
	v6 =	vld.idx.msk [tilespmem:v6+s4+$0x0], $0xffff  }
.LBB2_7:
0xc1: {  	p1 =	sne.s32 s3, $0xF000;
	v10 =	vld.idx.msk [tilespmem:v10+s4+$0x0], $0xffff;
	v12 =	vadd.s32 $0x86, v2  }
0xc2: {  	v13 =	vadd.s32 $0x10C, v2;
	v8 =	vld.idx.msk [tilespmem:v8+s4+$0x0], $0xffff  }
0xc3: {  	v14 =	vadd.s32 $0x192, v2;
	v11 =	vld.idx.msk [tilespmem:v11+s4+$0x0], $0xffff  }
0xc4: {  	v15 =	vadd.s32 $0x218, v2;
	v9 =	vld.idx.msk [tilespmem:v9+s4+$0x0], $0xffff  }
0xc5: {  	v16 =	vadd.s32 $0x29E, v2;
	v7 =	vld.idx.msk [tilespmem:v7+s14+$0x0], $0xffff  }
0xc6: {  	v17 =	vadd.s32 $0x324, v2;
	v12 =	vld.idx.msk [tilespmem:v12+s14+$0x0], $0xffff  }
0xc7: {  	v13 =	vld.idx.msk [tilespmem:v13+s14+$0x0], $0xffff  }
0xc8: {  	v14 =	vld.idx.msk [tilespmem:v14+s14+$0x0], $0xffff  }
0xc9: {  	v15 =	vld.idx.msk [tilespmem:v15+s14+$0x0], $0xffff  }
0xca: {  	s15 =	sshra.s32 s0, $0x2;
	s0 =	smov.u32 s3;
	v16 =	vld.idx.msk [tilespmem:v16+s14+$0x0], $0xffff  }
0xcb: {  	v17 =	vld.idx.msk [tilespmem:v17+s14+$0x0], $0xffff;
	[tilespmem:s15+$0xB020] =	vst v7  }
0xcc: {  	[tilespmem:s15+$0x6D20] =	vst v4  }
0xcd: {  	[tilespmem:s15+$0x6DA0] =	vst v5  }
0xce: {  	[tilespmem:s15+$0x6E20] =	vst v6  }
0xcf: {  	[tilespmem:s15+$0x6EA0] =	vst v10  }
0xd0: {  	[tilespmem:s15+$0x6F20] =	vst v8  }
0xd1: {  	[tilespmem:s15+$0x6FA0] =	vst v11  }
0xd2: {  	[tilespmem:s15+$0x7020] =	vst v9  }
0xd3: {  	[tilespmem:s15+$0xAD20] =	vst v12  }
0xd4: {  	[tilespmem:s15+$0xADA0] =	vst v13  }
0xd5: {  	[tilespmem:s15+$0xAE20] =	vst v14  }
0xd6: {  	v3 =	vadd.s32 $0x78, v3;
	[tilespmem:s15+$0xAEA0] =	vst v15  }
0xd7: {  	v2 =	vadd.s32 $0x430, v2;
	[tilespmem:s15+$0xAF20] =	vst v16  }
0xd8: {  	v4 =	vadd.s32 $0xF, v3;
	[tilespmem:s15+$0xAFA0] =	vst v17  }
0xd9: {  	v5 =	vadd.s32 $0x1E, v3;
	[tilespmem:s15+$0x6CA0] =	vst v0  }
0xda: {  	v6 =	vadd.s32 $0x2D, v3;
	[tilespmem:s15+$0xACA0] =	vst v1  }
.Ltmp2:
0xdb: {  	v10 =	vadd.s32 $0x3C, v3;
	v0 =	vld.idx.msk [tilespmem:v3+s4+$0x0], $0xffff;
	(pc) =	sbr.rel @p1 .LBB2_7-.Ltmp2, $4  }
0xdc: {  	v8 =	vadd.s32 $0x4B, v3;
	v1 =	vld.idx.msk [tilespmem:v2+s14+$0x0], $0xffff  }
0xdd: {  	v11 =	vadd.s32 $0x5A, v3;
	v4 =	vld.idx.msk [tilespmem:v4+s4+$0x0], $0xffff  }
0xde: {  	v9 =	vadd.s32 $0x69, v3;
	v5 =	vld.idx.msk [tilespmem:v5+s4+$0x0], $0xffff  }
0xdf: {  	s3 =	sadd.s32 $0x1000, s3;
	v7 =	vadd.s32 $0x3AA, v2;
	v6 =	vld.idx.msk [tilespmem:v6+s4+$0x0], $0xffff  }
0xe0: {  	_ =	sdelay $0x3  }
0xe1: {  	v3 =	vld.idx.msk [tilespmem:v10+s4+$0x0], $0xffff;
	v10 =	vadd.s32 $0x86, v2  }
0xe2: {  	v8 =	vld.idx.msk [tilespmem:v8+s4+$0x0], $0xffff;
	v12 =	vadd.s32 $0x10C, v2  }
0xe3: {  	v11 =	vld.idx.msk [tilespmem:v11+s4+$0x0], $0xffff;
	v13 =	vadd.s32 $0x192, v2  }
0xe4: {  	v9 =	vld.idx.msk [tilespmem:v9+s4+$0x0], $0xffff;
	v14 =	vadd.s32 $0x218, v2  }
0xe5: {  	v15 =	vadd.s32 $0x29E, v2;
	v7 =	vld.idx.msk [tilespmem:v7+s14+$0x0], $0xffff  }
0xe6: {  	v2 =	vadd.s32 $0x324, v2;
	v10 =	vld.idx.msk [tilespmem:v10+s14+$0x0], $0xffff  }
0xe7: {  	v12 =	vld.idx.msk [tilespmem:v12+s14+$0x0], $0xffff  }
0xe8: {  	v13 =	vld.idx.msk [tilespmem:v13+s14+$0x0], $0xffff  }
0xe9: {  	v14 =	vld.idx.msk [tilespmem:v14+s14+$0x0], $0xffff  }
0xea: {  	s0 =	sshra.s32 s0, $0x2;
	v15 =	vld.idx.msk [tilespmem:v15+s14+$0x0], $0xffff  }
0xeb: {  	v2 =	vld.idx.msk [tilespmem:v2+s14+$0x0], $0xffff;
	[tilespmem:s0+$0xB020] =	vst v7  }
0xec: {  	[tilespmem:s0+$0x6D20] =	vst v4  }
0xed: {  	[tilespmem:s0+$0x6DA0] =	vst v5  }
0xee: {  	[tilespmem:s0+$0x6E20] =	vst v6  }
0xef: {  	[tilespmem:s0+$0x6EA0] =	vst v3  }
0xf0: {  	[tilespmem:s0+$0x6F20] =	vst v8  }
0xf1: {  	[tilespmem:s0+$0x6FA0] =	vst v11  }
0xf2: {  	[tilespmem:s0+$0x7020] =	vst v9  }
0xf3: {  	[tilespmem:s0+$0x6CA0] =	vst v0  }
0xf4: {  	[tilespmem:s0+$0xACA0] =	vst v1  }
0xf5: {  	[tilespmem:s0+$0xAD20] =	vst v10  }
0xf6: {  	[tilespmem:s0+$0xADA0] =	vst v12  }
0xf7: {  	[tilespmem:s0+$0xAE20] =	vst v13  }
0xf8: {  	[tilespmem:s0+$0xAEA0] =	vst v14  }
0xf9: {  	[tilespmem:s0+$0xAF20] =	vst v15  }
0xfa: {  	[tilespmem:s0+$0xAFA0] =	vst v2  }
0xfb: {  	v0 =	vld [tilespmem:$0x4AB0]  }
0xfc: {  	v1 =	vld [tilespmem:$0x4B30];
	_ =	sdelay $0x3  }
0xfd: {  	v0 =	vtrunc.f32 v0  }
0xfe: {  	v3 =	vcvt.f32.s32 v0;
	v0 =	vtrunc.f32 v1  }
0xff: {  	v2 =	vcvt.f32.s32 v0;
	_ =	sdelay $0x1  }
0x100: {  	v4 =	vadd.s32 $0xF, v3  }
0x101: {  	v5 =	vadd.s32 $0x1E, v3  }
0x102: {  	v6 =	vadd.s32 $0x2D, v3  }
0x103: {  	v10 =	vadd.s32 $0x3C, v3;
	v0 =	vld.idx.msk [tilespmem:v3+s4+$0x0], $0xffff  }
0x104: {  	v8 =	vadd.s32 $0x4B, v3;
	v1 =	vld.idx.msk [tilespmem:v2+s14+$0x0], $0xffff  }
0x105: {  	v11 =	vadd.s32 $0x5A, v3;
	v4 =	vld.idx.msk [tilespmem:v4+s4+$0x0], $0xffff  }
0x106: {  	v9 =	vadd.s32 $0x69, v3;
	v5 =	vld.idx.msk [tilespmem:v5+s4+$0x0], $0xffff  }
0x107: {  	s3 =	simm.s32 $0x1000;
	s0 =	simm.s32 $0x0;
	v7 =	vadd.s32 $0x3AA, v2;
	v6 =	vld.idx.msk [tilespmem:v6+s4+$0x0], $0xffff  }
.LBB2_9:
0x108: {  	p1 =	sne.s32 s3, $0xF000;
	v10 =	vld.idx.msk [tilespmem:v10+s4+$0x0], $0xffff;
	v12 =	vadd.s32 $0x86, v2  }
0x109: {  	v13 =	vadd.s32 $0x10C, v2;
	v8 =	vld.idx.msk [tilespmem:v8+s4+$0x0], $0xffff  }
0x10a: {  	v14 =	vadd.s32 $0x192, v2;
	v11 =	vld.idx.msk [tilespmem:v11+s4+$0x0], $0xffff  }
0x10b: {  	v15 =	vadd.s32 $0x218, v2;
	v9 =	vld.idx.msk [tilespmem:v9+s4+$0x0], $0xffff  }
0x10c: {  	v16 =	vadd.s32 $0x29E, v2;
	v7 =	vld.idx.msk [tilespmem:v7+s14+$0x0], $0xffff  }
0x10d: {  	v17 =	vadd.s32 $0x324, v2;
	v12 =	vld.idx.msk [tilespmem:v12+s14+$0x0], $0xffff  }
0x10e: {  	v13 =	vld.idx.msk [tilespmem:v13+s14+$0x0], $0xffff  }
0x10f: {  	v14 =	vld.idx.msk [tilespmem:v14+s14+$0x0], $0xffff  }
0x110: {  	v15 =	vld.idx.msk [tilespmem:v15+s14+$0x0], $0xffff  }
0x111: {  	s15 =	sshra.s32 s0, $0x2;
	s0 =	smov.u32 s3;
	v16 =	vld.idx.msk [tilespmem:v16+s14+$0x0], $0xffff  }
0x112: {  	v17 =	vld.idx.msk [tilespmem:v17+s14+$0x0], $0xffff;
	[tilespmem:s15+$0xB030] =	vst v7  }
0x113: {  	[tilespmem:s15+$0x6D30] =	vst v4  }
0x114: {  	[tilespmem:s15+$0x6DB0] =	vst v5  }
0x115: {  	[tilespmem:s15+$0x6E30] =	vst v6  }
0x116: {  	[tilespmem:s15+$0x6EB0] =	vst v10  }
0x117: {  	[tilespmem:s15+$0x6F30] =	vst v8  }
0x118: {  	[tilespmem:s15+$0x6FB0] =	vst v11  }
0x119: {  	[tilespmem:s15+$0x7030] =	vst v9  }
0x11a: {  	[tilespmem:s15+$0xAD30] =	vst v12  }
0x11b: {  	[tilespmem:s15+$0xADB0] =	vst v13  }
0x11c: {  	[tilespmem:s15+$0xAE30] =	vst v14  }
0x11d: {  	v3 =	vadd.s32 $0x78, v3;
	[tilespmem:s15+$0xAEB0] =	vst v15  }
0x11e: {  	v2 =	vadd.s32 $0x430, v2;
	[tilespmem:s15+$0xAF30] =	vst v16  }
0x11f: {  	v4 =	vadd.s32 $0xF, v3;
	[tilespmem:s15+$0xAFB0] =	vst v17  }
0x120: {  	v5 =	vadd.s32 $0x1E, v3;
	[tilespmem:s15+$0x6CB0] =	vst v0  }
0x121: {  	v6 =	vadd.s32 $0x2D, v3;
	[tilespmem:s15+$0xACB0] =	vst v1  }
.Ltmp3:
0x122: {  	v10 =	vadd.s32 $0x3C, v3;
	v0 =	vld.idx.msk [tilespmem:v3+s4+$0x0], $0xffff;
	(pc) =	sbr.rel @p1 .LBB2_9-.Ltmp3, $4  }
0x123: {  	v8 =	vadd.s32 $0x4B, v3;
	v1 =	vld.idx.msk [tilespmem:v2+s14+$0x0], $0xffff  }
0x124: {  	v11 =	vadd.s32 $0x5A, v3;
	v4 =	vld.idx.msk [tilespmem:v4+s4+$0x0], $0xffff  }
0x125: {  	v9 =	vadd.s32 $0x69, v3;
	v5 =	vld.idx.msk [tilespmem:v5+s4+$0x0], $0xffff  }
0x126: {  	s3 =	sadd.s32 $0x1000, s3;
	v7 =	vadd.s32 $0x3AA, v2;
	v6 =	vld.idx.msk [tilespmem:v6+s4+$0x0], $0xffff  }
0x127: {  	_ =	sdelay $0x3  }
0x128: {  	v3 =	vld.idx.msk [tilespmem:v10+s4+$0x0], $0xffff;
	v10 =	vadd.s32 $0x86, v2  }
0x129: {  	v8 =	vld.idx.msk [tilespmem:v8+s4+$0x0], $0xffff;
	v12 =	vadd.s32 $0x10C, v2  }
0x12a: {  	v11 =	vld.idx.msk [tilespmem:v11+s4+$0x0], $0xffff;
	v13 =	vadd.s32 $0x192, v2  }
0x12b: {  	v9 =	vld.idx.msk [tilespmem:v9+s4+$0x0], $0xffff;
	v14 =	vadd.s32 $0x218, v2  }
0x12c: {  	v15 =	vadd.s32 $0x29E, v2;
	v7 =	vld.idx.msk [tilespmem:v7+s14+$0x0], $0xffff  }
0x12d: {  	v2 =	vadd.s32 $0x324, v2;
	v10 =	vld.idx.msk [tilespmem:v10+s14+$0x0], $0xffff  }
0x12e: {  	v12 =	vld.idx.msk [tilespmem:v12+s14+$0x0], $0xffff  }
0x12f: {  	v13 =	vld.idx.msk [tilespmem:v13+s14+$0x0], $0xffff  }
0x130: {  	v14 =	vld.idx.msk [tilespmem:v14+s14+$0x0], $0xffff  }
0x131: {  	s0 =	sshra.s32 s0, $0x2;
	v15 =	vld.idx.msk [tilespmem:v15+s14+$0x0], $0xffff  }
0x132: {  	v2 =	vld.idx.msk [tilespmem:v2+s14+$0x0], $0xffff;
	[tilespmem:s0+$0xB030] =	vst v7  }
0x133: {  	[tilespmem:s0+$0x6D30] =	vst v4  }
0x134: {  	[tilespmem:s0+$0x6DB0] =	vst v5  }
0x135: {  	[tilespmem:s0+$0x6E30] =	vst v6  }
0x136: {  	[tilespmem:s0+$0x6EB0] =	vst v3  }
0x137: {  	[tilespmem:s0+$0x6F30] =	vst v8  }
0x138: {  	[tilespmem:s0+$0x6FB0] =	vst v11  }
0x139: {  	[tilespmem:s0+$0x7030] =	vst v9  }
0x13a: {  	[tilespmem:s0+$0x6CB0] =	vst v0  }
0x13b: {  	[tilespmem:s0+$0xACB0] =	vst v1  }
0x13c: {  	[tilespmem:s0+$0xAD30] =	vst v10  }
0x13d: {  	[tilespmem:s0+$0xADB0] =	vst v12  }
0x13e: {  	[tilespmem:s0+$0xAE30] =	vst v13  }
0x13f: {  	[tilespmem:s0+$0xAEB0] =	vst v14  }
0x140: {  	[tilespmem:s0+$0xAF30] =	vst v15  }
0x141: {  	[tilespmem:s0+$0xAFB0] =	vst v2  }
0x142: {  	v0 =	vld [tilespmem:$0x4AC0]  }
0x143: {  	v1 =	vld [tilespmem:$0x4B40];
	_ =	sdelay $0x3  }
0x144: {  	v0 =	vtrunc.f32 v0  }
0x145: {  	v3 =	vcvt.f32.s32 v0;
	v0 =	vtrunc.f32 v1  }
0x146: {  	v2 =	vcvt.f32.s32 v0;
	_ =	sdelay $0x1  }
0x147: {  	v4 =	vadd.s32 $0xF, v3  }
0x148: {  	v5 =	vadd.s32 $0x1E, v3  }
0x149: {  	v6 =	vadd.s32 $0x2D, v3  }
0x14a: {  	v10 =	vadd.s32 $0x3C, v3;
	v0 =	vld.idx.msk [tilespmem:v3+s4+$0x0], $0xffff  }
0x14b: {  	v8 =	vadd.s32 $0x4B, v3;
	v1 =	vld.idx.msk [tilespmem:v2+s14+$0x0], $0xffff  }
0x14c: {  	v11 =	vadd.s32 $0x5A, v3;
	v4 =	vld.idx.msk [tilespmem:v4+s4+$0x0], $0xffff  }
0x14d: {  	v9 =	vadd.s32 $0x69, v3;
	v5 =	vld.idx.msk [tilespmem:v5+s4+$0x0], $0xffff  }
0x14e: {  	s3 =	simm.s32 $0x1000;
	s0 =	simm.s32 $0x0;
	v7 =	vadd.s32 $0x3AA, v2;
	v6 =	vld.idx.msk [tilespmem:v6+s4+$0x0], $0xffff  }
.LBB2_11:
0x14f: {  	p1 =	sne.s32 s3, $0xF000;
	v10 =	vld.idx.msk [tilespmem:v10+s4+$0x0], $0xffff;
	v12 =	vadd.s32 $0x86, v2  }
0x150: {  	v13 =	vadd.s32 $0x10C, v2;
	v8 =	vld.idx.msk [tilespmem:v8+s4+$0x0], $0xffff  }
0x151: {  	v14 =	vadd.s32 $0x192, v2;
	v11 =	vld.idx.msk [tilespmem:v11+s4+$0x0], $0xffff  }
0x152: {  	v15 =	vadd.s32 $0x218, v2;
	v9 =	vld.idx.msk [tilespmem:v9+s4+$0x0], $0xffff  }
0x153: {  	v16 =	vadd.s32 $0x29E, v2;
	v7 =	vld.idx.msk [tilespmem:v7+s14+$0x0], $0xffff  }
0x154: {  	v17 =	vadd.s32 $0x324, v2;
	v12 =	vld.idx.msk [tilespmem:v12+s14+$0x0], $0xffff  }
0x155: {  	v13 =	vld.idx.msk [tilespmem:v13+s14+$0x0], $0xffff  }
0x156: {  	v14 =	vld.idx.msk [tilespmem:v14+s14+$0x0], $0xffff  }
0x157: {  	v15 =	vld.idx.msk [tilespmem:v15+s14+$0x0], $0xffff  }
0x158: {  	s15 =	sshra.s32 s0, $0x2;
	s0 =	smov.u32 s3;
	v16 =	vld.idx.msk [tilespmem:v16+s14+$0x0], $0xffff  }
0x159: {  	v17 =	vld.idx.msk [tilespmem:v17+s14+$0x0], $0xffff;
	[tilespmem:s15+$0xB040] =	vst v7  }
0x15a: {  	[tilespmem:s15+$0x6D40] =	vst v4  }
0x15b: {  	[tilespmem:s15+$0x6DC0] =	vst v5  }
0x15c: {  	[tilespmem:s15+$0x6E40] =	vst v6  }
0x15d: {  	[tilespmem:s15+$0x6EC0] =	vst v10  }
0x15e: {  	[tilespmem:s15+$0x6F40] =	vst v8  }
0x15f: {  	[tilespmem:s15+$0x6FC0] =	vst v11  }
0x160: {  	[tilespmem:s15+$0x7040] =	vst v9  }
0x161: {  	[tilespmem:s15+$0xAD40] =	vst v12  }
0x162: {  	[tilespmem:s15+$0xADC0] =	vst v13  }
0x163: {  	[tilespmem:s15+$0xAE40] =	vst v14  }
0x164: {  	v3 =	vadd.s32 $0x78, v3;
	[tilespmem:s15+$0xAEC0] =	vst v15  }
0x165: {  	v2 =	vadd.s32 $0x430, v2;
	[tilespmem:s15+$0xAF40] =	vst v16  }
0x166: {  	v4 =	vadd.s32 $0xF, v3;
	[tilespmem:s15+$0xAFC0] =	vst v17  }
0x167: {  	v5 =	vadd.s32 $0x1E, v3;
	[tilespmem:s15+$0x6CC0] =	vst v0  }
0x168: {  	v6 =	vadd.s32 $0x2D, v3;
	[tilespmem:s15+$0xACC0] =	vst v1  }
.Ltmp4:
0x169: {  	v10 =	vadd.s32 $0x3C, v3;
	v0 =	vld.idx.msk [tilespmem:v3+s4+$0x0], $0xffff;
	(pc) =	sbr.rel @p1 .LBB2_11-.Ltmp4, $4  }
0x16a: {  	v8 =	vadd.s32 $0x4B, v3;
	v1 =	vld.idx.msk [tilespmem:v2+s14+$0x0], $0xffff  }
0x16b: {  	v11 =	vadd.s32 $0x5A, v3;
	v4 =	vld.idx.msk [tilespmem:v4+s4+$0x0], $0xffff  }
0x16c: {  	v9 =	vadd.s32 $0x69, v3;
	v5 =	vld.idx.msk [tilespmem:v5+s4+$0x0], $0xffff  }
0x16d: {  	s3 =	sadd.s32 $0x1000, s3;
	v7 =	vadd.s32 $0x3AA, v2;
	v6 =	vld.idx.msk [tilespmem:v6+s4+$0x0], $0xffff  }
0x16e: {  	_ =	sdelay $0x3  }
0x16f: {  	v3 =	vld.idx.msk [tilespmem:v10+s4+$0x0], $0xffff;
	v10 =	vadd.s32 $0x86, v2  }
0x170: {  	v8 =	vld.idx.msk [tilespmem:v8+s4+$0x0], $0xffff;
	v12 =	vadd.s32 $0x10C, v2  }
0x171: {  	v11 =	vld.idx.msk [tilespmem:v11+s4+$0x0], $0xffff;
	v13 =	vadd.s32 $0x192, v2  }
0x172: {  	v9 =	vld.idx.msk [tilespmem:v9+s4+$0x0], $0xffff;
	v14 =	vadd.s32 $0x218, v2  }
0x173: {  	v15 =	vadd.s32 $0x29E, v2;
	v7 =	vld.idx.msk [tilespmem:v7+s14+$0x0], $0xffff  }
0x174: {  	v2 =	vadd.s32 $0x324, v2;
	v10 =	vld.idx.msk [tilespmem:v10+s14+$0x0], $0xffff  }
0x175: {  	v12 =	vld.idx.msk [tilespmem:v12+s14+$0x0], $0xffff  }
0x176: {  	v13 =	vld.idx.msk [tilespmem:v13+s14+$0x0], $0xffff  }
0x177: {  	v14 =	vld.idx.msk [tilespmem:v14+s14+$0x0], $0xffff  }
0x178: {  	s0 =	sshra.s32 s0, $0x2;
	v15 =	vld.idx.msk [tilespmem:v15+s14+$0x0], $0xffff  }
0x179: {  	v2 =	vld.idx.msk [tilespmem:v2+s14+$0x0], $0xffff;
	[tilespmem:s0+$0xB040] =	vst v7  }
0x17a: {  	[tilespmem:s0+$0x6D40] =	vst v4  }
0x17b: {  	[tilespmem:s0+$0x6DC0] =	vst v5  }
0x17c: {  	[tilespmem:s0+$0x6E40] =	vst v6  }
0x17d: {  	[tilespmem:s0+$0x6EC0] =	vst v3  }
0x17e: {  	[tilespmem:s0+$0x6F40] =	vst v8  }
0x17f: {  	[tilespmem:s0+$0x6FC0] =	vst v11  }
0x180: {  	[tilespmem:s0+$0x7040] =	vst v9  }
0x181: {  	[tilespmem:s0+$0x6CC0] =	vst v0  }
0x182: {  	[tilespmem:s0+$0xACC0] =	vst v1  }
0x183: {  	[tilespmem:s0+$0xAD40] =	vst v10  }
0x184: {  	[tilespmem:s0+$0xADC0] =	vst v12  }
0x185: {  	[tilespmem:s0+$0xAE40] =	vst v13  }
0x186: {  	[tilespmem:s0+$0xAEC0] =	vst v14  }
0x187: {  	[tilespmem:s0+$0xAF40] =	vst v15  }
0x188: {  	[tilespmem:s0+$0xAFC0] =	vst v2  }
0x189: {  	v0 =	vld [tilespmem:$0x4AD0]  }
0x18a: {  	v1 =	vld [tilespmem:$0x4B50];
	_ =	sdelay $0x3  }
0x18b: {  	v0 =	vtrunc.f32 v0  }
0x18c: {  	v3 =	vcvt.f32.s32 v0;
	v0 =	vtrunc.f32 v1  }
0x18d: {  	v2 =	vcvt.f32.s32 v0;
	_ =	sdelay $0x1  }
0x18e: {  	v4 =	vadd.s32 $0xF, v3  }
0x18f: {  	v5 =	vadd.s32 $0x1E, v3  }
0x190: {  	v6 =	vadd.s32 $0x2D, v3  }
0x191: {  	v10 =	vadd.s32 $0x3C, v3;
	v0 =	vld.idx.msk [tilespmem:v3+s4+$0x0], $0xffff  }
0x192: {  	v8 =	vadd.s32 $0x4B, v3;
	v1 =	vld.idx.msk [tilespmem:v2+s14+$0x0], $0xffff  }
0x193: {  	v11 =	vadd.s32 $0x5A, v3;
	v4 =	vld.idx.msk [tilespmem:v4+s4+$0x0], $0xffff  }
0x194: {  	v9 =	vadd.s32 $0x69, v3;
	v5 =	vld.idx.msk [tilespmem:v5+s4+$0x0], $0xffff  }
0x195: {  	s3 =	simm.s32 $0x1000;
	s0 =	simm.s32 $0x0;
	v7 =	vadd.s32 $0x3AA, v2;
	v6 =	vld.idx.msk [tilespmem:v6+s4+$0x0], $0xffff  }
.LBB2_13:
0x196: {  	p1 =	sne.s32 s3, $0xF000;
	v10 =	vld.idx.msk [tilespmem:v10+s4+$0x0], $0xffff;
	v12 =	vadd.s32 $0x86, v2  }
0x197: {  	v13 =	vadd.s32 $0x10C, v2;
	v8 =	vld.idx.msk [tilespmem:v8+s4+$0x0], $0xffff  }
0x198: {  	v14 =	vadd.s32 $0x192, v2;
	v11 =	vld.idx.msk [tilespmem:v11+s4+$0x0], $0xffff  }
0x199: {  	v15 =	vadd.s32 $0x218, v2;
	v9 =	vld.idx.msk [tilespmem:v9+s4+$0x0], $0xffff  }
0x19a: {  	v16 =	vadd.s32 $0x29E, v2;
	v7 =	vld.idx.msk [tilespmem:v7+s14+$0x0], $0xffff  }
0x19b: {  	v17 =	vadd.s32 $0x324, v2;
	v12 =	vld.idx.msk [tilespmem:v12+s14+$0x0], $0xffff  }
0x19c: {  	v13 =	vld.idx.msk [tilespmem:v13+s14+$0x0], $0xffff  }
0x19d: {  	v14 =	vld.idx.msk [tilespmem:v14+s14+$0x0], $0xffff  }
0x19e: {  	v15 =	vld.idx.msk [tilespmem:v15+s14+$0x0], $0xffff  }
0x19f: {  	s15 =	sshra.s32 s0, $0x2;
	s0 =	smov.u32 s3;
	v16 =	vld.idx.msk [tilespmem:v16+s14+$0x0], $0xffff  }
0x1a0: {  	v17 =	vld.idx.msk [tilespmem:v17+s14+$0x0], $0xffff;
	[tilespmem:s15+$0xB050] =	vst v7  }
0x1a1: {  	[tilespmem:s15+$0x6D50] =	vst v4  }
0x1a2: {  	[tilespmem:s15+$0x6DD0] =	vst v5  }
0x1a3: {  	[tilespmem:s15+$0x6E50] =	vst v6  }
0x1a4: {  	[tilespmem:s15+$0x6ED0] =	vst v10  }
0x1a5: {  	[tilespmem:s15+$0x6F50] =	vst v8  }
0x1a6: {  	[tilespmem:s15+$0x6FD0] =	vst v11  }
0x1a7: {  	[tilespmem:s15+$0x7050] =	vst v9  }
0x1a8: {  	[tilespmem:s15+$0xAD50] =	vst v12  }
0x1a9: {  	[tilespmem:s15+$0xADD0] =	vst v13  }
0x1aa: {  	[tilespmem:s15+$0xAE50] =	vst v14  }
0x1ab: {  	v3 =	vadd.s32 $0x78, v3;
	[tilespmem:s15+$0xAED0] =	vst v15  }
0x1ac: {  	v2 =	vadd.s32 $0x430, v2;
	[tilespmem:s15+$0xAF50] =	vst v16  }
0x1ad: {  	v4 =	vadd.s32 $0xF, v3;
	[tilespmem:s15+$0xAFD0] =	vst v17  }
0x1ae: {  	v5 =	vadd.s32 $0x1E, v3;
	[tilespmem:s15+$0x6CD0] =	vst v0  }
0x1af: {  	v6 =	vadd.s32 $0x2D, v3;
	[tilespmem:s15+$0xACD0] =	vst v1  }
.Ltmp5:
0x1b0: {  	v10 =	vadd.s32 $0x3C, v3;
	v0 =	vld.idx.msk [tilespmem:v3+s4+$0x0], $0xffff;
	(pc) =	sbr.rel @p1 .LBB2_13-.Ltmp5, $4  }
0x1b1: {  	v8 =	vadd.s32 $0x4B, v3;
	v1 =	vld.idx.msk [tilespmem:v2+s14+$0x0], $0xffff  }
0x1b2: {  	v11 =	vadd.s32 $0x5A, v3;
	v4 =	vld.idx.msk [tilespmem:v4+s4+$0x0], $0xffff  }
0x1b3: {  	v9 =	vadd.s32 $0x69, v3;
	v5 =	vld.idx.msk [tilespmem:v5+s4+$0x0], $0xffff  }
0x1b4: {  	s3 =	sadd.s32 $0x1000, s3;
	v7 =	vadd.s32 $0x3AA, v2;
	v6 =	vld.idx.msk [tilespmem:v6+s4+$0x0], $0xffff  }
0x1b5: {  	_ =	sdelay $0x3  }
0x1b6: {  	v3 =	vld.idx.msk [tilespmem:v10+s4+$0x0], $0xffff;
	v10 =	vadd.s32 $0x86, v2  }
0x1b7: {  	v8 =	vld.idx.msk [tilespmem:v8+s4+$0x0], $0xffff;
	v12 =	vadd.s32 $0x10C, v2  }
0x1b8: {  	v11 =	vld.idx.msk [tilespmem:v11+s4+$0x0], $0xffff;
	v13 =	vadd.s32 $0x192, v2  }
0x1b9: {  	v9 =	vld.idx.msk [tilespmem:v9+s4+$0x0], $0xffff;
	v14 =	vadd.s32 $0x218, v2  }
0x1ba: {  	v15 =	vadd.s32 $0x29E, v2;
	v7 =	vld.idx.msk [tilespmem:v7+s14+$0x0], $0xffff  }
0x1bb: {  	v2 =	vadd.s32 $0x324, v2;
	v10 =	vld.idx.msk [tilespmem:v10+s14+$0x0], $0xffff  }
0x1bc: {  	v12 =	vld.idx.msk [tilespmem:v12+s14+$0x0], $0xffff  }
0x1bd: {  	v13 =	vld.idx.msk [tilespmem:v13+s14+$0x0], $0xffff  }
0x1be: {  	v14 =	vld.idx.msk [tilespmem:v14+s14+$0x0], $0xffff  }
0x1bf: {  	s0 =	sshra.s32 s0, $0x2;
	v15 =	vld.idx.msk [tilespmem:v15+s14+$0x0], $0xffff  }
0x1c0: {  	v2 =	vld.idx.msk [tilespmem:v2+s14+$0x0], $0xffff;
	[tilespmem:s0+$0xB050] =	vst v7  }
0x1c1: {  	[tilespmem:s0+$0x6D50] =	vst v4  }
0x1c2: {  	[tilespmem:s0+$0x6DD0] =	vst v5  }
0x1c3: {  	[tilespmem:s0+$0x6E50] =	vst v6  }
0x1c4: {  	[tilespmem:s0+$0x6ED0] =	vst v3  }
0x1c5: {  	[tilespmem:s0+$0x6F50] =	vst v8  }
0x1c6: {  	[tilespmem:s0+$0x6FD0] =	vst v11  }
0x1c7: {  	[tilespmem:s0+$0x7050] =	vst v9  }
0x1c8: {  	[tilespmem:s0+$0x6CD0] =	vst v0  }
0x1c9: {  	[tilespmem:s0+$0xACD0] =	vst v1  }
0x1ca: {  	[tilespmem:s0+$0xAD50] =	vst v10  }
0x1cb: {  	[tilespmem:s0+$0xADD0] =	vst v12  }
0x1cc: {  	[tilespmem:s0+$0xAE50] =	vst v13  }
0x1cd: {  	[tilespmem:s0+$0xAED0] =	vst v14  }
0x1ce: {  	[tilespmem:s0+$0xAF50] =	vst v15  }
0x1cf: {  	[tilespmem:s0+$0xAFD0] =	vst v2  }
0x1d0: {  	v0 =	vld [tilespmem:$0x4AE0]  }
0x1d1: {  	v1 =	vld [tilespmem:$0x4B60];
	_ =	sdelay $0x3  }
0x1d2: {  	v0 =	vtrunc.f32 v0  }
0x1d3: {  	v3 =	vcvt.f32.s32 v0;
	v0 =	vtrunc.f32 v1  }
0x1d4: {  	v2 =	vcvt.f32.s32 v0;
	_ =	sdelay $0x1  }
0x1d5: {  	v4 =	vadd.s32 $0xF, v3  }
0x1d6: {  	v5 =	vadd.s32 $0x1E, v3  }
0x1d7: {  	v6 =	vadd.s32 $0x2D, v3  }
0x1d8: {  	v10 =	vadd.s32 $0x3C, v3;
	v0 =	vld.idx.msk [tilespmem:v3+s4+$0x0], $0xffff  }
0x1d9: {  	v8 =	vadd.s32 $0x4B, v3;
	v1 =	vld.idx.msk [tilespmem:v2+s14+$0x0], $0xffff  }
0x1da: {  	v11 =	vadd.s32 $0x5A, v3;
	v4 =	vld.idx.msk [tilespmem:v4+s4+$0x0], $0xffff  }
0x1db: {  	v9 =	vadd.s32 $0x69, v3;
	v5 =	vld.idx.msk [tilespmem:v5+s4+$0x0], $0xffff  }
0x1dc: {  	s3 =	simm.s32 $0x1000;
	s0 =	simm.s32 $0x0;
	v7 =	vadd.s32 $0x3AA, v2;
	v6 =	vld.idx.msk [tilespmem:v6+s4+$0x0], $0xffff  }
.LBB2_15:
0x1dd: {  	p1 =	sne.s32 s3, $0xF000;
	v10 =	vld.idx.msk [tilespmem:v10+s4+$0x0], $0xffff;
	v12 =	vadd.s32 $0x86, v2  }
0x1de: {  	v13 =	vadd.s32 $0x10C, v2;
	v8 =	vld.idx.msk [tilespmem:v8+s4+$0x0], $0xffff  }
0x1df: {  	v14 =	vadd.s32 $0x192, v2;
	v11 =	vld.idx.msk [tilespmem:v11+s4+$0x0], $0xffff  }
0x1e0: {  	v15 =	vadd.s32 $0x218, v2;
	v9 =	vld.idx.msk [tilespmem:v9+s4+$0x0], $0xffff  }
0x1e1: {  	v16 =	vadd.s32 $0x29E, v2;
	v7 =	vld.idx.msk [tilespmem:v7+s14+$0x0], $0xffff  }
0x1e2: {  	v17 =	vadd.s32 $0x324, v2;
	v12 =	vld.idx.msk [tilespmem:v12+s14+$0x0], $0xffff  }
0x1e3: {  	v13 =	vld.idx.msk [tilespmem:v13+s14+$0x0], $0xffff  }
0x1e4: {  	v14 =	vld.idx.msk [tilespmem:v14+s14+$0x0], $0xffff  }
0x1e5: {  	v15 =	vld.idx.msk [tilespmem:v15+s14+$0x0], $0xffff  }
0x1e6: {  	s15 =	sshra.s32 s0, $0x2;
	s0 =	smov.u32 s3;
	v16 =	vld.idx.msk [tilespmem:v16+s14+$0x0], $0xffff  }
0x1e7: {  	v17 =	vld.idx.msk [tilespmem:v17+s14+$0x0], $0xffff;
	[tilespmem:s15+$0xB060] =	vst v7  }
0x1e8: {  	[tilespmem:s15+$0x6D60] =	vst v4  }
0x1e9: {  	[tilespmem:s15+$0x6DE0] =	vst v5  }
0x1ea: {  	[tilespmem:s15+$0x6E60] =	vst v6  }
0x1eb: {  	[tilespmem:s15+$0x6EE0] =	vst v10  }
0x1ec: {  	[tilespmem:s15+$0x6F60] =	vst v8  }
0x1ed: {  	[tilespmem:s15+$0x6FE0] =	vst v11  }
0x1ee: {  	[tilespmem:s15+$0x7060] =	vst v9  }
0x1ef: {  	[tilespmem:s15+$0xAD60] =	vst v12  }
0x1f0: {  	[tilespmem:s15+$0xADE0] =	vst v13  }
0x1f1: {  	[tilespmem:s15+$0xAE60] =	vst v14  }
0x1f2: {  	v3 =	vadd.s32 $0x78, v3;
	[tilespmem:s15+$0xAEE0] =	vst v15  }
0x1f3: {  	v2 =	vadd.s32 $0x430, v2;
	[tilespmem:s15+$0xAF60] =	vst v16  }
0x1f4: {  	v4 =	vadd.s32 $0xF, v3;
	[tilespmem:s15+$0xAFE0] =	vst v17  }
0x1f5: {  	v5 =	vadd.s32 $0x1E, v3;
	[tilespmem:s15+$0x6CE0] =	vst v0  }
0x1f6: {  	v6 =	vadd.s32 $0x2D, v3;
	[tilespmem:s15+$0xACE0] =	vst v1  }
.Ltmp6:
0x1f7: {  	v10 =	vadd.s32 $0x3C, v3;
	v0 =	vld.idx.msk [tilespmem:v3+s4+$0x0], $0xffff;
	(pc) =	sbr.rel @p1 .LBB2_15-.Ltmp6, $4  }
0x1f8: {  	v8 =	vadd.s32 $0x4B, v3;
	v1 =	vld.idx.msk [tilespmem:v2+s14+$0x0], $0xffff  }
0x1f9: {  	v11 =	vadd.s32 $0x5A, v3;
	v4 =	vld.idx.msk [tilespmem:v4+s4+$0x0], $0xffff  }
0x1fa: {  	v9 =	vadd.s32 $0x69, v3;
	v5 =	vld.idx.msk [tilespmem:v5+s4+$0x0], $0xffff  }
0x1fb: {  	s3 =	sadd.s32 $0x1000, s3;
	v7 =	vadd.s32 $0x3AA, v2;
	v6 =	vld.idx.msk [tilespmem:v6+s4+$0x0], $0xffff  }
0x1fc: {  	_ =	sdelay $0x3  }
0x1fd: {  	v3 =	vld.idx.msk [tilespmem:v10+s4+$0x0], $0xffff;
	v10 =	vadd.s32 $0x86, v2  }
0x1fe: {  	v8 =	vld.idx.msk [tilespmem:v8+s4+$0x0], $0xffff;
	v12 =	vadd.s32 $0x10C, v2  }
0x1ff: {  	v11 =	vld.idx.msk [tilespmem:v11+s4+$0x0], $0xffff;
	v13 =	vadd.s32 $0x192, v2  }
0x200: {  	v9 =	vld.idx.msk [tilespmem:v9+s4+$0x0], $0xffff;
	v14 =	vadd.s32 $0x218, v2  }
0x201: {  	v15 =	vadd.s32 $0x29E, v2;
	v7 =	vld.idx.msk [tilespmem:v7+s14+$0x0], $0xffff  }
0x202: {  	v2 =	vadd.s32 $0x324, v2;
	v10 =	vld.idx.msk [tilespmem:v10+s14+$0x0], $0xffff  }
0x203: {  	v12 =	vld.idx.msk [tilespmem:v12+s14+$0x0], $0xffff  }
0x204: {  	v13 =	vld.idx.msk [tilespmem:v13+s14+$0x0], $0xffff  }
0x205: {  	v14 =	vld.idx.msk [tilespmem:v14+s14+$0x0], $0xffff  }
0x206: {  	s0 =	sshra.s32 s0, $0x2;
	v15 =	vld.idx.msk [tilespmem:v15+s14+$0x0], $0xffff  }
0x207: {  	v2 =	vld.idx.msk [tilespmem:v2+s14+$0x0], $0xffff;
	[tilespmem:s0+$0xB060] =	vst v7  }
0x208: {  	[tilespmem:s0+$0x6D60] =	vst v4  }
0x209: {  	[tilespmem:s0+$0x6DE0] =	vst v5  }
0x20a: {  	[tilespmem:s0+$0x6E60] =	vst v6  }
0x20b: {  	[tilespmem:s0+$0x6EE0] =	vst v3  }
0x20c: {  	[tilespmem:s0+$0x6F60] =	vst v8  }
0x20d: {  	[tilespmem:s0+$0x6FE0] =	vst v11  }
0x20e: {  	[tilespmem:s0+$0x7060] =	vst v9  }
0x20f: {  	[tilespmem:s0+$0x6CE0] =	vst v0  }
0x210: {  	[tilespmem:s0+$0xACE0] =	vst v1  }
0x211: {  	[tilespmem:s0+$0xAD60] =	vst v10  }
0x212: {  	[tilespmem:s0+$0xADE0] =	vst v12  }
0x213: {  	[tilespmem:s0+$0xAE60] =	vst v13  }
0x214: {  	[tilespmem:s0+$0xAEE0] =	vst v14  }
0x215: {  	[tilespmem:s0+$0xAF60] =	vst v15  }
0x216: {  	[tilespmem:s0+$0xAFE0] =	vst v2  }
0x217: {  	v0 =	vld [tilespmem:$0x4AF0]  }
0x218: {  	v1 =	vld [tilespmem:$0x4B70];
	_ =	sdelay $0x3  }
0x219: {  	v0 =	vtrunc.f32 v0  }
0x21a: {  	v3 =	vcvt.f32.s32 v0;
	v0 =	vtrunc.f32 v1  }
0x21b: {  	v2 =	vcvt.f32.s32 v0;
	_ =	sdelay $0x1  }
0x21c: {  	v4 =	vadd.s32 $0xF, v3  }
0x21d: {  	v5 =	vadd.s32 $0x1E, v3  }
0x21e: {  	v6 =	vadd.s32 $0x2D, v3  }
0x21f: {  	v10 =	vadd.s32 $0x3C, v3;
	v0 =	vld.idx.msk [tilespmem:v3+s4+$0x0], $0xffff  }
0x220: {  	v8 =	vadd.s32 $0x4B, v3;
	v1 =	vld.idx.msk [tilespmem:v2+s14+$0x0], $0xffff  }
0x221: {  	v11 =	vadd.s32 $0x5A, v3;
	v4 =	vld.idx.msk [tilespmem:v4+s4+$0x0], $0xffff  }
0x222: {  	v9 =	vadd.s32 $0x69, v3;
	v5 =	vld.idx.msk [tilespmem:v5+s4+$0x0], $0xffff  }
0x223: {  	s3 =	simm.s32 $0x1000;
	s0 =	simm.s32 $0x0;
	v7 =	vadd.s32 $0x3AA, v2;
	v6 =	vld.idx.msk [tilespmem:v6+s4+$0x0], $0xffff  }
.LBB2_17:
0x224: {  	p1 =	sne.s32 s3, $0xF000;
	v10 =	vld.idx.msk [tilespmem:v10+s4+$0x0], $0xffff;
	v12 =	vadd.s32 $0x86, v2  }
0x225: {  	v13 =	vadd.s32 $0x10C, v2;
	v8 =	vld.idx.msk [tilespmem:v8+s4+$0x0], $0xffff  }
0x226: {  	v14 =	vadd.s32 $0x192, v2;
	v11 =	vld.idx.msk [tilespmem:v11+s4+$0x0], $0xffff  }
0x227: {  	v15 =	vadd.s32 $0x218, v2;
	v9 =	vld.idx.msk [tilespmem:v9+s4+$0x0], $0xffff  }
0x228: {  	v16 =	vadd.s32 $0x29E, v2;
	v7 =	vld.idx.msk [tilespmem:v7+s14+$0x0], $0xffff  }
0x229: {  	v17 =	vadd.s32 $0x324, v2;
	v12 =	vld.idx.msk [tilespmem:v12+s14+$0x0], $0xffff  }
0x22a: {  	v13 =	vld.idx.msk [tilespmem:v13+s14+$0x0], $0xffff  }
0x22b: {  	v14 =	vld.idx.msk [tilespmem:v14+s14+$0x0], $0xffff  }
0x22c: {  	v15 =	vld.idx.msk [tilespmem:v15+s14+$0x0], $0xffff  }
0x22d: {  	s15 =	sshra.s32 s0, $0x2;
	s0 =	smov.u32 s3;
	v16 =	vld.idx.msk [tilespmem:v16+s14+$0x0], $0xffff  }
0x22e: {  	v17 =	vld.idx.msk [tilespmem:v17+s14+$0x0], $0xffff;
	[tilespmem:s15+$0xB070] =	vst v7  }
0x22f: {  	[tilespmem:s15+$0x6D70] =	vst v4  }
0x230: {  	[tilespmem:s15+$0x6DF0] =	vst v5  }
0x231: {  	[tilespmem:s15+$0x6E70] =	vst v6  }
0x232: {  	[tilespmem:s15+$0x6EF0] =	vst v10  }
0x233: {  	[tilespmem:s15+$0x6F70] =	vst v8  }
0x234: {  	[tilespmem:s15+$0x6FF0] =	vst v11  }
0x235: {  	[tilespmem:s15+$0x7070] =	vst v9  }
0x236: {  	[tilespmem:s15+$0xAD70] =	vst v12  }
0x237: {  	[tilespmem:s15+$0xADF0] =	vst v13  }
0x238: {  	[tilespmem:s15+$0xAE70] =	vst v14  }
0x239: {  	v3 =	vadd.s32 $0x78, v3;
	[tilespmem:s15+$0xAEF0] =	vst v15  }
0x23a: {  	v2 =	vadd.s32 $0x430, v2;
	[tilespmem:s15+$0xAF70] =	vst v16  }
0x23b: {  	v4 =	vadd.s32 $0xF, v3;
	[tilespmem:s15+$0xAFF0] =	vst v17  }
0x23c: {  	v5 =	vadd.s32 $0x1E, v3;
	[tilespmem:s15+$0x6CF0] =	vst v0  }
0x23d: {  	v6 =	vadd.s32 $0x2D, v3;
	[tilespmem:s15+$0xACF0] =	vst v1  }
.Ltmp7:
0x23e: {  	v10 =	vadd.s32 $0x3C, v3;
	v0 =	vld.idx.msk [tilespmem:v3+s4+$0x0], $0xffff;
	(pc) =	sbr.rel @p1 .LBB2_17-.Ltmp7, $4  }
0x23f: {  	v8 =	vadd.s32 $0x4B, v3;
	v1 =	vld.idx.msk [tilespmem:v2+s14+$0x0], $0xffff  }
0x240: {  	v11 =	vadd.s32 $0x5A, v3;
	v4 =	vld.idx.msk [tilespmem:v4+s4+$0x0], $0xffff  }
0x241: {  	v9 =	vadd.s32 $0x69, v3;
	v5 =	vld.idx.msk [tilespmem:v5+s4+$0x0], $0xffff  }
0x242: {  	s3 =	sadd.s32 $0x1000, s3;
	v7 =	vadd.s32 $0x3AA, v2;
	v6 =	vld.idx.msk [tilespmem:v6+s4+$0x0], $0xffff  }
0x243: {  	_ =	sdelay $0x3  }
0x244: {  	v3 =	vld.idx.msk [tilespmem:v10+s4+$0x0], $0xffff;
	v10 =	vadd.s32 $0x86, v2  }
0x245: {  	v8 =	vld.idx.msk [tilespmem:v8+s4+$0x0], $0xffff;
	v12 =	vadd.s32 $0x10C, v2  }
0x246: {  	v11 =	vld.idx.msk [tilespmem:v11+s4+$0x0], $0xffff;
	v13 =	vadd.s32 $0x192, v2  }
0x247: {  	v9 =	vld.idx.msk [tilespmem:v9+s4+$0x0], $0xffff;
	v14 =	vadd.s32 $0x218, v2  }
0x248: {  	v15 =	vadd.s32 $0x29E, v2;
	v7 =	vld.idx.msk [tilespmem:v7+s14+$0x0], $0xffff  }
0x249: {  	v2 =	vadd.s32 $0x324, v2;
	v10 =	vld.idx.msk [tilespmem:v10+s14+$0x0], $0xffff  }
0x24a: {  	v12 =	vld.idx.msk [tilespmem:v12+s14+$0x0], $0xffff  }
0x24b: {  	v13 =	vld.idx.msk [tilespmem:v13+s14+$0x0], $0xffff  }
0x24c: {  	v14 =	vld.idx.msk [tilespmem:v14+s14+$0x0], $0xffff  }
0x24d: {  	s0 =	sshra.s32 s0, $0x2;
	v15 =	vld.idx.msk [tilespmem:v15+s14+$0x0], $0xffff  }
0x24e: {  	v2 =	vld.idx.msk [tilespmem:v2+s14+$0x0], $0xffff;
	[tilespmem:s0+$0xB070] =	vst v7  }
0x24f: {  	[tilespmem:s0+$0x6D70] =	vst v4  }
0x250: {  	[tilespmem:s0+$0x6DF0] =	vst v5  }
0x251: {  	[tilespmem:s0+$0x6E70] =	vst v6  }
0x252: {  	[tilespmem:s0+$0x6EF0] =	vst v3  }
0x253: {  	[tilespmem:s0+$0x6F70] =	vst v8  }
0x254: {  	[tilespmem:s0+$0x6FF0] =	vst v11  }
0x255: {  	[tilespmem:s0+$0x7070] =	vst v9  }
0x256: {  	[tilespmem:s0+$0x6CF0] =	vst v0  }
0x257: {  	[tilespmem:s0+$0xACF0] =	vst v1  }
0x258: {  	[tilespmem:s0+$0xAD70] =	vst v10  }
0x259: {  	[tilespmem:s0+$0xADF0] =	vst v12  }
0x25a: {  	[tilespmem:s0+$0xAE70] =	vst v13  }
0x25b: {  	[tilespmem:s0+$0xAEF0] =	vst v14  }
0x25c: {  	s3 =	smul.u32 $0x280000, s29;
	[tilespmem:s0+$0xAF70] =	vst v15  }
0x25d: {  	[tilespmem:s0+$0xAFF0] =	vst v2  }
0x25e: {  	s15 =	sor.u32 s12, s3;
	_ =	swait.ge [sflag:s16], $0x2000  }
0x25f: {  	s31 =	sor.u32 $0x1, s31;
	s0 =	sshrl.u32 s15, $0x3;
	[sflag:s16] =	ssyncset.done $0x0  }
0x260: {  	p1 =	sgt.u32 s31, $0x30;
	s0 =	sadd.s32 s2, s0;
	[sflag:s16] =	ssyncadd.s32 $0xFFFFE000  }
0x261: {  	[hbm4b:s0+s19] =	stream.strided.scatter [tilespmem:s21], [sflag:$0x5], $0xA000, s20, s19, $0x38;
	[tilespmem:$0x18C80] =	vst v63  }
0x262: {  	s3 =	sadd.s32 @!p1 s10, s30;
	s30 =	smul.u32 $0x48000, s31;
	s0 =	simm.s32 @!p0 $0x6  }
0x263: {  	s3 =	sshrl.u32 @!p1 s3, $0x3;
	_ =	swait.ge @!p0 [sflag:s0], $0xA000  }
0x264: {  	s30 =	sor.u32 s12, s30;
	s15 =	simm.s32 @!p1 $0x4A80;
	[sflag:s0] =	ssyncset.done @!p0 $0x0  }
0x265: {  	[sflag:s0] =	ssyncadd.s32 @!p0 $0xFFFF6000;
	s0 =	sadd.s32 @!p1 s5, s3;
	s3 =	simm.s32 @!p1 $0x0  }
0x266: {  	[tilespmem:s15], [sflag:$0x1] =	stream.linear.gather @!p1 [hbm4b:s0+s3], $0x100, $0x38;
	[tilespmem:$0x18C80] =	vst v63  }
0x267: {  	s0 =	sshrl.u32 s30, $0x3  }
0x268: {  	s0 =	sadd.s32 s1, s0  }
0x269: {  	[tilespmem:s23], [sflag:$0x4] =	stream.strided.gather [hbm4b:s0+s19], $0x2000, s20, s19, $0x38;
	[tilespmem:$0x18C80] =	vst v63  }
0x26a: {  	_ =	swait.ge [sflag:s24], $0x100  }
0x26b: {  	[sflag:s24] =	ssyncset.done $0x0  }
0x26c: {  	[sflag:s24] =	ssyncadd.s32 $0xFFFFFF00  }
0x26d: {  	v0 =	vld [tilespmem:$0x4B80]  }
0x26e: {  	v1 =	vld [tilespmem:$0x4C00];
	_ =	sdelay $0x3  }
0x26f: {  	v0 =	vtrunc.f32 v0  }
0x270: {  	v3 =	vcvt.f32.s32 v0;
	v0 =	vtrunc.f32 v1  }
0x271: {  	v2 =	vcvt.f32.s32 v0;
	_ =	sdelay $0x1  }
0x272: {  	v4 =	vadd.s32 $0xF, v3  }
0x273: {  	v5 =	vadd.s32 $0x1E, v3  }
0x274: {  	v6 =	vadd.s32 $0x2D, v3  }
0x275: {  	v10 =	vadd.s32 $0x3C, v3;
	v0 =	vld.idx.msk [tilespmem:v3+s4+$0x0], $0xffff  }
0x276: {  	v8 =	vadd.s32 $0x4B, v3;
	v1 =	vld.idx.msk [tilespmem:v2+s14+$0x0], $0xffff  }
0x277: {  	v11 =	vadd.s32 $0x5A, v3;
	v4 =	vld.idx.msk [tilespmem:v4+s4+$0x0], $0xffff  }
0x278: {  	v9 =	vadd.s32 $0x69, v3;
	v5 =	vld.idx.msk [tilespmem:v5+s4+$0x0], $0xffff  }
0x279: {  	s3 =	simm.s32 $0x1000;
	s0 =	simm.s32 $0x0;
	v7 =	vadd.s32 $0x3AA, v2;
	v6 =	vld.idx.msk [tilespmem:v6+s4+$0x0], $0xffff  }
.LBB2_19:
0x27a: {  	p0 =	sne.s32 s3, $0xF000;
	v10 =	vld.idx.msk [tilespmem:v10+s4+$0x0], $0xffff;
	v12 =	vadd.s32 $0x86, v2  }
0x27b: {  	v13 =	vadd.s32 $0x10C, v2;
	v8 =	vld.idx.msk [tilespmem:v8+s4+$0x0], $0xffff  }
0x27c: {  	v14 =	vadd.s32 $0x192, v2;
	v11 =	vld.idx.msk [tilespmem:v11+s4+$0x0], $0xffff  }
0x27d: {  	v15 =	vadd.s32 $0x218, v2;
	v9 =	vld.idx.msk [tilespmem:v9+s4+$0x0], $0xffff  }
0x27e: {  	v16 =	vadd.s32 $0x29E, v2;
	v7 =	vld.idx.msk [tilespmem:v7+s14+$0x0], $0xffff  }
0x27f: {  	v17 =	vadd.s32 $0x324, v2;
	v12 =	vld.idx.msk [tilespmem:v12+s14+$0x0], $0xffff  }
0x280: {  	v13 =	vld.idx.msk [tilespmem:v13+s14+$0x0], $0xffff  }
0x281: {  	v14 =	vld.idx.msk [tilespmem:v14+s14+$0x0], $0xffff  }
0x282: {  	v15 =	vld.idx.msk [tilespmem:v15+s14+$0x0], $0xffff  }
0x283: {  	s15 =	sshra.s32 s0, $0x2;
	s0 =	smov.u32 s3;
	v16 =	vld.idx.msk [tilespmem:v16+s14+$0x0], $0xffff  }
0x284: {  	v17 =	vld.idx.msk [tilespmem:v17+s14+$0x0], $0xffff;
	[tilespmem:s15+$0x15000] =	vst v7  }
0x285: {  	[tilespmem:s15+$0x10D00] =	vst v4  }
0x286: {  	[tilespmem:s15+$0x10D80] =	vst v5  }
0x287: {  	[tilespmem:s15+$0x10E00] =	vst v6  }
0x288: {  	[tilespmem:s15+$0x10E80] =	vst v10  }
0x289: {  	[tilespmem:s15+$0x10F00] =	vst v8  }
0x28a: {  	[tilespmem:s15+$0x10F80] =	vst v11  }
0x28b: {  	[tilespmem:s15+$0x11000] =	vst v9  }
0x28c: {  	[tilespmem:s15+$0x14D00] =	vst v12  }
0x28d: {  	[tilespmem:s15+$0x14D80] =	vst v13  }
0x28e: {  	[tilespmem:s15+$0x14E00] =	vst v14  }
0x28f: {  	v3 =	vadd.s32 $0x78, v3;
	[tilespmem:s15+$0x14E80] =	vst v15  }
0x290: {  	v2 =	vadd.s32 $0x430, v2;
	[tilespmem:s15+$0x14F00] =	vst v16  }
0x291: {  	v4 =	vadd.s32 $0xF, v3;
	[tilespmem:s15+$0x14F80] =	vst v17  }
0x292: {  	v5 =	vadd.s32 $0x1E, v3;
	[tilespmem:s15+$0x10C80] =	vst v0  }
0x293: {  	v6 =	vadd.s32 $0x2D, v3;
	[tilespmem:s15+$0x14C80] =	vst v1  }
.Ltmp8:
0x294: {  	v10 =	vadd.s32 $0x3C, v3;
	v0 =	vld.idx.msk [tilespmem:v3+s4+$0x0], $0xffff;
	(pc) =	sbr.rel @p0 .LBB2_19-.Ltmp8, $4  }
0x295: {  	v8 =	vadd.s32 $0x4B, v3;
	v1 =	vld.idx.msk [tilespmem:v2+s14+$0x0], $0xffff  }
0x296: {  	v11 =	vadd.s32 $0x5A, v3;
	v4 =	vld.idx.msk [tilespmem:v4+s4+$0x0], $0xffff  }
0x297: {  	v9 =	vadd.s32 $0x69, v3;
	v5 =	vld.idx.msk [tilespmem:v5+s4+$0x0], $0xffff  }
0x298: {  	s3 =	sadd.s32 $0x1000, s3;
	v7 =	vadd.s32 $0x3AA, v2;
	v6 =	vld.idx.msk [tilespmem:v6+s4+$0x0], $0xffff  }
0x299: {  	_ =	sdelay $0x3  }
0x29a: {  	v3 =	vld.idx.msk [tilespmem:v10+s4+$0x0], $0xffff;
	v10 =	vadd.s32 $0x86, v2  }
0x29b: {  	v8 =	vld.idx.msk [tilespmem:v8+s4+$0x0], $0xffff;
	v12 =	vadd.s32 $0x10C, v2  }
0x29c: {  	v11 =	vld.idx.msk [tilespmem:v11+s4+$0x0], $0xffff;
	v13 =	vadd.s32 $0x192, v2  }
0x29d: {  	v9 =	vld.idx.msk [tilespmem:v9+s4+$0x0], $0xffff;
	v14 =	vadd.s32 $0x218, v2  }
0x29e: {  	v15 =	vadd.s32 $0x29E, v2;
	v7 =	vld.idx.msk [tilespmem:v7+s14+$0x0], $0xffff  }
0x29f: {  	v2 =	vadd.s32 $0x324, v2;
	v10 =	vld.idx.msk [tilespmem:v10+s14+$0x0], $0xffff  }
0x2a0: {  	v12 =	vld.idx.msk [tilespmem:v12+s14+$0x0], $0xffff  }
0x2a1: {  	v13 =	vld.idx.msk [tilespmem:v13+s14+$0x0], $0xffff  }
0x2a2: {  	v14 =	vld.idx.msk [tilespmem:v14+s14+$0x0], $0xffff  }
0x2a3: {  	s0 =	sshra.s32 s0, $0x2;
	v15 =	vld.idx.msk [tilespmem:v15+s14+$0x0], $0xffff  }
0x2a4: {  	v2 =	vld.idx.msk [tilespmem:v2+s14+$0x0], $0xffff;
	[tilespmem:s0+$0x15000] =	vst v7  }
0x2a5: {  	[tilespmem:s0+$0x10D00] =	vst v4  }
0x2a6: {  	[tilespmem:s0+$0x10D80] =	vst v5  }
0x2a7: {  	[tilespmem:s0+$0x10E00] =	vst v6  }
0x2a8: {  	[tilespmem:s0+$0x10E80] =	vst v3  }
0x2a9: {  	[tilespmem:s0+$0x10F00] =	vst v8  }
0x2aa: {  	[tilespmem:s0+$0x10F80] =	vst v11  }
0x2ab: {  	[tilespmem:s0+$0x11000] =	vst v9  }
0x2ac: {  	[tilespmem:s0+$0x10C80] =	vst v0  }
0x2ad: {  	[tilespmem:s0+$0x14C80] =	vst v1  }
0x2ae: {  	[tilespmem:s0+$0x14D00] =	vst v10  }
0x2af: {  	[tilespmem:s0+$0x14D80] =	vst v12  }
0x2b0: {  	[tilespmem:s0+$0x14E00] =	vst v13  }
0x2b1: {  	[tilespmem:s0+$0x14E80] =	vst v14  }
0x2b2: {  	[tilespmem:s0+$0x14F00] =	vst v15  }
0x2b3: {  	[tilespmem:s0+$0x14F80] =	vst v2  }
0x2b4: {  	v0 =	vld [tilespmem:$0x4B90]  }
0x2b5: {  	v1 =	vld [tilespmem:$0x4C10];
	_ =	sdelay $0x3  }
0x2b6: {  	v0 =	vtrunc.f32 v0  }
0x2b7: {  	v3 =	vcvt.f32.s32 v0;
	v0 =	vtrunc.f32 v1  }
0x2b8: {  	v2 =	vcvt.f32.s32 v0;
	_ =	sdelay $0x1  }
0x2b9: {  	v4 =	vadd.s32 $0xF, v3  }
0x2ba: {  	v5 =	vadd.s32 $0x1E, v3  }
0x2bb: {  	v6 =	vadd.s32 $0x2D, v3  }
0x2bc: {  	v10 =	vadd.s32 $0x3C, v3;
	v0 =	vld.idx.msk [tilespmem:v3+s4+$0x0], $0xffff  }
0x2bd: {  	v8 =	vadd.s32 $0x4B, v3;
	v1 =	vld.idx.msk [tilespmem:v2+s14+$0x0], $0xffff  }
0x2be: {  	v11 =	vadd.s32 $0x5A, v3;
	v4 =	vld.idx.msk [tilespmem:v4+s4+$0x0], $0xffff  }
0x2bf: {  	v9 =	vadd.s32 $0x69, v3;
	v5 =	vld.idx.msk [tilespmem:v5+s4+$0x0], $0xffff  }
0x2c0: {  	s3 =	simm.s32 $0x1000;
	s0 =	simm.s32 $0x0;
	v7 =	vadd.s32 $0x3AA, v2;
	v6 =	vld.idx.msk [tilespmem:v6+s4+$0x0], $0xffff  }
.LBB2_21:
0x2c1: {  	p0 =	sne.s32 s3, $0xF000;
	v10 =	vld.idx.msk [tilespmem:v10+s4+$0x0], $0xffff;
	v12 =	vadd.s32 $0x86, v2  }
0x2c2: {  	v13 =	vadd.s32 $0x10C, v2;
	v8 =	vld.idx.msk [tilespmem:v8+s4+$0x0], $0xffff  }
0x2c3: {  	v14 =	vadd.s32 $0x192, v2;
	v11 =	vld.idx.msk [tilespmem:v11+s4+$0x0], $0xffff  }
0x2c4: {  	v15 =	vadd.s32 $0x218, v2;
	v9 =	vld.idx.msk [tilespmem:v9+s4+$0x0], $0xffff  }
0x2c5: {  	v16 =	vadd.s32 $0x29E, v2;
	v7 =	vld.idx.msk [tilespmem:v7+s14+$0x0], $0xffff  }
0x2c6: {  	v17 =	vadd.s32 $0x324, v2;
	v12 =	vld.idx.msk [tilespmem:v12+s14+$0x0], $0xffff  }
0x2c7: {  	v13 =	vld.idx.msk [tilespmem:v13+s14+$0x0], $0xffff  }
0x2c8: {  	v14 =	vld.idx.msk [tilespmem:v14+s14+$0x0], $0xffff  }
0x2c9: {  	v15 =	vld.idx.msk [tilespmem:v15+s14+$0x0], $0xffff  }
0x2ca: {  	s15 =	sshra.s32 s0, $0x2;
	s0 =	smov.u32 s3;
	v16 =	vld.idx.msk [tilespmem:v16+s14+$0x0], $0xffff  }
0x2cb: {  	v17 =	vld.idx.msk [tilespmem:v17+s14+$0x0], $0xffff;
	[tilespmem:s15+$0x15010] =	vst v7  }
0x2cc: {  	[tilespmem:s15+$0x10D10] =	vst v4  }
0x2cd: {  	[tilespmem:s15+$0x10D90] =	vst v5  }
0x2ce: {  	[tilespmem:s15+$0x10E10] =	vst v6  }
0x2cf: {  	[tilespmem:s15+$0x10E90] =	vst v10  }
0x2d0: {  	[tilespmem:s15+$0x10F10] =	vst v8  }
0x2d1: {  	[tilespmem:s15+$0x10F90] =	vst v11  }
0x2d2: {  	[tilespmem:s15+$0x11010] =	vst v9  }
0x2d3: {  	[tilespmem:s15+$0x14D10] =	vst v12  }
0x2d4: {  	[tilespmem:s15+$0x14D90] =	vst v13  }
0x2d5: {  	[tilespmem:s15+$0x14E10] =	vst v14  }
0x2d6: {  	v3 =	vadd.s32 $0x78, v3;
	[tilespmem:s15+$0x14E90] =	vst v15  }
0x2d7: {  	v2 =	vadd.s32 $0x430, v2;
	[tilespmem:s15+$0x14F10] =	vst v16  }
0x2d8: {  	v4 =	vadd.s32 $0xF, v3;
	[tilespmem:s15+$0x14F90] =	vst v17  }
0x2d9: {  	v5 =	vadd.s32 $0x1E, v3;
	[tilespmem:s15+$0x10C90] =	vst v0  }
0x2da: {  	v6 =	vadd.s32 $0x2D, v3;
	[tilespmem:s15+$0x14C90] =	vst v1  }
.Ltmp9:
0x2db: {  	v10 =	vadd.s32 $0x3C, v3;
	v0 =	vld.idx.msk [tilespmem:v3+s4+$0x0], $0xffff;
	(pc) =	sbr.rel @p0 .LBB2_21-.Ltmp9, $4  }
0x2dc: {  	v8 =	vadd.s32 $0x4B, v3;
	v1 =	vld.idx.msk [tilespmem:v2+s14+$0x0], $0xffff  }
0x2dd: {  	v11 =	vadd.s32 $0x5A, v3;
	v4 =	vld.idx.msk [tilespmem:v4+s4+$0x0], $0xffff  }
0x2de: {  	v9 =	vadd.s32 $0x69, v3;
	v5 =	vld.idx.msk [tilespmem:v5+s4+$0x0], $0xffff  }
0x2df: {  	s3 =	sadd.s32 $0x1000, s3;
	v7 =	vadd.s32 $0x3AA, v2;
	v6 =	vld.idx.msk [tilespmem:v6+s4+$0x0], $0xffff  }
0x2e0: {  	_ =	sdelay $0x3  }
0x2e1: {  	v3 =	vld.idx.msk [tilespmem:v10+s4+$0x0], $0xffff;
	v10 =	vadd.s32 $0x86, v2  }
0x2e2: {  	v8 =	vld.idx.msk [tilespmem:v8+s4+$0x0], $0xffff;
	v12 =	vadd.s32 $0x10C, v2  }
0x2e3: {  	v11 =	vld.idx.msk [tilespmem:v11+s4+$0x0], $0xffff;
	v13 =	vadd.s32 $0x192, v2  }
0x2e4: {  	v9 =	vld.idx.msk [tilespmem:v9+s4+$0x0], $0xffff;
	v14 =	vadd.s32 $0x218, v2  }
0x2e5: {  	v15 =	vadd.s32 $0x29E, v2;
	v7 =	vld.idx.msk [tilespmem:v7+s14+$0x0], $0xffff  }
0x2e6: {  	v2 =	vadd.s32 $0x324, v2;
	v10 =	vld.idx.msk [tilespmem:v10+s14+$0x0], $0xffff  }
0x2e7: {  	v12 =	vld.idx.msk [tilespmem:v12+s14+$0x0], $0xffff  }
0x2e8: {  	v13 =	vld.idx.msk [tilespmem:v13+s14+$0x0], $0xffff  }
0x2e9: {  	v14 =	vld.idx.msk [tilespmem:v14+s14+$0x0], $0xffff  }
0x2ea: {  	s0 =	sshra.s32 s0, $0x2;
	v15 =	vld.idx.msk [tilespmem:v15+s14+$0x0], $0xffff  }
0x2eb: {  	v2 =	vld.idx.msk [tilespmem:v2+s14+$0x0], $0xffff;
	[tilespmem:s0+$0x15010] =	vst v7  }
0x2ec: {  	[tilespmem:s0+$0x10D10] =	vst v4  }
0x2ed: {  	[tilespmem:s0+$0x10D90] =	vst v5  }
0x2ee: {  	[tilespmem:s0+$0x10E10] =	vst v6  }
0x2ef: {  	[tilespmem:s0+$0x10E90] =	vst v3  }
0x2f0: {  	[tilespmem:s0+$0x10F10] =	vst v8  }
0x2f1: {  	[tilespmem:s0+$0x10F90] =	vst v11  }
0x2f2: {  	[tilespmem:s0+$0x11010] =	vst v9  }
0x2f3: {  	[tilespmem:s0+$0x10C90] =	vst v0  }
0x2f4: {  	[tilespmem:s0+$0x14C90] =	vst v1  }
0x2f5: {  	[tilespmem:s0+$0x14D10] =	vst v10  }
0x2f6: {  	[tilespmem:s0+$0x14D90] =	vst v12  }
0x2f7: {  	[tilespmem:s0+$0x14E10] =	vst v13  }
0x2f8: {  	[tilespmem:s0+$0x14E90] =	vst v14  }
0x2f9: {  	[tilespmem:s0+$0x14F10] =	vst v15  }
0x2fa: {  	[tilespmem:s0+$0x14F90] =	vst v2  }
0x2fb: {  	v0 =	vld [tilespmem:$0x4BA0]  }
0x2fc: {  	v1 =	vld [tilespmem:$0x4C20];
	_ =	sdelay $0x3  }
0x2fd: {  	v0 =	vtrunc.f32 v0  }
0x2fe: {  	v3 =	vcvt.f32.s32 v0;
	v0 =	vtrunc.f32 v1  }
0x2ff: {  	v2 =	vcvt.f32.s32 v0;
	_ =	sdelay $0x1  }
0x300: {  	v4 =	vadd.s32 $0xF, v3  }
0x301: {  	v5 =	vadd.s32 $0x1E, v3  }
0x302: {  	v6 =	vadd.s32 $0x2D, v3  }
0x303: {  	v10 =	vadd.s32 $0x3C, v3;
	v0 =	vld.idx.msk [tilespmem:v3+s4+$0x0], $0xffff  }
0x304: {  	v8 =	vadd.s32 $0x4B, v3;
	v1 =	vld.idx.msk [tilespmem:v2+s14+$0x0], $0xffff  }
0x305: {  	v11 =	vadd.s32 $0x5A, v3;
	v4 =	vld.idx.msk [tilespmem:v4+s4+$0x0], $0xffff  }
0x306: {  	v9 =	vadd.s32 $0x69, v3;
	v5 =	vld.idx.msk [tilespmem:v5+s4+$0x0], $0xffff  }
0x307: {  	s3 =	simm.s32 $0x1000;
	s0 =	simm.s32 $0x0;
	v7 =	vadd.s32 $0x3AA, v2;
	v6 =	vld.idx.msk [tilespmem:v6+s4+$0x0], $0xffff  }
.LBB2_23:
0x308: {  	p0 =	sne.s32 s3, $0xF000;
	v10 =	vld.idx.msk [tilespmem:v10+s4+$0x0], $0xffff;
	v12 =	vadd.s32 $0x86, v2  }
0x309: {  	v13 =	vadd.s32 $0x10C, v2;
	v8 =	vld.idx.msk [tilespmem:v8+s4+$0x0], $0xffff  }
0x30a: {  	v14 =	vadd.s32 $0x192, v2;
	v11 =	vld.idx.msk [tilespmem:v11+s4+$0x0], $0xffff  }
0x30b: {  	v15 =	vadd.s32 $0x218, v2;
	v9 =	vld.idx.msk [tilespmem:v9+s4+$0x0], $0xffff  }
0x30c: {  	v16 =	vadd.s32 $0x29E, v2;
	v7 =	vld.idx.msk [tilespmem:v7+s14+$0x0], $0xffff  }
0x30d: {  	v17 =	vadd.s32 $0x324, v2;
	v12 =	vld.idx.msk [tilespmem:v12+s14+$0x0], $0xffff  }
0x30e: {  	v13 =	vld.idx.msk [tilespmem:v13+s14+$0x0], $0xffff  }
0x30f: {  	v14 =	vld.idx.msk [tilespmem:v14+s14+$0x0], $0xffff  }
0x310: {  	v15 =	vld.idx.msk [tilespmem:v15+s14+$0x0], $0xffff  }
0x311: {  	s15 =	sshra.s32 s0, $0x2;
	s0 =	smov.u32 s3;
	v16 =	vld.idx.msk [tilespmem:v16+s14+$0x0], $0xffff  }
0x312: {  	v17 =	vld.idx.msk [tilespmem:v17+s14+$0x0], $0xffff;
	[tilespmem:s15+$0x15020] =	vst v7  }
0x313: {  	[tilespmem:s15+$0x10D20] =	vst v4  }
0x314: {  	[tilespmem:s15+$0x10DA0] =	vst v5  }
0x315: {  	[tilespmem:s15+$0x10E20] =	vst v6  }
0x316: {  	[tilespmem:s15+$0x10EA0] =	vst v10  }
0x317: {  	[tilespmem:s15+$0x10F20] =	vst v8  }
0x318: {  	[tilespmem:s15+$0x10FA0] =	vst v11  }
0x319: {  	[tilespmem:s15+$0x11020] =	vst v9  }
0x31a: {  	[tilespmem:s15+$0x14D20] =	vst v12  }
0x31b: {  	[tilespmem:s15+$0x14DA0] =	vst v13  }
0x31c: {  	[tilespmem:s15+$0x14E20] =	vst v14  }
0x31d: {  	v3 =	vadd.s32 $0x78, v3;
	[tilespmem:s15+$0x14EA0] =	vst v15  }
0x31e: {  	v2 =	vadd.s32 $0x430, v2;
	[tilespmem:s15+$0x14F20] =	vst v16  }
0x31f: {  	v4 =	vadd.s32 $0xF, v3;
	[tilespmem:s15+$0x14FA0] =	vst v17  }
0x320: {  	v5 =	vadd.s32 $0x1E, v3;
	[tilespmem:s15+$0x10CA0] =	vst v0  }
0x321: {  	v6 =	vadd.s32 $0x2D, v3;
	[tilespmem:s15+$0x14CA0] =	vst v1  }
.Ltmp10:
0x322: {  	v10 =	vadd.s32 $0x3C, v3;
	v0 =	vld.idx.msk [tilespmem:v3+s4+$0x0], $0xffff;
	(pc) =	sbr.rel @p0 .LBB2_23-.Ltmp10, $4  }
0x323: {  	v8 =	vadd.s32 $0x4B, v3;
	v1 =	vld.idx.msk [tilespmem:v2+s14+$0x0], $0xffff  }
0x324: {  	v11 =	vadd.s32 $0x5A, v3;
	v4 =	vld.idx.msk [tilespmem:v4+s4+$0x0], $0xffff  }
0x325: {  	v9 =	vadd.s32 $0x69, v3;
	v5 =	vld.idx.msk [tilespmem:v5+s4+$0x0], $0xffff  }
0x326: {  	s3 =	sadd.s32 $0x1000, s3;
	v7 =	vadd.s32 $0x3AA, v2;
	v6 =	vld.idx.msk [tilespmem:v6+s4+$0x0], $0xffff  }
0x327: {  	_ =	sdelay $0x3  }
0x328: {  	v3 =	vld.idx.msk [tilespmem:v10+s4+$0x0], $0xffff;
	v10 =	vadd.s32 $0x86, v2  }
0x329: {  	v8 =	vld.idx.msk [tilespmem:v8+s4+$0x0], $0xffff;
	v12 =	vadd.s32 $0x10C, v2  }
0x32a: {  	v11 =	vld.idx.msk [tilespmem:v11+s4+$0x0], $0xffff;
	v13 =	vadd.s32 $0x192, v2  }
0x32b: {  	v9 =	vld.idx.msk [tilespmem:v9+s4+$0x0], $0xffff;
	v14 =	vadd.s32 $0x218, v2  }
0x32c: {  	v15 =	vadd.s32 $0x29E, v2;
	v7 =	vld.idx.msk [tilespmem:v7+s14+$0x0], $0xffff  }
0x32d: {  	v2 =	vadd.s32 $0x324, v2;
	v10 =	vld.idx.msk [tilespmem:v10+s14+$0x0], $0xffff  }
0x32e: {  	v12 =	vld.idx.msk [tilespmem:v12+s14+$0x0], $0xffff  }
0x32f: {  	v13 =	vld.idx.msk [tilespmem:v13+s14+$0x0], $0xffff  }
0x330: {  	v14 =	vld.idx.msk [tilespmem:v14+s14+$0x0], $0xffff  }
0x331: {  	s0 =	sshra.s32 s0, $0x2;
	v15 =	vld.idx.msk [tilespmem:v15+s14+$0x0], $0xffff  }
0x332: {  	v2 =	vld.idx.msk [tilespmem:v2+s14+$0x0], $0xffff;
	[tilespmem:s0+$0x15020] =	vst v7  }
0x333: {  	[tilespmem:s0+$0x10D20] =	vst v4  }
0x334: {  	[tilespmem:s0+$0x10DA0] =	vst v5  }
0x335: {  	[tilespmem:s0+$0x10E20] =	vst v6  }
0x336: {  	[tilespmem:s0+$0x10EA0] =	vst v3  }
0x337: {  	[tilespmem:s0+$0x10F20] =	vst v8  }
0x338: {  	[tilespmem:s0+$0x10FA0] =	vst v11  }
0x339: {  	[tilespmem:s0+$0x11020] =	vst v9  }
0x33a: {  	[tilespmem:s0+$0x10CA0] =	vst v0  }
0x33b: {  	[tilespmem:s0+$0x14CA0] =	vst v1  }
0x33c: {  	[tilespmem:s0+$0x14D20] =	vst v10  }
0x33d: {  	[tilespmem:s0+$0x14DA0] =	vst v12  }
0x33e: {  	[tilespmem:s0+$0x14E20] =	vst v13  }
0x33f: {  	[tilespmem:s0+$0x14EA0] =	vst v14  }
0x340: {  	[tilespmem:s0+$0x14F20] =	vst v15  }
0x341: {  	[tilespmem:s0+$0x14FA0] =	vst v2  }
0x342: {  	v0 =	vld [tilespmem:$0x4BB0]  }
0x343: {  	v1 =	vld [tilespmem:$0x4C30];
	_ =	sdelay $0x3  }
0x344: {  	v0 =	vtrunc.f32 v0  }
0x345: {  	v3 =	vcvt.f32.s32 v0;
	v0 =	vtrunc.f32 v1  }
0x346: {  	v2 =	vcvt.f32.s32 v0;
	_ =	sdelay $0x1  }
0x347: {  	v4 =	vadd.s32 $0xF, v3  }
0x348: {  	v5 =	vadd.s32 $0x1E, v3  }
0x349: {  	v6 =	vadd.s32 $0x2D, v3  }
0x34a: {  	v10 =	vadd.s32 $0x3C, v3;
	v0 =	vld.idx.msk [tilespmem:v3+s4+$0x0], $0xffff  }
0x34b: {  	v8 =	vadd.s32 $0x4B, v3;
	v1 =	vld.idx.msk [tilespmem:v2+s14+$0x0], $0xffff  }
0x34c: {  	v11 =	vadd.s32 $0x5A, v3;
	v4 =	vld.idx.msk [tilespmem:v4+s4+$0x0], $0xffff  }
0x34d: {  	v9 =	vadd.s32 $0x69, v3;
	v5 =	vld.idx.msk [tilespmem:v5+s4+$0x0], $0xffff  }
0x34e: {  	s3 =	simm.s32 $0x1000;
	s0 =	simm.s32 $0x0;
	v7 =	vadd.s32 $0x3AA, v2;
	v6 =	vld.idx.msk [tilespmem:v6+s4+$0x0], $0xffff  }
.LBB2_25:
0x34f: {  	p0 =	sne.s32 s3, $0xF000;
	v10 =	vld.idx.msk [tilespmem:v10+s4+$0x0], $0xffff;
	v12 =	vadd.s32 $0x86, v2  }
0x350: {  	v13 =	vadd.s32 $0x10C, v2;
	v8 =	vld.idx.msk [tilespmem:v8+s4+$0x0], $0xffff  }
0x351: {  	v14 =	vadd.s32 $0x192, v2;
	v11 =	vld.idx.msk [tilespmem:v11+s4+$0x0], $0xffff  }
0x352: {  	v15 =	vadd.s32 $0x218, v2;
	v9 =	vld.idx.msk [tilespmem:v9+s4+$0x0], $0xffff  }
0x353: {  	v16 =	vadd.s32 $0x29E, v2;
	v7 =	vld.idx.msk [tilespmem:v7+s14+$0x0], $0xffff  }
0x354: {  	v17 =	vadd.s32 $0x324, v2;
	v12 =	vld.idx.msk [tilespmem:v12+s14+$0x0], $0xffff  }
0x355: {  	v13 =	vld.idx.msk [tilespmem:v13+s14+$0x0], $0xffff  }
0x356: {  	v14 =	vld.idx.msk [tilespmem:v14+s14+$0x0], $0xffff  }
0x357: {  	v15 =	vld.idx.msk [tilespmem:v15+s14+$0x0], $0xffff  }
0x358: {  	s15 =	sshra.s32 s0, $0x2;
	s0 =	smov.u32 s3;
	v16 =	vld.idx.msk [tilespmem:v16+s14+$0x0], $0xffff  }
0x359: {  	v17 =	vld.idx.msk [tilespmem:v17+s14+$0x0], $0xffff;
	[tilespmem:s15+$0x15030] =	vst v7  }
0x35a: {  	[tilespmem:s15+$0x10D30] =	vst v4  }
0x35b: {  	[tilespmem:s15+$0x10DB0] =	vst v5  }
0x35c: {  	[tilespmem:s15+$0x10E30] =	vst v6  }
0x35d: {  	[tilespmem:s15+$0x10EB0] =	vst v10  }
0x35e: {  	[tilespmem:s15+$0x10F30] =	vst v8  }
0x35f: {  	[tilespmem:s15+$0x10FB0] =	vst v11  }
0x360: {  	[tilespmem:s15+$0x11030] =	vst v9  }
0x361: {  	[tilespmem:s15+$0x14D30] =	vst v12  }
0x362: {  	[tilespmem:s15+$0x14DB0] =	vst v13  }
0x363: {  	[tilespmem:s15+$0x14E30] =	vst v14  }
0x364: {  	v3 =	vadd.s32 $0x78, v3;
	[tilespmem:s15+$0x14EB0] =	vst v15  }
0x365: {  	v2 =	vadd.s32 $0x430, v2;
	[tilespmem:s15+$0x14F30] =	vst v16  }
0x366: {  	v4 =	vadd.s32 $0xF, v3;
	[tilespmem:s15+$0x14FB0] =	vst v17  }
0x367: {  	v5 =	vadd.s32 $0x1E, v3;
	[tilespmem:s15+$0x10CB0] =	vst v0  }
0x368: {  	v6 =	vadd.s32 $0x2D, v3;
	[tilespmem:s15+$0x14CB0] =	vst v1  }
.Ltmp11:
0x369: {  	v10 =	vadd.s32 $0x3C, v3;
	v0 =	vld.idx.msk [tilespmem:v3+s4+$0x0], $0xffff;
	(pc) =	sbr.rel @p0 .LBB2_25-.Ltmp11, $4  }
0x36a: {  	v8 =	vadd.s32 $0x4B, v3;
	v1 =	vld.idx.msk [tilespmem:v2+s14+$0x0], $0xffff  }
0x36b: {  	v11 =	vadd.s32 $0x5A, v3;
	v4 =	vld.idx.msk [tilespmem:v4+s4+$0x0], $0xffff  }
0x36c: {  	v9 =	vadd.s32 $0x69, v3;
	v5 =	vld.idx.msk [tilespmem:v5+s4+$0x0], $0xffff  }
0x36d: {  	s3 =	sadd.s32 $0x1000, s3;
	v7 =	vadd.s32 $0x3AA, v2;
	v6 =	vld.idx.msk [tilespmem:v6+s4+$0x0], $0xffff  }
0x36e: {  	_ =	sdelay $0x3  }
0x36f: {  	v3 =	vld.idx.msk [tilespmem:v10+s4+$0x0], $0xffff;
	v10 =	vadd.s32 $0x86, v2  }
0x370: {  	v8 =	vld.idx.msk [tilespmem:v8+s4+$0x0], $0xffff;
	v12 =	vadd.s32 $0x10C, v2  }
0x371: {  	v11 =	vld.idx.msk [tilespmem:v11+s4+$0x0], $0xffff;
	v13 =	vadd.s32 $0x192, v2  }
0x372: {  	v9 =	vld.idx.msk [tilespmem:v9+s4+$0x0], $0xffff;
	v14 =	vadd.s32 $0x218, v2  }
0x373: {  	v15 =	vadd.s32 $0x29E, v2;
	v7 =	vld.idx.msk [tilespmem:v7+s14+$0x0], $0xffff  }
0x374: {  	v2 =	vadd.s32 $0x324, v2;
	v10 =	vld.idx.msk [tilespmem:v10+s14+$0x0], $0xffff  }
0x375: {  	v12 =	vld.idx.msk [tilespmem:v12+s14+$0x0], $0xffff  }
0x376: {  	v13 =	vld.idx.msk [tilespmem:v13+s14+$0x0], $0xffff  }
0x377: {  	v14 =	vld.idx.msk [tilespmem:v14+s14+$0x0], $0xffff  }
0x378: {  	s0 =	sshra.s32 s0, $0x2;
	v15 =	vld.idx.msk [tilespmem:v15+s14+$0x0], $0xffff  }
0x379: {  	v2 =	vld.idx.msk [tilespmem:v2+s14+$0x0], $0xffff;
	[tilespmem:s0+$0x15030] =	vst v7  }
0x37a: {  	[tilespmem:s0+$0x10D30] =	vst v4  }
0x37b: {  	[tilespmem:s0+$0x10DB0] =	vst v5  }
0x37c: {  	[tilespmem:s0+$0x10E30] =	vst v6  }
0x37d: {  	[tilespmem:s0+$0x10EB0] =	vst v3  }
0x37e: {  	[tilespmem:s0+$0x10F30] =	vst v8  }
0x37f: {  	[tilespmem:s0+$0x10FB0] =	vst v11  }
0x380: {  	[tilespmem:s0+$0x11030] =	vst v9  }
0x381: {  	[tilespmem:s0+$0x10CB0] =	vst v0  }
0x382: {  	[tilespmem:s0+$0x14CB0] =	vst v1  }
0x383: {  	[tilespmem:s0+$0x14D30] =	vst v10  }
0x384: {  	[tilespmem:s0+$0x14DB0] =	vst v12  }
0x385: {  	[tilespmem:s0+$0x14E30] =	vst v13  }
0x386: {  	[tilespmem:s0+$0x14EB0] =	vst v14  }
0x387: {  	[tilespmem:s0+$0x14F30] =	vst v15  }
0x388: {  	[tilespmem:s0+$0x14FB0] =	vst v2  }
0x389: {  	v0 =	vld [tilespmem:$0x4BC0]  }
0x38a: {  	v1 =	vld [tilespmem:$0x4C40];
	_ =	sdelay $0x3  }
0x38b: {  	v0 =	vtrunc.f32 v0  }
0x38c: {  	v3 =	vcvt.f32.s32 v0;
	v0 =	vtrunc.f32 v1  }
0x38d: {  	v2 =	vcvt.f32.s32 v0;
	_ =	sdelay $0x1  }
0x38e: {  	v4 =	vadd.s32 $0xF, v3  }
0x38f: {  	v5 =	vadd.s32 $0x1E, v3  }
0x390: {  	v6 =	vadd.s32 $0x2D, v3  }
0x391: {  	v10 =	vadd.s32 $0x3C, v3;
	v0 =	vld.idx.msk [tilespmem:v3+s4+$0x0], $0xffff  }
0x392: {  	v8 =	vadd.s32 $0x4B, v3;
	v1 =	vld.idx.msk [tilespmem:v2+s14+$0x0], $0xffff  }
0x393: {  	v11 =	vadd.s32 $0x5A, v3;
	v4 =	vld.idx.msk [tilespmem:v4+s4+$0x0], $0xffff  }
0x394: {  	v9 =	vadd.s32 $0x69, v3;
	v5 =	vld.idx.msk [tilespmem:v5+s4+$0x0], $0xffff  }
0x395: {  	s3 =	simm.s32 $0x1000;
	s0 =	simm.s32 $0x0;
	v7 =	vadd.s32 $0x3AA, v2;
	v6 =	vld.idx.msk [tilespmem:v6+s4+$0x0], $0xffff  }
.LBB2_27:
0x396: {  	p0 =	sne.s32 s3, $0xF000;
	v10 =	vld.idx.msk [tilespmem:v10+s4+$0x0], $0xffff;
	v12 =	vadd.s32 $0x86, v2  }
0x397: {  	v13 =	vadd.s32 $0x10C, v2;
	v8 =	vld.idx.msk [tilespmem:v8+s4+$0x0], $0xffff  }
0x398: {  	v14 =	vadd.s32 $0x192, v2;
	v11 =	vld.idx.msk [tilespmem:v11+s4+$0x0], $0xffff  }
0x399: {  	v15 =	vadd.s32 $0x218, v2;
	v9 =	vld.idx.msk [tilespmem:v9+s4+$0x0], $0xffff  }
0x39a: {  	v16 =	vadd.s32 $0x29E, v2;
	v7 =	vld.idx.msk [tilespmem:v7+s14+$0x0], $0xffff  }
0x39b: {  	v17 =	vadd.s32 $0x324, v2;
	v12 =	vld.idx.msk [tilespmem:v12+s14+$0x0], $0xffff  }
0x39c: {  	v13 =	vld.idx.msk [tilespmem:v13+s14+$0x0], $0xffff  }
0x39d: {  	v14 =	vld.idx.msk [tilespmem:v14+s14+$0x0], $0xffff  }
0x39e: {  	v15 =	vld.idx.msk [tilespmem:v15+s14+$0x0], $0xffff  }
0x39f: {  	s15 =	sshra.s32 s0, $0x2;
	s0 =	smov.u32 s3;
	v16 =	vld.idx.msk [tilespmem:v16+s14+$0x0], $0xffff  }
0x3a0: {  	v17 =	vld.idx.msk [tilespmem:v17+s14+$0x0], $0xffff;
	[tilespmem:s15+$0x15040] =	vst v7  }
0x3a1: {  	[tilespmem:s15+$0x10D40] =	vst v4  }
0x3a2: {  	[tilespmem:s15+$0x10DC0] =	vst v5  }
0x3a3: {  	[tilespmem:s15+$0x10E40] =	vst v6  }
0x3a4: {  	[tilespmem:s15+$0x10EC0] =	vst v10  }
0x3a5: {  	[tilespmem:s15+$0x10F40] =	vst v8  }
0x3a6: {  	[tilespmem:s15+$0x10FC0] =	vst v11  }
0x3a7: {  	[tilespmem:s15+$0x11040] =	vst v9  }
0x3a8: {  	[tilespmem:s15+$0x14D40] =	vst v12  }
0x3a9: {  	[tilespmem:s15+$0x14DC0] =	vst v13  }
0x3aa: {  	[tilespmem:s15+$0x14E40] =	vst v14  }
0x3ab: {  	v3 =	vadd.s32 $0x78, v3;
	[tilespmem:s15+$0x14EC0] =	vst v15  }
0x3ac: {  	v2 =	vadd.s32 $0x430, v2;
	[tilespmem:s15+$0x14F40] =	vst v16  }
0x3ad: {  	v4 =	vadd.s32 $0xF, v3;
	[tilespmem:s15+$0x14FC0] =	vst v17  }
0x3ae: {  	v5 =	vadd.s32 $0x1E, v3;
	[tilespmem:s15+$0x10CC0] =	vst v0  }
0x3af: {  	v6 =	vadd.s32 $0x2D, v3;
	[tilespmem:s15+$0x14CC0] =	vst v1  }
.Ltmp12:
0x3b0: {  	v10 =	vadd.s32 $0x3C, v3;
	v0 =	vld.idx.msk [tilespmem:v3+s4+$0x0], $0xffff;
	(pc) =	sbr.rel @p0 .LBB2_27-.Ltmp12, $4  }
0x3b1: {  	v8 =	vadd.s32 $0x4B, v3;
	v1 =	vld.idx.msk [tilespmem:v2+s14+$0x0], $0xffff  }
0x3b2: {  	v11 =	vadd.s32 $0x5A, v3;
	v4 =	vld.idx.msk [tilespmem:v4+s4+$0x0], $0xffff  }
0x3b3: {  	v9 =	vadd.s32 $0x69, v3;
	v5 =	vld.idx.msk [tilespmem:v5+s4+$0x0], $0xffff  }
0x3b4: {  	s3 =	sadd.s32 $0x1000, s3;
	v7 =	vadd.s32 $0x3AA, v2;
	v6 =	vld.idx.msk [tilespmem:v6+s4+$0x0], $0xffff  }
0x3b5: {  	_ =	sdelay $0x3  }
0x3b6: {  	v3 =	vld.idx.msk [tilespmem:v10+s4+$0x0], $0xffff;
	v10 =	vadd.s32 $0x86, v2  }
0x3b7: {  	v8 =	vld.idx.msk [tilespmem:v8+s4+$0x0], $0xffff;
	v12 =	vadd.s32 $0x10C, v2  }
0x3b8: {  	v11 =	vld.idx.msk [tilespmem:v11+s4+$0x0], $0xffff;
	v13 =	vadd.s32 $0x192, v2  }
0x3b9: {  	v9 =	vld.idx.msk [tilespmem:v9+s4+$0x0], $0xffff;
	v14 =	vadd.s32 $0x218, v2  }
0x3ba: {  	v15 =	vadd.s32 $0x29E, v2;
	v7 =	vld.idx.msk [tilespmem:v7+s14+$0x0], $0xffff  }
0x3bb: {  	v2 =	vadd.s32 $0x324, v2;
	v10 =	vld.idx.msk [tilespmem:v10+s14+$0x0], $0xffff  }
0x3bc: {  	v12 =	vld.idx.msk [tilespmem:v12+s14+$0x0], $0xffff  }
0x3bd: {  	v13 =	vld.idx.msk [tilespmem:v13+s14+$0x0], $0xffff  }
0x3be: {  	v14 =	vld.idx.msk [tilespmem:v14+s14+$0x0], $0xffff  }
0x3bf: {  	s0 =	sshra.s32 s0, $0x2;
	v15 =	vld.idx.msk [tilespmem:v15+s14+$0x0], $0xffff  }
0x3c0: {  	v2 =	vld.idx.msk [tilespmem:v2+s14+$0x0], $0xffff;
	[tilespmem:s0+$0x15040] =	vst v7  }
0x3c1: {  	[tilespmem:s0+$0x10D40] =	vst v4  }
0x3c2: {  	[tilespmem:s0+$0x10DC0] =	vst v5  }
0x3c3: {  	[tilespmem:s0+$0x10E40] =	vst v6  }
0x3c4: {  	[tilespmem:s0+$0x10EC0] =	vst v3  }
0x3c5: {  	[tilespmem:s0+$0x10F40] =	vst v8  }
0x3c6: {  	[tilespmem:s0+$0x10FC0] =	vst v11  }
0x3c7: {  	[tilespmem:s0+$0x11040] =	vst v9  }
0x3c8: {  	[tilespmem:s0+$0x10CC0] =	vst v0  }
0x3c9: {  	[tilespmem:s0+$0x14CC0] =	vst v1  }
0x3ca: {  	[tilespmem:s0+$0x14D40] =	vst v10  }
0x3cb: {  	[tilespmem:s0+$0x14DC0] =	vst v12  }
0x3cc: {  	[tilespmem:s0+$0x14E40] =	vst v13  }
0x3cd: {  	[tilespmem:s0+$0x14EC0] =	vst v14  }
0x3ce: {  	[tilespmem:s0+$0x14F40] =	vst v15  }
0x3cf: {  	[tilespmem:s0+$0x14FC0] =	vst v2  }
0x3d0: {  	v0 =	vld [tilespmem:$0x4BD0]  }
0x3d1: {  	v1 =	vld [tilespmem:$0x4C50];
	_ =	sdelay $0x3  }
0x3d2: {  	v0 =	vtrunc.f32 v0  }
0x3d3: {  	v3 =	vcvt.f32.s32 v0;
	v0 =	vtrunc.f32 v1  }
0x3d4: {  	v2 =	vcvt.f32.s32 v0;
	_ =	sdelay $0x1  }
0x3d5: {  	v4 =	vadd.s32 $0xF, v3  }
0x3d6: {  	v5 =	vadd.s32 $0x1E, v3  }
0x3d7: {  	v6 =	vadd.s32 $0x2D, v3  }
0x3d8: {  	v10 =	vadd.s32 $0x3C, v3;
	v0 =	vld.idx.msk [tilespmem:v3+s4+$0x0], $0xffff  }
0x3d9: {  	v8 =	vadd.s32 $0x4B, v3;
	v1 =	vld.idx.msk [tilespmem:v2+s14+$0x0], $0xffff  }
0x3da: {  	v11 =	vadd.s32 $0x5A, v3;
	v4 =	vld.idx.msk [tilespmem:v4+s4+$0x0], $0xffff  }
0x3db: {  	v9 =	vadd.s32 $0x69, v3;
	v5 =	vld.idx.msk [tilespmem:v5+s4+$0x0], $0xffff  }
0x3dc: {  	s3 =	simm.s32 $0x1000;
	s0 =	simm.s32 $0x0;
	v7 =	vadd.s32 $0x3AA, v2;
	v6 =	vld.idx.msk [tilespmem:v6+s4+$0x0], $0xffff  }
.LBB2_29:
0x3dd: {  	p0 =	sne.s32 s3, $0xF000;
	v10 =	vld.idx.msk [tilespmem:v10+s4+$0x0], $0xffff;
	v12 =	vadd.s32 $0x86, v2  }
0x3de: {  	v13 =	vadd.s32 $0x10C, v2;
	v8 =	vld.idx.msk [tilespmem:v8+s4+$0x0], $0xffff  }
0x3df: {  	v14 =	vadd.s32 $0x192, v2;
	v11 =	vld.idx.msk [tilespmem:v11+s4+$0x0], $0xffff  }
0x3e0: {  	v15 =	vadd.s32 $0x218, v2;
	v9 =	vld.idx.msk [tilespmem:v9+s4+$0x0], $0xffff  }
0x3e1: {  	v16 =	vadd.s32 $0x29E, v2;
	v7 =	vld.idx.msk [tilespmem:v7+s14+$0x0], $0xffff  }
0x3e2: {  	v17 =	vadd.s32 $0x324, v2;
	v12 =	vld.idx.msk [tilespmem:v12+s14+$0x0], $0xffff  }
0x3e3: {  	v13 =	vld.idx.msk [tilespmem:v13+s14+$0x0], $0xffff  }
0x3e4: {  	v14 =	vld.idx.msk [tilespmem:v14+s14+$0x0], $0xffff  }
0x3e5: {  	v15 =	vld.idx.msk [tilespmem:v15+s14+$0x0], $0xffff  }
0x3e6: {  	s15 =	sshra.s32 s0, $0x2;
	s0 =	smov.u32 s3;
	v16 =	vld.idx.msk [tilespmem:v16+s14+$0x0], $0xffff  }
0x3e7: {  	v17 =	vld.idx.msk [tilespmem:v17+s14+$0x0], $0xffff;
	[tilespmem:s15+$0x15050] =	vst v7  }
0x3e8: {  	[tilespmem:s15+$0x10D50] =	vst v4  }
0x3e9: {  	[tilespmem:s15+$0x10DD0] =	vst v5  }
0x3ea: {  	[tilespmem:s15+$0x10E50] =	vst v6  }
0x3eb: {  	[tilespmem:s15+$0x10ED0] =	vst v10  }
0x3ec: {  	[tilespmem:s15+$0x10F50] =	vst v8  }
0x3ed: {  	[tilespmem:s15+$0x10FD0] =	vst v11  }
0x3ee: {  	[tilespmem:s15+$0x11050] =	vst v9  }
0x3ef: {  	[tilespmem:s15+$0x14D50] =	vst v12  }
0x3f0: {  	[tilespmem:s15+$0x14DD0] =	vst v13  }
0x3f1: {  	[tilespmem:s15+$0x14E50] =	vst v14  }
0x3f2: {  	v3 =	vadd.s32 $0x78, v3;
	[tilespmem:s15+$0x14ED0] =	vst v15  }
0x3f3: {  	v2 =	vadd.s32 $0x430, v2;
	[tilespmem:s15+$0x14F50] =	vst v16  }
0x3f4: {  	v4 =	vadd.s32 $0xF, v3;
	[tilespmem:s15+$0x14FD0] =	vst v17  }
0x3f5: {  	v5 =	vadd.s32 $0x1E, v3;
	[tilespmem:s15+$0x10CD0] =	vst v0  }
0x3f6: {  	v6 =	vadd.s32 $0x2D, v3;
	[tilespmem:s15+$0x14CD0] =	vst v1  }
.Ltmp13:
0x3f7: {  	v10 =	vadd.s32 $0x3C, v3;
	v0 =	vld.idx.msk [tilespmem:v3+s4+$0x0], $0xffff;
	(pc) =	sbr.rel @p0 .LBB2_29-.Ltmp13, $4  }
0x3f8: {  	v8 =	vadd.s32 $0x4B, v3;
	v1 =	vld.idx.msk [tilespmem:v2+s14+$0x0], $0xffff  }
0x3f9: {  	v11 =	vadd.s32 $0x5A, v3;
	v4 =	vld.idx.msk [tilespmem:v4+s4+$0x0], $0xffff  }
0x3fa: {  	v9 =	vadd.s32 $0x69, v3;
	v5 =	vld.idx.msk [tilespmem:v5+s4+$0x0], $0xffff  }
0x3fb: {  	s3 =	sadd.s32 $0x1000, s3;
	v7 =	vadd.s32 $0x3AA, v2;
	v6 =	vld.idx.msk [tilespmem:v6+s4+$0x0], $0xffff  }
0x3fc: {  	_ =	sdelay $0x3  }
0x3fd: {  	v3 =	vld.idx.msk [tilespmem:v10+s4+$0x0], $0xffff;
	v10 =	vadd.s32 $0x86, v2  }
0x3fe: {  	v8 =	vld.idx.msk [tilespmem:v8+s4+$0x0], $0xffff;
	v12 =	vadd.s32 $0x10C, v2  }
0x3ff: {  	v11 =	vld.idx.msk [tilespmem:v11+s4+$0x0], $0xffff;
	v13 =	vadd.s32 $0x192, v2  }
0x400: {  	v9 =	vld.idx.msk [tilespmem:v9+s4+$0x0], $0xffff;
	v14 =	vadd.s32 $0x218, v2  }
0x401: {  	v15 =	vadd.s32 $0x29E, v2;
	v7 =	vld.idx.msk [tilespmem:v7+s14+$0x0], $0xffff  }
0x402: {  	v2 =	vadd.s32 $0x324, v2;
	v10 =	vld.idx.msk [tilespmem:v10+s14+$0x0], $0xffff  }
0x403: {  	v12 =	vld.idx.msk [tilespmem:v12+s14+$0x0], $0xffff  }
0x404: {  	v13 =	vld.idx.msk [tilespmem:v13+s14+$0x0], $0xffff  }
0x405: {  	v14 =	vld.idx.msk [tilespmem:v14+s14+$0x0], $0xffff  }
0x406: {  	s0 =	sshra.s32 s0, $0x2;
	v15 =	vld.idx.msk [tilespmem:v15+s14+$0x0], $0xffff  }
0x407: {  	v2 =	vld.idx.msk [tilespmem:v2+s14+$0x0], $0xffff;
	[tilespmem:s0+$0x15050] =	vst v7  }
0x408: {  	[tilespmem:s0+$0x10D50] =	vst v4  }
0x409: {  	[tilespmem:s0+$0x10DD0] =	vst v5  }
0x40a: {  	[tilespmem:s0+$0x10E50] =	vst v6  }
0x40b: {  	[tilespmem:s0+$0x10ED0] =	vst v3  }
0x40c: {  	[tilespmem:s0+$0x10F50] =	vst v8  }
0x40d: {  	[tilespmem:s0+$0x10FD0] =	vst v11  }
0x40e: {  	[tilespmem:s0+$0x11050] =	vst v9  }
0x40f: {  	[tilespmem:s0+$0x10CD0] =	vst v0  }
0x410: {  	[tilespmem:s0+$0x14CD0] =	vst v1  }
0x411: {  	[tilespmem:s0+$0x14D50] =	vst v10  }
0x412: {  	[tilespmem:s0+$0x14DD0] =	vst v12  }
0x413: {  	[tilespmem:s0+$0x14E50] =	vst v13  }
0x414: {  	[tilespmem:s0+$0x14ED0] =	vst v14  }
0x415: {  	[tilespmem:s0+$0x14F50] =	vst v15  }
0x416: {  	[tilespmem:s0+$0x14FD0] =	vst v2  }
0x417: {  	v0 =	vld [tilespmem:$0x4BE0]  }
0x418: {  	v1 =	vld [tilespmem:$0x4C60];
	_ =	sdelay $0x3  }
0x419: {  	v0 =	vtrunc.f32 v0  }
0x41a: {  	v3 =	vcvt.f32.s32 v0;
	v0 =	vtrunc.f32 v1  }
0x41b: {  	v2 =	vcvt.f32.s32 v0;
	_ =	sdelay $0x1  }
0x41c: {  	v4 =	vadd.s32 $0xF, v3  }
0x41d: {  	v5 =	vadd.s32 $0x1E, v3  }
0x41e: {  	v6 =	vadd.s32 $0x2D, v3  }
0x41f: {  	v10 =	vadd.s32 $0x3C, v3;
	v0 =	vld.idx.msk [tilespmem:v3+s4+$0x0], $0xffff  }
0x420: {  	v8 =	vadd.s32 $0x4B, v3;
	v1 =	vld.idx.msk [tilespmem:v2+s14+$0x0], $0xffff  }
0x421: {  	v11 =	vadd.s32 $0x5A, v3;
	v4 =	vld.idx.msk [tilespmem:v4+s4+$0x0], $0xffff  }
0x422: {  	v9 =	vadd.s32 $0x69, v3;
	v5 =	vld.idx.msk [tilespmem:v5+s4+$0x0], $0xffff  }
0x423: {  	s3 =	simm.s32 $0x1000;
	s0 =	simm.s32 $0x0;
	v7 =	vadd.s32 $0x3AA, v2;
	v6 =	vld.idx.msk [tilespmem:v6+s4+$0x0], $0xffff  }
.LBB2_31:
0x424: {  	p0 =	sne.s32 s3, $0xF000;
	v10 =	vld.idx.msk [tilespmem:v10+s4+$0x0], $0xffff;
	v12 =	vadd.s32 $0x86, v2  }
0x425: {  	v13 =	vadd.s32 $0x10C, v2;
	v8 =	vld.idx.msk [tilespmem:v8+s4+$0x0], $0xffff  }
0x426: {  	v14 =	vadd.s32 $0x192, v2;
	v11 =	vld.idx.msk [tilespmem:v11+s4+$0x0], $0xffff  }
0x427: {  	v15 =	vadd.s32 $0x218, v2;
	v9 =	vld.idx.msk [tilespmem:v9+s4+$0x0], $0xffff  }
0x428: {  	v16 =	vadd.s32 $0x29E, v2;
	v7 =	vld.idx.msk [tilespmem:v7+s14+$0x0], $0xffff  }
0x429: {  	v17 =	vadd.s32 $0x324, v2;
	v12 =	vld.idx.msk [tilespmem:v12+s14+$0x0], $0xffff  }
0x42a: {  	v13 =	vld.idx.msk [tilespmem:v13+s14+$0x0], $0xffff  }
0x42b: {  	v14 =	vld.idx.msk [tilespmem:v14+s14+$0x0], $0xffff  }
0x42c: {  	v15 =	vld.idx.msk [tilespmem:v15+s14+$0x0], $0xffff  }
0x42d: {  	s15 =	sshra.s32 s0, $0x2;
	s0 =	smov.u32 s3;
	v16 =	vld.idx.msk [tilespmem:v16+s14+$0x0], $0xffff  }
0x42e: {  	v17 =	vld.idx.msk [tilespmem:v17+s14+$0x0], $0xffff;
	[tilespmem:s15+$0x15060] =	vst v7  }
0x42f: {  	[tilespmem:s15+$0x10D60] =	vst v4  }
0x430: {  	[tilespmem:s15+$0x10DE0] =	vst v5  }
0x431: {  	[tilespmem:s15+$0x10E60] =	vst v6  }
0x432: {  	[tilespmem:s15+$0x10EE0] =	vst v10  }
0x433: {  	[tilespmem:s15+$0x10F60] =	vst v8  }
0x434: {  	[tilespmem:s15+$0x10FE0] =	vst v11  }
0x435: {  	[tilespmem:s15+$0x11060] =	vst v9  }
0x436: {  	[tilespmem:s15+$0x14D60] =	vst v12  }
0x437: {  	[tilespmem:s15+$0x14DE0] =	vst v13  }
0x438: {  	[tilespmem:s15+$0x14E60] =	vst v14  }
0x439: {  	v3 =	vadd.s32 $0x78, v3;
	[tilespmem:s15+$0x14EE0] =	vst v15  }
0x43a: {  	v2 =	vadd.s32 $0x430, v2;
	[tilespmem:s15+$0x14F60] =	vst v16  }
0x43b: {  	v4 =	vadd.s32 $0xF, v3;
	[tilespmem:s15+$0x14FE0] =	vst v17  }
0x43c: {  	v5 =	vadd.s32 $0x1E, v3;
	[tilespmem:s15+$0x10CE0] =	vst v0  }
0x43d: {  	v6 =	vadd.s32 $0x2D, v3;
	[tilespmem:s15+$0x14CE0] =	vst v1  }
.Ltmp14:
0x43e: {  	v10 =	vadd.s32 $0x3C, v3;
	v0 =	vld.idx.msk [tilespmem:v3+s4+$0x0], $0xffff;
	(pc) =	sbr.rel @p0 .LBB2_31-.Ltmp14, $4  }
0x43f: {  	v8 =	vadd.s32 $0x4B, v3;
	v1 =	vld.idx.msk [tilespmem:v2+s14+$0x0], $0xffff  }
0x440: {  	v11 =	vadd.s32 $0x5A, v3;
	v4 =	vld.idx.msk [tilespmem:v4+s4+$0x0], $0xffff  }
0x441: {  	v9 =	vadd.s32 $0x69, v3;
	v5 =	vld.idx.msk [tilespmem:v5+s4+$0x0], $0xffff  }
0x442: {  	s3 =	sadd.s32 $0x1000, s3;
	v7 =	vadd.s32 $0x3AA, v2;
	v6 =	vld.idx.msk [tilespmem:v6+s4+$0x0], $0xffff  }
0x443: {  	_ =	sdelay $0x3  }
0x444: {  	v3 =	vld.idx.msk [tilespmem:v10+s4+$0x0], $0xffff;
	v10 =	vadd.s32 $0x86, v2  }
0x445: {  	v8 =	vld.idx.msk [tilespmem:v8+s4+$0x0], $0xffff;
	v12 =	vadd.s32 $0x10C, v2  }
0x446: {  	v11 =	vld.idx.msk [tilespmem:v11+s4+$0x0], $0xffff;
	v13 =	vadd.s32 $0x192, v2  }
0x447: {  	v9 =	vld.idx.msk [tilespmem:v9+s4+$0x0], $0xffff;
	v14 =	vadd.s32 $0x218, v2  }
0x448: {  	v15 =	vadd.s32 $0x29E, v2;
	v7 =	vld.idx.msk [tilespmem:v7+s14+$0x0], $0xffff  }
0x449: {  	v2 =	vadd.s32 $0x324, v2;
	v10 =	vld.idx.msk [tilespmem:v10+s14+$0x0], $0xffff  }
0x44a: {  	v12 =	vld.idx.msk [tilespmem:v12+s14+$0x0], $0xffff  }
0x44b: {  	v13 =	vld.idx.msk [tilespmem:v13+s14+$0x0], $0xffff  }
0x44c: {  	v14 =	vld.idx.msk [tilespmem:v14+s14+$0x0], $0xffff  }
0x44d: {  	s0 =	sshra.s32 s0, $0x2;
	v15 =	vld.idx.msk [tilespmem:v15+s14+$0x0], $0xffff  }
0x44e: {  	v2 =	vld.idx.msk [tilespmem:v2+s14+$0x0], $0xffff;
	[tilespmem:s0+$0x15060] =	vst v7  }
0x44f: {  	[tilespmem:s0+$0x10D60] =	vst v4  }
0x450: {  	[tilespmem:s0+$0x10DE0] =	vst v5  }
0x451: {  	[tilespmem:s0+$0x10E60] =	vst v6  }
0x452: {  	[tilespmem:s0+$0x10EE0] =	vst v3  }
0x453: {  	[tilespmem:s0+$0x10F60] =	vst v8  }
0x454: {  	[tilespmem:s0+$0x10FE0] =	vst v11  }
0x455: {  	[tilespmem:s0+$0x11060] =	vst v9  }
0x456: {  	[tilespmem:s0+$0x10CE0] =	vst v0  }
0x457: {  	[tilespmem:s0+$0x14CE0] =	vst v1  }
0x458: {  	[tilespmem:s0+$0x14D60] =	vst v10  }
0x459: {  	[tilespmem:s0+$0x14DE0] =	vst v12  }
0x45a: {  	[tilespmem:s0+$0x14E60] =	vst v13  }
0x45b: {  	[tilespmem:s0+$0x14EE0] =	vst v14  }
0x45c: {  	[tilespmem:s0+$0x14F60] =	vst v15  }
0x45d: {  	[tilespmem:s0+$0x14FE0] =	vst v2  }
0x45e: {  	v0 =	vld [tilespmem:$0x4BF0]  }
0x45f: {  	v1 =	vld [tilespmem:$0x4C70];
	_ =	sdelay $0x3  }
0x460: {  	v0 =	vtrunc.f32 v0  }
0x461: {  	v3 =	vcvt.f32.s32 v0;
	v0 =	vtrunc.f32 v1  }
0x462: {  	v2 =	vcvt.f32.s32 v0;
	_ =	sdelay $0x1  }
0x463: {  	v4 =	vadd.s32 $0xF, v3  }
0x464: {  	v5 =	vadd.s32 $0x1E, v3  }
0x465: {  	v6 =	vadd.s32 $0x2D, v3  }
0x466: {  	v10 =	vadd.s32 $0x3C, v3;
	v0 =	vld.idx.msk [tilespmem:v3+s4+$0x0], $0xffff  }
0x467: {  	v8 =	vadd.s32 $0x4B, v3;
	v1 =	vld.idx.msk [tilespmem:v2+s14+$0x0], $0xffff  }
0x468: {  	v11 =	vadd.s32 $0x5A, v3;
	v4 =	vld.idx.msk [tilespmem:v4+s4+$0x0], $0xffff  }
0x469: {  	v9 =	vadd.s32 $0x69, v3;
	v5 =	vld.idx.msk [tilespmem:v5+s4+$0x0], $0xffff  }
0x46a: {  	s3 =	simm.s32 $0x1000;
	s0 =	simm.s32 $0x0;
	v7 =	vadd.s32 $0x3AA, v2;
	v6 =	vld.idx.msk [tilespmem:v6+s4+$0x0], $0xffff  }
.LBB2_33:
0x46b: {  	p0 =	sne.s32 s3, $0xF000;
	v10 =	vld.idx.msk [tilespmem:v10+s4+$0x0], $0xffff;
	v12 =	vadd.s32 $0x86, v2  }
0x46c: {  	v13 =	vadd.s32 $0x10C, v2;
	v8 =	vld.idx.msk [tilespmem:v8+s4+$0x0], $0xffff  }
0x46d: {  	v14 =	vadd.s32 $0x192, v2;
	v11 =	vld.idx.msk [tilespmem:v11+s4+$0x0], $0xffff  }
0x46e: {  	v15 =	vadd.s32 $0x218, v2;
	v9 =	vld.idx.msk [tilespmem:v9+s4+$0x0], $0xffff  }
0x46f: {  	v16 =	vadd.s32 $0x29E, v2;
	v7 =	vld.idx.msk [tilespmem:v7+s14+$0x0], $0xffff  }
0x470: {  	v17 =	vadd.s32 $0x324, v2;
	v12 =	vld.idx.msk [tilespmem:v12+s14+$0x0], $0xffff  }
0x471: {  	v13 =	vld.idx.msk [tilespmem:v13+s14+$0x0], $0xffff  }
0x472: {  	v14 =	vld.idx.msk [tilespmem:v14+s14+$0x0], $0xffff  }
0x473: {  	v15 =	vld.idx.msk [tilespmem:v15+s14+$0x0], $0xffff  }
0x474: {  	s15 =	sshra.s32 s0, $0x2;
	s0 =	smov.u32 s3;
	v16 =	vld.idx.msk [tilespmem:v16+s14+$0x0], $0xffff  }
0x475: {  	v17 =	vld.idx.msk [tilespmem:v17+s14+$0x0], $0xffff;
	[tilespmem:s15+$0x15070] =	vst v7  }
0x476: {  	[tilespmem:s15+$0x10D70] =	vst v4  }
0x477: {  	[tilespmem:s15+$0x10DF0] =	vst v5  }
0x478: {  	[tilespmem:s15+$0x10E70] =	vst v6  }
0x479: {  	[tilespmem:s15+$0x10EF0] =	vst v10  }
0x47a: {  	[tilespmem:s15+$0x10F70] =	vst v8  }
0x47b: {  	[tilespmem:s15+$0x10FF0] =	vst v11  }
0x47c: {  	[tilespmem:s15+$0x11070] =	vst v9  }
0x47d: {  	[tilespmem:s15+$0x14D70] =	vst v12  }
0x47e: {  	[tilespmem:s15+$0x14DF0] =	vst v13  }
0x47f: {  	[tilespmem:s15+$0x14E70] =	vst v14  }
0x480: {  	v3 =	vadd.s32 $0x78, v3;
	[tilespmem:s15+$0x14EF0] =	vst v15  }
0x481: {  	v2 =	vadd.s32 $0x430, v2;
	[tilespmem:s15+$0x14F70] =	vst v16  }
0x482: {  	v4 =	vadd.s32 $0xF, v3;
	[tilespmem:s15+$0x14FF0] =	vst v17  }
0x483: {  	v5 =	vadd.s32 $0x1E, v3;
	[tilespmem:s15+$0x10CF0] =	vst v0  }
0x484: {  	v6 =	vadd.s32 $0x2D, v3;
	[tilespmem:s15+$0x14CF0] =	vst v1  }
.Ltmp15:
0x485: {  	v10 =	vadd.s32 $0x3C, v3;
	v0 =	vld.idx.msk [tilespmem:v3+s4+$0x0], $0xffff;
	(pc) =	sbr.rel @p0 .LBB2_33-.Ltmp15, $4  }
0x486: {  	v8 =	vadd.s32 $0x4B, v3;
	v1 =	vld.idx.msk [tilespmem:v2+s14+$0x0], $0xffff  }
0x487: {  	v11 =	vadd.s32 $0x5A, v3;
	v4 =	vld.idx.msk [tilespmem:v4+s4+$0x0], $0xffff  }
0x488: {  	v9 =	vadd.s32 $0x69, v3;
	v5 =	vld.idx.msk [tilespmem:v5+s4+$0x0], $0xffff  }
0x489: {  	s3 =	sadd.s32 $0x1000, s3;
	v7 =	vadd.s32 $0x3AA, v2;
	v6 =	vld.idx.msk [tilespmem:v6+s4+$0x0], $0xffff  }
0x48a: {  	_ =	sdelay $0x3  }
0x48b: {  	v3 =	vld.idx.msk [tilespmem:v10+s4+$0x0], $0xffff;
	v62 =	vadd.s32 $0x86, v2  }
0x48c: {  	v8 =	vld.idx.msk [tilespmem:v8+s4+$0x0], $0xffff;
	v12 =	vadd.s32 $0x10C, v2  }
0x48d: {  	v11 =	vld.idx.msk [tilespmem:v11+s4+$0x0], $0xffff;
	v13 =	vadd.s32 $0x192, v2  }
0x48e: {  	v9 =	vld.idx.msk [tilespmem:v9+s4+$0x0], $0xffff;
	v14 =	vadd.s32 $0x218, v2  }
0x48f: {  	v15 =	vadd.s32 $0x29E, v2;
	v7 =	vld.idx.msk [tilespmem:v7+s14+$0x0], $0xffff  }
0x490: {  	v63 =	vadd.s32 $0x324, v2;
	v10 =	vld.idx.msk [tilespmem:v62+s14+$0x0], $0xffff  }
0x491: {  	v12 =	vld.idx.msk [tilespmem:v12+s14+$0x0], $0xffff  }
0x492: {  	v13 =	vld.idx.msk [tilespmem:v13+s14+$0x0], $0xffff  }
0x493: {  	v14 =	vld.idx.msk [tilespmem:v14+s14+$0x0], $0xffff  }
0x494: {  	s0 =	sshra.s32 s0, $0x2;
	v15 =	vld.idx.msk [tilespmem:v15+s14+$0x0], $0xffff  }
0x495: {  	v2 =	vld.idx.msk [tilespmem:v63+s14+$0x0], $0xffff;
	[tilespmem:s0+$0x15070] =	vst v7  }
0x496: {  	[tilespmem:s0+$0x10D70] =	vst v4  }
0x497: {  	[tilespmem:s0+$0x10DF0] =	vst v5  }
0x498: {  	[tilespmem:s0+$0x10E70] =	vst v6  }
0x499: {  	[tilespmem:s0+$0x10EF0] =	vst v3  }
0x49a: {  	[tilespmem:s0+$0x10F70] =	vst v8  }
0x49b: {  	[tilespmem:s0+$0x10FF0] =	vst v11  }
0x49c: {  	[tilespmem:s0+$0x11070] =	vst v9  }
0x49d: {  	[tilespmem:s0+$0x10CF0] =	vst v0  }
0x49e: {  	[tilespmem:s0+$0x14CF0] =	vst v1  }
0x49f: {  	[tilespmem:s0+$0x14D70] =	vst v10  }
0x4a0: {  	[tilespmem:s0+$0x14DF0] =	vst v12  }
0x4a1: {  	[tilespmem:s0+$0x14E70] =	vst v13  }
0x4a2: {  	s29 =	sadd.s32 $0x1, s29;
	[tilespmem:s0+$0x14EF0] =	vst v14  }
0x4a3: {  	s3 =	smul.u32 $0x140000, s31;
	p0 =	sne.s32 s29, $0x19;
	[tilespmem:s0+$0x14F70] =	vst v15  }
.Ltmp16:
0x4a4: {  	[tilespmem:s0+$0x14FF0] =	vst v2;
	(pc) =	sbr.rel @p0 .LBB2_2-.Ltmp16, $4  }
0x4a5: {  	s31 =	sor.u32 s12, s3;
	_ =	swait.ge [sflag:s17], $0x2000  }
0x4a6: {  	s0 =	sshrl.u32 s31, $0x3;
	[sflag:s17] =	ssyncset.done $0x0  }
0x4a7: {  	s0 =	sadd.s32 s2, s0;
	[sflag:s17] =	ssyncadd.s32 $0xFFFFE000  }
0x4a8: {  	[hbm4b:s0+s19] =	stream.strided.scatter [tilespmem:s23], [sflag:$0x6], $0xA000, s20, s19, $0x38;
	[tilespmem:$0x18C80] =	vst v63  }
0x4a9: {  	s28 =	sadd.s32 $0x1, s28  }
0x4aa: {  	_ =	swait.ge [sflag:s25], $0xA000;
	p0 =	sne.s32 s28, s13  }
.Ltmp17:
0x4ab: {  	[sflag:s25] =	ssyncset.done $0x0;
	(pc) =	sbr.rel @p0 .LBB2_1-.Ltmp17, $4  }
0x4ac: {  	[sflag:s25] =	ssyncadd.s32 $0xFFFF6000  }
0x4ad: {  	_ =	swait.ge [sflag:s26], $0xA000  }
0x4ae: {  	[sflag:s26] =	ssyncset.done $0x0  }
0x4af: {  	[sflag:s26] =	ssyncadd.s32 $0xFFFF6000  }
0x4b0: {  	_ =	sfence.sel $0x180000  }
0x4b1: {  	[bflag:$0x0] =	sbarrier.arrive $0xFFFF  }
0x4b2: {  	_ =	strace $0x90000047  }
0x4b3: {  	s0 =	stileid.u32;
	[bflag:$0x2] =	sbarrier.arrive $0xFFFF  }
0x4b4: {  	p0 =	sne.s32 s0, $0x0;
	s0 =	rddreg [dreg:$0x3]  }
0x4b5: {  	s0 =	sadd.s32 @!p0 $0x100000, s0  }
0x4b6: {  	[sflag:s0] =	ssyncadd.tile.s32 @!p0 $0x1;
	_ =	shalt  }
.Lfunc_end2:
_tile_overlayer_lowered:
.L_overlay_start_2:
0x4b7: {  	(tag) =	ssettag $0x2  }
0x4b8: {  	s0 =	rddreg [dreg:$0x0];
	s2 =	stileid.u32  }
0x4b9: {  	s1 =	rddreg [dreg:$0x1];
	p0 =	sne.s32 s2, $0x0  }
0x4ba: {  	s3 =	rddreg [dreg:$0x2];
	[bflag:$0x3] =	sbarrier.arrive $0xFFFF;
	s2 =	simm.s32 @!p0 $0x1C07  }
0x4bb: {  	[timem:s3], [sflag:s2] =	dma.local @!p0 [hbm:s0], s1  }
0x4bc: {  	s0 =	simm.s32 @!p0 $0x7  }
0x4bd: {  	_ =	swait.ge @!p0 [sflag:s0], s1  }
0x4be: {  	s1 =	ssub.s32 @!p0 $0x0, s1;
	[sflag:s0] =	ssyncset.done @!p0 $0x0  }
0x4bf: {  	[sflag:s0] =	ssyncadd.s32 @!p0 s1  }
0x4c0: {  	[bflag:$0x3] =	sbarrier.arrive $0xFFFF  }
0x4c1: {  	_ =	shalt  }

</sc_bundles>
